<compile_context>
chip_gen: v7x
topology: tpu7x:2x2x1
jax: 0.10.2.dev20260603
libtpu: 0.0.44.dev20260713+nightly
codegen_flags: <defaults>
</compile_context>

<pallas_src>
import functools

import jax
import jax.numpy as jnp
from jax import lax
from jax.experimental import pallas as pl
from jax.experimental.pallas import tpu as pltpu
from jax.experimental.pallas import tpu_sc as plsc

EPS = 1e-07

_NC = 2
_NS = 16
_NW = _NC * _NS
_L = 16


@functools.lru_cache(maxsize=None)
def _make_sc_kernel(B, S, D, V):
    P = S - 1
    BPW = B // _NW
    C = 16
    NCHUNK = BPW // C
    RPC = C * S
    GS = 80
    NG = RPC // GS
    NGRP = (P + _L - 1) // _L
    assert B % (_NW * C) == 0 and RPC % GS == 0 and D == 2 * _L
    assert NCHUNK % 2 == 0 and NCHUNK >= 4

    mesh = plsc.VectorSubcoreMesh(core_axis_name="c", subcore_axis_name="s")

    @functools.partial(
        pl.kernel,
        mesh=mesh,
        out_type=jax.ShapeDtypeStruct((B * P,), jnp.float32),
        scratch_types=[
            pltpu.VMEM((RPC,), jnp.int32),
            pltpu.VMEM((RPC,), jnp.int32),
            pltpu.VMEM((RPC, D), jnp.float32),
            pltpu.VMEM((RPC, D), jnp.float32),
            pltpu.VMEM((C * P,), jnp.float32),
            pltpu.VMEM((C * P,), jnp.float32),
            pltpu.SemaphoreType.DMA,
            pltpu.SemaphoreType.DMA,
            pltpu.SemaphoreType.DMA,
            pltpu.SemaphoreType.DMA,
            pltpu.SemaphoreType.DMA,
            pltpu.SemaphoreType.DMA,
        ],
        compiler_params=pltpu.CompilerParams(
            needs_layout_passes=False, use_tc_tiling_on_sc=False
        ),
    )
    def sc_part(idx_hbm, table_hbm, out_hbm,
                idx0, idx1, rows0, rows1, x0, x1,
                isem0, isem1, gsem0, gsem1, osem0, osem1):
        idx_v = (idx0, idx1)
        rows_v = (rows0, rows1)
        x_v = (x0, x1)
        isem = (isem0, isem1)
        gsem = (gsem0, gsem1)
        osem = (osem0, osem1)

        wid = lax.axis_index("s") * _NC + lax.axis_index("c")
        lane = lax.iota(jnp.int32, _L)
        base = wid * BPW

        def issue_idx(c, ph):
            b0 = base + c * C
            return pltpu.async_copy(
                idx_hbm.at[pl.ds(b0 * S, RPC)], idx_v[ph], isem[ph])

        def fire_gathers(ph):
            for i in range(NG):
                pltpu.async_copy(
                    table_hbm.at[idx_v[ph].at[pl.ds(i * GS, GS)]],
                    rows_v[ph].at[pl.ds(i * GS, GS)],
                    gsem[ph],
                )

        def drain_gathers(ph):
            for i in range(NG):
                pltpu.make_async_copy(
                    table_hbm.at[idx_v[ph].at[pl.ds(i * GS, GS)]],
                    rows_v[ph].at[pl.ds(i * GS, GS)],
                    gsem[ph],
                ).wait()

        def compute(ph):
            rows = rows_v[ph]
            xout = x_v[ph]

            def bb_body(bb, carry2):
                ubase = bb * S
                ub16 = jnp.full((_L,), 0, jnp.int32) + ubase
                u0 = plsc.load_gather(rows, [ub16, lane])
                u1 = plsc.load_gather(rows, [ub16, lane + _L])
                squ = jnp.sum(u0 * u0 + u1 * u1)
                one_m_squ = 1.0 - squ

                rowidx = []
                for g in range(NGRP):
                    j = jnp.minimum(lane + (g * _L + 1), P)
                    rowidx.append(ub16 + j)
                acc_s = [jnp.zeros((_L,), jnp.float32) for _ in range(NGRP)]
                acc_v = [jnp.zeros((_L,), jnp.float32) for _ in range(NGRP)]
                for d in range(D):
                    rot = (lane + d) & (D - 1)
                    uu = plsc.load_gather(rows, [ub16, rot])
                    for g in range(NGRP):
                        vv = plsc.load_gather(rows, [rowidx[g], rot])
                        diff = uu - vv
                        acc_s[g] = acc_s[g] + diff * diff
                        acc_v[g] = acc_v[g] + vv * vv

                ob16 = jnp.full((_L,), 0, jnp.int32) + bb * P
                for g in range(NGRP):
                    q = (acc_s[g] + acc_s[g]) / (one_m_squ * (1.0 - acc_v[g]))
                    x = 1.0 + q + EPS
                    p = lane + g * _L
                    mask = (p < P) if (g + 1) * _L > P else None
                    plsc.store_scatter(xout, [ob16 + p], x, mask=mask)
                return carry2

            lax.fori_loop(0, C, bb_body, 0)

        def issue_out(c, ph):
            b0 = base + c * C
            return pltpu.async_copy(
                x_v[ph], out_hbm.at[pl.ds(b0 * P, C * P)], osem[ph])

        def wait_out(c, ph):
            b0 = base + c * C
            pltpu.make_async_copy(
                x_v[ph], out_hbm.at[pl.ds(b0 * P, C * P)], osem[ph]).wait()

        issue_idx(0, 0)
        issue_idx(1, 1)
        pltpu.make_async_copy(
            idx_hbm.at[pl.ds(base * S, RPC)], idx_v[0], isem[0]).wait()
        fire_gathers(0)

        def pair_body(i, carry):
            for ph in (0, 1):
                n = 2 * i + ph
                drain_gathers(ph)

                @pl.when(n + 1 < NCHUNK)
                def _():
                    pltpu.make_async_copy(
                        idx_hbm.at[pl.ds((base + (n + 1) * C) * S, RPC)],
                        idx_v[1 - ph], isem[1 - ph]).wait()
                    fire_gathers(1 - ph)

                @pl.when(n + 2 < NCHUNK)
                def _():
                    issue_idx(n + 2, ph)

                @pl.when(n >= 2)
                def _():
                    wait_out(n - 2, ph)

                compute(ph)
                issue_out(n, ph)
            return carry

        lax.fori_loop(0, NCHUNK // 2, pair_body, 0)
        wait_out(NCHUNK - 2, 0)
        wait_out(NCHUNK - 1, 1)

    return sc_part


def _tc_finish_body(x_ref, o_ref):
    x = x_ref[...]
    z = jnp.sqrt(x * x - 1.0)
    o_ref[...] = jnp.log(x + z)


def _tc_transpose_body(xt_ref, o_ref):
    x = xt_ref[...]
    d, w = x.shape
    br = w // 4
    stack = jnp.concatenate(
        [x[:, c * br:(c + 1) * br] for c in range(4)], axis=0)
    n = 4 * d
    eye = (lax.broadcasted_iota(jnp.int32, (n, n), 0)
           == lax.broadcasted_iota(jnp.int32, (n, n), 1)).astype(jnp.float32)
    o_ref[...] = lax.dot_general(
        stack, eye, (((0,), (0,)), ((), ())),
        preferred_element_type=jnp.float32)


def _linearize_table(table):
    V, D = table.shape
    BR = 2048
    W = 4 * BR
    assert 4 * D == 128
    table_t = jnp.swapaxes(table, 0, 1)
    nblk = (V + W - 1) // W
    lin = pl.pallas_call(
        _tc_transpose_body,
        out_shape=jax.ShapeDtypeStruct((nblk * BR, 4 * D), jnp.float32),
        grid=(nblk,),
        in_specs=[pl.BlockSpec((D, W), lambda i: (0, i))],
        out_specs=pl.BlockSpec((BR, 4 * D), lambda i: (i, 0)),
    )(table_t)
    return lin.reshape(nblk * W, D)


def kernel(inputs, table):
    B, S = inputs.shape
    V, D = table.shape
    P = S - 1
    idx_flat = inputs.reshape(B * S).astype(jnp.int32)
    lin = _linearize_table(table)
    br, w = 2048, 8192
    i = idx_flat // w
    rem = idx_flat - i * w
    c = rem // br
    t = rem - c * br
    idx_perm = (i * br + t) * 4 + c
    sc_part = _make_sc_kernel(B, S, D, lin.shape[0])
    x_flat = sc_part(idx_perm, lin)
    x = x_flat.reshape(B, P)

    nblk = 16
    out = pl.pallas_call(
        _tc_finish_body,
        out_shape=jax.ShapeDtypeStruct((B, P), jnp.float32),
        grid=(nblk,),
        in_specs=[pl.BlockSpec((B // nblk, P), lambda i: (i, 0))],
        out_specs=pl.BlockSpec((B // nblk, P), lambda i: (i, 0)),
    )(x)
    return out

# --- scband reference (transcript-rebuilt; emitter-appended) ---
"""Pipeline reference for scband-model-61624190763161 (READ-ONLY COPY).

The authoritative reference and input builder live on the scoring server;
editing this copy changes nothing except your own understanding.
"""

import jax, jax.numpy as jnp
import numpy as np

VOCAB = 1000000
DIM = 32
BATCH = 16384
SAMPLES = 50
EPS = 1e-07


def setup_inputs(seed: int = 0) -> dict:
    key = jax.random.key(seed)
    k_idx, k_tab = jax.random.split(key)
    inputs = jax.random.randint(k_idx, (BATCH, SAMPLES), 0, VOCAB, dtype=jnp.int64 if jax.config.read('jax_enable_x64') else jnp.int32)
    table = jax.random.uniform(k_tab, (VOCAB, DIM), dtype=jnp.float32, minval=-0.001, maxval=0.001)
    return {"inputs": inputs, "table": table}


def _poincare_dist(u, v, epsilon):
    sq_dist = jnp.sum((u - v) ** 2, axis=-1)
    squ_norm = jnp.sum(u ** 2, axis=-1)
    sqv_norm = jnp.sum(v ** 2, axis=-1)
    x = 1 + 2 * sq_dist / ((1 - squ_norm) * (1 - sqv_norm)) + epsilon
    z = jnp.sqrt(x ** 2 - 1)
    return jnp.log(x + z)


def reference(inputs, table):
    # embedding lookup (gather)
    e = jnp.take(table, inputs, axis=0)  # [B, L, D]
    o = e[:, 1:, :]                       # [B, L-1, D]
    s = jnp.broadcast_to(e[:, 0:1, :], o.shape)  # anchor expanded
    return _poincare_dist(s, o, EPS)

if __name__ == "__main__":
    import jax
    _d = setup_inputs()
    print(jax.jit(kernel)(*tuple(_d.values())))

</pallas_src>

<mosaic_0001>
#map = affine_map<(d0, d1) -> (0)>
#map1 = affine_map<(d0, d1) -> (0, 0)>
module attributes {stable_mosaic.version = 14 : i64} {
  func.func @sc_part(%arg0: i32, %arg1: i32, %arg2: memref<819200xi32, #tpu.memory_space<hbm>>, %arg3: memref<1007616x32xf32, #tpu.memory_space<hbm>>, %arg4: memref<802816xf32, #tpu.memory_space<hbm>>, %arg5: memref<800xi32, #tpu.memory_space<vmem>>, %arg6: memref<800xi32, #tpu.memory_space<vmem>>, %arg7: memref<800x32xf32, #tpu.memory_space<vmem>>, %arg8: memref<800x32xf32, #tpu.memory_space<vmem>>, %arg9: memref<784xf32, #tpu.memory_space<vmem>>, %arg10: memref<784xf32, #tpu.memory_space<vmem>>, %arg11: memref<!tpu.dma_semaphore, #tpu.memory_space<semaphore_mem>>, %arg12: memref<!tpu.dma_semaphore, #tpu.memory_space<semaphore_mem>>, %arg13: memref<!tpu.dma_semaphore, #tpu.memory_space<semaphore_mem>>, %arg14: memref<!tpu.dma_semaphore, #tpu.memory_space<semaphore_mem>>, %arg15: memref<!tpu.dma_semaphore, #tpu.memory_space<semaphore_mem>>, %arg16: memref<!tpu.dma_semaphore, #tpu.memory_space<semaphore_mem>>) attributes {dimension_semantics = [#tpu.dimension_semantics<core_parallel>, #tpu.dimension_semantics<subcore_parallel>], iteration_bounds = array<i64: 2, 16>, scalar_prefetch = 0 : i64, scratch_operands = 12 : i64, tpu.core_type = #tpu.core_type<sc_vector_subcore>, window_params = [{transform_indices = #map}, {transform_indices = #map1}, {transform_indices = #map}]} {
    %mul3A = arith.constant 2 : i32
    %mul3A_0 = arith.muli %arg1, %mul3A : i32
    %add3A = arith.addi %mul3A_0, %arg0 : i32
    %iota3A = tpu.iota {dimensions = array<i32: 0>} : vector<16xi32>
    %mul3A_1 = arith.constant 512 : i32
    %mul3A_2 = arith.muli %add3A, %mul3A_1 : i32
    %add3A_3 = arith.constant 0 : i32
    %add3A_4 = arith.addi %mul3A_2, %add3A_3 : i32
    %mul3A_5 = arith.constant 50 : i32
    %mul3A_6 = arith.muli %add3A_4, %mul3A_5 : i32
    %dma_start3A = tpu.memref_slice %arg2[%mul3A_6] : memref<819200xi32, #tpu.memory_space<hbm>> -> memref<800xi32, #tpu.memory_space<hbm>>
    %dma_start3A_7 = tpu.memref_slice %arg2[%mul3A_6] : memref<819200xi32, #tpu.memory_space<hbm>> -> memref<800xi32, #tpu.memory_space<hbm>>
    tpu.enqueue_dma source(%dma_start3A_7 : memref<800xi32, #tpu.memory_space<hbm>>) target(%arg5 : memref<800xi32, #tpu.memory_space<vmem>>) target_semaphore(%arg11 : memref<!tpu.dma_semaphore, #tpu.memory_space<semaphore_mem>>)
    %add3A_8 = arith.constant 16 : i32
    %add3A_9 = arith.addi %mul3A_2, %add3A_8 : i32
    %mul3A_10 = arith.constant 50 : i32
    %mul3A_11 = arith.muli %add3A_9, %mul3A_10 : i32
    %dma_start3A_12 = tpu.memref_slice %arg2[%mul3A_11] : memref<819200xi32, #tpu.memory_space<hbm>> -> memref<800xi32, #tpu.memory_space<hbm>>
    %dma_start3A_13 = tpu.memref_slice %arg2[%mul3A_11] : memref<819200xi32, #tpu.memory_space<hbm>> -> memref<800xi32, #tpu.memory_space<hbm>>
    tpu.enqueue_dma source(%dma_start3A_13 : memref<800xi32, #tpu.memory_space<hbm>>) target(%arg6 : memref<800xi32, #tpu.memory_space<vmem>>) target_semaphore(%arg12 : memref<!tpu.dma_semaphore, #tpu.memory_space<semaphore_mem>>)
    %mul3A_14 = arith.constant 50 : i32
    %mul3A_15 = arith.muli %mul3A_2, %mul3A_14 : i32
    %dma_wait3A = tpu.memref_slice %arg2[%mul3A_15] : memref<819200xi32, #tpu.memory_space<hbm>> -> memref<800xi32, #tpu.memory_space<hbm>>
    %dma_wait3A_16 = tpu.memref_slice %arg2[%mul3A_15] : memref<819200xi32, #tpu.memory_space<hbm>> -> memref<800xi32, #tpu.memory_space<hbm>>
    tpu.wait_dma2 semaphore(%arg11 : memref<!tpu.dma_semaphore, #tpu.memory_space<semaphore_mem>>) src(%dma_wait3A_16 : memref<800xi32, #tpu.memory_space<hbm>>) dst(%arg5 : memref<800xi32, #tpu.memory_space<vmem>>)
    %dma_start3A_17 = arith.constant 0 : i32
    %dma_start3A_18 = arith.constant 0 : i32
    %dma_start3A_19 = tpu.memref_slice %arg7[%dma_start3A_17, %dma_start3A_18] : memref<800x32xf32, #tpu.memory_space<vmem>> -> memref<80x32xf32, #tpu.memory_space<vmem>>
    %dma_start3A_20 = arith.constant 0 : i32
    %dma_start3A_21 = tpu.memref_slice %arg5[%dma_start3A_20] : memref<800xi32, #tpu.memory_space<vmem>> -> memref<80xi32, #tpu.memory_space<vmem>>
    %dma_start3A_22 = arith.constant 0 : i32
    %dma_start3A_23 = arith.constant 0 : i32
    %dma_start3A_24 = tpu.memref_slice %arg3[%dma_start3A_22, %dma_start3A_23] : memref<1007616x32xf32, #tpu.memory_space<hbm>> -> memref<1007616x32xf32, #tpu.memory_space<hbm>>
    tpu.enqueue_indirect_dma source(%dma_start3A_24 : memref<1007616x32xf32, #tpu.memory_space<hbm>>) target(%dma_start3A_19 : memref<80x32xf32, #tpu.memory_space<vmem>>) offsets(%dma_start3A_21 : memref<80xi32, #tpu.memory_space<vmem>>) semaphore(%arg13 : memref<!tpu.dma_semaphore, #tpu.memory_space<semaphore_mem>>)
    %dma_start3A_25 = arith.constant 80 : i32
    %dma_start3A_26 = arith.constant 0 : i32
    %dma_start3A_27 = tpu.memref_slice %arg7[%dma_start3A_25, %dma_start3A_26] : memref<800x32xf32, #tpu.memory_space<vmem>> -> memref<80x32xf32, #tpu.memory_space<vmem>>
    %dma_start3A_28 = arith.constant 80 : i32
    %dma_start3A_29 = tpu.memref_slice %arg5[%dma_start3A_28] : memref<800xi32, #tpu.memory_space<vmem>> -> memref<80xi32, #tpu.memory_space<vmem>>
    %dma_start3A_30 = arith.constant 0 : i32
    %dma_start3A_31 = arith.constant 0 : i32
    %dma_start3A_32 = tpu.memref_slice %arg3[%dma_start3A_30, %dma_start3A_31] : memref<1007616x32xf32, #tpu.memory_space<hbm>> -> memref<1007616x32xf32, #tpu.memory_space<hbm>>
    tpu.enqueue_indirect_dma source(%dma_start3A_32 : memref<1007616x32xf32, #tpu.memory_space<hbm>>) target(%dma_start3A_27 : memref<80x32xf32, #tpu.memory_space<vmem>>) offsets(%dma_start3A_29 : memref<80xi32, #tpu.memory_space<vmem>>) semaphore(%arg13 : memref<!tpu.dma_semaphore, #tpu.memory_space<semaphore_mem>>)
    %dma_start3A_33 = arith.constant 160 : i32
    %dma_start3A_34 = arith.constant 0 : i32
    %dma_start3A_35 = tpu.memref_slice %arg7[%dma_start3A_33, %dma_start3A_34] : memref<800x32xf32, #tpu.memory_space<vmem>> -> memref<80x32xf32, #tpu.memory_space<vmem>>
    %dma_start3A_36 = arith.constant 160 : i32
    %dma_start3A_37 = tpu.memref_slice %arg5[%dma_start3A_36] : memref<800xi32, #tpu.memory_space<vmem>> -> memref<80xi32, #tpu.memory_space<vmem>>
    %dma_start3A_38 = arith.constant 0 : i32
    %dma_start3A_39 = arith.constant 0 : i32
    %dma_start3A_40 = tpu.memref_slice %arg3[%dma_start3A_38, %dma_start3A_39] : memref<1007616x32xf32, #tpu.memory_space<hbm>> -> memref<1007616x32xf32, #tpu.memory_space<hbm>>
    tpu.enqueue_indirect_dma source(%dma_start3A_40 : memref<1007616x32xf32, #tpu.memory_space<hbm>>) target(%dma_start3A_35 : memref<80x32xf32, #tpu.memory_space<vmem>>) offsets(%dma_start3A_37 : memref<80xi32, #tpu.memory_space<vmem>>) semaphore(%arg13 : memref<!tpu.dma_semaphore, #tpu.memory_space<semaphore_mem>>)
    %dma_start3A_41 = arith.constant 240 : i32
    %dma_start3A_42 = arith.constant 0 : i32
    %dma_start3A_43 = tpu.memref_slice %arg7[%dma_start3A_41, %dma_start3A_42] : memref<800x32xf32, #tpu.memory_space<vmem>> -> memref<80x32xf32, #tpu.memory_space<vmem>>
    %dma_start3A_44 = arith.constant 240 : i32
    %dma_start3A_45 = tpu.memref_slice %arg5[%dma_start3A_44] : memref<800xi32, #tpu.memory_space<vmem>> -> memref<80xi32, #tpu.memory_space<vmem>>
    %dma_start3A_46 = arith.constant 0 : i32
    %dma_start3A_47 = arith.constant 0 : i32
    %dma_start3A_48 = tpu.memref_slice %arg3[%dma_start3A_46, %dma_start3A_47] : memref<1007616x32xf32, #tpu.memory_space<hbm>> -> memref<1007616x32xf32, #tpu.memory_space<hbm>>
    tpu.enqueue_indirect_dma source(%dma_start3A_48 : memref<1007616x32xf32, #tpu.memory_space<hbm>>) target(%dma_start3A_43 : memref<80x32xf32, #tpu.memory_space<vmem>>) offsets(%dma_start3A_45 : memref<80xi32, #tpu.memory_space<vmem>>) semaphore(%arg13 : memref<!tpu.dma_semaphore, #tpu.memory_space<semaphore_mem>>)
    %dma_start3A_49 = arith.constant 320 : i32
    %dma_start3A_50 = arith.constant 0 : i32
    %dma_start3A_51 = tpu.memref_slice %arg7[%dma_start3A_49, %dma_start3A_50] : memref<800x32xf32, #tpu.memory_space<vmem>> -> memref<80x32xf32, #tpu.memory_space<vmem>>
    %dma_start3A_52 = arith.constant 320 : i32
    %dma_start3A_53 = tpu.memref_slice %arg5[%dma_start3A_52] : memref<800xi32, #tpu.memory_space<vmem>> -> memref<80xi32, #tpu.memory_space<vmem>>
    %dma_start3A_54 = arith.constant 0 : i32
    %dma_start3A_55 = arith.constant 0 : i32
    %dma_start3A_56 = tpu.memref_slice %arg3[%dma_start3A_54, %dma_start3A_55] : memref<1007616x32xf32, #tpu.memory_space<hbm>> -> memref<1007616x32xf32, #tpu.memory_space<hbm>>
    tpu.enqueue_indirect_dma source(%dma_start3A_56 : memref<1007616x32xf32, #tpu.memory_space<hbm>>) target(%dma_start3A_51 : memref<80x32xf32, #tpu.memory_space<vmem>>) offsets(%dma_start3A_53 : memref<80xi32, #tpu.memory_space<vmem>>) semaphore(%arg13 : memref<!tpu.dma_semaphore, #tpu.memory_space<semaphore_mem>>)
    %dma_start3A_57 = arith.constant 400 : i32
    %dma_start3A_58 = arith.constant 0 : i32
    %dma_start3A_59 = tpu.memref_slice %arg7[%dma_start3A_57, %dma_start3A_58] : memref<800x32xf32, #tpu.memory_space<vmem>> -> memref<80x32xf32, #tpu.memory_space<vmem>>
    %dma_start3A_60 = arith.constant 400 : i32
    %dma_start3A_61 = tpu.memref_slice %arg5[%dma_start3A_60] : memref<800xi32, #tpu.memory_space<vmem>> -> memref<80xi32, #tpu.memory_space<vmem>>
    %dma_start3A_62 = arith.constant 0 : i32
    %dma_start3A_63 = arith.constant 0 : i32
    %dma_start3A_64 = tpu.memref_slice %arg3[%dma_start3A_62, %dma_start3A_63] : memref<1007616x32xf32, #tpu.memory_space<hbm>> -> memref<1007616x32xf32, #tpu.memory_space<hbm>>
    tpu.enqueue_indirect_dma source(%dma_start3A_64 : memref<1007616x32xf32, #tpu.memory_space<hbm>>) target(%dma_start3A_59 : memref<80x32xf32, #tpu.memory_space<vmem>>) offsets(%dma_start3A_61 : memref<80xi32, #tpu.memory_space<vmem>>) semaphore(%arg13 : memref<!tpu.dma_semaphore, #tpu.memory_space<semaphore_mem>>)
    %dma_start3A_65 = arith.constant 480 : i32
    %dma_start3A_66 = arith.constant 0 : i32
    %dma_start3A_67 = tpu.memref_slice %arg7[%dma_start3A_65, %dma_start3A_66] : memref<800x32xf32, #tpu.memory_space<vmem>> -> memref<80x32xf32, #tpu.memory_space<vmem>>
    %dma_start3A_68 = arith.constant 480 : i32
    %dma_start3A_69 = tpu.memref_slice %arg5[%dma_start3A_68] : memref<800xi32, #tpu.memory_space<vmem>> -> memref<80xi32, #tpu.memory_space<vmem>>
    %dma_start3A_70 = arith.constant 0 : i32
    %dma_start3A_71 = arith.constant 0 : i32
    %dma_start3A_72 = tpu.memref_slice %arg3[%dma_start3A_70, %dma_start3A_71] : memref<1007616x32xf32, #tpu.memory_space<hbm>> -> memref<1007616x32xf32, #tpu.memory_space<hbm>>
    tpu.enqueue_indirect_dma source(%dma_start3A_72 : memref<1007616x32xf32, #tpu.memory_space<hbm>>) target(%dma_start3A_67 : memref<80x32xf32, #tpu.memory_space<vmem>>) offsets(%dma_start3A_69 : memref<80xi32, #tpu.memory_space<vmem>>) semaphore(%arg13 : memref<!tpu.dma_semaphore, #tpu.memory_space<semaphore_mem>>)
    %dma_start3A_73 = arith.constant 560 : i32
    %dma_start3A_74 = arith.constant 0 : i32
    %dma_start3A_75 = tpu.memref_slice %arg7[%dma_start3A_73, %dma_start3A_74] : memref<800x32xf32, #tpu.memory_space<vmem>> -> memref<80x32xf32, #tpu.memory_space<vmem>>
    %dma_start3A_76 = arith.constant 560 : i32
    %dma_start3A_77 = tpu.memref_slice %arg5[%dma_start3A_76] : memref<800xi32, #tpu.memory_space<vmem>> -> memref<80xi32, #tpu.memory_space<vmem>>
    %dma_start3A_78 = arith.constant 0 : i32
    %dma_start3A_79 = arith.constant 0 : i32
    %dma_start3A_80 = tpu.memref_slice %arg3[%dma_start3A_78, %dma_start3A_79] : memref<1007616x32xf32, #tpu.memory_space<hbm>> -> memref<1007616x32xf32, #tpu.memory_space<hbm>>
    tpu.enqueue_indirect_dma source(%dma_start3A_80 : memref<1007616x32xf32, #tpu.memory_space<hbm>>) target(%dma_start3A_75 : memref<80x32xf32, #tpu.memory_space<vmem>>) offsets(%dma_start3A_77 : memref<80xi32, #tpu.memory_space<vmem>>) semaphore(%arg13 : memref<!tpu.dma_semaphore, #tpu.memory_space<semaphore_mem>>)
    %dma_start3A_81 = arith.constant 640 : i32
    %dma_start3A_82 = arith.constant 0 : i32
    %dma_start3A_83 = tpu.memref_slice %arg7[%dma_start3A_81, %dma_start3A_82] : memref<800x32xf32, #tpu.memory_space<vmem>> -> memref<80x32xf32, #tpu.memory_space<vmem>>
    %dma_start3A_84 = arith.constant 640 : i32
    %dma_start3A_85 = tpu.memref_slice %arg5[%dma_start3A_84] : memref<800xi32, #tpu.memory_space<vmem>> -> memref<80xi32, #tpu.memory_space<vmem>>
    %dma_start3A_86 = arith.constant 0 : i32
    %dma_start3A_87 = arith.constant 0 : i32
    %dma_start3A_88 = tpu.memref_slice %arg3[%dma_start3A_86, %dma_start3A_87] : memref<1007616x32xf32, #tpu.memory_space<hbm>> -> memref<1007616x32xf32, #tpu.memory_space<hbm>>
    tpu.enqueue_indirect_dma source(%dma_start3A_88 : memref<1007616x32xf32, #tpu.memory_space<hbm>>) target(%dma_start3A_83 : memref<80x32xf32, #tpu.memory_space<vmem>>) offsets(%dma_start3A_85 : memref<80xi32, #tpu.memory_space<vmem>>) semaphore(%arg13 : memref<!tpu.dma_semaphore, #tpu.memory_space<semaphore_mem>>)
    %dma_start3A_89 = arith.constant 720 : i32
    %dma_start3A_90 = arith.constant 0 : i32
    %dma_start3A_91 = tpu.memref_slice %arg7[%dma_start3A_89, %dma_start3A_90] : memref<800x32xf32, #tpu.memory_space<vmem>> -> memref<80x32xf32, #tpu.memory_space<vmem>>
    %dma_start3A_92 = arith.constant 720 : i32
    %dma_start3A_93 = tpu.memref_slice %arg5[%dma_start3A_92] : memref<800xi32, #tpu.memory_space<vmem>> -> memref<80xi32, #tpu.memory_space<vmem>>
    %dma_start3A_94 = arith.constant 0 : i32
    %dma_start3A_95 = arith.constant 0 : i32
    %dma_start3A_96 = tpu.memref_slice %arg3[%dma_start3A_94, %dma_start3A_95] : memref<1007616x32xf32, #tpu.memory_space<hbm>> -> memref<1007616x32xf32, #tpu.memory_space<hbm>>
    tpu.enqueue_indirect_dma source(%dma_start3A_96 : memref<1007616x32xf32, #tpu.memory_space<hbm>>) target(%dma_start3A_91 : memref<80x32xf32, #tpu.memory_space<vmem>>) offsets(%dma_start3A_93 : memref<80xi32, #tpu.memory_space<vmem>>) semaphore(%arg13 : memref<!tpu.dma_semaphore, #tpu.memory_space<semaphore_mem>>)
    %scan3A = arith.constant 0 : i32
    %scan3A_97 = arith.constant 0 : i32
    %scan3A_98 = arith.constant 16 : i32
    %scan3A_99 = arith.addi %scan3A_97, %scan3A_98 : i32
    %scan3A_100 = arith.constant 1 : i32
    scf.for %scan3A_114 = %scan3A_97 to %scan3A_99 step %scan3A_100  : i32 {
      %mul3A_115 = arith.constant 2 : i32
      %mul3A_116 = arith.muli %mul3A_115, %scan3A_114 : i32
      %add3A_117 = arith.constant 0 : i32
      %add3A_118 = arith.addi %mul3A_116, %add3A_117 : i32
      %dma_wait3A_119 = arith.constant 0 : i32
      %dma_wait3A_120 = arith.constant 0 : i32
      %dma_wait3A_121 = tpu.memref_slice %arg7[%dma_wait3A_119, %dma_wait3A_120] : memref<800x32xf32, #tpu.memory_space<vmem>> -> memref<80x32xf32, #tpu.memory_space<vmem>>
      %dma_wait3A_122 = arith.constant 0 : i32
      %dma_wait3A_123 = tpu.memref_slice %arg5[%dma_wait3A_122] : memref<800xi32, #tpu.memory_space<vmem>> -> memref<80xi32, #tpu.memory_space<vmem>>
      %dma_wait3A_124 = arith.constant 0 : i32
      %dma_wait3A_125 = arith.constant 0 : i32
      %dma_wait3A_126 = tpu.memref_slice %arg3[%dma_wait3A_124, %dma_wait3A_125] : memref<1007616x32xf32, #tpu.memory_space<hbm>> -> memref<1007616x32xf32, #tpu.memory_space<hbm>>
      tpu.wait_indirect_dma semaphore(%arg13 : memref<!tpu.dma_semaphore, #tpu.memory_space<semaphore_mem>>) src(%dma_wait3A_126 : memref<1007616x32xf32, #tpu.memory_space<hbm>>) dst(%dma_wait3A_121 : memref<80x32xf32, #tpu.memory_space<vmem>>)
      %dma_wait3A_127 = arith.constant 80 : i32
      %dma_wait3A_128 = arith.constant 0 : i32
      %dma_wait3A_129 = tpu.memref_slice %arg7[%dma_wait3A_127, %dma_wait3A_128] : memref<800x32xf32, #tpu.memory_space<vmem>> -> memref<80x32xf32, #tpu.memory_space<vmem>>
      %dma_wait3A_130 = arith.constant 80 : i32
      %dma_wait3A_131 = tpu.memref_slice %arg5[%dma_wait3A_130] : memref<800xi32, #tpu.memory_space<vmem>> -> memref<80xi32, #tpu.memory_space<vmem>>
      %dma_wait3A_132 = arith.constant 0 : i32
      %dma_wait3A_133 = arith.constant 0 : i32
      %dma_wait3A_134 = tpu.memref_slice %arg3[%dma_wait3A_132, %dma_wait3A_133] : memref<1007616x32xf32, #tpu.memory_space<hbm>> -> memref<1007616x32xf32, #tpu.memory_space<hbm>>
      tpu.wait_indirect_dma semaphore(%arg13 : memref<!tpu.dma_semaphore, #tpu.memory_space<semaphore_mem>>) src(%dma_wait3A_134 : memref<1007616x32xf32, #tpu.memory_space<hbm>>) dst(%dma_wait3A_129 : memref<80x32xf32, #tpu.memory_space<vmem>>)
      %dma_wait3A_135 = arith.constant 160 : i32
      %dma_wait3A_136 = arith.constant 0 : i32
      %dma_wait3A_137 = tpu.memref_slice %arg7[%dma_wait3A_135, %dma_wait3A_136] : memref<800x32xf32, #tpu.memory_space<vmem>> -> memref<80x32xf32, #tpu.memory_space<vmem>>
      %dma_wait3A_138 = arith.constant 160 : i32
      %dma_wait3A_139 = tpu.memref_slice %arg5[%dma_wait3A_138] : memref<800xi32, #tpu.memory_space<vmem>> -> memref<80xi32, #tpu.memory_space<vmem>>
      %dma_wait3A_140 = arith.constant 0 : i32
      %dma_wait3A_141 = arith.constant 0 : i32
      %dma_wait3A_142 = tpu.memref_slice %arg3[%dma_wait3A_140, %dma_wait3A_141] : memref<1007616x32xf32, #tpu.memory_space<hbm>> -> memref<1007616x32xf32, #tpu.memory_space<hbm>>
      tpu.wait_indirect_dma semaphore(%arg13 : memref<!tpu.dma_semaphore, #tpu.memory_space<semaphore_mem>>) src(%dma_wait3A_142 : memref<1007616x32xf32, #tpu.memory_space<hbm>>) dst(%dma_wait3A_137 : memref<80x32xf32, #tpu.memory_space<vmem>>)
      %dma_wait3A_143 = arith.constant 240 : i32
      %dma_wait3A_144 = arith.constant 0 : i32
      %dma_wait3A_145 = tpu.memref_slice %arg7[%dma_wait3A_143, %dma_wait3A_144] : memref<800x32xf32, #tpu.memory_space<vmem>> -> memref<80x32xf32, #tpu.memory_space<vmem>>
      %dma_wait3A_146 = arith.constant 240 : i32
      %dma_wait3A_147 = tpu.memref_slice %arg5[%dma_wait3A_146] : memref<800xi32, #tpu.memory_space<vmem>> -> memref<80xi32, #tpu.memory_space<vmem>>
      %dma_wait3A_148 = arith.constant 0 : i32
      %dma_wait3A_149 = arith.constant 0 : i32
      %dma_wait3A_150 = tpu.memref_slice %arg3[%dma_wait3A_148, %dma_wait3A_149] : memref<1007616x32xf32, #tpu.memory_space<hbm>> -> memref<1007616x32xf32, #tpu.memory_space<hbm>>
      tpu.wait_indirect_dma semaphore(%arg13 : memref<!tpu.dma_semaphore, #tpu.memory_space<semaphore_mem>>) src(%dma_wait3A_150 : memref<1007616x32xf32, #tpu.memory_space<hbm>>) dst(%dma_wait3A_145 : memref<80x32xf32, #tpu.memory_space<vmem>>)
      %dma_wait3A_151 = arith.constant 320 : i32
      %dma_wait3A_152 = arith.constant 0 : i32
      %dma_wait3A_153 = tpu.memref_slice %arg7[%dma_wait3A_151, %dma_wait3A_152] : memref<800x32xf32, #tpu.memory_space<vmem>> -> memref<80x32xf32, #tpu.memory_space<vmem>>
      %dma_wait3A_154 = arith.constant 320 : i32
      %dma_wait3A_155 = tpu.memref_slice %arg5[%dma_wait3A_154] : memref<800xi32, #tpu.memory_space<vmem>> -> memref<80xi32, #tpu.memory_space<vmem>>
      %dma_wait3A_156 = arith.constant 0 : i32
      %dma_wait3A_157 = arith.constant 0 : i32
      %dma_wait3A_158 = tpu.memref_slice %arg3[%dma_wait3A_156, %dma_wait3A_157] : memref<1007616x32xf32, #tpu.memory_space<hbm>> -> memref<1007616x32xf32, #tpu.memory_space<hbm>>
      tpu.wait_indirect_dma semaphore(%arg13 : memref<!tpu.dma_semaphore, #tpu.memory_space<semaphore_mem>>) src(%dma_wait3A_158 : memref<1007616x32xf32, #tpu.memory_space<hbm>>) dst(%dma_wait3A_153 : memref<80x32xf32, #tpu.memory_space<vmem>>)
      %dma_wait3A_159 = arith.constant 400 : i32
      %dma_wait3A_160 = arith.constant 0 : i32
      %dma_wait3A_161 = tpu.memref_slice %arg7[%dma_wait3A_159, %dma_wait3A_160] : memref<800x32xf32, #tpu.memory_space<vmem>> -> memref<80x32xf32, #tpu.memory_space<vmem>>
      %dma_wait3A_162 = arith.constant 400 : i32
      %dma_wait3A_163 = tpu.memref_slice %arg5[%dma_wait3A_162] : memref<800xi32, #tpu.memory_space<vmem>> -> memref<80xi32, #tpu.memory_space<vmem>>
      %dma_wait3A_164 = arith.constant 0 : i32
      %dma_wait3A_165 = arith.constant 0 : i32
      %dma_wait3A_166 = tpu.memref_slice %arg3[%dma_wait3A_164, %dma_wait3A_165] : memref<1007616x32xf32, #tpu.memory_space<hbm>> -> memref<1007616x32xf32, #tpu.memory_space<hbm>>
      tpu.wait_indirect_dma semaphore(%arg13 : memref<!tpu.dma_semaphore, #tpu.memory_space<semaphore_mem>>) src(%dma_wait3A_166 : memref<1007616x32xf32, #tpu.memory_space<hbm>>) dst(%dma_wait3A_161 : memref<80x32xf32, #tpu.memory_space<vmem>>)
      %dma_wait3A_167 = arith.constant 480 : i32
      %dma_wait3A_168 = arith.constant 0 : i32
      %dma_wait3A_169 = tpu.memref_slice %arg7[%dma_wait3A_167, %dma_wait3A_168] : memref<800x32xf32, #tpu.memory_space<vmem>> -> memref<80x32xf32, #tpu.memory_space<vmem>>
      %dma_wait3A_170 = arith.constant 480 : i32
      %dma_wait3A_171 = tpu.memref_slice %arg5[%dma_wait3A_170] : memref<800xi32, #tpu.memory_space<vmem>> -> memref<80xi32, #tpu.memory_space<vmem>>
      %dma_wait3A_172 = arith.constant 0 : i32
      %dma_wait3A_173 = arith.constant 0 : i32
      %dma_wait3A_174 = tpu.memref_slice %arg3[%dma_wait3A_172, %dma_wait3A_173] : memref<1007616x32xf32, #tpu.memory_space<hbm>> -> memref<1007616x32xf32, #tpu.memory_space<hbm>>
      tpu.wait_indirect_dma semaphore(%arg13 : memref<!tpu.dma_semaphore, #tpu.memory_space<semaphore_mem>>) src(%dma_wait3A_174 : memref<1007616x32xf32, #tpu.memory_space<hbm>>) dst(%dma_wait3A_169 : memref<80x32xf32, #tpu.memory_space<vmem>>)
      %dma_wait3A_175 = arith.constant 560 : i32
      %dma_wait3A_176 = arith.constant 0 : i32
      %dma_wait3A_177 = tpu.memref_slice %arg7[%dma_wait3A_175, %dma_wait3A_176] : memref<800x32xf32, #tpu.memory_space<vmem>> -> memref<80x32xf32, #tpu.memory_space<vmem>>
      %dma_wait3A_178 = arith.constant 560 : i32
      %dma_wait3A_179 = tpu.memref_slice %arg5[%dma_wait3A_178] : memref<800xi32, #tpu.memory_space<vmem>> -> memref<80xi32, #tpu.memory_space<vmem>>
      %dma_wait3A_180 = arith.constant 0 : i32
      %dma_wait3A_181 = arith.constant 0 : i32
      %dma_wait3A_182 = tpu.memref_slice %arg3[%dma_wait3A_180, %dma_wait3A_181] : memref<1007616x32xf32, #tpu.memory_space<hbm>> -> memref<1007616x32xf32, #tpu.memory_space<hbm>>
      tpu.wait_indirect_dma semaphore(%arg13 : memref<!tpu.dma_semaphore, #tpu.memory_space<semaphore_mem>>) src(%dma_wait3A_182 : memref<1007616x32xf32, #tpu.memory_space<hbm>>) dst(%dma_wait3A_177 : memref<80x32xf32, #tpu.memory_space<vmem>>)
      %dma_wait3A_183 = arith.constant 640 : i32
      %dma_wait3A_184 = arith.constant 0 : i32
      %dma_wait3A_185 = tpu.memref_slice %arg7[%dma_wait3A_183, %dma_wait3A_184] : memref<800x32xf32, #tpu.memory_space<vmem>> -> memref<80x32xf32, #tpu.memory_space<vmem>>
      %dma_wait3A_186 = arith.constant 640 : i32
      %dma_wait3A_187 = tpu.memref_slice %arg5[%dma_wait3A_186] : memref<800xi32, #tpu.memory_space<vmem>> -> memref<80xi32, #tpu.memory_space<vmem>>
      %dma_wait3A_188 = arith.constant 0 : i32
      %dma_wait3A_189 = arith.constant 0 : i32
      %dma_wait3A_190 = tpu.memref_slice %arg3[%dma_wait3A_188, %dma_wait3A_189] : memref<1007616x32xf32, #tpu.memory_space<hbm>> -> memref<1007616x32xf32, #tpu.memory_space<hbm>>
      tpu.wait_indirect_dma semaphore(%arg13 : memref<!tpu.dma_semaphore, #tpu.memory_space<semaphore_mem>>) src(%dma_wait3A_190 : memref<1007616x32xf32, #tpu.memory_space<hbm>>) dst(%dma_wait3A_185 : memref<80x32xf32, #tpu.memory_space<vmem>>)
      %dma_wait3A_191 = arith.constant 720 : i32
      %dma_wait3A_192 = arith.constant 0 : i32
      %dma_wait3A_193 = tpu.memref_slice %arg7[%dma_wait3A_191, %dma_wait3A_192] : memref<800x32xf32, #tpu.memory_space<vmem>> -> memref<80x32xf32, #tpu.memory_space<vmem>>
      %dma_wait3A_194 = arith.constant 720 : i32
      %dma_wait3A_195 = tpu.memref_slice %arg5[%dma_wait3A_194] : memref<800xi32, #tpu.memory_space<vmem>> -> memref<80xi32, #tpu.memory_space<vmem>>
      %dma_wait3A_196 = arith.constant 0 : i32
      %dma_wait3A_197 = arith.constant 0 : i32
      %dma_wait3A_198 = tpu.memref_slice %arg3[%dma_wait3A_196, %dma_wait3A_197] : memref<1007616x32xf32, #tpu.memory_space<hbm>> -> memref<1007616x32xf32, #tpu.memory_space<hbm>>
      tpu.wait_indirect_dma semaphore(%arg13 : memref<!tpu.dma_semaphore, #tpu.memory_space<semaphore_mem>>) src(%dma_wait3A_198 : memref<1007616x32xf32, #tpu.memory_space<hbm>>) dst(%dma_wait3A_193 : memref<80x32xf32, #tpu.memory_space<vmem>>)
      %add3A_199 = arith.constant 1 : i32
      %add3A_200 = arith.addi %add3A_118, %add3A_199 : i32
      %lt3A = arith.constant 32 : i32
      %lt3A_201 = arith.cmpi slt, %add3A_200, %lt3A : i32
      %convert_element_type3A = arith.extui %lt3A_201 : i1 to i32
      %cond3A = arith.constant 0 : i32
      %cond3A_202 = arith.cmpi ne, %convert_element_type3A, %cond3A : i32
      scf.if %cond3A_202 {
        %add3A_343 = arith.constant 1 : i32
        %add3A_344 = arith.addi %add3A_118, %add3A_343 : i32
        %mul3A_345 = arith.constant 16 : i32
        %mul3A_346 = arith.muli %add3A_344, %mul3A_345 : i32
        %add3A_347 = arith.addi %mul3A_2, %mul3A_346 : i32
        %mul3A_348 = arith.constant 50 : i32
        %mul3A_349 = arith.muli %add3A_347, %mul3A_348 : i32
        %dma_wait3A_350 = tpu.memref_slice %arg2[%mul3A_349] : memref<819200xi32, #tpu.memory_space<hbm>> -> memref<800xi32, #tpu.memory_space<hbm>>
        %dma_wait3A_351 = tpu.memref_slice %arg2[%mul3A_349] : memref<819200xi32, #tpu.memory_space<hbm>> -> memref<800xi32, #tpu.memory_space<hbm>>
        tpu.wait_dma2 semaphore(%arg12 : memref<!tpu.dma_semaphore, #tpu.memory_space<semaphore_mem>>) src(%dma_wait3A_351 : memref<800xi32, #tpu.memory_space<hbm>>) dst(%arg6 : memref<800xi32, #tpu.memory_space<vmem>>)
        %dma_start3A_352 = arith.constant 0 : i32
        %dma_start3A_353 = arith.constant 0 : i32
        %dma_start3A_354 = tpu.memref_slice %arg8[%dma_start3A_352, %dma_start3A_353] : memref<800x32xf32, #tpu.memory_space<vmem>> -> memref<80x32xf32, #tpu.memory_space<vmem>>
        %dma_start3A_355 = arith.constant 0 : i32
        %dma_start3A_356 = tpu.memref_slice %arg6[%dma_start3A_355] : memref<800xi32, #tpu.memory_space<vmem>> -> memref<80xi32, #tpu.memory_space<vmem>>
        %dma_start3A_357 = arith.constant 0 : i32
        %dma_start3A_358 = arith.constant 0 : i32
        %dma_start3A_359 = tpu.memref_slice %arg3[%dma_start3A_357, %dma_start3A_358] : memref<1007616x32xf32, #tpu.memory_space<hbm>> -> memref<1007616x32xf32, #tpu.memory_space<hbm>>
        tpu.enqueue_indirect_dma source(%dma_start3A_359 : memref<1007616x32xf32, #tpu.memory_space<hbm>>) target(%dma_start3A_354 : memref<80x32xf32, #tpu.memory_space<vmem>>) offsets(%dma_start3A_356 : memref<80xi32, #tpu.memory_space<vmem>>) semaphore(%arg14 : memref<!tpu.dma_semaphore, #tpu.memory_space<semaphore_mem>>)
        %dma_start3A_360 = arith.constant 80 : i32
        %dma_start3A_361 = arith.constant 0 : i32
        %dma_start3A_362 = tpu.memref_slice %arg8[%dma_start3A_360, %dma_start3A_361] : memref<800x32xf32, #tpu.memory_space<vmem>> -> memref<80x32xf32, #tpu.memory_space<vmem>>
        %dma_start3A_363 = arith.constant 80 : i32
        %dma_start3A_364 = tpu.memref_slice %arg6[%dma_start3A_363] : memref<800xi32, #tpu.memory_space<vmem>> -> memref<80xi32, #tpu.memory_space<vmem>>
        %dma_start3A_365 = arith.constant 0 : i32
        %dma_start3A_366 = arith.constant 0 : i32
        %dma_start3A_367 = tpu.memref_slice %arg3[%dma_start3A_365, %dma_start3A_366] : memref<1007616x32xf32, #tpu.memory_space<hbm>> -> memref<1007616x32xf32, #tpu.memory_space<hbm>>
        tpu.enqueue_indirect_dma source(%dma_start3A_367 : memref<1007616x32xf32, #tpu.memory_space<hbm>>) target(%dma_start3A_362 : memref<80x32xf32, #tpu.memory_space<vmem>>) offsets(%dma_start3A_364 : memref<80xi32, #tpu.memory_space<vmem>>) semaphore(%arg14 : memref<!tpu.dma_semaphore, #tpu.memory_space<semaphore_mem>>)
        %dma_start3A_368 = arith.constant 160 : i32
        %dma_start3A_369 = arith.constant 0 : i32
        %dma_start3A_370 = tpu.memref_slice %arg8[%dma_start3A_368, %dma_start3A_369] : memref<800x32xf32, #tpu.memory_space<vmem>> -> memref<80x32xf32, #tpu.memory_space<vmem>>
        %dma_start3A_371 = arith.constant 160 : i32
        %dma_start3A_372 = tpu.memref_slice %arg6[%dma_start3A_371] : memref<800xi32, #tpu.memory_space<vmem>> -> memref<80xi32, #tpu.memory_space<vmem>>
        %dma_start3A_373 = arith.constant 0 : i32
        %dma_start3A_374 = arith.constant 0 : i32
        %dma_start3A_375 = tpu.memref_slice %arg3[%dma_start3A_373, %dma_start3A_374] : memref<1007616x32xf32, #tpu.memory_space<hbm>> -> memref<1007616x32xf32, #tpu.memory_space<hbm>>
        tpu.enqueue_indirect_dma source(%dma_start3A_375 : memref<1007616x32xf32, #tpu.memory_space<hbm>>) target(%dma_start3A_370 : memref<80x32xf32, #tpu.memory_space<vmem>>) offsets(%dma_start3A_372 : memref<80xi32, #tpu.memory_space<vmem>>) semaphore(%arg14 : memref<!tpu.dma_semaphore, #tpu.memory_space<semaphore_mem>>)
        %dma_start3A_376 = arith.constant 240 : i32
        %dma_start3A_377 = arith.constant 0 : i32
        %dma_start3A_378 = tpu.memref_slice %arg8[%dma_start3A_376, %dma_start3A_377] : memref<800x32xf32, #tpu.memory_space<vmem>> -> memref<80x32xf32, #tpu.memory_space<vmem>>
        %dma_start3A_379 = arith.constant 240 : i32
        %dma_start3A_380 = tpu.memref_slice %arg6[%dma_start3A_379] : memref<800xi32, #tpu.memory_space<vmem>> -> memref<80xi32, #tpu.memory_space<vmem>>
        %dma_start3A_381 = arith.constant 0 : i32
        %dma_start3A_382 = arith.constant 0 : i32
        %dma_start3A_383 = tpu.memref_slice %arg3[%dma_start3A_381, %dma_start3A_382] : memref<1007616x32xf32, #tpu.memory_space<hbm>> -> memref<1007616x32xf32, #tpu.memory_space<hbm>>
        tpu.enqueue_indirect_dma source(%dma_start3A_383 : memref<1007616x32xf32, #tpu.memory_space<hbm>>) target(%dma_start3A_378 : memref<80x32xf32, #tpu.memory_space<vmem>>) offsets(%dma_start3A_380 : memref<80xi32, #tpu.memory_space<vmem>>) semaphore(%arg14 : memref<!tpu.dma_semaphore, #tpu.memory_space<semaphore_mem>>)
        %dma_start3A_384 = arith.constant 320 : i32
        %dma_start3A_385 = arith.constant 0 : i32
        %dma_start3A_386 = tpu.memref_slice %arg8[%dma_start3A_384, %dma_start3A_385] : memref<800x32xf32, #tpu.memory_space<vmem>> -> memref<80x32xf32, #tpu.memory_space<vmem>>
        %dma_start3A_387 = arith.constant 320 : i32
        %dma_start3A_388 = tpu.memref_slice %arg6[%dma_start3A_387] : memref<800xi32, #tpu.memory_space<vmem>> -> memref<80xi32, #tpu.memory_space<vmem>>
        %dma_start3A_389 = arith.constant 0 : i32
        %dma_start3A_390 = arith.constant 0 : i32
        %dma_start3A_391 = tpu.memref_slice %arg3[%dma_start3A_389, %dma_start3A_390] : memref<1007616x32xf32, #tpu.memory_space<hbm>> -> memref<1007616x32xf32, #tpu.memory_space<hbm>>
        tpu.enqueue_indirect_dma source(%dma_start3A_391 : memref<1007616x32xf32, #tpu.memory_space<hbm>>) target(%dma_start3A_386 : memref<80x32xf32, #tpu.memory_space<vmem>>) offsets(%dma_start3A_388 : memref<80xi32, #tpu.memory_space<vmem>>) semaphore(%arg14 : memref<!tpu.dma_semaphore, #tpu.memory_space<semaphore_mem>>)
        %dma_start3A_392 = arith.constant 400 : i32
        %dma_start3A_393 = arith.constant 0 : i32
        %dma_start3A_394 = tpu.memref_slice %arg8[%dma_start3A_392, %dma_start3A_393] : memref<800x32xf32, #tpu.memory_space<vmem>> -> memref<80x32xf32, #tpu.memory_space<vmem>>
        %dma_start3A_395 = arith.constant 400 : i32
        %dma_start3A_396 = tpu.memref_slice %arg6[%dma_start3A_395] : memref<800xi32, #tpu.memory_space<vmem>> -> memref<80xi32, #tpu.memory_space<vmem>>
        %dma_start3A_397 = arith.constant 0 : i32
        %dma_start3A_398 = arith.constant 0 : i32
        %dma_start3A_399 = tpu.memref_slice %arg3[%dma_start3A_397, %dma_start3A_398] : memref<1007616x32xf32, #tpu.memory_space<hbm>> -> memref<1007616x32xf32, #tpu.memory_space<hbm>>
        tpu.enqueue_indirect_dma source(%dma_start3A_399 : memref<1007616x32xf32, #tpu.memory_space<hbm>>) target(%dma_start3A_394 : memref<80x32xf32, #tpu.memory_space<vmem>>) offsets(%dma_start3A_396 : memref<80xi32, #tpu.memory_space<vmem>>) semaphore(%arg14 : memref<!tpu.dma_semaphore, #tpu.memory_space<semaphore_mem>>)
        %dma_start3A_400 = arith.constant 480 : i32
        %dma_start3A_401 = arith.constant 0 : i32
        %dma_start3A_402 = tpu.memref_slice %arg8[%dma_start3A_400, %dma_start3A_401] : memref<800x32xf32, #tpu.memory_space<vmem>> -> memref<80x32xf32, #tpu.memory_space<vmem>>
        %dma_start3A_403 = arith.constant 480 : i32
        %dma_start3A_404 = tpu.memref_slice %arg6[%dma_start3A_403] : memref<800xi32, #tpu.memory_space<vmem>> -> memref<80xi32, #tpu.memory_space<vmem>>
        %dma_start3A_405 = arith.constant 0 : i32
        %dma_start3A_406 = arith.constant 0 : i32
        %dma_start3A_407 = tpu.memref_slice %arg3[%dma_start3A_405, %dma_start3A_406] : memref<1007616x32xf32, #tpu.memory_space<hbm>> -> memref<1007616x32xf32, #tpu.memory_space<hbm>>
        tpu.enqueue_indirect_dma source(%dma_start3A_407 : memref<1007616x32xf32, #tpu.memory_space<hbm>>) target(%dma_start3A_402 : memref<80x32xf32, #tpu.memory_space<vmem>>) offsets(%dma_start3A_404 : memref<80xi32, #tpu.memory_space<vmem>>) semaphore(%arg14 : memref<!tpu.dma_semaphore, #tpu.memory_space<semaphore_mem>>)
        %dma_start3A_408 = arith.constant 560 : i32
        %dma_start3A_409 = arith.constant 0 : i32
        %dma_start3A_410 = tpu.memref_slice %arg8[%dma_start3A_408, %dma_start3A_409] : memref<800x32xf32, #tpu.memory_space<vmem>> -> memref<80x32xf32, #tpu.memory_space<vmem>>
        %dma_start3A_411 = arith.constant 560 : i32
        %dma_start3A_412 = tpu.memref_slice %arg6[%dma_start3A_411] : memref<800xi32, #tpu.memory_space<vmem>> -> memref<80xi32, #tpu.memory_space<vmem>>
        %dma_start3A_413 = arith.constant 0 : i32
        %dma_start3A_414 = arith.constant 0 : i32
        %dma_start3A_415 = tpu.memref_slice %arg3[%dma_start3A_413, %dma_start3A_414] : memref<1007616x32xf32, #tpu.memory_space<hbm>> -> memref<1007616x32xf32, #tpu.memory_space<hbm>>
        tpu.enqueue_indirect_dma source(%dma_start3A_415 : memref<1007616x32xf32, #tpu.memory_space<hbm>>) target(%dma_start3A_410 : memref<80x32xf32, #tpu.memory_space<vmem>>) offsets(%dma_start3A_412 : memref<80xi32, #tpu.memory_space<vmem>>) semaphore(%arg14 : memref<!tpu.dma_semaphore, #tpu.memory_space<semaphore_mem>>)
        %dma_start3A_416 = arith.constant 640 : i32
        %dma_start3A_417 = arith.constant 0 : i32
        %dma_start3A_418 = tpu.memref_slice %arg8[%dma_start3A_416, %dma_start3A_417] : memref<800x32xf32, #tpu.memory_space<vmem>> -> memref<80x32xf32, #tpu.memory_space<vmem>>
        %dma_start3A_419 = arith.constant 640 : i32
        %dma_start3A_420 = tpu.memref_slice %arg6[%dma_start3A_419] : memref<800xi32, #tpu.memory_space<vmem>> -> memref<80xi32, #tpu.memory_space<vmem>>
        %dma_start3A_421 = arith.constant 0 : i32
        %dma_start3A_422 = arith.constant 0 : i32
        %dma_start3A_423 = tpu.memref_slice %arg3[%dma_start3A_421, %dma_start3A_422] : memref<1007616x32xf32, #tpu.memory_space<hbm>> -> memref<1007616x32xf32, #tpu.memory_space<hbm>>
        tpu.enqueue_indirect_dma source(%dma_start3A_423 : memref<1007616x32xf32, #tpu.memory_space<hbm>>) target(%dma_start3A_418 : memref<80x32xf32, #tpu.memory_space<vmem>>) offsets(%dma_start3A_420 : memref<80xi32, #tpu.memory_space<vmem>>) semaphore(%arg14 : memref<!tpu.dma_semaphore, #tpu.memory_space<semaphore_mem>>)
        %dma_start3A_424 = arith.constant 720 : i32
        %dma_start3A_425 = arith.constant 0 : i32
        %dma_start3A_426 = tpu.memref_slice %arg8[%dma_start3A_424, %dma_start3A_425] : memref<800x32xf32, #tpu.memory_space<vmem>> -> memref<80x32xf32, #tpu.memory_space<vmem>>
        %dma_start3A_427 = arith.constant 720 : i32
        %dma_start3A_428 = tpu.memref_slice %arg6[%dma_start3A_427] : memref<800xi32, #tpu.memory_space<vmem>> -> memref<80xi32, #tpu.memory_space<vmem>>
        %dma_start3A_429 = arith.constant 0 : i32
        %dma_start3A_430 = arith.constant 0 : i32
        %dma_start3A_431 = tpu.memref_slice %arg3[%dma_start3A_429, %dma_start3A_430] : memref<1007616x32xf32, #tpu.memory_space<hbm>> -> memref<1007616x32xf32, #tpu.memory_space<hbm>>
        tpu.enqueue_indirect_dma source(%dma_start3A_431 : memref<1007616x32xf32, #tpu.memory_space<hbm>>) target(%dma_start3A_426 : memref<80x32xf32, #tpu.memory_space<vmem>>) offsets(%dma_start3A_428 : memref<80xi32, #tpu.memory_space<vmem>>) semaphore(%arg14 : memref<!tpu.dma_semaphore, #tpu.memory_space<semaphore_mem>>)
      } else {
      }
      %add3A_203 = arith.constant 2 : i32
      %add3A_204 = arith.addi %add3A_118, %add3A_203 : i32
      %lt3A_205 = arith.constant 32 : i32
      %lt3A_206 = arith.cmpi slt, %add3A_204, %lt3A_205 : i32
      %convert_element_type3A_207 = arith.extui %lt3A_206 : i1 to i32
      %cond3A_208 = arith.constant 0 : i32
      %cond3A_209 = arith.cmpi ne, %convert_element_type3A_207, %cond3A_208 : i32
      scf.if %cond3A_209 {
        %add3A_343 = arith.constant 2 : i32
        %add3A_344 = arith.addi %add3A_118, %add3A_343 : i32
        %mul3A_345 = arith.constant 16 : i32
        %mul3A_346 = arith.muli %add3A_344, %mul3A_345 : i32
        %add3A_347 = arith.addi %mul3A_2, %mul3A_346 : i32
        %mul3A_348 = arith.constant 50 : i32
        %mul3A_349 = arith.muli %add3A_347, %mul3A_348 : i32
        %dma_start3A_350 = tpu.memref_slice %arg2[%mul3A_349] : memref<819200xi32, #tpu.memory_space<hbm>> -> memref<800xi32, #tpu.memory_space<hbm>>
        %dma_start3A_351 = tpu.memref_slice %arg2[%mul3A_349] : memref<819200xi32, #tpu.memory_space<hbm>> -> memref<800xi32, #tpu.memory_space<hbm>>
        tpu.enqueue_dma source(%dma_start3A_351 : memref<800xi32, #tpu.memory_space<hbm>>) target(%arg5 : memref<800xi32, #tpu.memory_space<vmem>>) target_semaphore(%arg11 : memref<!tpu.dma_semaphore, #tpu.memory_space<semaphore_mem>>)
      } else {
      }
      %ge3A = arith.constant 2 : i32
      %ge3A_210 = arith.cmpi sge, %add3A_118, %ge3A : i32
      %convert_element_type3A_211 = arith.extui %ge3A_210 : i1 to i32
      %cond3A_212 = arith.constant 0 : i32
      %cond3A_213 = arith.cmpi ne, %convert_element_type3A_211, %cond3A_212 : i32
      scf.if %cond3A_213 {
        %sub3A = arith.constant 2 : i32
        %sub3A_343 = arith.subi %add3A_118, %sub3A : i32
        %mul3A_344 = arith.constant 16 : i32
        %mul3A_345 = arith.muli %sub3A_343, %mul3A_344 : i32
        %add3A_346 = arith.addi %mul3A_2, %mul3A_345 : i32
        %mul3A_347 = arith.constant 49 : i32
        %mul3A_348 = arith.muli %add3A_346, %mul3A_347 : i32
        %dma_wait3A_349 = tpu.memref_slice %arg4[%mul3A_348] : memref<802816xf32, #tpu.memory_space<hbm>> -> memref<784xf32, #tpu.memory_space<hbm>>
        %dma_wait3A_350 = tpu.memref_slice %arg4[%mul3A_348] : memref<802816xf32, #tpu.memory_space<hbm>> -> memref<784xf32, #tpu.memory_space<hbm>>
        tpu.wait_dma2 semaphore(%arg15 : memref<!tpu.dma_semaphore, #tpu.memory_space<semaphore_mem>>) src(%arg9 : memref<784xf32, #tpu.memory_space<vmem>>) dst(%dma_wait3A_350 : memref<784xf32, #tpu.memory_space<hbm>>)
      } else {
      }
      %scan3A_214 = arith.constant 0 : i32
      %scan3A_215 = arith.constant 0 : i32
      %scan3A_216 = arith.constant 16 : i32
      %scan3A_217 = arith.addi %scan3A_215, %scan3A_216 : i32
      %scan3A_218 = arith.constant 1 : i32
      scf.for %scan3A_343 = %scan3A_215 to %scan3A_217 step %scan3A_218  : i32 {
        %mul3A_344 = arith.constant 50 : i32
        %mul3A_345 = arith.muli %scan3A_343, %mul3A_344 : i32
        %broadcast_in_dim3A = arith.constant 0 : i32
        %broadcast_in_dim3A_346 = vector.broadcast %broadcast_in_dim3A : i32 to vector<16xi32>
        %add3A_347 = vector.broadcast %mul3A_345 : i32 to vector<16xi32>
        %add3A_348 = arith.addi %broadcast_in_dim3A_346, %add3A_347 : vector<16xi32>
        %gather3A = tpu.vector_load_idx %arg7[%add3A_348, %iota3A] : memref<800x32xf32, #tpu.memory_space<vmem>>[vector<16xi32>, vector<16xi32>], vector<16xf32>,
        %add3A_349 = arith.constant 16 : i32
        %add3A_350 = vector.broadcast %add3A_349 : i32 to vector<16xi32>
        %add3A_351 = arith.addi %iota3A, %add3A_350 : vector<16xi32>
        %gather3A_352 = tpu.vector_load_idx %arg7[%add3A_348, %add3A_351] : memref<800x32xf32, #tpu.memory_space<vmem>>[vector<16xi32>, vector<16xi32>], vector<16xf32>,
        %mul3A_353 = arith.mulf %gather3A, %gather3A : vector<16xf32>
        %mul3A_354 = arith.mulf %gather3A_352, %gather3A_352 : vector<16xf32>
        %add3A_355 = arith.addf %mul3A_353, %mul3A_354 : vector<16xf32>
        %reduce_sum3A = arith.constant true
        %reduce_sum3A_356 = vector.broadcast %reduce_sum3A : i1 to vector<16xi1>
        %reduce_sum3A_357 = tpu.scan <sum>, %add3A_355 masked %reduce_sum3A_356 : vector<16xf32>, vector<16xi1> -> vector<16xf32>
        %reduce_sum3A_358 = vector.extract %reduce_sum3A_357[15] : f32 from vector<16xf32>
        %sub3A = arith.constant 1.000000e+00 : f32
        %sub3A_359 = arith.subf %sub3A, %reduce_sum3A_358 : f32
        %add3A_360 = arith.constant 1 : i32
        %add3A_361 = vector.broadcast %add3A_360 : i32 to vector<16xi32>
        %add3A_362 = arith.addi %iota3A, %add3A_361 : vector<16xi32>
        %min3A = arith.constant 49 : i32
        %min3A_363 = vector.broadcast %min3A : i32 to vector<16xi32>
        %min3A_364 = arith.minsi %add3A_362, %min3A_363 : vector<16xi32>
        %add3A_365 = arith.addi %add3A_348, %min3A_364 : vector<16xi32>
        %add3A_366 = arith.constant 17 : i32
        %add3A_367 = vector.broadcast %add3A_366 : i32 to vector<16xi32>
        %add3A_368 = arith.addi %iota3A, %add3A_367 : vector<16xi32>
        %min3A_369 = arith.constant 49 : i32
        %min3A_370 = vector.broadcast %min3A_369 : i32 to vector<16xi32>
        %min3A_371 = arith.minsi %add3A_368, %min3A_370 : vector<16xi32>
        %add3A_372 = arith.addi %add3A_348, %min3A_371 : vector<16xi32>
        %add3A_373 = arith.constant 33 : i32
        %add3A_374 = vector.broadcast %add3A_373 : i32 to vector<16xi32>
        %add3A_375 = arith.addi %iota3A, %add3A_374 : vector<16xi32>
        %min3A_376 = arith.constant 49 : i32
        %min3A_377 = vector.broadcast %min3A_376 : i32 to vector<16xi32>
        %min3A_378 = arith.minsi %add3A_375, %min3A_377 : vector<16xi32>
        %add3A_379 = arith.addi %add3A_348, %min3A_378 : vector<16xi32>
        %add3A_380 = arith.constant 49 : i32
        %add3A_381 = vector.broadcast %add3A_380 : i32 to vector<16xi32>
        %add3A_382 = arith.addi %iota3A, %add3A_381 : vector<16xi32>
        %min3A_383 = arith.constant 49 : i32
        %min3A_384 = vector.broadcast %min3A_383 : i32 to vector<16xi32>
        %min3A_385 = arith.minsi %add3A_382, %min3A_384 : vector<16xi32>
        %add3A_386 = arith.addi %add3A_348, %min3A_385 : vector<16xi32>
        %broadcast_in_dim3A_387 = arith.constant 0.000000e+00 : f32
        %broadcast_in_dim3A_388 = vector.broadcast %broadcast_in_dim3A_387 : f32 to vector<16xf32>
        %broadcast_in_dim3A_389 = arith.constant 0.000000e+00 : f32
        %broadcast_in_dim3A_390 = vector.broadcast %broadcast_in_dim3A_389 : f32 to vector<16xf32>
        %broadcast_in_dim3A_391 = arith.constant 0.000000e+00 : f32
        %broadcast_in_dim3A_392 = vector.broadcast %broadcast_in_dim3A_391 : f32 to vector<16xf32>
        %broadcast_in_dim3A_393 = arith.constant 0.000000e+00 : f32
        %broadcast_in_dim3A_394 = vector.broadcast %broadcast_in_dim3A_393 : f32 to vector<16xf32>
        %broadcast_in_dim3A_395 = arith.constant 0.000000e+00 : f32
        %broadcast_in_dim3A_396 = vector.broadcast %broadcast_in_dim3A_395 : f32 to vector<16xf32>
        %broadcast_in_dim3A_397 = arith.constant 0.000000e+00 : f32
        %broadcast_in_dim3A_398 = vector.broadcast %broadcast_in_dim3A_397 : f32 to vector<16xf32>
        %broadcast_in_dim3A_399 = arith.constant 0.000000e+00 : f32
        %broadcast_in_dim3A_400 = vector.broadcast %broadcast_in_dim3A_399 : f32 to vector<16xf32>
        %broadcast_in_dim3A_401 = arith.constant 0.000000e+00 : f32
        %broadcast_in_dim3A_402 = vector.broadcast %broadcast_in_dim3A_401 : f32 to vector<16xf32>
        %add3A_403 = arith.constant 0 : i32
        %add3A_404 = vector.broadcast %add3A_403 : i32 to vector<16xi32>
        %add3A_405 = arith.addi %iota3A, %add3A_404 : vector<16xi32>
        %and3A = arith.constant 31 : i32
        %and3A_406 = vector.broadcast %and3A : i32 to vector<16xi32>
        %and3A_407 = arith.andi %add3A_405, %and3A_406 : vector<16xi32>
        %gather3A_408 = tpu.vector_load_idx %arg7[%add3A_348, %and3A_407] : memref<800x32xf32, #tpu.memory_space<vmem>>[vector<16xi32>, vector<16xi32>], vector<16xf32>,
        %gather3A_409 = tpu.vector_load_idx %arg7[%add3A_365, %and3A_407] : memref<800x32xf32, #tpu.memory_space<vmem>>[vector<16xi32>, vector<16xi32>], vector<16xf32>,
        %sub3A_410 = arith.subf %gather3A_408, %gather3A_409 : vector<16xf32>
        %mul3A_411 = arith.mulf %sub3A_410, %sub3A_410 : vector<16xf32>
        %add3A_412 = arith.addf %broadcast_in_dim3A_388, %mul3A_411 : vector<16xf32>
        %mul3A_413 = arith.mulf %gather3A_409, %gather3A_409 : vector<16xf32>
        %add3A_414 = arith.addf %broadcast_in_dim3A_396, %mul3A_413 : vector<16xf32>
        %gather3A_415 = tpu.vector_load_idx %arg7[%add3A_372, %and3A_407] : memref<800x32xf32, #tpu.memory_space<vmem>>[vector<16xi32>, vector<16xi32>], vector<16xf32>,
        %sub3A_416 = arith.subf %gather3A_408, %gather3A_415 : vector<16xf32>
        %mul3A_417 = arith.mulf %sub3A_416, %sub3A_416 : vector<16xf32>
        %add3A_418 = arith.addf %broadcast_in_dim3A_390, %mul3A_417 : vector<16xf32>
        %mul3A_419 = arith.mulf %gather3A_415, %gather3A_415 : vector<16xf32>
        %add3A_420 = arith.addf %broadcast_in_dim3A_398, %mul3A_419 : vector<16xf32>
        %gather3A_421 = tpu.vector_load_idx %arg7[%add3A_379, %and3A_407] : memref<800x32xf32, #tpu.memory_space<vmem>>[vector<16xi32>, vector<16xi32>], vector<16xf32>,
        %sub3A_422 = arith.subf %gather3A_408, %gather3A_421 : vector<16xf32>
        %mul3A_423 = arith.mulf %sub3A_422, %sub3A_422 : vector<16xf32>
        %add3A_424 = arith.addf %broadcast_in_dim3A_392, %mul3A_423 : vector<16xf32>
        %mul3A_425 = arith.mulf %gather3A_421, %gather3A_421 : vector<16xf32>
        %add3A_426 = arith.addf %broadcast_in_dim3A_400, %mul3A_425 : vector<16xf32>
        %gather3A_427 = tpu.vector_load_idx %arg7[%add3A_386, %and3A_407] : memref<800x32xf32, #tpu.memory_space<vmem>>[vector<16xi32>, vector<16xi32>], vector<16xf32>,
        %sub3A_428 = arith.subf %gather3A_408, %gather3A_427 : vector<16xf32>
        %mul3A_429 = arith.mulf %sub3A_428, %sub3A_428 : vector<16xf32>
        %add3A_430 = arith.addf %broadcast_in_dim3A_394, %mul3A_429 : vector<16xf32>
        %mul3A_431 = arith.mulf %gather3A_427, %gather3A_427 : vector<16xf32>
        %add3A_432 = arith.addf %broadcast_in_dim3A_402, %mul3A_431 : vector<16xf32>
        %add3A_433 = arith.constant 1 : i32
        %add3A_434 = vector.broadcast %add3A_433 : i32 to vector<16xi32>
        %add3A_435 = arith.addi %iota3A, %add3A_434 : vector<16xi32>
        %and3A_436 = arith.constant 31 : i32
        %and3A_437 = vector.broadcast %and3A_436 : i32 to vector<16xi32>
        %and3A_438 = arith.andi %add3A_435, %and3A_437 : vector<16xi32>
        %gather3A_439 = tpu.vector_load_idx %arg7[%add3A_348, %and3A_438] : memref<800x32xf32, #tpu.memory_space<vmem>>[vector<16xi32>, vector<16xi32>], vector<16xf32>,
        %gather3A_440 = tpu.vector_load_idx %arg7[%add3A_365, %and3A_438] : memref<800x32xf32, #tpu.memory_space<vmem>>[vector<16xi32>, vector<16xi32>], vector<16xf32>,
        %sub3A_441 = arith.subf %gather3A_439, %gather3A_440 : vector<16xf32>
        %mul3A_442 = arith.mulf %sub3A_441, %sub3A_441 : vector<16xf32>
        %add3A_443 = arith.addf %add3A_412, %mul3A_442 : vector<16xf32>
        %mul3A_444 = arith.mulf %gather3A_440, %gather3A_440 : vector<16xf32>
        %add3A_445 = arith.addf %add3A_414, %mul3A_444 : vector<16xf32>
        %gather3A_446 = tpu.vector_load_idx %arg7[%add3A_372, %and3A_438] : memref<800x32xf32, #tpu.memory_space<vmem>>[vector<16xi32>, vector<16xi32>], vector<16xf32>,
        %sub3A_447 = arith.subf %gather3A_439, %gather3A_446 : vector<16xf32>
        %mul3A_448 = arith.mulf %sub3A_447, %sub3A_447 : vector<16xf32>
        %add3A_449 = arith.addf %add3A_418, %mul3A_448 : vector<16xf32>
        %mul3A_450 = arith.mulf %gather3A_446, %gather3A_446 : vector<16xf32>
        %add3A_451 = arith.addf %add3A_420, %mul3A_450 : vector<16xf32>
        %gather3A_452 = tpu.vector_load_idx %arg7[%add3A_379, %and3A_438] : memref<800x32xf32, #tpu.memory_space<vmem>>[vector<16xi32>, vector<16xi32>], vector<16xf32>,
        %sub3A_453 = arith.subf %gather3A_439, %gather3A_452 : vector<16xf32>
        %mul3A_454 = arith.mulf %sub3A_453, %sub3A_453 : vector<16xf32>
        %add3A_455 = arith.addf %add3A_424, %mul3A_454 : vector<16xf32>
        %mul3A_456 = arith.mulf %gather3A_452, %gather3A_452 : vector<16xf32>
        %add3A_457 = arith.addf %add3A_426, %mul3A_456 : vector<16xf32>
        %gather3A_458 = tpu.vector_load_idx %arg7[%add3A_386, %and3A_438] : memref<800x32xf32, #tpu.memory_space<vmem>>[vector<16xi32>, vector<16xi32>], vector<16xf32>,
        %sub3A_459 = arith.subf %gather3A_439, %gather3A_458 : vector<16xf32>
        %mul3A_460 = arith.mulf %sub3A_459, %sub3A_459 : vector<16xf32>
        %add3A_461 = arith.addf %add3A_430, %mul3A_460 : vector<16xf32>
        %mul3A_462 = arith.mulf %gather3A_458, %gather3A_458 : vector<16xf32>
        %add3A_463 = arith.addf %add3A_432, %mul3A_462 : vector<16xf32>
        %add3A_464 = arith.constant 2 : i32
        %add3A_465 = vector.broadcast %add3A_464 : i32 to vector<16xi32>
        %add3A_466 = arith.addi %iota3A, %add3A_465 : vector<16xi32>
        %and3A_467 = arith.constant 31 : i32
        %and3A_468 = vector.broadcast %and3A_467 : i32 to vector<16xi32>
        %and3A_469 = arith.andi %add3A_466, %and3A_468 : vector<16xi32>
        %gather3A_470 = tpu.vector_load_idx %arg7[%add3A_348, %and3A_469] : memref<800x32xf32, #tpu.memory_space<vmem>>[vector<16xi32>, vector<16xi32>], vector<16xf32>,
        %gather3A_471 = tpu.vector_load_idx %arg7[%add3A_365, %and3A_469] : memref<800x32xf32, #tpu.memory_space<vmem>>[vector<16xi32>, vector<16xi32>], vector<16xf32>,
        %sub3A_472 = arith.subf %gather3A_470, %gather3A_471 : vector<16xf32>
        %mul3A_473 = arith.mulf %sub3A_472, %sub3A_472 : vector<16xf32>
        %add3A_474 = arith.addf %add3A_443, %mul3A_473 : vector<16xf32>
        %mul3A_475 = arith.mulf %gather3A_471, %gather3A_471 : vector<16xf32>
        %add3A_476 = arith.addf %add3A_445, %mul3A_475 : vector<16xf32>
        %gather3A_477 = tpu.vector_load_idx %arg7[%add3A_372, %and3A_469] : memref<800x32xf32, #tpu.memory_space<vmem>>[vector<16xi32>, vector<16xi32>], vector<16xf32>,
        %sub3A_478 = arith.subf %gather3A_470, %gather3A_477 : vector<16xf32>
        %mul3A_479 = arith.mulf %sub3A_478, %sub3A_478 : vector<16xf32>
        %add3A_480 = arith.addf %add3A_449, %mul3A_479 : vector<16xf32>
        %mul3A_481 = arith.mulf %gather3A_477, %gather3A_477 : vector<16xf32>
        %add3A_482 = arith.addf %add3A_451, %mul3A_481 : vector<16xf32>
        %gather3A_483 = tpu.vector_load_idx %arg7[%add3A_379, %and3A_469] : memref<800x32xf32, #tpu.memory_space<vmem>>[vector<16xi32>, vector<16xi32>], vector<16xf32>,
        %sub3A_484 = arith.subf %gather3A_470, %gather3A_483 : vector<16xf32>
        %mul3A_485 = arith.mulf %sub3A_484, %sub3A_484 : vector<16xf32>
        %add3A_486 = arith.addf %add3A_455, %mul3A_485 : vector<16xf32>
        %mul3A_487 = arith.mulf %gather3A_483, %gather3A_483 : vector<16xf32>
        %add3A_488 = arith.addf %add3A_457, %mul3A_487 : vector<16xf32>
        %gather3A_489 = tpu.vector_load_idx %arg7[%add3A_386, %and3A_469] : memref<800x32xf32, #tpu.memory_space<vmem>>[vector<16xi32>, vector<16xi32>], vector<16xf32>,
        %sub3A_490 = arith.subf %gather3A_470, %gather3A_489 : vector<16xf32>
        %mul3A_491 = arith.mulf %sub3A_490, %sub3A_490 : vector<16xf32>
        %add3A_492 = arith.addf %add3A_461, %mul3A_491 : vector<16xf32>
        %mul3A_493 = arith.mulf %gather3A_489, %gather3A_489 : vector<16xf32>
        %add3A_494 = arith.addf %add3A_463, %mul3A_493 : vector<16xf32>
        %add3A_495 = arith.constant 3 : i32
        %add3A_496 = vector.broadcast %add3A_495 : i32 to vector<16xi32>
        %add3A_497 = arith.addi %iota3A, %add3A_496 : vector<16xi32>
        %and3A_498 = arith.constant 31 : i32
        %and3A_499 = vector.broadcast %and3A_498 : i32 to vector<16xi32>
        %and3A_500 = arith.andi %add3A_497, %and3A_499 : vector<16xi32>
        %gather3A_501 = tpu.vector_load_idx %arg7[%add3A_348, %and3A_500] : memref<800x32xf32, #tpu.memory_space<vmem>>[vector<16xi32>, vector<16xi32>], vector<16xf32>,
        %gather3A_502 = tpu.vector_load_idx %arg7[%add3A_365, %and3A_500] : memref<800x32xf32, #tpu.memory_space<vmem>>[vector<16xi32>, vector<16xi32>], vector<16xf32>,
        %sub3A_503 = arith.subf %gather3A_501, %gather3A_502 : vector<16xf32>
        %mul3A_504 = arith.mulf %sub3A_503, %sub3A_503 : vector<16xf32>
        %add3A_505 = arith.addf %add3A_474, %mul3A_504 : vector<16xf32>
        %mul3A_506 = arith.mulf %gather3A_502, %gather3A_502 : vector<16xf32>
        %add3A_507 = arith.addf %add3A_476, %mul3A_506 : vector<16xf32>
        %gather3A_508 = tpu.vector_load_idx %arg7[%add3A_372, %and3A_500] : memref<800x32xf32, #tpu.memory_space<vmem>>[vector<16xi32>, vector<16xi32>], vector<16xf32>,
        %sub3A_509 = arith.subf %gather3A_501, %gather3A_508 : vector<16xf32>
        %mul3A_510 = arith.mulf %sub3A_509, %sub3A_509 : vector<16xf32>
        %add3A_511 = arith.addf %add3A_480, %mul3A_510 : vector<16xf32>
        %mul3A_512 = arith.mulf %gather3A_508, %gather3A_508 : vector<16xf32>
        %add3A_513 = arith.addf %add3A_482, %mul3A_512 : vector<16xf32>
        %gather3A_514 = tpu.vector_load_idx %arg7[%add3A_379, %and3A_500] : memref<800x32xf32, #tpu.memory_space<vmem>>[vector<16xi32>, vector<16xi32>], vector<16xf32>,
        %sub3A_515 = arith.subf %gather3A_501, %gather3A_514 : vector<16xf32>
        %mul3A_516 = arith.mulf %sub3A_515, %sub3A_515 : vector<16xf32>
        %add3A_517 = arith.addf %add3A_486, %mul3A_516 : vector<16xf32>
        %mul3A_518 = arith.mulf %gather3A_514, %gather3A_514 : vector<16xf32>
        %add3A_519 = arith.addf %add3A_488, %mul3A_518 : vector<16xf32>
        %gather3A_520 = tpu.vector_load_idx %arg7[%add3A_386, %and3A_500] : memref<800x32xf32, #tpu.memory_space<vmem>>[vector<16xi32>, vector<16xi32>], vector<16xf32>,
        %sub3A_521 = arith.subf %gather3A_501, %gather3A_520 : vector<16xf32>
        %mul3A_522 = arith.mulf %sub3A_521, %sub3A_521 : vector<16xf32>
        %add3A_523 = arith.addf %add3A_492, %mul3A_522 : vector<16xf32>
        %mul3A_524 = arith.mulf %gather3A_520, %gather3A_520 : vector<16xf32>
        %add3A_525 = arith.addf %add3A_494, %mul3A_524 : vector<16xf32>
        %add3A_526 = arith.constant 4 : i32
        %add3A_527 = vector.broadcast %add3A_526 : i32 to vector<16xi32>
        %add3A_528 = arith.addi %iota3A, %add3A_527 : vector<16xi32>
        %and3A_529 = arith.constant 31 : i32
        %and3A_530 = vector.broadcast %and3A_529 : i32 to vector<16xi32>
        %and3A_531 = arith.andi %add3A_528, %and3A_530 : vector<16xi32>
        %gather3A_532 = tpu.vector_load_idx %arg7[%add3A_348, %and3A_531] : memref<800x32xf32, #tpu.memory_space<vmem>>[vector<16xi32>, vector<16xi32>], vector<16xf32>,
        %gather3A_533 = tpu.vector_load_idx %arg7[%add3A_365, %and3A_531] : memref<800x32xf32, #tpu.memory_space<vmem>>[vector<16xi32>, vector<16xi32>], vector<16xf32>,
        %sub3A_534 = arith.subf %gather3A_532, %gather3A_533 : vector<16xf32>
        %mul3A_535 = arith.mulf %sub3A_534, %sub3A_534 : vector<16xf32>
        %add3A_536 = arith.addf %add3A_505, %mul3A_535 : vector<16xf32>
        %mul3A_537 = arith.mulf %gather3A_533, %gather3A_533 : vector<16xf32>
        %add3A_538 = arith.addf %add3A_507, %mul3A_537 : vector<16xf32>
        %gather3A_539 = tpu.vector_load_idx %arg7[%add3A_372, %and3A_531] : memref<800x32xf32, #tpu.memory_space<vmem>>[vector<16xi32>, vector<16xi32>], vector<16xf32>,
        %sub3A_540 = arith.subf %gather3A_532, %gather3A_539 : vector<16xf32>
        %mul3A_541 = arith.mulf %sub3A_540, %sub3A_540 : vector<16xf32>
        %add3A_542 = arith.addf %add3A_511, %mul3A_541 : vector<16xf32>
        %mul3A_543 = arith.mulf %gather3A_539, %gather3A_539 : vector<16xf32>
        %add3A_544 = arith.addf %add3A_513, %mul3A_543 : vector<16xf32>
        %gather3A_545 = tpu.vector_load_idx %arg7[%add3A_379, %and3A_531] : memref<800x32xf32, #tpu.memory_space<vmem>>[vector<16xi32>, vector<16xi32>], vector<16xf32>,
        %sub3A_546 = arith.subf %gather3A_532, %gather3A_545 : vector<16xf32>
        %mul3A_547 = arith.mulf %sub3A_546, %sub3A_546 : vector<16xf32>
        %add3A_548 = arith.addf %add3A_517, %mul3A_547 : vector<16xf32>
        %mul3A_549 = arith.mulf %gather3A_545, %gather3A_545 : vector<16xf32>
        %add3A_550 = arith.addf %add3A_519, %mul3A_549 : vector<16xf32>
        %gather3A_551 = tpu.vector_load_idx %arg7[%add3A_386, %and3A_531] : memref<800x32xf32, #tpu.memory_space<vmem>>[vector<16xi32>, vector<16xi32>], vector<16xf32>,
        %sub3A_552 = arith.subf %gather3A_532, %gather3A_551 : vector<16xf32>
        %mul3A_553 = arith.mulf %sub3A_552, %sub3A_552 : vector<16xf32>
        %add3A_554 = arith.addf %add3A_523, %mul3A_553 : vector<16xf32>
        %mul3A_555 = arith.mulf %gather3A_551, %gather3A_551 : vector<16xf32>
        %add3A_556 = arith.addf %add3A_525, %mul3A_555 : vector<16xf32>
        %add3A_557 = arith.constant 5 : i32
        %add3A_558 = vector.broadcast %add3A_557 : i32 to vector<16xi32>
        %add3A_559 = arith.addi %iota3A, %add3A_558 : vector<16xi32>
        %and3A_560 = arith.constant 31 : i32
        %and3A_561 = vector.broadcast %and3A_560 : i32 to vector<16xi32>
        %and3A_562 = arith.andi %add3A_559, %and3A_561 : vector<16xi32>
        %gather3A_563 = tpu.vector_load_idx %arg7[%add3A_348, %and3A_562] : memref<800x32xf32, #tpu.memory_space<vmem>>[vector<16xi32>, vector<16xi32>], vector<16xf32>,
        %gather3A_564 = tpu.vector_load_idx %arg7[%add3A_365, %and3A_562] : memref<800x32xf32, #tpu.memory_space<vmem>>[vector<16xi32>, vector<16xi32>], vector<16xf32>,
        %sub3A_565 = arith.subf %gather3A_563, %gather3A_564 : vector<16xf32>
        %mul3A_566 = arith.mulf %sub3A_565, %sub3A_565 : vector<16xf32>
        %add3A_567 = arith.addf %add3A_536, %mul3A_566 : vector<16xf32>
        %mul3A_568 = arith.mulf %gather3A_564, %gather3A_564 : vector<16xf32>
        %add3A_569 = arith.addf %add3A_538, %mul3A_568 : vector<16xf32>
        %gather3A_570 = tpu.vector_load_idx %arg7[%add3A_372, %and3A_562] : memref<800x32xf32, #tpu.memory_space<vmem>>[vector<16xi32>, vector<16xi32>], vector<16xf32>,
        %sub3A_571 = arith.subf %gather3A_563, %gather3A_570 : vector<16xf32>
        %mul3A_572 = arith.mulf %sub3A_571, %sub3A_571 : vector<16xf32>
        %add3A_573 = arith.addf %add3A_542, %mul3A_572 : vector<16xf32>
        %mul3A_574 = arith.mulf %gather3A_570, %gather3A_570 : vector<16xf32>
        %add3A_575 = arith.addf %add3A_544, %mul3A_574 : vector<16xf32>
        %gather3A_576 = tpu.vector_load_idx %arg7[%add3A_379, %and3A_562] : memref<800x32xf32, #tpu.memory_space<vmem>>[vector<16xi32>, vector<16xi32>], vector<16xf32>,
        %sub3A_577 = arith.subf %gather3A_563, %gather3A_576 : vector<16xf32>
        %mul3A_578 = arith.mulf %sub3A_577, %sub3A_577 : vector<16xf32>
        %add3A_579 = arith.addf %add3A_548, %mul3A_578 : vector<16xf32>
        %mul3A_580 = arith.mulf %gather3A_576, %gather3A_576 : vector<16xf32>
        %add3A_581 = arith.addf %add3A_550, %mul3A_580 : vector<16xf32>
        %gather3A_582 = tpu.vector_load_idx %arg7[%add3A_386, %and3A_562] : memref<800x32xf32, #tpu.memory_space<vmem>>[vector<16xi32>, vector<16xi32>], vector<16xf32>,
        %sub3A_583 = arith.subf %gather3A_563, %gather3A_582 : vector<16xf32>
        %mul3A_584 = arith.mulf %sub3A_583, %sub3A_583 : vector<16xf32>
        %add3A_585 = arith.addf %add3A_554, %mul3A_584 : vector<16xf32>
        %mul3A_586 = arith.mulf %gather3A_582, %gather3A_582 : vector<16xf32>
        %add3A_587 = arith.addf %add3A_556, %mul3A_586 : vector<16xf32>
        %add3A_588 = arith.constant 6 : i32
        %add3A_589 = vector.broadcast %add3A_588 : i32 to vector<16xi32>
        %add3A_590 = arith.addi %iota3A, %add3A_589 : vector<16xi32>
        %and3A_591 = arith.constant 31 : i32
        %and3A_592 = vector.broadcast %and3A_591 : i32 to vector<16xi32>
        %and3A_593 = arith.andi %add3A_590, %and3A_592 : vector<16xi32>
        %gather3A_594 = tpu.vector_load_idx %arg7[%add3A_348, %and3A_593] : memref<800x32xf32, #tpu.memory_space<vmem>>[vector<16xi32>, vector<16xi32>], vector<16xf32>,
        %gather3A_595 = tpu.vector_load_idx %arg7[%add3A_365, %and3A_593] : memref<800x32xf32, #tpu.memory_space<vmem>>[vector<16xi32>, vector<16xi32>], vector<16xf32>,
        %sub3A_596 = arith.subf %gather3A_594, %gather3A_595 : vector<16xf32>
        %mul3A_597 = arith.mulf %sub3A_596, %sub3A_596 : vector<16xf32>
        %add3A_598 = arith.addf %add3A_567, %mul3A_597 : vector<16xf32>
        %mul3A_599 = arith.mulf %gather3A_595, %gather3A_595 : vector<16xf32>
        %add3A_600 = arith.addf %add3A_569, %mul3A_599 : vector<16xf32>
        %gather3A_601 = tpu.vector_load_idx %arg7[%add3A_372, %and3A_593] : memref<800x32xf32, #tpu.memory_space<vmem>>[vector<16xi32>, vector<16xi32>], vector<16xf32>,
        %sub3A_602 = arith.subf %gather3A_594, %gather3A_601 : vector<16xf32>
        %mul3A_603 = arith.mulf %sub3A_602, %sub3A_602 : vector<16xf32>
        %add3A_604 = arith.addf %add3A_573, %mul3A_603 : vector<16xf32>
        %mul3A_605 = arith.mulf %gather3A_601, %gather3A_601 : vector<16xf32>
        %add3A_606 = arith.addf %add3A_575, %mul3A_605 : vector<16xf32>
        %gather3A_607 = tpu.vector_load_idx %arg7[%add3A_379, %and3A_593] : memref<800x32xf32, #tpu.memory_space<vmem>>[vector<16xi32>, vector<16xi32>], vector<16xf32>,
        %sub3A_608 = arith.subf %gather3A_594, %gather3A_607 : vector<16xf32>
        %mul3A_609 = arith.mulf %sub3A_608, %sub3A_608 : vector<16xf32>
        %add3A_610 = arith.addf %add3A_579, %mul3A_609 : vector<16xf32>
        %mul3A_611 = arith.mulf %gather3A_607, %gather3A_607 : vector<16xf32>
        %add3A_612 = arith.addf %add3A_581, %mul3A_611 : vector<16xf32>
        %gather3A_613 = tpu.vector_load_idx %arg7[%add3A_386, %and3A_593] : memref<800x32xf32, #tpu.memory_space<vmem>>[vector<16xi32>, vector<16xi32>], vector<16xf32>,
        %sub3A_614 = arith.subf %gather3A_594, %gather3A_613 : vector<16xf32>
        %mul3A_615 = arith.mulf %sub3A_614, %sub3A_614 : vector<16xf32>
        %add3A_616 = arith.addf %add3A_585, %mul3A_615 : vector<16xf32>
        %mul3A_617 = arith.mulf %gather3A_613, %gather3A_613 : vector<16xf32>
        %add3A_618 = arith.addf %add3A_587, %mul3A_617 : vector<16xf32>
        %add3A_619 = arith.constant 7 : i32
        %add3A_620 = vector.broadcast %add3A_619 : i32 to vector<16xi32>
        %add3A_621 = arith.addi %iota3A, %add3A_620 : vector<16xi32>
        %and3A_622 = arith.constant 31 : i32
        %and3A_623 = vector.broadcast %and3A_622 : i32 to vector<16xi32>
        %and3A_624 = arith.andi %add3A_621, %and3A_623 : vector<16xi32>
        %gather3A_625 = tpu.vector_load_idx %arg7[%add3A_348, %and3A_624] : memref<800x32xf32, #tpu.memory_space<vmem>>[vector<16xi32>, vector<16xi32>], vector<16xf32>,
        %gather3A_626 = tpu.vector_load_idx %arg7[%add3A_365, %and3A_624] : memref<800x32xf32, #tpu.memory_space<vmem>>[vector<16xi32>, vector<16xi32>], vector<16xf32>,
        %sub3A_627 = arith.subf %gather3A_625, %gather3A_626 : vector<16xf32>
        %mul3A_628 = arith.mulf %sub3A_627, %sub3A_627 : vector<16xf32>
        %add3A_629 = arith.addf %add3A_598, %mul3A_628 : vector<16xf32>
        %mul3A_630 = arith.mulf %gather3A_626, %gather3A_626 : vector<16xf32>
        %add3A_631 = arith.addf %add3A_600, %mul3A_630 : vector<16xf32>
        %gather3A_632 = tpu.vector_load_idx %arg7[%add3A_372, %and3A_624] : memref<800x32xf32, #tpu.memory_space<vmem>>[vector<16xi32>, vector<16xi32>], vector<16xf32>,
        %sub3A_633 = arith.subf %gather3A_625, %gather3A_632 : vector<16xf32>
        %mul3A_634 = arith.mulf %sub3A_633, %sub3A_633 : vector<16xf32>
        %add3A_635 = arith.addf %add3A_604, %mul3A_634 : vector<16xf32>
        %mul3A_636 = arith.mulf %gather3A_632, %gather3A_632 : vector<16xf32>
        %add3A_637 = arith.addf %add3A_606, %mul3A_636 : vector<16xf32>
        %gather3A_638 = tpu.vector_load_idx %arg7[%add3A_379, %and3A_624] : memref<800x32xf32, #tpu.memory_space<vmem>>[vector<16xi32>, vector<16xi32>], vector<16xf32>,
        %sub3A_639 = arith.subf %gather3A_625, %gather3A_638 : vector<16xf32>
        %mul3A_640 = arith.mulf %sub3A_639, %sub3A_639 : vector<16xf32>
        %add3A_641 = arith.addf %add3A_610, %mul3A_640 : vector<16xf32>
        %mul3A_642 = arith.mulf %gather3A_638, %gather3A_638 : vector<16xf32>
        %add3A_643 = arith.addf %add3A_612, %mul3A_642 : vector<16xf32>
        %gather3A_644 = tpu.vector_load_idx %arg7[%add3A_386, %and3A_624] : memref<800x32xf32, #tpu.memory_space<vmem>>[vector<16xi32>, vector<16xi32>], vector<16xf32>,
        %sub3A_645 = arith.subf %gather3A_625, %gather3A_644 : vector<16xf32>
        %mul3A_646 = arith.mulf %sub3A_645, %sub3A_645 : vector<16xf32>
        %add3A_647 = arith.addf %add3A_616, %mul3A_646 : vector<16xf32>
        %mul3A_648 = arith.mulf %gather3A_644, %gather3A_644 : vector<16xf32>
        %add3A_649 = arith.addf %add3A_618, %mul3A_648 : vector<16xf32>
        %add3A_650 = arith.constant 8 : i32
        %add3A_651 = vector.broadcast %add3A_650 : i32 to vector<16xi32>
        %add3A_652 = arith.addi %iota3A, %add3A_651 : vector<16xi32>
        %and3A_653 = arith.constant 31 : i32
        %and3A_654 = vector.broadcast %and3A_653 : i32 to vector<16xi32>
        %and3A_655 = arith.andi %add3A_652, %and3A_654 : vector<16xi32>
        %gather3A_656 = tpu.vector_load_idx %arg7[%add3A_348, %and3A_655] : memref<800x32xf32, #tpu.memory_space<vmem>>[vector<16xi32>, vector<16xi32>], vector<16xf32>,
        %gather3A_657 = tpu.vector_load_idx %arg7[%add3A_365, %and3A_655] : memref<800x32xf32, #tpu.memory_space<vmem>>[vector<16xi32>, vector<16xi32>], vector<16xf32>,
        %sub3A_658 = arith.subf %gather3A_656, %gather3A_657 : vector<16xf32>
        %mul3A_659 = arith.mulf %sub3A_658, %sub3A_658 : vector<16xf32>
        %add3A_660 = arith.addf %add3A_629, %mul3A_659 : vector<16xf32>
        %mul3A_661 = arith.mulf %gather3A_657, %gather3A_657 : vector<16xf32>
        %add3A_662 = arith.addf %add3A_631, %mul3A_661 : vector<16xf32>
        %gather3A_663 = tpu.vector_load_idx %arg7[%add3A_372, %and3A_655] : memref<800x32xf32, #tpu.memory_space<vmem>>[vector<16xi32>, vector<16xi32>], vector<16xf32>,
        %sub3A_664 = arith.subf %gather3A_656, %gather3A_663 : vector<16xf32>
        %mul3A_665 = arith.mulf %sub3A_664, %sub3A_664 : vector<16xf32>
        %add3A_666 = arith.addf %add3A_635, %mul3A_665 : vector<16xf32>
        %mul3A_667 = arith.mulf %gather3A_663, %gather3A_663 : vector<16xf32>
        %add3A_668 = arith.addf %add3A_637, %mul3A_667 : vector<16xf32>
        %gather3A_669 = tpu.vector_load_idx %arg7[%add3A_379, %and3A_655] : memref<800x32xf32, #tpu.memory_space<vmem>>[vector<16xi32>, vector<16xi32>], vector<16xf32>,
        %sub3A_670 = arith.subf %gather3A_656, %gather3A_669 : vector<16xf32>
        %mul3A_671 = arith.mulf %sub3A_670, %sub3A_670 : vector<16xf32>
        %add3A_672 = arith.addf %add3A_641, %mul3A_671 : vector<16xf32>
        %mul3A_673 = arith.mulf %gather3A_669, %gather3A_669 : vector<16xf32>
        %add3A_674 = arith.addf %add3A_643, %mul3A_673 : vector<16xf32>
        %gather3A_675 = tpu.vector_load_idx %arg7[%add3A_386, %and3A_655] : memref<800x32xf32, #tpu.memory_space<vmem>>[vector<16xi32>, vector<16xi32>], vector<16xf32>,
        %sub3A_676 = arith.subf %gather3A_656, %gather3A_675 : vector<16xf32>
        %mul3A_677 = arith.mulf %sub3A_676, %sub3A_676 : vector<16xf32>
        %add3A_678 = arith.addf %add3A_647, %mul3A_677 : vector<16xf32>
        %mul3A_679 = arith.mulf %gather3A_675, %gather3A_675 : vector<16xf32>
        %add3A_680 = arith.addf %add3A_649, %mul3A_679 : vector<16xf32>
        %add3A_681 = arith.constant 9 : i32
        %add3A_682 = vector.broadcast %add3A_681 : i32 to vector<16xi32>
        %add3A_683 = arith.addi %iota3A, %add3A_682 : vector<16xi32>
        %and3A_684 = arith.constant 31 : i32
        %and3A_685 = vector.broadcast %and3A_684 : i32 to vector<16xi32>
        %and3A_686 = arith.andi %add3A_683, %and3A_685 : vector<16xi32>
        %gather3A_687 = tpu.vector_load_idx %arg7[%add3A_348, %and3A_686] : memref<800x32xf32, #tpu.memory_space<vmem>>[vector<16xi32>, vector<16xi32>], vector<16xf32>,
        %gather3A_688 = tpu.vector_load_idx %arg7[%add3A_365, %and3A_686] : memref<800x32xf32, #tpu.memory_space<vmem>>[vector<16xi32>, vector<16xi32>], vector<16xf32>,
        %sub3A_689 = arith.subf %gather3A_687, %gather3A_688 : vector<16xf32>
        %mul3A_690 = arith.mulf %sub3A_689, %sub3A_689 : vector<16xf32>
        %add3A_691 = arith.addf %add3A_660, %mul3A_690 : vector<16xf32>
        %mul3A_692 = arith.mulf %gather3A_688, %gather3A_688 : vector<16xf32>
        %add3A_693 = arith.addf %add3A_662, %mul3A_692 : vector<16xf32>
        %gather3A_694 = tpu.vector_load_idx %arg7[%add3A_372, %and3A_686] : memref<800x32xf32, #tpu.memory_space<vmem>>[vector<16xi32>, vector<16xi32>], vector<16xf32>,
        %sub3A_695 = arith.subf %gather3A_687, %gather3A_694 : vector<16xf32>
        %mul3A_696 = arith.mulf %sub3A_695, %sub3A_695 : vector<16xf32>
        %add3A_697 = arith.addf %add3A_666, %mul3A_696 : vector<16xf32>
        %mul3A_698 = arith.mulf %gather3A_694, %gather3A_694 : vector<16xf32>
        %add3A_699 = arith.addf %add3A_668, %mul3A_698 : vector<16xf32>
        %gather3A_700 = tpu.vector_load_idx %arg7[%add3A_379, %and3A_686] : memref<800x32xf32, #tpu.memory_space<vmem>>[vector<16xi32>, vector<16xi32>], vector<16xf32>,
        %sub3A_701 = arith.subf %gather3A_687, %gather3A_700 : vector<16xf32>
        %mul3A_702 = arith.mulf %sub3A_701, %sub3A_701 : vector<16xf32>
        %add3A_703 = arith.addf %add3A_672, %mul3A_702 : vector<16xf32>
        %mul3A_704 = arith.mulf %gather3A_700, %gather3A_700 : vector<16xf32>
        %add3A_705 = arith.addf %add3A_674, %mul3A_704 : vector<16xf32>
        %gather3A_706 = tpu.vector_load_idx %arg7[%add3A_386, %and3A_686] : memref<800x32xf32, #tpu.memory_space<vmem>>[vector<16xi32>, vector<16xi32>], vector<16xf32>,
        %sub3A_707 = arith.subf %gather3A_687, %gather3A_706 : vector<16xf32>
        %mul3A_708 = arith.mulf %sub3A_707, %sub3A_707 : vector<16xf32>
        %add3A_709 = arith.addf %add3A_678, %mul3A_708 : vector<16xf32>
        %mul3A_710 = arith.mulf %gather3A_706, %gather3A_706 : vector<16xf32>
        %add3A_711 = arith.addf %add3A_680, %mul3A_710 : vector<16xf32>
        %add3A_712 = arith.constant 10 : i32
        %add3A_713 = vector.broadcast %add3A_712 : i32 to vector<16xi32>
        %add3A_714 = arith.addi %iota3A, %add3A_713 : vector<16xi32>
        %and3A_715 = arith.constant 31 : i32
        %and3A_716 = vector.broadcast %and3A_715 : i32 to vector<16xi32>
        %and3A_717 = arith.andi %add3A_714, %and3A_716 : vector<16xi32>
        %gather3A_718 = tpu.vector_load_idx %arg7[%add3A_348, %and3A_717] : memref<800x32xf32, #tpu.memory_space<vmem>>[vector<16xi32>, vector<16xi32>], vector<16xf32>,
        %gather3A_719 = tpu.vector_load_idx %arg7[%add3A_365, %and3A_717] : memref<800x32xf32, #tpu.memory_space<vmem>>[vector<16xi32>, vector<16xi32>], vector<16xf32>,
        %sub3A_720 = arith.subf %gather3A_718, %gather3A_719 : vector<16xf32>
        %mul3A_721 = arith.mulf %sub3A_720, %sub3A_720 : vector<16xf32>
        %add3A_722 = arith.addf %add3A_691, %mul3A_721 : vector<16xf32>
        %mul3A_723 = arith.mulf %gather3A_719, %gather3A_719 : vector<16xf32>
        %add3A_724 = arith.addf %add3A_693, %mul3A_723 : vector<16xf32>
        %gather3A_725 = tpu.vector_load_idx %arg7[%add3A_372, %and3A_717] : memref<800x32xf32, #tpu.memory_space<vmem>>[vector<16xi32>, vector<16xi32>], vector<16xf32>,
        %sub3A_726 = arith.subf %gather3A_718, %gather3A_725 : vector<16xf32>
        %mul3A_727 = arith.mulf %sub3A_726, %sub3A_726 : vector<16xf32>
        %add3A_728 = arith.addf %add3A_697, %mul3A_727 : vector<16xf32>
        %mul3A_729 = arith.mulf %gather3A_725, %gather3A_725 : vector<16xf32>
        %add3A_730 = arith.addf %add3A_699, %mul3A_729 : vector<16xf32>
        %gather3A_731 = tpu.vector_load_idx %arg7[%add3A_379, %and3A_717] : memref<800x32xf32, #tpu.memory_space<vmem>>[vector<16xi32>, vector<16xi32>], vector<16xf32>,
        %sub3A_732 = arith.subf %gather3A_718, %gather3A_731 : vector<16xf32>
        %mul3A_733 = arith.mulf %sub3A_732, %sub3A_732 : vector<16xf32>
        %add3A_734 = arith.addf %add3A_703, %mul3A_733 : vector<16xf32>
        %mul3A_735 = arith.mulf %gather3A_731, %gather3A_731 : vector<16xf32>
        %add3A_736 = arith.addf %add3A_705, %mul3A_735 : vector<16xf32>
        %gather3A_737 = tpu.vector_load_idx %arg7[%add3A_386, %and3A_717] : memref<800x32xf32, #tpu.memory_space<vmem>>[vector<16xi32>, vector<16xi32>], vector<16xf32>,
        %sub3A_738 = arith.subf %gather3A_718, %gather3A_737 : vector<16xf32>
        %mul3A_739 = arith.mulf %sub3A_738, %sub3A_738 : vector<16xf32>
        %add3A_740 = arith.addf %add3A_709, %mul3A_739 : vector<16xf32>
        %mul3A_741 = arith.mulf %gather3A_737, %gather3A_737 : vector<16xf32>
        %add3A_742 = arith.addf %add3A_711, %mul3A_741 : vector<16xf32>
        %add3A_743 = arith.constant 11 : i32
        %add3A_744 = vector.broadcast %add3A_743 : i32 to vector<16xi32>
        %add3A_745 = arith.addi %iota3A, %add3A_744 : vector<16xi32>
        %and3A_746 = arith.constant 31 : i32
        %and3A_747 = vector.broadcast %and3A_746 : i32 to vector<16xi32>
        %and3A_748 = arith.andi %add3A_745, %and3A_747 : vector<16xi32>
        %gather3A_749 = tpu.vector_load_idx %arg7[%add3A_348, %and3A_748] : memref<800x32xf32, #tpu.memory_space<vmem>>[vector<16xi32>, vector<16xi32>], vector<16xf32>,
        %gather3A_750 = tpu.vector_load_idx %arg7[%add3A_365, %and3A_748] : memref<800x32xf32, #tpu.memory_space<vmem>>[vector<16xi32>, vector<16xi32>], vector<16xf32>,
        %sub3A_751 = arith.subf %gather3A_749, %gather3A_750 : vector<16xf32>
        %mul3A_752 = arith.mulf %sub3A_751, %sub3A_751 : vector<16xf32>
        %add3A_753 = arith.addf %add3A_722, %mul3A_752 : vector<16xf32>
        %mul3A_754 = arith.mulf %gather3A_750, %gather3A_750 : vector<16xf32>
        %add3A_755 = arith.addf %add3A_724, %mul3A_754 : vector<16xf32>
        %gather3A_756 = tpu.vector_load_idx %arg7[%add3A_372, %and3A_748] : memref<800x32xf32, #tpu.memory_space<vmem>>[vector<16xi32>, vector<16xi32>], vector<16xf32>,
        %sub3A_757 = arith.subf %gather3A_749, %gather3A_756 : vector<16xf32>
        %mul3A_758 = arith.mulf %sub3A_757, %sub3A_757 : vector<16xf32>
        %add3A_759 = arith.addf %add3A_728, %mul3A_758 : vector<16xf32>
        %mul3A_760 = arith.mulf %gather3A_756, %gather3A_756 : vector<16xf32>
        %add3A_761 = arith.addf %add3A_730, %mul3A_760 : vector<16xf32>
        %gather3A_762 = tpu.vector_load_idx %arg7[%add3A_379, %and3A_748] : memref<800x32xf32, #tpu.memory_space<vmem>>[vector<16xi32>, vector<16xi32>], vector<16xf32>,
        %sub3A_763 = arith.subf %gather3A_749, %gather3A_762 : vector<16xf32>
        %mul3A_764 = arith.mulf %sub3A_763, %sub3A_763 : vector<16xf32>
        %add3A_765 = arith.addf %add3A_734, %mul3A_764 : vector<16xf32>
        %mul3A_766 = arith.mulf %gather3A_762, %gather3A_762 : vector<16xf32>
        %add3A_767 = arith.addf %add3A_736, %mul3A_766 : vector<16xf32>
        %gather3A_768 = tpu.vector_load_idx %arg7[%add3A_386, %and3A_748] : memref<800x32xf32, #tpu.memory_space<vmem>>[vector<16xi32>, vector<16xi32>], vector<16xf32>,
        %sub3A_769 = arith.subf %gather3A_749, %gather3A_768 : vector<16xf32>
        %mul3A_770 = arith.mulf %sub3A_769, %sub3A_769 : vector<16xf32>
        %add3A_771 = arith.addf %add3A_740, %mul3A_770 : vector<16xf32>
        %mul3A_772 = arith.mulf %gather3A_768, %gather3A_768 : vector<16xf32>
        %add3A_773 = arith.addf %add3A_742, %mul3A_772 : vector<16xf32>
        %add3A_774 = arith.constant 12 : i32
        %add3A_775 = vector.broadcast %add3A_774 : i32 to vector<16xi32>
        %add3A_776 = arith.addi %iota3A, %add3A_775 : vector<16xi32>
        %and3A_777 = arith.constant 31 : i32
        %and3A_778 = vector.broadcast %and3A_777 : i32 to vector<16xi32>
        %and3A_779 = arith.andi %add3A_776, %and3A_778 : vector<16xi32>
        %gather3A_780 = tpu.vector_load_idx %arg7[%add3A_348, %and3A_779] : memref<800x32xf32, #tpu.memory_space<vmem>>[vector<16xi32>, vector<16xi32>], vector<16xf32>,
        %gather3A_781 = tpu.vector_load_idx %arg7[%add3A_365, %and3A_779] : memref<800x32xf32, #tpu.memory_space<vmem>>[vector<16xi32>, vector<16xi32>], vector<16xf32>,
        %sub3A_782 = arith.subf %gather3A_780, %gather3A_781 : vector<16xf32>
        %mul3A_783 = arith.mulf %sub3A_782, %sub3A_782 : vector<16xf32>
        %add3A_784 = arith.addf %add3A_753, %mul3A_783 : vector<16xf32>
        %mul3A_785 = arith.mulf %gather3A_781, %gather3A_781 : vector<16xf32>
        %add3A_786 = arith.addf %add3A_755, %mul3A_785 : vector<16xf32>
        %gather3A_787 = tpu.vector_load_idx %arg7[%add3A_372, %and3A_779] : memref<800x32xf32, #tpu.memory_space<vmem>>[vector<16xi32>, vector<16xi32>], vector<16xf32>,
        %sub3A_788 = arith.subf %gather3A_780, %gather3A_787 : vector<16xf32>
        %mul3A_789 = arith.mulf %sub3A_788, %sub3A_788 : vector<16xf32>
        %add3A_790 = arith.addf %add3A_759, %mul3A_789 : vector<16xf32>
        %mul3A_791 = arith.mulf %gather3A_787, %gather3A_787 : vector<16xf32>
        %add3A_792 = arith.addf %add3A_761, %mul3A_791 : vector<16xf32>
        %gather3A_793 = tpu.vector_load_idx %arg7[%add3A_379, %and3A_779] : memref<800x32xf32, #tpu.memory_space<vmem>>[vector<16xi32>, vector<16xi32>], vector<16xf32>,
        %sub3A_794 = arith.subf %gather3A_780, %gather3A_793 : vector<16xf32>
        %mul3A_795 = arith.mulf %sub3A_794, %sub3A_794 : vector<16xf32>
        %add3A_796 = arith.addf %add3A_765, %mul3A_795 : vector<16xf32>
        %mul3A_797 = arith.mulf %gather3A_793, %gather3A_793 : vector<16xf32>
        %add3A_798 = arith.addf %add3A_767, %mul3A_797 : vector<16xf32>
        %gather3A_799 = tpu.vector_load_idx %arg7[%add3A_386, %and3A_779] : memref<800x32xf32, #tpu.memory_space<vmem>>[vector<16xi32>, vector<16xi32>], vector<16xf32>,
        %sub3A_800 = arith.subf %gather3A_780, %gather3A_799 : vector<16xf32>
        %mul3A_801 = arith.mulf %sub3A_800, %sub3A_800 : vector<16xf32>
        %add3A_802 = arith.addf %add3A_771, %mul3A_801 : vector<16xf32>
        %mul3A_803 = arith.mulf %gather3A_799, %gather3A_799 : vector<16xf32>
        %add3A_804 = arith.addf %add3A_773, %mul3A_803 : vector<16xf32>
        %add3A_805 = arith.constant 13 : i32
        %add3A_806 = vector.broadcast %add3A_805 : i32 to vector<16xi32>
        %add3A_807 = arith.addi %iota3A, %add3A_806 : vector<16xi32>
        %and3A_808 = arith.constant 31 : i32
        %and3A_809 = vector.broadcast %and3A_808 : i32 to vector<16xi32>
        %and3A_810 = arith.andi %add3A_807, %and3A_809 : vector<16xi32>
        %gather3A_811 = tpu.vector_load_idx %arg7[%add3A_348, %and3A_810] : memref<800x32xf32, #tpu.memory_space<vmem>>[vector<16xi32>, vector<16xi32>], vector<16xf32>,
        %gather3A_812 = tpu.vector_load_idx %arg7[%add3A_365, %and3A_810] : memref<800x32xf32, #tpu.memory_space<vmem>>[vector<16xi32>, vector<16xi32>], vector<16xf32>,
        %sub3A_813 = arith.subf %gather3A_811, %gather3A_812 : vector<16xf32>
        %mul3A_814 = arith.mulf %sub3A_813, %sub3A_813 : vector<16xf32>
        %add3A_815 = arith.addf %add3A_784, %mul3A_814 : vector<16xf32>
        %mul3A_816 = arith.mulf %gather3A_812, %gather3A_812 : vector<16xf32>
        %add3A_817 = arith.addf %add3A_786, %mul3A_816 : vector<16xf32>
        %gather3A_818 = tpu.vector_load_idx %arg7[%add3A_372, %and3A_810] : memref<800x32xf32, #tpu.memory_space<vmem>>[vector<16xi32>, vector<16xi32>], vector<16xf32>,
        %sub3A_819 = arith.subf %gather3A_811, %gather3A_818 : vector<16xf32>
        %mul3A_820 = arith.mulf %sub3A_819, %sub3A_819 : vector<16xf32>
        %add3A_821 = arith.addf %add3A_790, %mul3A_820 : vector<16xf32>
        %mul3A_822 = arith.mulf %gather3A_818, %gather3A_818 : vector<16xf32>
        %add3A_823 = arith.addf %add3A_792, %mul3A_822 : vector<16xf32>
        %gather3A_824 = tpu.vector_load_idx %arg7[%add3A_379, %and3A_810] : memref<800x32xf32, #tpu.memory_space<vmem>>[vector<16xi32>, vector<16xi32>], vector<16xf32>,
        %sub3A_825 = arith.subf %gather3A_811, %gather3A_824 : vector<16xf32>
        %mul3A_826 = arith.mulf %sub3A_825, %sub3A_825 : vector<16xf32>
        %add3A_827 = arith.addf %add3A_796, %mul3A_826 : vector<16xf32>
        %mul3A_828 = arith.mulf %gather3A_824, %gather3A_824 : vector<16xf32>
        %add3A_829 = arith.addf %add3A_798, %mul3A_828 : vector<16xf32>
        %gather3A_830 = tpu.vector_load_idx %arg7[%add3A_386, %and3A_810] : memref<800x32xf32, #tpu.memory_space<vmem>>[vector<16xi32>, vector<16xi32>], vector<16xf32>,
        %sub3A_831 = arith.subf %gather3A_811, %gather3A_830 : vector<16xf32>
        %mul3A_832 = arith.mulf %sub3A_831, %sub3A_831 : vector<16xf32>
        %add3A_833 = arith.addf %add3A_802, %mul3A_832 : vector<16xf32>
        %mul3A_834 = arith.mulf %gather3A_830, %gather3A_830 : vector<16xf32>
        %add3A_835 = arith.addf %add3A_804, %mul3A_834 : vector<16xf32>
        %add3A_836 = arith.constant 14 : i32
        %add3A_837 = vector.broadcast %add3A_836 : i32 to vector<16xi32>
        %add3A_838 = arith.addi %iota3A, %add3A_837 : vector<16xi32>
        %and3A_839 = arith.constant 31 : i32
        %and3A_840 = vector.broadcast %and3A_839 : i32 to vector<16xi32>
        %and3A_841 = arith.andi %add3A_838, %and3A_840 : vector<16xi32>
        %gather3A_842 = tpu.vector_load_idx %arg7[%add3A_348, %and3A_841] : memref<800x32xf32, #tpu.memory_space<vmem>>[vector<16xi32>, vector<16xi32>], vector<16xf32>,
        %gather3A_843 = tpu.vector_load_idx %arg7[%add3A_365, %and3A_841] : memref<800x32xf32, #tpu.memory_space<vmem>>[vector<16xi32>, vector<16xi32>], vector<16xf32>,
        %sub3A_844 = arith.subf %gather3A_842, %gather3A_843 : vector<16xf32>
        %mul3A_845 = arith.mulf %sub3A_844, %sub3A_844 : vector<16xf32>
        %add3A_846 = arith.addf %add3A_815, %mul3A_845 : vector<16xf32>
        %mul3A_847 = arith.mulf %gather3A_843, %gather3A_843 : vector<16xf32>
        %add3A_848 = arith.addf %add3A_817, %mul3A_847 : vector<16xf32>
        %gather3A_849 = tpu.vector_load_idx %arg7[%add3A_372, %and3A_841] : memref<800x32xf32, #tpu.memory_space<vmem>>[vector<16xi32>, vector<16xi32>], vector<16xf32>,
        %sub3A_850 = arith.subf %gather3A_842, %gather3A_849 : vector<16xf32>
        %mul3A_851 = arith.mulf %sub3A_850, %sub3A_850 : vector<16xf32>
        %add3A_852 = arith.addf %add3A_821, %mul3A_851 : vector<16xf32>
        %mul3A_853 = arith.mulf %gather3A_849, %gather3A_849 : vector<16xf32>
        %add3A_854 = arith.addf %add3A_823, %mul3A_853 : vector<16xf32>
        %gather3A_855 = tpu.vector_load_idx %arg7[%add3A_379, %and3A_841] : memref<800x32xf32, #tpu.memory_space<vmem>>[vector<16xi32>, vector<16xi32>], vector<16xf32>,
        %sub3A_856 = arith.subf %gather3A_842, %gather3A_855 : vector<16xf32>
        %mul3A_857 = arith.mulf %sub3A_856, %sub3A_856 : vector<16xf32>
        %add3A_858 = arith.addf %add3A_827, %mul3A_857 : vector<16xf32>
        %mul3A_859 = arith.mulf %gather3A_855, %gather3A_855 : vector<16xf32>
        %add3A_860 = arith.addf %add3A_829, %mul3A_859 : vector<16xf32>
        %gather3A_861 = tpu.vector_load_idx %arg7[%add3A_386, %and3A_841] : memref<800x32xf32, #tpu.memory_space<vmem>>[vector<16xi32>, vector<16xi32>], vector<16xf32>,
        %sub3A_862 = arith.subf %gather3A_842, %gather3A_861 : vector<16xf32>
        %mul3A_863 = arith.mulf %sub3A_862, %sub3A_862 : vector<16xf32>
        %add3A_864 = arith.addf %add3A_833, %mul3A_863 : vector<16xf32>
        %mul3A_865 = arith.mulf %gather3A_861, %gather3A_861 : vector<16xf32>
        %add3A_866 = arith.addf %add3A_835, %mul3A_865 : vector<16xf32>
        %add3A_867 = arith.constant 15 : i32
        %add3A_868 = vector.broadcast %add3A_867 : i32 to vector<16xi32>
        %add3A_869 = arith.addi %iota3A, %add3A_868 : vector<16xi32>
        %and3A_870 = arith.constant 31 : i32
        %and3A_871 = vector.broadcast %and3A_870 : i32 to vector<16xi32>
        %and3A_872 = arith.andi %add3A_869, %and3A_871 : vector<16xi32>
        %gather3A_873 = tpu.vector_load_idx %arg7[%add3A_348, %and3A_872] : memref<800x32xf32, #tpu.memory_space<vmem>>[vector<16xi32>, vector<16xi32>], vector<16xf32>,
        %gather3A_874 = tpu.vector_load_idx %arg7[%add3A_365, %and3A_872] : memref<800x32xf32, #tpu.memory_space<vmem>>[vector<16xi32>, vector<16xi32>], vector<16xf32>,
        %sub3A_875 = arith.subf %gather3A_873, %gather3A_874 : vector<16xf32>
        %mul3A_876 = arith.mulf %sub3A_875, %sub3A_875 : vector<16xf32>
        %add3A_877 = arith.addf %add3A_846, %mul3A_876 : vector<16xf32>
        %mul3A_878 = arith.mulf %gather3A_874, %gather3A_874 : vector<16xf32>
        %add3A_879 = arith.addf %add3A_848, %mul3A_878 : vector<16xf32>
        %gather3A_880 = tpu.vector_load_idx %arg7[%add3A_372, %and3A_872] : memref<800x32xf32, #tpu.memory_space<vmem>>[vector<16xi32>, vector<16xi32>], vector<16xf32>,
        %sub3A_881 = arith.subf %gather3A_873, %gather3A_880 : vector<16xf32>
        %mul3A_882 = arith.mulf %sub3A_881, %sub3A_881 : vector<16xf32>
        %add3A_883 = arith.addf %add3A_852, %mul3A_882 : vector<16xf32>
        %mul3A_884 = arith.mulf %gather3A_880, %gather3A_880 : vector<16xf32>
        %add3A_885 = arith.addf %add3A_854, %mul3A_884 : vector<16xf32>
        %gather3A_886 = tpu.vector_load_idx %arg7[%add3A_379, %and3A_872] : memref<800x32xf32, #tpu.memory_space<vmem>>[vector<16xi32>, vector<16xi32>], vector<16xf32>,
        %sub3A_887 = arith.subf %gather3A_873, %gather3A_886 : vector<16xf32>
        %mul3A_888 = arith.mulf %sub3A_887, %sub3A_887 : vector<16xf32>
        %add3A_889 = arith.addf %add3A_858, %mul3A_888 : vector<16xf32>
        %mul3A_890 = arith.mulf %gather3A_886, %gather3A_886 : vector<16xf32>
        %add3A_891 = arith.addf %add3A_860, %mul3A_890 : vector<16xf32>
        %gather3A_892 = tpu.vector_load_idx %arg7[%add3A_386, %and3A_872] : memref<800x32xf32, #tpu.memory_space<vmem>>[vector<16xi32>, vector<16xi32>], vector<16xf32>,
        %sub3A_893 = arith.subf %gather3A_873, %gather3A_892 : vector<16xf32>
        %mul3A_894 = arith.mulf %sub3A_893, %sub3A_893 : vector<16xf32>
        %add3A_895 = arith.addf %add3A_864, %mul3A_894 : vector<16xf32>
        %mul3A_896 = arith.mulf %gather3A_892, %gather3A_892 : vector<16xf32>
        %add3A_897 = arith.addf %add3A_866, %mul3A_896 : vector<16xf32>
        %add3A_898 = arith.constant 16 : i32
        %add3A_899 = vector.broadcast %add3A_898 : i32 to vector<16xi32>
        %add3A_900 = arith.addi %iota3A, %add3A_899 : vector<16xi32>
        %and3A_901 = arith.constant 31 : i32
        %and3A_902 = vector.broadcast %and3A_901 : i32 to vector<16xi32>
        %and3A_903 = arith.andi %add3A_900, %and3A_902 : vector<16xi32>
        %gather3A_904 = tpu.vector_load_idx %arg7[%add3A_348, %and3A_903] : memref<800x32xf32, #tpu.memory_space<vmem>>[vector<16xi32>, vector<16xi32>], vector<16xf32>,
        %gather3A_905 = tpu.vector_load_idx %arg7[%add3A_365, %and3A_903] : memref<800x32xf32, #tpu.memory_space<vmem>>[vector<16xi32>, vector<16xi32>], vector<16xf32>,
        %sub3A_906 = arith.subf %gather3A_904, %gather3A_905 : vector<16xf32>
        %mul3A_907 = arith.mulf %sub3A_906, %sub3A_906 : vector<16xf32>
        %add3A_908 = arith.addf %add3A_877, %mul3A_907 : vector<16xf32>
        %mul3A_909 = arith.mulf %gather3A_905, %gather3A_905 : vector<16xf32>
        %add3A_910 = arith.addf %add3A_879, %mul3A_909 : vector<16xf32>
        %gather3A_911 = tpu.vector_load_idx %arg7[%add3A_372, %and3A_903] : memref<800x32xf32, #tpu.memory_space<vmem>>[vector<16xi32>, vector<16xi32>], vector<16xf32>,
        %sub3A_912 = arith.subf %gather3A_904, %gather3A_911 : vector<16xf32>
        %mul3A_913 = arith.mulf %sub3A_912, %sub3A_912 : vector<16xf32>
        %add3A_914 = arith.addf %add3A_883, %mul3A_913 : vector<16xf32>
        %mul3A_915 = arith.mulf %gather3A_911, %gather3A_911 : vector<16xf32>
        %add3A_916 = arith.addf %add3A_885, %mul3A_915 : vector<16xf32>
        %gather3A_917 = tpu.vector_load_idx %arg7[%add3A_379, %and3A_903] : memref<800x32xf32, #tpu.memory_space<vmem>>[vector<16xi32>, vector<16xi32>], vector<16xf32>,
        %sub3A_918 = arith.subf %gather3A_904, %gather3A_917 : vector<16xf32>
        %mul3A_919 = arith.mulf %sub3A_918, %sub3A_918 : vector<16xf32>
        %add3A_920 = arith.addf %add3A_889, %mul3A_919 : vector<16xf32>
        %mul3A_921 = arith.mulf %gather3A_917, %gather3A_917 : vector<16xf32>
        %add3A_922 = arith.addf %add3A_891, %mul3A_921 : vector<16xf32>
        %gather3A_923 = tpu.vector_load_idx %arg7[%add3A_386, %and3A_903] : memref<800x32xf32, #tpu.memory_space<vmem>>[vector<16xi32>, vector<16xi32>], vector<16xf32>,
        %sub3A_924 = arith.subf %gather3A_904, %gather3A_923 : vector<16xf32>
        %mul3A_925 = arith.mulf %sub3A_924, %sub3A_924 : vector<16xf32>
        %add3A_926 = arith.addf %add3A_895, %mul3A_925 : vector<16xf32>
        %mul3A_927 = arith.mulf %gather3A_923, %gather3A_923 : vector<16xf32>
        %add3A_928 = arith.addf %add3A_897, %mul3A_927 : vector<16xf32>
        %add3A_929 = arith.constant 17 : i32
        %add3A_930 = vector.broadcast %add3A_929 : i32 to vector<16xi32>
        %add3A_931 = arith.addi %iota3A, %add3A_930 : vector<16xi32>
        %and3A_932 = arith.constant 31 : i32
        %and3A_933 = vector.broadcast %and3A_932 : i32 to vector<16xi32>
        %and3A_934 = arith.andi %add3A_931, %and3A_933 : vector<16xi32>
        %gather3A_935 = tpu.vector_load_idx %arg7[%add3A_348, %and3A_934] : memref<800x32xf32, #tpu.memory_space<vmem>>[vector<16xi32>, vector<16xi32>], vector<16xf32>,
        %gather3A_936 = tpu.vector_load_idx %arg7[%add3A_365, %and3A_934] : memref<800x32xf32, #tpu.memory_space<vmem>>[vector<16xi32>, vector<16xi32>], vector<16xf32>,
        %sub3A_937 = arith.subf %gather3A_935, %gather3A_936 : vector<16xf32>
        %mul3A_938 = arith.mulf %sub3A_937, %sub3A_937 : vector<16xf32>
        %add3A_939 = arith.addf %add3A_908, %mul3A_938 : vector<16xf32>
        %mul3A_940 = arith.mulf %gather3A_936, %gather3A_936 : vector<16xf32>
        %add3A_941 = arith.addf %add3A_910, %mul3A_940 : vector<16xf32>
        %gather3A_942 = tpu.vector_load_idx %arg7[%add3A_372, %and3A_934] : memref<800x32xf32, #tpu.memory_space<vmem>>[vector<16xi32>, vector<16xi32>], vector<16xf32>,
        %sub3A_943 = arith.subf %gather3A_935, %gather3A_942 : vector<16xf32>
        %mul3A_944 = arith.mulf %sub3A_943, %sub3A_943 : vector<16xf32>
        %add3A_945 = arith.addf %add3A_914, %mul3A_944 : vector<16xf32>
        %mul3A_946 = arith.mulf %gather3A_942, %gather3A_942 : vector<16xf32>
        %add3A_947 = arith.addf %add3A_916, %mul3A_946 : vector<16xf32>
        %gather3A_948 = tpu.vector_load_idx %arg7[%add3A_379, %and3A_934] : memref<800x32xf32, #tpu.memory_space<vmem>>[vector<16xi32>, vector<16xi32>], vector<16xf32>,
        %sub3A_949 = arith.subf %gather3A_935, %gather3A_948 : vector<16xf32>
        %mul3A_950 = arith.mulf %sub3A_949, %sub3A_949 : vector<16xf32>
        %add3A_951 = arith.addf %add3A_920, %mul3A_950 : vector<16xf32>
        %mul3A_952 = arith.mulf %gather3A_948, %gather3A_948 : vector<16xf32>
        %add3A_953 = arith.addf %add3A_922, %mul3A_952 : vector<16xf32>
        %gather3A_954 = tpu.vector_load_idx %arg7[%add3A_386, %and3A_934] : memref<800x32xf32, #tpu.memory_space<vmem>>[vector<16xi32>, vector<16xi32>], vector<16xf32>,
        %sub3A_955 = arith.subf %gather3A_935, %gather3A_954 : vector<16xf32>
        %mul3A_956 = arith.mulf %sub3A_955, %sub3A_955 : vector<16xf32>
        %add3A_957 = arith.addf %add3A_926, %mul3A_956 : vector<16xf32>
        %mul3A_958 = arith.mulf %gather3A_954, %gather3A_954 : vector<16xf32>
        %add3A_959 = arith.addf %add3A_928, %mul3A_958 : vector<16xf32>
        %add3A_960 = arith.constant 18 : i32
        %add3A_961 = vector.broadcast %add3A_960 : i32 to vector<16xi32>
        %add3A_962 = arith.addi %iota3A, %add3A_961 : vector<16xi32>
        %and3A_963 = arith.constant 31 : i32
        %and3A_964 = vector.broadcast %and3A_963 : i32 to vector<16xi32>
        %and3A_965 = arith.andi %add3A_962, %and3A_964 : vector<16xi32>
        %gather3A_966 = tpu.vector_load_idx %arg7[%add3A_348, %and3A_965] : memref<800x32xf32, #tpu.memory_space<vmem>>[vector<16xi32>, vector<16xi32>], vector<16xf32>,
        %gather3A_967 = tpu.vector_load_idx %arg7[%add3A_365, %and3A_965] : memref<800x32xf32, #tpu.memory_space<vmem>>[vector<16xi32>, vector<16xi32>], vector<16xf32>,
        %sub3A_968 = arith.subf %gather3A_966, %gather3A_967 : vector<16xf32>
        %mul3A_969 = arith.mulf %sub3A_968, %sub3A_968 : vector<16xf32>
        %add3A_970 = arith.addf %add3A_939, %mul3A_969 : vector<16xf32>
        %mul3A_971 = arith.mulf %gather3A_967, %gather3A_967 : vector<16xf32>
        %add3A_972 = arith.addf %add3A_941, %mul3A_971 : vector<16xf32>
        %gather3A_973 = tpu.vector_load_idx %arg7[%add3A_372, %and3A_965] : memref<800x32xf32, #tpu.memory_space<vmem>>[vector<16xi32>, vector<16xi32>], vector<16xf32>,
        %sub3A_974 = arith.subf %gather3A_966, %gather3A_973 : vector<16xf32>
        %mul3A_975 = arith.mulf %sub3A_974, %sub3A_974 : vector<16xf32>
        %add3A_976 = arith.addf %add3A_945, %mul3A_975 : vector<16xf32>
        %mul3A_977 = arith.mulf %gather3A_973, %gather3A_973 : vector<16xf32>
        %add3A_978 = arith.addf %add3A_947, %mul3A_977 : vector<16xf32>
        %gather3A_979 = tpu.vector_load_idx %arg7[%add3A_379, %and3A_965] : memref<800x32xf32, #tpu.memory_space<vmem>>[vector<16xi32>, vector<16xi32>], vector<16xf32>,
        %sub3A_980 = arith.subf %gather3A_966, %gather3A_979 : vector<16xf32>
        %mul3A_981 = arith.mulf %sub3A_980, %sub3A_980 : vector<16xf32>
        %add3A_982 = arith.addf %add3A_951, %mul3A_981 : vector<16xf32>
        %mul3A_983 = arith.mulf %gather3A_979, %gather3A_979 : vector<16xf32>
        %add3A_984 = arith.addf %add3A_953, %mul3A_983 : vector<16xf32>
        %gather3A_985 = tpu.vector_load_idx %arg7[%add3A_386, %and3A_965] : memref<800x32xf32, #tpu.memory_space<vmem>>[vector<16xi32>, vector<16xi32>], vector<16xf32>,
        %sub3A_986 = arith.subf %gather3A_966, %gather3A_985 : vector<16xf32>
        %mul3A_987 = arith.mulf %sub3A_986, %sub3A_986 : vector<16xf32>
        %add3A_988 = arith.addf %add3A_957, %mul3A_987 : vector<16xf32>
        %mul3A_989 = arith.mulf %gather3A_985, %gather3A_985 : vector<16xf32>
        %add3A_990 = arith.addf %add3A_959, %mul3A_989 : vector<16xf32>
        %add3A_991 = arith.constant 19 : i32
        %add3A_992 = vector.broadcast %add3A_991 : i32 to vector<16xi32>
        %add3A_993 = arith.addi %iota3A, %add3A_992 : vector<16xi32>
        %and3A_994 = arith.constant 31 : i32
        %and3A_995 = vector.broadcast %and3A_994 : i32 to vector<16xi32>
        %and3A_996 = arith.andi %add3A_993, %and3A_995 : vector<16xi32>
        %gather3A_997 = tpu.vector_load_idx %arg7[%add3A_348, %and3A_996] : memref<800x32xf32, #tpu.memory_space<vmem>>[vector<16xi32>, vector<16xi32>], vector<16xf32>,
        %gather3A_998 = tpu.vector_load_idx %arg7[%add3A_365, %and3A_996] : memref<800x32xf32, #tpu.memory_space<vmem>>[vector<16xi32>, vector<16xi32>], vector<16xf32>,
        %sub3A_999 = arith.subf %gather3A_997, %gather3A_998 : vector<16xf32>
        %mul3A_1000 = arith.mulf %sub3A_999, %sub3A_999 : vector<16xf32>
        %add3A_1001 = arith.addf %add3A_970, %mul3A_1000 : vector<16xf32>
        %mul3A_1002 = arith.mulf %gather3A_998, %gather3A_998 : vector<16xf32>
        %add3A_1003 = arith.addf %add3A_972, %mul3A_1002 : vector<16xf32>
        %gather3A_1004 = tpu.vector_load_idx %arg7[%add3A_372, %and3A_996] : memref<800x32xf32, #tpu.memory_space<vmem>>[vector<16xi32>, vector<16xi32>], vector<16xf32>,
        %sub3A_1005 = arith.subf %gather3A_997, %gather3A_1004 : vector<16xf32>
        %mul3A_1006 = arith.mulf %sub3A_1005, %sub3A_1005 : vector<16xf32>
        %add3A_1007 = arith.addf %add3A_976, %mul3A_1006 : vector<16xf32>
        %mul3A_1008 = arith.mulf %gather3A_1004, %gather3A_1004 : vector<16xf32>
        %add3A_1009 = arith.addf %add3A_978, %mul3A_1008 : vector<16xf32>
        %gather3A_1010 = tpu.vector_load_idx %arg7[%add3A_379, %and3A_996] : memref<800x32xf32, #tpu.memory_space<vmem>>[vector<16xi32>, vector<16xi32>], vector<16xf32>,
        %sub3A_1011 = arith.subf %gather3A_997, %gather3A_1010 : vector<16xf32>
        %mul3A_1012 = arith.mulf %sub3A_1011, %sub3A_1011 : vector<16xf32>
        %add3A_1013 = arith.addf %add3A_982, %mul3A_1012 : vector<16xf32>
        %mul3A_1014 = arith.mulf %gather3A_1010, %gather3A_1010 : vector<16xf32>
        %add3A_1015 = arith.addf %add3A_984, %mul3A_1014 : vector<16xf32>
        %gather3A_1016 = tpu.vector_load_idx %arg7[%add3A_386, %and3A_996] : memref<800x32xf32, #tpu.memory_space<vmem>>[vector<16xi32>, vector<16xi32>], vector<16xf32>,
        %sub3A_1017 = arith.subf %gather3A_997, %gather3A_1016 : vector<16xf32>
        %mul3A_1018 = arith.mulf %sub3A_1017, %sub3A_1017 : vector<16xf32>
        %add3A_1019 = arith.addf %add3A_988, %mul3A_1018 : vector<16xf32>
        %mul3A_1020 = arith.mulf %gather3A_1016, %gather3A_1016 : vector<16xf32>
        %add3A_1021 = arith.addf %add3A_990, %mul3A_1020 : vector<16xf32>
        %add3A_1022 = arith.constant 20 : i32
        %add3A_1023 = vector.broadcast %add3A_1022 : i32 to vector<16xi32>
        %add3A_1024 = arith.addi %iota3A, %add3A_1023 : vector<16xi32>
        %and3A_1025 = arith.constant 31 : i32
        %and3A_1026 = vector.broadcast %and3A_1025 : i32 to vector<16xi32>
        %and3A_1027 = arith.andi %add3A_1024, %and3A_1026 : vector<16xi32>
        %gather3A_1028 = tpu.vector_load_idx %arg7[%add3A_348, %and3A_1027] : memref<800x32xf32, #tpu.memory_space<vmem>>[vector<16xi32>, vector<16xi32>], vector<16xf32>,
        %gather3A_1029 = tpu.vector_load_idx %arg7[%add3A_365, %and3A_1027] : memref<800x32xf32, #tpu.memory_space<vmem>>[vector<16xi32>, vector<16xi32>], vector<16xf32>,
        %sub3A_1030 = arith.subf %gather3A_1028, %gather3A_1029 : vector<16xf32>
        %mul3A_1031 = arith.mulf %sub3A_1030, %sub3A_1030 : vector<16xf32>
        %add3A_1032 = arith.addf %add3A_1001, %mul3A_1031 : vector<16xf32>
        %mul3A_1033 = arith.mulf %gather3A_1029, %gather3A_1029 : vector<16xf32>
        %add3A_1034 = arith.addf %add3A_1003, %mul3A_1033 : vector<16xf32>
        %gather3A_1035 = tpu.vector_load_idx %arg7[%add3A_372, %and3A_1027] : memref<800x32xf32, #tpu.memory_space<vmem>>[vector<16xi32>, vector<16xi32>], vector<16xf32>,
        %sub3A_1036 = arith.subf %gather3A_1028, %gather3A_1035 : vector<16xf32>
        %mul3A_1037 = arith.mulf %sub3A_1036, %sub3A_1036 : vector<16xf32>
        %add3A_1038 = arith.addf %add3A_1007, %mul3A_1037 : vector<16xf32>
        %mul3A_1039 = arith.mulf %gather3A_1035, %gather3A_1035 : vector<16xf32>
        %add3A_1040 = arith.addf %add3A_1009, %mul3A_1039 : vector<16xf32>
        %gather3A_1041 = tpu.vector_load_idx %arg7[%add3A_379, %and3A_1027] : memref<800x32xf32, #tpu.memory_space<vmem>>[vector<16xi32>, vector<16xi32>], vector<16xf32>,
        %sub3A_1042 = arith.subf %gather3A_1028, %gather3A_1041 : vector<16xf32>
        %mul3A_1043 = arith.mulf %sub3A_1042, %sub3A_1042 : vector<16xf32>
        %add3A_1044 = arith.addf %add3A_1013, %mul3A_1043 : vector<16xf32>
        %mul3A_1045 = arith.mulf %gather3A_1041, %gather3A_1041 : vector<16xf32>
        %add3A_1046 = arith.addf %add3A_1015, %mul3A_1045 : vector<16xf32>
        %gather3A_1047 = tpu.vector_load_idx %arg7[%add3A_386, %and3A_1027] : memref<800x32xf32, #tpu.memory_space<vmem>>[vector<16xi32>, vector<16xi32>], vector<16xf32>,
        %sub3A_1048 = arith.subf %gather3A_1028, %gather3A_1047 : vector<16xf32>
        %mul3A_1049 = arith.mulf %sub3A_1048, %sub3A_1048 : vector<16xf32>
        %add3A_1050 = arith.addf %add3A_1019, %mul3A_1049 : vector<16xf32>
        %mul3A_1051 = arith.mulf %gather3A_1047, %gather3A_1047 : vector<16xf32>
        %add3A_1052 = arith.addf %add3A_1021, %mul3A_1051 : vector<16xf32>
        %add3A_1053 = arith.constant 21 : i32
        %add3A_1054 = vector.broadcast %add3A_1053 : i32 to vector<16xi32>
        %add3A_1055 = arith.addi %iota3A, %add3A_1054 : vector<16xi32>
        %and3A_1056 = arith.constant 31 : i32
        %and3A_1057 = vector.broadcast %and3A_1056 : i32 to vector<16xi32>
        %and3A_1058 = arith.andi %add3A_1055, %and3A_1057 : vector<16xi32>
        %gather3A_1059 = tpu.vector_load_idx %arg7[%add3A_348, %and3A_1058] : memref<800x32xf32, #tpu.memory_space<vmem>>[vector<16xi32>, vector<16xi32>], vector<16xf32>,
        %gather3A_1060 = tpu.vector_load_idx %arg7[%add3A_365, %and3A_1058] : memref<800x32xf32, #tpu.memory_space<vmem>>[vector<16xi32>, vector<16xi32>], vector<16xf32>,
        %sub3A_1061 = arith.subf %gather3A_1059, %gather3A_1060 : vector<16xf32>
        %mul3A_1062 = arith.mulf %sub3A_1061, %sub3A_1061 : vector<16xf32>
        %add3A_1063 = arith.addf %add3A_1032, %mul3A_1062 : vector<16xf32>
        %mul3A_1064 = arith.mulf %gather3A_1060, %gather3A_1060 : vector<16xf32>
        %add3A_1065 = arith.addf %add3A_1034, %mul3A_1064 : vector<16xf32>
        %gather3A_1066 = tpu.vector_load_idx %arg7[%add3A_372, %and3A_1058] : memref<800x32xf32, #tpu.memory_space<vmem>>[vector<16xi32>, vector<16xi32>], vector<16xf32>,
        %sub3A_1067 = arith.subf %gather3A_1059, %gather3A_1066 : vector<16xf32>
        %mul3A_1068 = arith.mulf %sub3A_1067, %sub3A_1067 : vector<16xf32>
        %add3A_1069 = arith.addf %add3A_1038, %mul3A_1068 : vector<16xf32>
        %mul3A_1070 = arith.mulf %gather3A_1066, %gather3A_1066 : vector<16xf32>
        %add3A_1071 = arith.addf %add3A_1040, %mul3A_1070 : vector<16xf32>
        %gather3A_1072 = tpu.vector_load_idx %arg7[%add3A_379, %and3A_1058] : memref<800x32xf32, #tpu.memory_space<vmem>>[vector<16xi32>, vector<16xi32>], vector<16xf32>,
        %sub3A_1073 = arith.subf %gather3A_1059, %gather3A_1072 : vector<16xf32>
        %mul3A_1074 = arith.mulf %sub3A_1073, %sub3A_1073 : vector<16xf32>
        %add3A_1075 = arith.addf %add3A_1044, %mul3A_1074 : vector<16xf32>
        %mul3A_1076 = arith.mulf %gather3A_1072, %gather3A_1072 : vector<16xf32>
        %add3A_1077 = arith.addf %add3A_1046, %mul3A_1076 : vector<16xf32>
        %gather3A_1078 = tpu.vector_load_idx %arg7[%add3A_386, %and3A_1058] : memref<800x32xf32, #tpu.memory_space<vmem>>[vector<16xi32>, vector<16xi32>], vector<16xf32>,
        %sub3A_1079 = arith.subf %gather3A_1059, %gather3A_1078 : vector<16xf32>
        %mul3A_1080 = arith.mulf %sub3A_1079, %sub3A_1079 : vector<16xf32>
        %add3A_1081 = arith.addf %add3A_1050, %mul3A_1080 : vector<16xf32>
        %mul3A_1082 = arith.mulf %gather3A_1078, %gather3A_1078 : vector<16xf32>
        %add3A_1083 = arith.addf %add3A_1052, %mul3A_1082 : vector<16xf32>
        %add3A_1084 = arith.constant 22 : i32
        %add3A_1085 = vector.broadcast %add3A_1084 : i32 to vector<16xi32>
        %add3A_1086 = arith.addi %iota3A, %add3A_1085 : vector<16xi32>
        %and3A_1087 = arith.constant 31 : i32
        %and3A_1088 = vector.broadcast %and3A_1087 : i32 to vector<16xi32>
        %and3A_1089 = arith.andi %add3A_1086, %and3A_1088 : vector<16xi32>
        %gather3A_1090 = tpu.vector_load_idx %arg7[%add3A_348, %and3A_1089] : memref<800x32xf32, #tpu.memory_space<vmem>>[vector<16xi32>, vector<16xi32>], vector<16xf32>,
        %gather3A_1091 = tpu.vector_load_idx %arg7[%add3A_365, %and3A_1089] : memref<800x32xf32, #tpu.memory_space<vmem>>[vector<16xi32>, vector<16xi32>], vector<16xf32>,
        %sub3A_1092 = arith.subf %gather3A_1090, %gather3A_1091 : vector<16xf32>
        %mul3A_1093 = arith.mulf %sub3A_1092, %sub3A_1092 : vector<16xf32>
        %add3A_1094 = arith.addf %add3A_1063, %mul3A_1093 : vector<16xf32>
        %mul3A_1095 = arith.mulf %gather3A_1091, %gather3A_1091 : vector<16xf32>
        %add3A_1096 = arith.addf %add3A_1065, %mul3A_1095 : vector<16xf32>
        %gather3A_1097 = tpu.vector_load_idx %arg7[%add3A_372, %and3A_1089] : memref<800x32xf32, #tpu.memory_space<vmem>>[vector<16xi32>, vector<16xi32>], vector<16xf32>,
        %sub3A_1098 = arith.subf %gather3A_1090, %gather3A_1097 : vector<16xf32>
        %mul3A_1099 = arith.mulf %sub3A_1098, %sub3A_1098 : vector<16xf32>
        %add3A_1100 = arith.addf %add3A_1069, %mul3A_1099 : vector<16xf32>
        %mul3A_1101 = arith.mulf %gather3A_1097, %gather3A_1097 : vector<16xf32>
        %add3A_1102 = arith.addf %add3A_1071, %mul3A_1101 : vector<16xf32>
        %gather3A_1103 = tpu.vector_load_idx %arg7[%add3A_379, %and3A_1089] : memref<800x32xf32, #tpu.memory_space<vmem>>[vector<16xi32>, vector<16xi32>], vector<16xf32>,
        %sub3A_1104 = arith.subf %gather3A_1090, %gather3A_1103 : vector<16xf32>
        %mul3A_1105 = arith.mulf %sub3A_1104, %sub3A_1104 : vector<16xf32>
        %add3A_1106 = arith.addf %add3A_1075, %mul3A_1105 : vector<16xf32>
        %mul3A_1107 = arith.mulf %gather3A_1103, %gather3A_1103 : vector<16xf32>
        %add3A_1108 = arith.addf %add3A_1077, %mul3A_1107 : vector<16xf32>
        %gather3A_1109 = tpu.vector_load_idx %arg7[%add3A_386, %and3A_1089] : memref<800x32xf32, #tpu.memory_space<vmem>>[vector<16xi32>, vector<16xi32>], vector<16xf32>,
        %sub3A_1110 = arith.subf %gather3A_1090, %gather3A_1109 : vector<16xf32>
        %mul3A_1111 = arith.mulf %sub3A_1110, %sub3A_1110 : vector<16xf32>
        %add3A_1112 = arith.addf %add3A_1081, %mul3A_1111 : vector<16xf32>
        %mul3A_1113 = arith.mulf %gather3A_1109, %gather3A_1109 : vector<16xf32>
        %add3A_1114 = arith.addf %add3A_1083, %mul3A_1113 : vector<16xf32>
        %add3A_1115 = arith.constant 23 : i32
        %add3A_1116 = vector.broadcast %add3A_1115 : i32 to vector<16xi32>
        %add3A_1117 = arith.addi %iota3A, %add3A_1116 : vector<16xi32>
        %and3A_1118 = arith.constant 31 : i32
        %and3A_1119 = vector.broadcast %and3A_1118 : i32 to vector<16xi32>
        %and3A_1120 = arith.andi %add3A_1117, %and3A_1119 : vector<16xi32>
        %gather3A_1121 = tpu.vector_load_idx %arg7[%add3A_348, %and3A_1120] : memref<800x32xf32, #tpu.memory_space<vmem>>[vector<16xi32>, vector<16xi32>], vector<16xf32>,
        %gather3A_1122 = tpu.vector_load_idx %arg7[%add3A_365, %and3A_1120] : memref<800x32xf32, #tpu.memory_space<vmem>>[vector<16xi32>, vector<16xi32>], vector<16xf32>,
        %sub3A_1123 = arith.subf %gather3A_1121, %gather3A_1122 : vector<16xf32>
        %mul3A_1124 = arith.mulf %sub3A_1123, %sub3A_1123 : vector<16xf32>
        %add3A_1125 = arith.addf %add3A_1094, %mul3A_1124 : vector<16xf32>
        %mul3A_1126 = arith.mulf %gather3A_1122, %gather3A_1122 : vector<16xf32>
        %add3A_1127 = arith.addf %add3A_1096, %mul3A_1126 : vector<16xf32>
        %gather3A_1128 = tpu.vector_load_idx %arg7[%add3A_372, %and3A_1120] : memref<800x32xf32, #tpu.memory_space<vmem>>[vector<16xi32>, vector<16xi32>], vector<16xf32>,
        %sub3A_1129 = arith.subf %gather3A_1121, %gather3A_1128 : vector<16xf32>
        %mul3A_1130 = arith.mulf %sub3A_1129, %sub3A_1129 : vector<16xf32>
        %add3A_1131 = arith.addf %add3A_1100, %mul3A_1130 : vector<16xf32>
        %mul3A_1132 = arith.mulf %gather3A_1128, %gather3A_1128 : vector<16xf32>
        %add3A_1133 = arith.addf %add3A_1102, %mul3A_1132 : vector<16xf32>
        %gather3A_1134 = tpu.vector_load_idx %arg7[%add3A_379, %and3A_1120] : memref<800x32xf32, #tpu.memory_space<vmem>>[vector<16xi32>, vector<16xi32>], vector<16xf32>,
        %sub3A_1135 = arith.subf %gather3A_1121, %gather3A_1134 : vector<16xf32>
        %mul3A_1136 = arith.mulf %sub3A_1135, %sub3A_1135 : vector<16xf32>
        %add3A_1137 = arith.addf %add3A_1106, %mul3A_1136 : vector<16xf32>
        %mul3A_1138 = arith.mulf %gather3A_1134, %gather3A_1134 : vector<16xf32>
        %add3A_1139 = arith.addf %add3A_1108, %mul3A_1138 : vector<16xf32>
        %gather3A_1140 = tpu.vector_load_idx %arg7[%add3A_386, %and3A_1120] : memref<800x32xf32, #tpu.memory_space<vmem>>[vector<16xi32>, vector<16xi32>], vector<16xf32>,
        %sub3A_1141 = arith.subf %gather3A_1121, %gather3A_1140 : vector<16xf32>
        %mul3A_1142 = arith.mulf %sub3A_1141, %sub3A_1141 : vector<16xf32>
        %add3A_1143 = arith.addf %add3A_1112, %mul3A_1142 : vector<16xf32>
        %mul3A_1144 = arith.mulf %gather3A_1140, %gather3A_1140 : vector<16xf32>
        %add3A_1145 = arith.addf %add3A_1114, %mul3A_1144 : vector<16xf32>
        %add3A_1146 = arith.constant 24 : i32
        %add3A_1147 = vector.broadcast %add3A_1146 : i32 to vector<16xi32>
        %add3A_1148 = arith.addi %iota3A, %add3A_1147 : vector<16xi32>
        %and3A_1149 = arith.constant 31 : i32
        %and3A_1150 = vector.broadcast %and3A_1149 : i32 to vector<16xi32>
        %and3A_1151 = arith.andi %add3A_1148, %and3A_1150 : vector<16xi32>
        %gather3A_1152 = tpu.vector_load_idx %arg7[%add3A_348, %and3A_1151] : memref<800x32xf32, #tpu.memory_space<vmem>>[vector<16xi32>, vector<16xi32>], vector<16xf32>,
        %gather3A_1153 = tpu.vector_load_idx %arg7[%add3A_365, %and3A_1151] : memref<800x32xf32, #tpu.memory_space<vmem>>[vector<16xi32>, vector<16xi32>], vector<16xf32>,
        %sub3A_1154 = arith.subf %gather3A_1152, %gather3A_1153 : vector<16xf32>
        %mul3A_1155 = arith.mulf %sub3A_1154, %sub3A_1154 : vector<16xf32>
        %add3A_1156 = arith.addf %add3A_1125, %mul3A_1155 : vector<16xf32>
        %mul3A_1157 = arith.mulf %gather3A_1153, %gather3A_1153 : vector<16xf32>
        %add3A_1158 = arith.addf %add3A_1127, %mul3A_1157 : vector<16xf32>
        %gather3A_1159 = tpu.vector_load_idx %arg7[%add3A_372, %and3A_1151] : memref<800x32xf32, #tpu.memory_space<vmem>>[vector<16xi32>, vector<16xi32>], vector<16xf32>,
        %sub3A_1160 = arith.subf %gather3A_1152, %gather3A_1159 : vector<16xf32>
        %mul3A_1161 = arith.mulf %sub3A_1160, %sub3A_1160 : vector<16xf32>
        %add3A_1162 = arith.addf %add3A_1131, %mul3A_1161 : vector<16xf32>
        %mul3A_1163 = arith.mulf %gather3A_1159, %gather3A_1159 : vector<16xf32>
        %add3A_1164 = arith.addf %add3A_1133, %mul3A_1163 : vector<16xf32>
        %gather3A_1165 = tpu.vector_load_idx %arg7[%add3A_379, %and3A_1151] : memref<800x32xf32, #tpu.memory_space<vmem>>[vector<16xi32>, vector<16xi32>], vector<16xf32>,
        %sub3A_1166 = arith.subf %gather3A_1152, %gather3A_1165 : vector<16xf32>
        %mul3A_1167 = arith.mulf %sub3A_1166, %sub3A_1166 : vector<16xf32>
        %add3A_1168 = arith.addf %add3A_1137, %mul3A_1167 : vector<16xf32>
        %mul3A_1169 = arith.mulf %gather3A_1165, %gather3A_1165 : vector<16xf32>
        %add3A_1170 = arith.addf %add3A_1139, %mul3A_1169 : vector<16xf32>
        %gather3A_1171 = tpu.vector_load_idx %arg7[%add3A_386, %and3A_1151] : memref<800x32xf32, #tpu.memory_space<vmem>>[vector<16xi32>, vector<16xi32>], vector<16xf32>,
        %sub3A_1172 = arith.subf %gather3A_1152, %gather3A_1171 : vector<16xf32>
        %mul3A_1173 = arith.mulf %sub3A_1172, %sub3A_1172 : vector<16xf32>
        %add3A_1174 = arith.addf %add3A_1143, %mul3A_1173 : vector<16xf32>
        %mul3A_1175 = arith.mulf %gather3A_1171, %gather3A_1171 : vector<16xf32>
        %add3A_1176 = arith.addf %add3A_1145, %mul3A_1175 : vector<16xf32>
        %add3A_1177 = arith.constant 25 : i32
        %add3A_1178 = vector.broadcast %add3A_1177 : i32 to vector<16xi32>
        %add3A_1179 = arith.addi %iota3A, %add3A_1178 : vector<16xi32>
        %and3A_1180 = arith.constant 31 : i32
        %and3A_1181 = vector.broadcast %and3A_1180 : i32 to vector<16xi32>
        %and3A_1182 = arith.andi %add3A_1179, %and3A_1181 : vector<16xi32>
        %gather3A_1183 = tpu.vector_load_idx %arg7[%add3A_348, %and3A_1182] : memref<800x32xf32, #tpu.memory_space<vmem>>[vector<16xi32>, vector<16xi32>], vector<16xf32>,
        %gather3A_1184 = tpu.vector_load_idx %arg7[%add3A_365, %and3A_1182] : memref<800x32xf32, #tpu.memory_space<vmem>>[vector<16xi32>, vector<16xi32>], vector<16xf32>,
        %sub3A_1185 = arith.subf %gather3A_1183, %gather3A_1184 : vector<16xf32>
        %mul3A_1186 = arith.mulf %sub3A_1185, %sub3A_1185 : vector<16xf32>
        %add3A_1187 = arith.addf %add3A_1156, %mul3A_1186 : vector<16xf32>
        %mul3A_1188 = arith.mulf %gather3A_1184, %gather3A_1184 : vector<16xf32>
        %add3A_1189 = arith.addf %add3A_1158, %mul3A_1188 : vector<16xf32>
        %gather3A_1190 = tpu.vector_load_idx %arg7[%add3A_372, %and3A_1182] : memref<800x32xf32, #tpu.memory_space<vmem>>[vector<16xi32>, vector<16xi32>], vector<16xf32>,
        %sub3A_1191 = arith.subf %gather3A_1183, %gather3A_1190 : vector<16xf32>
        %mul3A_1192 = arith.mulf %sub3A_1191, %sub3A_1191 : vector<16xf32>
        %add3A_1193 = arith.addf %add3A_1162, %mul3A_1192 : vector<16xf32>
        %mul3A_1194 = arith.mulf %gather3A_1190, %gather3A_1190 : vector<16xf32>
        %add3A_1195 = arith.addf %add3A_1164, %mul3A_1194 : vector<16xf32>
        %gather3A_1196 = tpu.vector_load_idx %arg7[%add3A_379, %and3A_1182] : memref<800x32xf32, #tpu.memory_space<vmem>>[vector<16xi32>, vector<16xi32>], vector<16xf32>,
        %sub3A_1197 = arith.subf %gather3A_1183, %gather3A_1196 : vector<16xf32>
        %mul3A_1198 = arith.mulf %sub3A_1197, %sub3A_1197 : vector<16xf32>
        %add3A_1199 = arith.addf %add3A_1168, %mul3A_1198 : vector<16xf32>
        %mul3A_1200 = arith.mulf %gather3A_1196, %gather3A_1196 : vector<16xf32>
        %add3A_1201 = arith.addf %add3A_1170, %mul3A_1200 : vector<16xf32>
        %gather3A_1202 = tpu.vector_load_idx %arg7[%add3A_386, %and3A_1182] : memref<800x32xf32, #tpu.memory_space<vmem>>[vector<16xi32>, vector<16xi32>], vector<16xf32>,
        %sub3A_1203 = arith.subf %gather3A_1183, %gather3A_1202 : vector<16xf32>
        %mul3A_1204 = arith.mulf %sub3A_1203, %sub3A_1203 : vector<16xf32>
        %add3A_1205 = arith.addf %add3A_1174, %mul3A_1204 : vector<16xf32>
        %mul3A_1206 = arith.mulf %gather3A_1202, %gather3A_1202 : vector<16xf32>
        %add3A_1207 = arith.addf %add3A_1176, %mul3A_1206 : vector<16xf32>
        %add3A_1208 = arith.constant 26 : i32
        %add3A_1209 = vector.broadcast %add3A_1208 : i32 to vector<16xi32>
        %add3A_1210 = arith.addi %iota3A, %add3A_1209 : vector<16xi32>
        %and3A_1211 = arith.constant 31 : i32
        %and3A_1212 = vector.broadcast %and3A_1211 : i32 to vector<16xi32>
        %and3A_1213 = arith.andi %add3A_1210, %and3A_1212 : vector<16xi32>
        %gather3A_1214 = tpu.vector_load_idx %arg7[%add3A_348, %and3A_1213] : memref<800x32xf32, #tpu.memory_space<vmem>>[vector<16xi32>, vector<16xi32>], vector<16xf32>,
        %gather3A_1215 = tpu.vector_load_idx %arg7[%add3A_365, %and3A_1213] : memref<800x32xf32, #tpu.memory_space<vmem>>[vector<16xi32>, vector<16xi32>], vector<16xf32>,
        %sub3A_1216 = arith.subf %gather3A_1214, %gather3A_1215 : vector<16xf32>
        %mul3A_1217 = arith.mulf %sub3A_1216, %sub3A_1216 : vector<16xf32>
        %add3A_1218 = arith.addf %add3A_1187, %mul3A_1217 : vector<16xf32>
        %mul3A_1219 = arith.mulf %gather3A_1215, %gather3A_1215 : vector<16xf32>
        %add3A_1220 = arith.addf %add3A_1189, %mul3A_1219 : vector<16xf32>
        %gather3A_1221 = tpu.vector_load_idx %arg7[%add3A_372, %and3A_1213] : memref<800x32xf32, #tpu.memory_space<vmem>>[vector<16xi32>, vector<16xi32>], vector<16xf32>,
        %sub3A_1222 = arith.subf %gather3A_1214, %gather3A_1221 : vector<16xf32>
        %mul3A_1223 = arith.mulf %sub3A_1222, %sub3A_1222 : vector<16xf32>
        %add3A_1224 = arith.addf %add3A_1193, %mul3A_1223 : vector<16xf32>
        %mul3A_1225 = arith.mulf %gather3A_1221, %gather3A_1221 : vector<16xf32>
        %add3A_1226 = arith.addf %add3A_1195, %mul3A_1225 : vector<16xf32>
        %gather3A_1227 = tpu.vector_load_idx %arg7[%add3A_379, %and3A_1213] : memref<800x32xf32, #tpu.memory_space<vmem>>[vector<16xi32>, vector<16xi32>], vector<16xf32>,
        %sub3A_1228 = arith.subf %gather3A_1214, %gather3A_1227 : vector<16xf32>
        %mul3A_1229 = arith.mulf %sub3A_1228, %sub3A_1228 : vector<16xf32>
        %add3A_1230 = arith.addf %add3A_1199, %mul3A_1229 : vector<16xf32>
        %mul3A_1231 = arith.mulf %gather3A_1227, %gather3A_1227 : vector<16xf32>
        %add3A_1232 = arith.addf %add3A_1201, %mul3A_1231 : vector<16xf32>
        %gather3A_1233 = tpu.vector_load_idx %arg7[%add3A_386, %and3A_1213] : memref<800x32xf32, #tpu.memory_space<vmem>>[vector<16xi32>, vector<16xi32>], vector<16xf32>,
        %sub3A_1234 = arith.subf %gather3A_1214, %gather3A_1233 : vector<16xf32>
        %mul3A_1235 = arith.mulf %sub3A_1234, %sub3A_1234 : vector<16xf32>
        %add3A_1236 = arith.addf %add3A_1205, %mul3A_1235 : vector<16xf32>
        %mul3A_1237 = arith.mulf %gather3A_1233, %gather3A_1233 : vector<16xf32>
        %add3A_1238 = arith.addf %add3A_1207, %mul3A_1237 : vector<16xf32>
        %add3A_1239 = arith.constant 27 : i32
        %add3A_1240 = vector.broadcast %add3A_1239 : i32 to vector<16xi32>
        %add3A_1241 = arith.addi %iota3A, %add3A_1240 : vector<16xi32>
        %and3A_1242 = arith.constant 31 : i32
        %and3A_1243 = vector.broadcast %and3A_1242 : i32 to vector<16xi32>
        %and3A_1244 = arith.andi %add3A_1241, %and3A_1243 : vector<16xi32>
        %gather3A_1245 = tpu.vector_load_idx %arg7[%add3A_348, %and3A_1244] : memref<800x32xf32, #tpu.memory_space<vmem>>[vector<16xi32>, vector<16xi32>], vector<16xf32>,
        %gather3A_1246 = tpu.vector_load_idx %arg7[%add3A_365, %and3A_1244] : memref<800x32xf32, #tpu.memory_space<vmem>>[vector<16xi32>, vector<16xi32>], vector<16xf32>,
        %sub3A_1247 = arith.subf %gather3A_1245, %gather3A_1246 : vector<16xf32>
        %mul3A_1248 = arith.mulf %sub3A_1247, %sub3A_1247 : vector<16xf32>
        %add3A_1249 = arith.addf %add3A_1218, %mul3A_1248 : vector<16xf32>
        %mul3A_1250 = arith.mulf %gather3A_1246, %gather3A_1246 : vector<16xf32>
        %add3A_1251 = arith.addf %add3A_1220, %mul3A_1250 : vector<16xf32>
        %gather3A_1252 = tpu.vector_load_idx %arg7[%add3A_372, %and3A_1244] : memref<800x32xf32, #tpu.memory_space<vmem>>[vector<16xi32>, vector<16xi32>], vector<16xf32>,
        %sub3A_1253 = arith.subf %gather3A_1245, %gather3A_1252 : vector<16xf32>
        %mul3A_1254 = arith.mulf %sub3A_1253, %sub3A_1253 : vector<16xf32>
        %add3A_1255 = arith.addf %add3A_1224, %mul3A_1254 : vector<16xf32>
        %mul3A_1256 = arith.mulf %gather3A_1252, %gather3A_1252 : vector<16xf32>
        %add3A_1257 = arith.addf %add3A_1226, %mul3A_1256 : vector<16xf32>
        %gather3A_1258 = tpu.vector_load_idx %arg7[%add3A_379, %and3A_1244] : memref<800x32xf32, #tpu.memory_space<vmem>>[vector<16xi32>, vector<16xi32>], vector<16xf32>,
        %sub3A_1259 = arith.subf %gather3A_1245, %gather3A_1258 : vector<16xf32>
        %mul3A_1260 = arith.mulf %sub3A_1259, %sub3A_1259 : vector<16xf32>
        %add3A_1261 = arith.addf %add3A_1230, %mul3A_1260 : vector<16xf32>
        %mul3A_1262 = arith.mulf %gather3A_1258, %gather3A_1258 : vector<16xf32>
        %add3A_1263 = arith.addf %add3A_1232, %mul3A_1262 : vector<16xf32>
        %gather3A_1264 = tpu.vector_load_idx %arg7[%add3A_386, %and3A_1244] : memref<800x32xf32, #tpu.memory_space<vmem>>[vector<16xi32>, vector<16xi32>], vector<16xf32>,
        %sub3A_1265 = arith.subf %gather3A_1245, %gather3A_1264 : vector<16xf32>
        %mul3A_1266 = arith.mulf %sub3A_1265, %sub3A_1265 : vector<16xf32>
        %add3A_1267 = arith.addf %add3A_1236, %mul3A_1266 : vector<16xf32>
        %mul3A_1268 = arith.mulf %gather3A_1264, %gather3A_1264 : vector<16xf32>
        %add3A_1269 = arith.addf %add3A_1238, %mul3A_1268 : vector<16xf32>
        %add3A_1270 = arith.constant 28 : i32
        %add3A_1271 = vector.broadcast %add3A_1270 : i32 to vector<16xi32>
        %add3A_1272 = arith.addi %iota3A, %add3A_1271 : vector<16xi32>
        %and3A_1273 = arith.constant 31 : i32
        %and3A_1274 = vector.broadcast %and3A_1273 : i32 to vector<16xi32>
        %and3A_1275 = arith.andi %add3A_1272, %and3A_1274 : vector<16xi32>
        %gather3A_1276 = tpu.vector_load_idx %arg7[%add3A_348, %and3A_1275] : memref<800x32xf32, #tpu.memory_space<vmem>>[vector<16xi32>, vector<16xi32>], vector<16xf32>,
        %gather3A_1277 = tpu.vector_load_idx %arg7[%add3A_365, %and3A_1275] : memref<800x32xf32, #tpu.memory_space<vmem>>[vector<16xi32>, vector<16xi32>], vector<16xf32>,
        %sub3A_1278 = arith.subf %gather3A_1276, %gather3A_1277 : vector<16xf32>
        %mul3A_1279 = arith.mulf %sub3A_1278, %sub3A_1278 : vector<16xf32>
        %add3A_1280 = arith.addf %add3A_1249, %mul3A_1279 : vector<16xf32>
        %mul3A_1281 = arith.mulf %gather3A_1277, %gather3A_1277 : vector<16xf32>
        %add3A_1282 = arith.addf %add3A_1251, %mul3A_1281 : vector<16xf32>
        %gather3A_1283 = tpu.vector_load_idx %arg7[%add3A_372, %and3A_1275] : memref<800x32xf32, #tpu.memory_space<vmem>>[vector<16xi32>, vector<16xi32>], vector<16xf32>,
        %sub3A_1284 = arith.subf %gather3A_1276, %gather3A_1283 : vector<16xf32>
        %mul3A_1285 = arith.mulf %sub3A_1284, %sub3A_1284 : vector<16xf32>
        %add3A_1286 = arith.addf %add3A_1255, %mul3A_1285 : vector<16xf32>
        %mul3A_1287 = arith.mulf %gather3A_1283, %gather3A_1283 : vector<16xf32>
        %add3A_1288 = arith.addf %add3A_1257, %mul3A_1287 : vector<16xf32>
        %gather3A_1289 = tpu.vector_load_idx %arg7[%add3A_379, %and3A_1275] : memref<800x32xf32, #tpu.memory_space<vmem>>[vector<16xi32>, vector<16xi32>], vector<16xf32>,
        %sub3A_1290 = arith.subf %gather3A_1276, %gather3A_1289 : vector<16xf32>
        %mul3A_1291 = arith.mulf %sub3A_1290, %sub3A_1290 : vector<16xf32>
        %add3A_1292 = arith.addf %add3A_1261, %mul3A_1291 : vector<16xf32>
        %mul3A_1293 = arith.mulf %gather3A_1289, %gather3A_1289 : vector<16xf32>
        %add3A_1294 = arith.addf %add3A_1263, %mul3A_1293 : vector<16xf32>
        %gather3A_1295 = tpu.vector_load_idx %arg7[%add3A_386, %and3A_1275] : memref<800x32xf32, #tpu.memory_space<vmem>>[vector<16xi32>, vector<16xi32>], vector<16xf32>,
        %sub3A_1296 = arith.subf %gather3A_1276, %gather3A_1295 : vector<16xf32>
        %mul3A_1297 = arith.mulf %sub3A_1296, %sub3A_1296 : vector<16xf32>
        %add3A_1298 = arith.addf %add3A_1267, %mul3A_1297 : vector<16xf32>
        %mul3A_1299 = arith.mulf %gather3A_1295, %gather3A_1295 : vector<16xf32>
        %add3A_1300 = arith.addf %add3A_1269, %mul3A_1299 : vector<16xf32>
        %add3A_1301 = arith.constant 29 : i32
        %add3A_1302 = vector.broadcast %add3A_1301 : i32 to vector<16xi32>
        %add3A_1303 = arith.addi %iota3A, %add3A_1302 : vector<16xi32>
        %and3A_1304 = arith.constant 31 : i32
        %and3A_1305 = vector.broadcast %and3A_1304 : i32 to vector<16xi32>
        %and3A_1306 = arith.andi %add3A_1303, %and3A_1305 : vector<16xi32>
        %gather3A_1307 = tpu.vector_load_idx %arg7[%add3A_348, %and3A_1306] : memref<800x32xf32, #tpu.memory_space<vmem>>[vector<16xi32>, vector<16xi32>], vector<16xf32>,
        %gather3A_1308 = tpu.vector_load_idx %arg7[%add3A_365, %and3A_1306] : memref<800x32xf32, #tpu.memory_space<vmem>>[vector<16xi32>, vector<16xi32>], vector<16xf32>,
        %sub3A_1309 = arith.subf %gather3A_1307, %gather3A_1308 : vector<16xf32>
        %mul3A_1310 = arith.mulf %sub3A_1309, %sub3A_1309 : vector<16xf32>
        %add3A_1311 = arith.addf %add3A_1280, %mul3A_1310 : vector<16xf32>
        %mul3A_1312 = arith.mulf %gather3A_1308, %gather3A_1308 : vector<16xf32>
        %add3A_1313 = arith.addf %add3A_1282, %mul3A_1312 : vector<16xf32>
        %gather3A_1314 = tpu.vector_load_idx %arg7[%add3A_372, %and3A_1306] : memref<800x32xf32, #tpu.memory_space<vmem>>[vector<16xi32>, vector<16xi32>], vector<16xf32>,
        %sub3A_1315 = arith.subf %gather3A_1307, %gather3A_1314 : vector<16xf32>
        %mul3A_1316 = arith.mulf %sub3A_1315, %sub3A_1315 : vector<16xf32>
        %add3A_1317 = arith.addf %add3A_1286, %mul3A_1316 : vector<16xf32>
        %mul3A_1318 = arith.mulf %gather3A_1314, %gather3A_1314 : vector<16xf32>
        %add3A_1319 = arith.addf %add3A_1288, %mul3A_1318 : vector<16xf32>
        %gather3A_1320 = tpu.vector_load_idx %arg7[%add3A_379, %and3A_1306] : memref<800x32xf32, #tpu.memory_space<vmem>>[vector<16xi32>, vector<16xi32>], vector<16xf32>,
        %sub3A_1321 = arith.subf %gather3A_1307, %gather3A_1320 : vector<16xf32>
        %mul3A_1322 = arith.mulf %sub3A_1321, %sub3A_1321 : vector<16xf32>
        %add3A_1323 = arith.addf %add3A_1292, %mul3A_1322 : vector<16xf32>
        %mul3A_1324 = arith.mulf %gather3A_1320, %gather3A_1320 : vector<16xf32>
        %add3A_1325 = arith.addf %add3A_1294, %mul3A_1324 : vector<16xf32>
        %gather3A_1326 = tpu.vector_load_idx %arg7[%add3A_386, %and3A_1306] : memref<800x32xf32, #tpu.memory_space<vmem>>[vector<16xi32>, vector<16xi32>], vector<16xf32>,
        %sub3A_1327 = arith.subf %gather3A_1307, %gather3A_1326 : vector<16xf32>
        %mul3A_1328 = arith.mulf %sub3A_1327, %sub3A_1327 : vector<16xf32>
        %add3A_1329 = arith.addf %add3A_1298, %mul3A_1328 : vector<16xf32>
        %mul3A_1330 = arith.mulf %gather3A_1326, %gather3A_1326 : vector<16xf32>
        %add3A_1331 = arith.addf %add3A_1300, %mul3A_1330 : vector<16xf32>
        %add3A_1332 = arith.constant 30 : i32
        %add3A_1333 = vector.broadcast %add3A_1332 : i32 to vector<16xi32>
        %add3A_1334 = arith.addi %iota3A, %add3A_1333 : vector<16xi32>
        %and3A_1335 = arith.constant 31 : i32
        %and3A_1336 = vector.broadcast %and3A_1335 : i32 to vector<16xi32>
        %and3A_1337 = arith.andi %add3A_1334, %and3A_1336 : vector<16xi32>
        %gather3A_1338 = tpu.vector_load_idx %arg7[%add3A_348, %and3A_1337] : memref<800x32xf32, #tpu.memory_space<vmem>>[vector<16xi32>, vector<16xi32>], vector<16xf32>,
        %gather3A_1339 = tpu.vector_load_idx %arg7[%add3A_365, %and3A_1337] : memref<800x32xf32, #tpu.memory_space<vmem>>[vector<16xi32>, vector<16xi32>], vector<16xf32>,
        %sub3A_1340 = arith.subf %gather3A_1338, %gather3A_1339 : vector<16xf32>
        %mul3A_1341 = arith.mulf %sub3A_1340, %sub3A_1340 : vector<16xf32>
        %add3A_1342 = arith.addf %add3A_1311, %mul3A_1341 : vector<16xf32>
        %mul3A_1343 = arith.mulf %gather3A_1339, %gather3A_1339 : vector<16xf32>
        %add3A_1344 = arith.addf %add3A_1313, %mul3A_1343 : vector<16xf32>
        %gather3A_1345 = tpu.vector_load_idx %arg7[%add3A_372, %and3A_1337] : memref<800x32xf32, #tpu.memory_space<vmem>>[vector<16xi32>, vector<16xi32>], vector<16xf32>,
        %sub3A_1346 = arith.subf %gather3A_1338, %gather3A_1345 : vector<16xf32>
        %mul3A_1347 = arith.mulf %sub3A_1346, %sub3A_1346 : vector<16xf32>
        %add3A_1348 = arith.addf %add3A_1317, %mul3A_1347 : vector<16xf32>
        %mul3A_1349 = arith.mulf %gather3A_1345, %gather3A_1345 : vector<16xf32>
        %add3A_1350 = arith.addf %add3A_1319, %mul3A_1349 : vector<16xf32>
        %gather3A_1351 = tpu.vector_load_idx %arg7[%add3A_379, %and3A_1337] : memref<800x32xf32, #tpu.memory_space<vmem>>[vector<16xi32>, vector<16xi32>], vector<16xf32>,
        %sub3A_1352 = arith.subf %gather3A_1338, %gather3A_1351 : vector<16xf32>
        %mul3A_1353 = arith.mulf %sub3A_1352, %sub3A_1352 : vector<16xf32>
        %add3A_1354 = arith.addf %add3A_1323, %mul3A_1353 : vector<16xf32>
        %mul3A_1355 = arith.mulf %gather3A_1351, %gather3A_1351 : vector<16xf32>
        %add3A_1356 = arith.addf %add3A_1325, %mul3A_1355 : vector<16xf32>
        %gather3A_1357 = tpu.vector_load_idx %arg7[%add3A_386, %and3A_1337] : memref<800x32xf32, #tpu.memory_space<vmem>>[vector<16xi32>, vector<16xi32>], vector<16xf32>,
        %sub3A_1358 = arith.subf %gather3A_1338, %gather3A_1357 : vector<16xf32>
        %mul3A_1359 = arith.mulf %sub3A_1358, %sub3A_1358 : vector<16xf32>
        %add3A_1360 = arith.addf %add3A_1329, %mul3A_1359 : vector<16xf32>
        %mul3A_1361 = arith.mulf %gather3A_1357, %gather3A_1357 : vector<16xf32>
        %add3A_1362 = arith.addf %add3A_1331, %mul3A_1361 : vector<16xf32>
        %add3A_1363 = arith.constant 31 : i32
        %add3A_1364 = vector.broadcast %add3A_1363 : i32 to vector<16xi32>
        %add3A_1365 = arith.addi %iota3A, %add3A_1364 : vector<16xi32>
        %and3A_1366 = arith.constant 31 : i32
        %and3A_1367 = vector.broadcast %and3A_1366 : i32 to vector<16xi32>
        %and3A_1368 = arith.andi %add3A_1365, %and3A_1367 : vector<16xi32>
        %gather3A_1369 = tpu.vector_load_idx %arg7[%add3A_348, %and3A_1368] : memref<800x32xf32, #tpu.memory_space<vmem>>[vector<16xi32>, vector<16xi32>], vector<16xf32>,
        %gather3A_1370 = tpu.vector_load_idx %arg7[%add3A_365, %and3A_1368] : memref<800x32xf32, #tpu.memory_space<vmem>>[vector<16xi32>, vector<16xi32>], vector<16xf32>,
        %sub3A_1371 = arith.subf %gather3A_1369, %gather3A_1370 : vector<16xf32>
        %mul3A_1372 = arith.mulf %sub3A_1371, %sub3A_1371 : vector<16xf32>
        %add3A_1373 = arith.addf %add3A_1342, %mul3A_1372 : vector<16xf32>
        %mul3A_1374 = arith.mulf %gather3A_1370, %gather3A_1370 : vector<16xf32>
        %add3A_1375 = arith.addf %add3A_1344, %mul3A_1374 : vector<16xf32>
        %gather3A_1376 = tpu.vector_load_idx %arg7[%add3A_372, %and3A_1368] : memref<800x32xf32, #tpu.memory_space<vmem>>[vector<16xi32>, vector<16xi32>], vector<16xf32>,
        %sub3A_1377 = arith.subf %gather3A_1369, %gather3A_1376 : vector<16xf32>
        %mul3A_1378 = arith.mulf %sub3A_1377, %sub3A_1377 : vector<16xf32>
        %add3A_1379 = arith.addf %add3A_1348, %mul3A_1378 : vector<16xf32>
        %mul3A_1380 = arith.mulf %gather3A_1376, %gather3A_1376 : vector<16xf32>
        %add3A_1381 = arith.addf %add3A_1350, %mul3A_1380 : vector<16xf32>
        %gather3A_1382 = tpu.vector_load_idx %arg7[%add3A_379, %and3A_1368] : memref<800x32xf32, #tpu.memory_space<vmem>>[vector<16xi32>, vector<16xi32>], vector<16xf32>,
        %sub3A_1383 = arith.subf %gather3A_1369, %gather3A_1382 : vector<16xf32>
        %mul3A_1384 = arith.mulf %sub3A_1383, %sub3A_1383 : vector<16xf32>
        %add3A_1385 = arith.addf %add3A_1354, %mul3A_1384 : vector<16xf32>
        %mul3A_1386 = arith.mulf %gather3A_1382, %gather3A_1382 : vector<16xf32>
        %add3A_1387 = arith.addf %add3A_1356, %mul3A_1386 : vector<16xf32>
        %gather3A_1388 = tpu.vector_load_idx %arg7[%add3A_386, %and3A_1368] : memref<800x32xf32, #tpu.memory_space<vmem>>[vector<16xi32>, vector<16xi32>], vector<16xf32>,
        %sub3A_1389 = arith.subf %gather3A_1369, %gather3A_1388 : vector<16xf32>
        %mul3A_1390 = arith.mulf %sub3A_1389, %sub3A_1389 : vector<16xf32>
        %add3A_1391 = arith.addf %add3A_1360, %mul3A_1390 : vector<16xf32>
        %mul3A_1392 = arith.mulf %gather3A_1388, %gather3A_1388 : vector<16xf32>
        %add3A_1393 = arith.addf %add3A_1362, %mul3A_1392 : vector<16xf32>
        %broadcast_in_dim3A_1394 = arith.constant 0 : i32
        %broadcast_in_dim3A_1395 = vector.broadcast %broadcast_in_dim3A_1394 : i32 to vector<16xi32>
        %mul3A_1396 = arith.constant 49 : i32
        %mul3A_1397 = arith.muli %scan3A_343, %mul3A_1396 : i32
        %add3A_1398 = vector.broadcast %mul3A_1397 : i32 to vector<16xi32>
        %add3A_1399 = arith.addi %broadcast_in_dim3A_1395, %add3A_1398 : vector<16xi32>
        %add3A_1400 = arith.addf %add3A_1373, %add3A_1373 : vector<16xf32>
        %sub3A_1401 = arith.constant 1.000000e+00 : f32
        %sub3A_1402 = vector.broadcast %sub3A_1401 : f32 to vector<16xf32>
        %sub3A_1403 = arith.subf %sub3A_1402, %add3A_1375 : vector<16xf32>
        %mul3A_1404 = vector.broadcast %sub3A_359 : f32 to vector<16xf32>
        %mul3A_1405 = arith.mulf %mul3A_1404, %sub3A_1403 : vector<16xf32>
        %div3A = arith.divf %add3A_1400, %mul3A_1405 : vector<16xf32>
        %add3A_1406 = arith.constant 1.000000e+00 : f32
        %add3A_1407 = vector.broadcast %add3A_1406 : f32 to vector<16xf32>
        %add3A_1408 = arith.addf %add3A_1407, %div3A : vector<16xf32>
        %add3A_1409 = arith.constant 1.000000e-07 : f32
        %add3A_1410 = vector.broadcast %add3A_1409 : f32 to vector<16xf32>
        %add3A_1411 = arith.addf %add3A_1408, %add3A_1410 : vector<16xf32>
        %add3A_1412 = arith.constant 0 : i32
        %add3A_1413 = vector.broadcast %add3A_1412 : i32 to vector<16xi32>
        %add3A_1414 = arith.addi %iota3A, %add3A_1413 : vector<16xi32>
        %add3A_1415 = arith.addi %add3A_1399, %add3A_1414 : vector<16xi32>
        tpu.vector_store_idx %arg9[%add3A_1415], %add3A_1411 : memref<784xf32, #tpu.memory_space<vmem>>[vector<16xi32>], vector<16xf32>,
        %add3A_1416 = arith.addf %add3A_1379, %add3A_1379 : vector<16xf32>
        %sub3A_1417 = arith.constant 1.000000e+00 : f32
        %sub3A_1418 = vector.broadcast %sub3A_1417 : f32 to vector<16xf32>
        %sub3A_1419 = arith.subf %sub3A_1418, %add3A_1381 : vector<16xf32>
        %mul3A_1420 = vector.broadcast %sub3A_359 : f32 to vector<16xf32>
        %mul3A_1421 = arith.mulf %mul3A_1420, %sub3A_1419 : vector<16xf32>
        %div3A_1422 = arith.divf %add3A_1416, %mul3A_1421 : vector<16xf32>
        %add3A_1423 = arith.constant 1.000000e+00 : f32
        %add3A_1424 = vector.broadcast %add3A_1423 : f32 to vector<16xf32>
        %add3A_1425 = arith.addf %add3A_1424, %div3A_1422 : vector<16xf32>
        %add3A_1426 = arith.constant 1.000000e-07 : f32
        %add3A_1427 = vector.broadcast %add3A_1426 : f32 to vector<16xf32>
        %add3A_1428 = arith.addf %add3A_1425, %add3A_1427 : vector<16xf32>
        %add3A_1429 = arith.constant 16 : i32
        %add3A_1430 = vector.broadcast %add3A_1429 : i32 to vector<16xi32>
        %add3A_1431 = arith.addi %iota3A, %add3A_1430 : vector<16xi32>
        %add3A_1432 = arith.addi %add3A_1399, %add3A_1431 : vector<16xi32>
        tpu.vector_store_idx %arg9[%add3A_1432], %add3A_1428 : memref<784xf32, #tpu.memory_space<vmem>>[vector<16xi32>], vector<16xf32>,
        %add3A_1433 = arith.addf %add3A_1385, %add3A_1385 : vector<16xf32>
        %sub3A_1434 = arith.constant 1.000000e+00 : f32
        %sub3A_1435 = vector.broadcast %sub3A_1434 : f32 to vector<16xf32>
        %sub3A_1436 = arith.subf %sub3A_1435, %add3A_1387 : vector<16xf32>
        %mul3A_1437 = vector.broadcast %sub3A_359 : f32 to vector<16xf32>
        %mul3A_1438 = arith.mulf %mul3A_1437, %sub3A_1436 : vector<16xf32>
        %div3A_1439 = arith.divf %add3A_1433, %mul3A_1438 : vector<16xf32>
        %add3A_1440 = arith.constant 1.000000e+00 : f32
        %add3A_1441 = vector.broadcast %add3A_1440 : f32 to vector<16xf32>
        %add3A_1442 = arith.addf %add3A_1441, %div3A_1439 : vector<16xf32>
        %add3A_1443 = arith.constant 1.000000e-07 : f32
        %add3A_1444 = vector.broadcast %add3A_1443 : f32 to vector<16xf32>
        %add3A_1445 = arith.addf %add3A_1442, %add3A_1444 : vector<16xf32>
        %add3A_1446 = arith.constant 32 : i32
        %add3A_1447 = vector.broadcast %add3A_1446 : i32 to vector<16xi32>
        %add3A_1448 = arith.addi %iota3A, %add3A_1447 : vector<16xi32>
        %add3A_1449 = arith.addi %add3A_1399, %add3A_1448 : vector<16xi32>
        tpu.vector_store_idx %arg9[%add3A_1449], %add3A_1445 : memref<784xf32, #tpu.memory_space<vmem>>[vector<16xi32>], vector<16xf32>,
        %add3A_1450 = arith.addf %add3A_1391, %add3A_1391 : vector<16xf32>
        %sub3A_1451 = arith.constant 1.000000e+00 : f32
        %sub3A_1452 = vector.broadcast %sub3A_1451 : f32 to vector<16xf32>
        %sub3A_1453 = arith.subf %sub3A_1452, %add3A_1393 : vector<16xf32>
        %mul3A_1454 = vector.broadcast %sub3A_359 : f32 to vector<16xf32>
        %mul3A_1455 = arith.mulf %mul3A_1454, %sub3A_1453 : vector<16xf32>
        %div3A_1456 = arith.divf %add3A_1450, %mul3A_1455 : vector<16xf32>
        %add3A_1457 = arith.constant 1.000000e+00 : f32
        %add3A_1458 = vector.broadcast %add3A_1457 : f32 to vector<16xf32>
        %add3A_1459 = arith.addf %add3A_1458, %div3A_1456 : vector<16xf32>
        %add3A_1460 = arith.constant 1.000000e-07 : f32
        %add3A_1461 = vector.broadcast %add3A_1460 : f32 to vector<16xf32>
        %add3A_1462 = arith.addf %add3A_1459, %add3A_1461 : vector<16xf32>
        %add3A_1463 = arith.constant 48 : i32
        %add3A_1464 = vector.broadcast %add3A_1463 : i32 to vector<16xi32>
        %add3A_1465 = arith.addi %iota3A, %add3A_1464 : vector<16xi32>
        %lt3A_1466 = arith.constant 49 : i32
        %lt3A_1467 = vector.broadcast %lt3A_1466 : i32 to vector<16xi32>
        %lt3A_1468 = arith.cmpi slt, %add3A_1465, %lt3A_1467 : vector<16xi32>
        %add3A_1469 = arith.addi %add3A_1399, %add3A_1465 : vector<16xi32>
        tpu.vector_store_idx %arg9[%add3A_1469], %add3A_1462 masked %lt3A_1468 : memref<784xf32, #tpu.memory_space<vmem>>[vector<16xi32>], vector<16xf32>, vector<16xi1>
      }
      %scan3A_219 = arith.constant 16 : i32
      %mul3A_220 = arith.constant 16 : i32
      %mul3A_221 = arith.muli %add3A_118, %mul3A_220 : i32
      %add3A_222 = arith.addi %mul3A_2, %mul3A_221 : i32
      %mul3A_223 = arith.constant 49 : i32
      %mul3A_224 = arith.muli %add3A_222, %mul3A_223 : i32
      %dma_start3A_225 = tpu.memref_slice %arg4[%mul3A_224] : memref<802816xf32, #tpu.memory_space<hbm>> -> memref<784xf32, #tpu.memory_space<hbm>>
      %dma_start3A_226 = tpu.memref_slice %arg4[%mul3A_224] : memref<802816xf32, #tpu.memory_space<hbm>> -> memref<784xf32, #tpu.memory_space<hbm>>
      tpu.enqueue_dma source(%arg9 : memref<784xf32, #tpu.memory_space<vmem>>) target(%dma_start3A_226 : memref<784xf32, #tpu.memory_space<hbm>>) target_semaphore(%arg15 : memref<!tpu.dma_semaphore, #tpu.memory_space<semaphore_mem>>)
      %mul3A_227 = arith.constant 2 : i32
      %mul3A_228 = arith.muli %mul3A_227, %scan3A_114 : i32
      %add3A_229 = arith.constant 1 : i32
      %add3A_230 = arith.addi %mul3A_228, %add3A_229 : i32
      %dma_wait3A_231 = arith.constant 0 : i32
      %dma_wait3A_232 = arith.constant 0 : i32
      %dma_wait3A_233 = tpu.memref_slice %arg8[%dma_wait3A_231, %dma_wait3A_232] : memref<800x32xf32, #tpu.memory_space<vmem>> -> memref<80x32xf32, #tpu.memory_space<vmem>>
      %dma_wait3A_234 = arith.constant 0 : i32
      %dma_wait3A_235 = tpu.memref_slice %arg6[%dma_wait3A_234] : memref<800xi32, #tpu.memory_space<vmem>> -> memref<80xi32, #tpu.memory_space<vmem>>
      %dma_wait3A_236 = arith.constant 0 : i32
      %dma_wait3A_237 = arith.constant 0 : i32
      %dma_wait3A_238 = tpu.memref_slice %arg3[%dma_wait3A_236, %dma_wait3A_237] : memref<1007616x32xf32, #tpu.memory_space<hbm>> -> memref<1007616x32xf32, #tpu.memory_space<hbm>>
      tpu.wait_indirect_dma semaphore(%arg14 : memref<!tpu.dma_semaphore, #tpu.memory_space<semaphore_mem>>) src(%dma_wait3A_238 : memref<1007616x32xf32, #tpu.memory_space<hbm>>) dst(%dma_wait3A_233 : memref<80x32xf32, #tpu.memory_space<vmem>>)
      %dma_wait3A_239 = arith.constant 80 : i32
      %dma_wait3A_240 = arith.constant 0 : i32
      %dma_wait3A_241 = tpu.memref_slice %arg8[%dma_wait3A_239, %dma_wait3A_240] : memref<800x32xf32, #tpu.memory_space<vmem>> -> memref<80x32xf32, #tpu.memory_space<vmem>>
      %dma_wait3A_242 = arith.constant 80 : i32
      %dma_wait3A_243 = tpu.memref_slice %arg6[%dma_wait3A_242] : memref<800xi32, #tpu.memory_space<vmem>> -> memref<80xi32, #tpu.memory_space<vmem>>
      %dma_wait3A_244 = arith.constant 0 : i32
      %dma_wait3A_245 = arith.constant 0 : i32
      %dma_wait3A_246 = tpu.memref_slice %arg3[%dma_wait3A_244, %dma_wait3A_245] : memref<1007616x32xf32, #tpu.memory_space<hbm>> -> memref<1007616x32xf32, #tpu.memory_space<hbm>>
      tpu.wait_indirect_dma semaphore(%arg14 : memref<!tpu.dma_semaphore, #tpu.memory_space<semaphore_mem>>) src(%dma_wait3A_246 : memref<1007616x32xf32, #tpu.memory_space<hbm>>) dst(%dma_wait3A_241 : memref<80x32xf32, #tpu.memory_space<vmem>>)
      %dma_wait3A_247 = arith.constant 160 : i32
      %dma_wait3A_248 = arith.constant 0 : i32
      %dma_wait3A_249 = tpu.memref_slice %arg8[%dma_wait3A_247, %dma_wait3A_248] : memref<800x32xf32, #tpu.memory_space<vmem>> -> memref<80x32xf32, #tpu.memory_space<vmem>>
      %dma_wait3A_250 = arith.constant 160 : i32
      %dma_wait3A_251 = tpu.memref_slice %arg6[%dma_wait3A_250] : memref<800xi32, #tpu.memory_space<vmem>> -> memref<80xi32, #tpu.memory_space<vmem>>
      %dma_wait3A_252 = arith.constant 0 : i32
      %dma_wait3A_253 = arith.constant 0 : i32
      %dma_wait3A_254 = tpu.memref_slice %arg3[%dma_wait3A_252, %dma_wait3A_253] : memref<1007616x32xf32, #tpu.memory_space<hbm>> -> memref<1007616x32xf32, #tpu.memory_space<hbm>>
      tpu.wait_indirect_dma semaphore(%arg14 : memref<!tpu.dma_semaphore, #tpu.memory_space<semaphore_mem>>) src(%dma_wait3A_254 : memref<1007616x32xf32, #tpu.memory_space<hbm>>) dst(%dma_wait3A_249 : memref<80x32xf32, #tpu.memory_space<vmem>>)
      %dma_wait3A_255 = arith.constant 240 : i32
      %dma_wait3A_256 = arith.constant 0 : i32
      %dma_wait3A_257 = tpu.memref_slice %arg8[%dma_wait3A_255, %dma_wait3A_256] : memref<800x32xf32, #tpu.memory_space<vmem>> -> memref<80x32xf32, #tpu.memory_space<vmem>>
      %dma_wait3A_258 = arith.constant 240 : i32
      %dma_wait3A_259 = tpu.memref_slice %arg6[%dma_wait3A_258] : memref<800xi32, #tpu.memory_space<vmem>> -> memref<80xi32, #tpu.memory_space<vmem>>
      %dma_wait3A_260 = arith.constant 0 : i32
      %dma_wait3A_261 = arith.constant 0 : i32
      %dma_wait3A_262 = tpu.memref_slice %arg3[%dma_wait3A_260, %dma_wait3A_261] : memref<1007616x32xf32, #tpu.memory_space<hbm>> -> memref<1007616x32xf32, #tpu.memory_space<hbm>>
      tpu.wait_indirect_dma semaphore(%arg14 : memref<!tpu.dma_semaphore, #tpu.memory_space<semaphore_mem>>) src(%dma_wait3A_262 : memref<1007616x32xf32, #tpu.memory_space<hbm>>) dst(%dma_wait3A_257 : memref<80x32xf32, #tpu.memory_space<vmem>>)
      %dma_wait3A_263 = arith.constant 320 : i32
      %dma_wait3A_264 = arith.constant 0 : i32
      %dma_wait3A_265 = tpu.memref_slice %arg8[%dma_wait3A_263, %dma_wait3A_264] : memref<800x32xf32, #tpu.memory_space<vmem>> -> memref<80x32xf32, #tpu.memory_space<vmem>>
      %dma_wait3A_266 = arith.constant 320 : i32
      %dma_wait3A_267 = tpu.memref_slice %arg6[%dma_wait3A_266] : memref<800xi32, #tpu.memory_space<vmem>> -> memref<80xi32, #tpu.memory_space<vmem>>
      %dma_wait3A_268 = arith.constant 0 : i32
      %dma_wait3A_269 = arith.constant 0 : i32
      %dma_wait3A_270 = tpu.memref_slice %arg3[%dma_wait3A_268, %dma_wait3A_269] : memref<1007616x32xf32, #tpu.memory_space<hbm>> -> memref<1007616x32xf32, #tpu.memory_space<hbm>>
      tpu.wait_indirect_dma semaphore(%arg14 : memref<!tpu.dma_semaphore, #tpu.memory_space<semaphore_mem>>) src(%dma_wait3A_270 : memref<1007616x32xf32, #tpu.memory_space<hbm>>) dst(%dma_wait3A_265 : memref<80x32xf32, #tpu.memory_space<vmem>>)
      %dma_wait3A_271 = arith.constant 400 : i32
      %dma_wait3A_272 = arith.constant 0 : i32
      %dma_wait3A_273 = tpu.memref_slice %arg8[%dma_wait3A_271, %dma_wait3A_272] : memref<800x32xf32, #tpu.memory_space<vmem>> -> memref<80x32xf32, #tpu.memory_space<vmem>>
      %dma_wait3A_274 = arith.constant 400 : i32
      %dma_wait3A_275 = tpu.memref_slice %arg6[%dma_wait3A_274] : memref<800xi32, #tpu.memory_space<vmem>> -> memref<80xi32, #tpu.memory_space<vmem>>
      %dma_wait3A_276 = arith.constant 0 : i32
      %dma_wait3A_277 = arith.constant 0 : i32
      %dma_wait3A_278 = tpu.memref_slice %arg3[%dma_wait3A_276, %dma_wait3A_277] : memref<1007616x32xf32, #tpu.memory_space<hbm>> -> memref<1007616x32xf32, #tpu.memory_space<hbm>>
      tpu.wait_indirect_dma semaphore(%arg14 : memref<!tpu.dma_semaphore, #tpu.memory_space<semaphore_mem>>) src(%dma_wait3A_278 : memref<1007616x32xf32, #tpu.memory_space<hbm>>) dst(%dma_wait3A_273 : memref<80x32xf32, #tpu.memory_space<vmem>>)
      %dma_wait3A_279 = arith.constant 480 : i32
      %dma_wait3A_280 = arith.constant 0 : i32
      %dma_wait3A_281 = tpu.memref_slice %arg8[%dma_wait3A_279, %dma_wait3A_280] : memref<800x32xf32, #tpu.memory_space<vmem>> -> memref<80x32xf32, #tpu.memory_space<vmem>>
      %dma_wait3A_282 = arith.constant 480 : i32
      %dma_wait3A_283 = tpu.memref_slice %arg6[%dma_wait3A_282] : memref<800xi32, #tpu.memory_space<vmem>> -> memref<80xi32, #tpu.memory_space<vmem>>
      %dma_wait3A_284 = arith.constant 0 : i32
      %dma_wait3A_285 = arith.constant 0 : i32
      %dma_wait3A_286 = tpu.memref_slice %arg3[%dma_wait3A_284, %dma_wait3A_285] : memref<1007616x32xf32, #tpu.memory_space<hbm>> -> memref<1007616x32xf32, #tpu.memory_space<hbm>>
      tpu.wait_indirect_dma semaphore(%arg14 : memref<!tpu.dma_semaphore, #tpu.memory_space<semaphore_mem>>) src(%dma_wait3A_286 : memref<1007616x32xf32, #tpu.memory_space<hbm>>) dst(%dma_wait3A_281 : memref<80x32xf32, #tpu.memory_space<vmem>>)
      %dma_wait3A_287 = arith.constant 560 : i32
      %dma_wait3A_288 = arith.constant 0 : i32
      %dma_wait3A_289 = tpu.memref_slice %arg8[%dma_wait3A_287, %dma_wait3A_288] : memref<800x32xf32, #tpu.memory_space<vmem>> -> memref<80x32xf32, #tpu.memory_space<vmem>>
      %dma_wait3A_290 = arith.constant 560 : i32
      %dma_wait3A_291 = tpu.memref_slice %arg6[%dma_wait3A_290] : memref<800xi32, #tpu.memory_space<vmem>> -> memref<80xi32, #tpu.memory_space<vmem>>
      %dma_wait3A_292 = arith.constant 0 : i32
      %dma_wait3A_293 = arith.constant 0 : i32
      %dma_wait3A_294 = tpu.memref_slice %arg3[%dma_wait3A_292, %dma_wait3A_293] : memref<1007616x32xf32, #tpu.memory_space<hbm>> -> memref<1007616x32xf32, #tpu.memory_space<hbm>>
      tpu.wait_indirect_dma semaphore(%arg14 : memref<!tpu.dma_semaphore, #tpu.memory_space<semaphore_mem>>) src(%dma_wait3A_294 : memref<1007616x32xf32, #tpu.memory_space<hbm>>) dst(%dma_wait3A_289 : memref<80x32xf32, #tpu.memory_space<vmem>>)
      %dma_wait3A_295 = arith.constant 640 : i32
      %dma_wait3A_296 = arith.constant 0 : i32
      %dma_wait3A_297 = tpu.memref_slice %arg8[%dma_wait3A_295, %dma_wait3A_296] : memref<800x32xf32, #tpu.memory_space<vmem>> -> memref<80x32xf32, #tpu.memory_space<vmem>>
      %dma_wait3A_298 = arith.constant 640 : i32
      %dma_wait3A_299 = tpu.memref_slice %arg6[%dma_wait3A_298] : memref<800xi32, #tpu.memory_space<vmem>> -> memref<80xi32, #tpu.memory_space<vmem>>
      %dma_wait3A_300 = arith.constant 0 : i32
      %dma_wait3A_301 = arith.constant 0 : i32
      %dma_wait3A_302 = tpu.memref_slice %arg3[%dma_wait3A_300, %dma_wait3A_301] : memref<1007616x32xf32, #tpu.memory_space<hbm>> -> memref<1007616x32xf32, #tpu.memory_space<hbm>>
      tpu.wait_indirect_dma semaphore(%arg14 : memref<!tpu.dma_semaphore, #tpu.memory_space<semaphore_mem>>) src(%dma_wait3A_302 : memref<1007616x32xf32, #tpu.memory_space<hbm>>) dst(%dma_wait3A_297 : memref<80x32xf32, #tpu.memory_space<vmem>>)
      %dma_wait3A_303 = arith.constant 720 : i32
      %dma_wait3A_304 = arith.constant 0 : i32
      %dma_wait3A_305 = tpu.memref_slice %arg8[%dma_wait3A_303, %dma_wait3A_304] : memref<800x32xf32, #tpu.memory_space<vmem>> -> memref<80x32xf32, #tpu.memory_space<vmem>>
      %dma_wait3A_306 = arith.constant 720 : i32
      %dma_wait3A_307 = tpu.memref_slice %arg6[%dma_wait3A_306] : memref<800xi32, #tpu.memory_space<vmem>> -> memref<80xi32, #tpu.memory_space<vmem>>
      %dma_wait3A_308 = arith.constant 0 : i32
      %dma_wait3A_309 = arith.constant 0 : i32
      %dma_wait3A_310 = tpu.memref_slice %arg3[%dma_wait3A_308, %dma_wait3A_309] : memref<1007616x32xf32, #tpu.memory_space<hbm>> -> memref<1007616x32xf32, #tpu.memory_space<hbm>>
      tpu.wait_indirect_dma semaphore(%arg14 : memref<!tpu.dma_semaphore, #tpu.memory_space<semaphore_mem>>) src(%dma_wait3A_310 : memref<1007616x32xf32, #tpu.memory_space<hbm>>) dst(%dma_wait3A_305 : memref<80x32xf32, #tpu.memory_space<vmem>>)
      %add3A_311 = arith.constant 1 : i32
      %add3A_312 = arith.addi %add3A_230, %add3A_311 : i32
      %lt3A_313 = arith.constant 32 : i32
      %lt3A_314 = arith.cmpi slt, %add3A_312, %lt3A_313 : i32
      %convert_element_type3A_315 = arith.extui %lt3A_314 : i1 to i32
      %cond3A_316 = arith.constant 0 : i32
      %cond3A_317 = arith.cmpi ne, %convert_element_type3A_315, %cond3A_316 : i32
      scf.if %cond3A_317 {
        %add3A_343 = arith.constant 1 : i32
        %add3A_344 = arith.addi %add3A_230, %add3A_343 : i32
        %mul3A_345 = arith.constant 16 : i32
        %mul3A_346 = arith.muli %add3A_344, %mul3A_345 : i32
        %add3A_347 = arith.addi %mul3A_2, %mul3A_346 : i32
        %mul3A_348 = arith.constant 50 : i32
        %mul3A_349 = arith.muli %add3A_347, %mul3A_348 : i32
        %dma_wait3A_350 = tpu.memref_slice %arg2[%mul3A_349] : memref<819200xi32, #tpu.memory_space<hbm>> -> memref<800xi32, #tpu.memory_space<hbm>>
        %dma_wait3A_351 = tpu.memref_slice %arg2[%mul3A_349] : memref<819200xi32, #tpu.memory_space<hbm>> -> memref<800xi32, #tpu.memory_space<hbm>>
        tpu.wait_dma2 semaphore(%arg11 : memref<!tpu.dma_semaphore, #tpu.memory_space<semaphore_mem>>) src(%dma_wait3A_351 : memref<800xi32, #tpu.memory_space<hbm>>) dst(%arg5 : memref<800xi32, #tpu.memory_space<vmem>>)
        %dma_start3A_352 = arith.constant 0 : i32
        %dma_start3A_353 = arith.constant 0 : i32
        %dma_start3A_354 = tpu.memref_slice %arg7[%dma_start3A_352, %dma_start3A_353] : memref<800x32xf32, #tpu.memory_space<vmem>> -> memref<80x32xf32, #tpu.memory_space<vmem>>
        %dma_start3A_355 = arith.constant 0 : i32
        %dma_start3A_356 = tpu.memref_slice %arg5[%dma_start3A_355] : memref<800xi32, #tpu.memory_space<vmem>> -> memref<80xi32, #tpu.memory_space<vmem>>
        %dma_start3A_357 = arith.constant 0 : i32
        %dma_start3A_358 = arith.constant 0 : i32
        %dma_start3A_359 = tpu.memref_slice %arg3[%dma_start3A_357, %dma_start3A_358] : memref<1007616x32xf32, #tpu.memory_space<hbm>> -> memref<1007616x32xf32, #tpu.memory_space<hbm>>
        tpu.enqueue_indirect_dma source(%dma_start3A_359 : memref<1007616x32xf32, #tpu.memory_space<hbm>>) target(%dma_start3A_354 : memref<80x32xf32, #tpu.memory_space<vmem>>) offsets(%dma_start3A_356 : memref<80xi32, #tpu.memory_space<vmem>>) semaphore(%arg13 : memref<!tpu.dma_semaphore, #tpu.memory_space<semaphore_mem>>)
        %dma_start3A_360 = arith.constant 80 : i32
        %dma_start3A_361 = arith.constant 0 : i32
        %dma_start3A_362 = tpu.memref_slice %arg7[%dma_start3A_360, %dma_start3A_361] : memref<800x32xf32, #tpu.memory_space<vmem>> -> memref<80x32xf32, #tpu.memory_space<vmem>>
        %dma_start3A_363 = arith.constant 80 : i32
        %dma_start3A_364 = tpu.memref_slice %arg5[%dma_start3A_363] : memref<800xi32, #tpu.memory_space<vmem>> -> memref<80xi32, #tpu.memory_space<vmem>>
        %dma_start3A_365 = arith.constant 0 : i32
        %dma_start3A_366 = arith.constant 0 : i32
        %dma_start3A_367 = tpu.memref_slice %arg3[%dma_start3A_365, %dma_start3A_366] : memref<1007616x32xf32, #tpu.memory_space<hbm>> -> memref<1007616x32xf32, #tpu.memory_space<hbm>>
        tpu.enqueue_indirect_dma source(%dma_start3A_367 : memref<1007616x32xf32, #tpu.memory_space<hbm>>) target(%dma_start3A_362 : memref<80x32xf32, #tpu.memory_space<vmem>>) offsets(%dma_start3A_364 : memref<80xi32, #tpu.memory_space<vmem>>) semaphore(%arg13 : memref<!tpu.dma_semaphore, #tpu.memory_space<semaphore_mem>>)
        %dma_start3A_368 = arith.constant 160 : i32
        %dma_start3A_369 = arith.constant 0 : i32
        %dma_start3A_370 = tpu.memref_slice %arg7[%dma_start3A_368, %dma_start3A_369] : memref<800x32xf32, #tpu.memory_space<vmem>> -> memref<80x32xf32, #tpu.memory_space<vmem>>
        %dma_start3A_371 = arith.constant 160 : i32
        %dma_start3A_372 = tpu.memref_slice %arg5[%dma_start3A_371] : memref<800xi32, #tpu.memory_space<vmem>> -> memref<80xi32, #tpu.memory_space<vmem>>
        %dma_start3A_373 = arith.constant 0 : i32
        %dma_start3A_374 = arith.constant 0 : i32
        %dma_start3A_375 = tpu.memref_slice %arg3[%dma_start3A_373, %dma_start3A_374] : memref<1007616x32xf32, #tpu.memory_space<hbm>> -> memref<1007616x32xf32, #tpu.memory_space<hbm>>
        tpu.enqueue_indirect_dma source(%dma_start3A_375 : memref<1007616x32xf32, #tpu.memory_space<hbm>>) target(%dma_start3A_370 : memref<80x32xf32, #tpu.memory_space<vmem>>) offsets(%dma_start3A_372 : memref<80xi32, #tpu.memory_space<vmem>>) semaphore(%arg13 : memref<!tpu.dma_semaphore, #tpu.memory_space<semaphore_mem>>)
        %dma_start3A_376 = arith.constant 240 : i32
        %dma_start3A_377 = arith.constant 0 : i32
        %dma_start3A_378 = tpu.memref_slice %arg7[%dma_start3A_376, %dma_start3A_377] : memref<800x32xf32, #tpu.memory_space<vmem>> -> memref<80x32xf32, #tpu.memory_space<vmem>>
        %dma_start3A_379 = arith.constant 240 : i32
        %dma_start3A_380 = tpu.memref_slice %arg5[%dma_start3A_379] : memref<800xi32, #tpu.memory_space<vmem>> -> memref<80xi32, #tpu.memory_space<vmem>>
        %dma_start3A_381 = arith.constant 0 : i32
        %dma_start3A_382 = arith.constant 0 : i32
        %dma_start3A_383 = tpu.memref_slice %arg3[%dma_start3A_381, %dma_start3A_382] : memref<1007616x32xf32, #tpu.memory_space<hbm>> -> memref<1007616x32xf32, #tpu.memory_space<hbm>>
        tpu.enqueue_indirect_dma source(%dma_start3A_383 : memref<1007616x32xf32, #tpu.memory_space<hbm>>) target(%dma_start3A_378 : memref<80x32xf32, #tpu.memory_space<vmem>>) offsets(%dma_start3A_380 : memref<80xi32, #tpu.memory_space<vmem>>) semaphore(%arg13 : memref<!tpu.dma_semaphore, #tpu.memory_space<semaphore_mem>>)
        %dma_start3A_384 = arith.constant 320 : i32
        %dma_start3A_385 = arith.constant 0 : i32
        %dma_start3A_386 = tpu.memref_slice %arg7[%dma_start3A_384, %dma_start3A_385] : memref<800x32xf32, #tpu.memory_space<vmem>> -> memref<80x32xf32, #tpu.memory_space<vmem>>
        %dma_start3A_387 = arith.constant 320 : i32
        %dma_start3A_388 = tpu.memref_slice %arg5[%dma_start3A_387] : memref<800xi32, #tpu.memory_space<vmem>> -> memref<80xi32, #tpu.memory_space<vmem>>
        %dma_start3A_389 = arith.constant 0 : i32
        %dma_start3A_390 = arith.constant 0 : i32
        %dma_start3A_391 = tpu.memref_slice %arg3[%dma_start3A_389, %dma_start3A_390] : memref<1007616x32xf32, #tpu.memory_space<hbm>> -> memref<1007616x32xf32, #tpu.memory_space<hbm>>
        tpu.enqueue_indirect_dma source(%dma_start3A_391 : memref<1007616x32xf32, #tpu.memory_space<hbm>>) target(%dma_start3A_386 : memref<80x32xf32, #tpu.memory_space<vmem>>) offsets(%dma_start3A_388 : memref<80xi32, #tpu.memory_space<vmem>>) semaphore(%arg13 : memref<!tpu.dma_semaphore, #tpu.memory_space<semaphore_mem>>)
        %dma_start3A_392 = arith.constant 400 : i32
        %dma_start3A_393 = arith.constant 0 : i32
        %dma_start3A_394 = tpu.memref_slice %arg7[%dma_start3A_392, %dma_start3A_393] : memref<800x32xf32, #tpu.memory_space<vmem>> -> memref<80x32xf32, #tpu.memory_space<vmem>>
        %dma_start3A_395 = arith.constant 400 : i32
        %dma_start3A_396 = tpu.memref_slice %arg5[%dma_start3A_395] : memref<800xi32, #tpu.memory_space<vmem>> -> memref<80xi32, #tpu.memory_space<vmem>>
        %dma_start3A_397 = arith.constant 0 : i32
        %dma_start3A_398 = arith.constant 0 : i32
        %dma_start3A_399 = tpu.memref_slice %arg3[%dma_start3A_397, %dma_start3A_398] : memref<1007616x32xf32, #tpu.memory_space<hbm>> -> memref<1007616x32xf32, #tpu.memory_space<hbm>>
        tpu.enqueue_indirect_dma source(%dma_start3A_399 : memref<1007616x32xf32, #tpu.memory_space<hbm>>) target(%dma_start3A_394 : memref<80x32xf32, #tpu.memory_space<vmem>>) offsets(%dma_start3A_396 : memref<80xi32, #tpu.memory_space<vmem>>) semaphore(%arg13 : memref<!tpu.dma_semaphore, #tpu.memory_space<semaphore_mem>>)
        %dma_start3A_400 = arith.constant 480 : i32
        %dma_start3A_401 = arith.constant 0 : i32
        %dma_start3A_402 = tpu.memref_slice %arg7[%dma_start3A_400, %dma_start3A_401] : memref<800x32xf32, #tpu.memory_space<vmem>> -> memref<80x32xf32, #tpu.memory_space<vmem>>
        %dma_start3A_403 = arith.constant 480 : i32
        %dma_start3A_404 = tpu.memref_slice %arg5[%dma_start3A_403] : memref<800xi32, #tpu.memory_space<vmem>> -> memref<80xi32, #tpu.memory_space<vmem>>
        %dma_start3A_405 = arith.constant 0 : i32
        %dma_start3A_406 = arith.constant 0 : i32
        %dma_start3A_407 = tpu.memref_slice %arg3[%dma_start3A_405, %dma_start3A_406] : memref<1007616x32xf32, #tpu.memory_space<hbm>> -> memref<1007616x32xf32, #tpu.memory_space<hbm>>
        tpu.enqueue_indirect_dma source(%dma_start3A_407 : memref<1007616x32xf32, #tpu.memory_space<hbm>>) target(%dma_start3A_402 : memref<80x32xf32, #tpu.memory_space<vmem>>) offsets(%dma_start3A_404 : memref<80xi32, #tpu.memory_space<vmem>>) semaphore(%arg13 : memref<!tpu.dma_semaphore, #tpu.memory_space<semaphore_mem>>)
        %dma_start3A_408 = arith.constant 560 : i32
        %dma_start3A_409 = arith.constant 0 : i32
        %dma_start3A_410 = tpu.memref_slice %arg7[%dma_start3A_408, %dma_start3A_409] : memref<800x32xf32, #tpu.memory_space<vmem>> -> memref<80x32xf32, #tpu.memory_space<vmem>>
        %dma_start3A_411 = arith.constant 560 : i32
        %dma_start3A_412 = tpu.memref_slice %arg5[%dma_start3A_411] : memref<800xi32, #tpu.memory_space<vmem>> -> memref<80xi32, #tpu.memory_space<vmem>>
        %dma_start3A_413 = arith.constant 0 : i32
        %dma_start3A_414 = arith.constant 0 : i32
        %dma_start3A_415 = tpu.memref_slice %arg3[%dma_start3A_413, %dma_start3A_414] : memref<1007616x32xf32, #tpu.memory_space<hbm>> -> memref<1007616x32xf32, #tpu.memory_space<hbm>>
        tpu.enqueue_indirect_dma source(%dma_start3A_415 : memref<1007616x32xf32, #tpu.memory_space<hbm>>) target(%dma_start3A_410 : memref<80x32xf32, #tpu.memory_space<vmem>>) offsets(%dma_start3A_412 : memref<80xi32, #tpu.memory_space<vmem>>) semaphore(%arg13 : memref<!tpu.dma_semaphore, #tpu.memory_space<semaphore_mem>>)
        %dma_start3A_416 = arith.constant 640 : i32
        %dma_start3A_417 = arith.constant 0 : i32
        %dma_start3A_418 = tpu.memref_slice %arg7[%dma_start3A_416, %dma_start3A_417] : memref<800x32xf32, #tpu.memory_space<vmem>> -> memref<80x32xf32, #tpu.memory_space<vmem>>
        %dma_start3A_419 = arith.constant 640 : i32
        %dma_start3A_420 = tpu.memref_slice %arg5[%dma_start3A_419] : memref<800xi32, #tpu.memory_space<vmem>> -> memref<80xi32, #tpu.memory_space<vmem>>
        %dma_start3A_421 = arith.constant 0 : i32
        %dma_start3A_422 = arith.constant 0 : i32
        %dma_start3A_423 = tpu.memref_slice %arg3[%dma_start3A_421, %dma_start3A_422] : memref<1007616x32xf32, #tpu.memory_space<hbm>> -> memref<1007616x32xf32, #tpu.memory_space<hbm>>
        tpu.enqueue_indirect_dma source(%dma_start3A_423 : memref<1007616x32xf32, #tpu.memory_space<hbm>>) target(%dma_start3A_418 : memref<80x32xf32, #tpu.memory_space<vmem>>) offsets(%dma_start3A_420 : memref<80xi32, #tpu.memory_space<vmem>>) semaphore(%arg13 : memref<!tpu.dma_semaphore, #tpu.memory_space<semaphore_mem>>)
        %dma_start3A_424 = arith.constant 720 : i32
        %dma_start3A_425 = arith.constant 0 : i32
        %dma_start3A_426 = tpu.memref_slice %arg7[%dma_start3A_424, %dma_start3A_425] : memref<800x32xf32, #tpu.memory_space<vmem>> -> memref<80x32xf32, #tpu.memory_space<vmem>>
        %dma_start3A_427 = arith.constant 720 : i32
        %dma_start3A_428 = tpu.memref_slice %arg5[%dma_start3A_427] : memref<800xi32, #tpu.memory_space<vmem>> -> memref<80xi32, #tpu.memory_space<vmem>>
        %dma_start3A_429 = arith.constant 0 : i32
        %dma_start3A_430 = arith.constant 0 : i32
        %dma_start3A_431 = tpu.memref_slice %arg3[%dma_start3A_429, %dma_start3A_430] : memref<1007616x32xf32, #tpu.memory_space<hbm>> -> memref<1007616x32xf32, #tpu.memory_space<hbm>>
        tpu.enqueue_indirect_dma source(%dma_start3A_431 : memref<1007616x32xf32, #tpu.memory_space<hbm>>) target(%dma_start3A_426 : memref<80x32xf32, #tpu.memory_space<vmem>>) offsets(%dma_start3A_428 : memref<80xi32, #tpu.memory_space<vmem>>) semaphore(%arg13 : memref<!tpu.dma_semaphore, #tpu.memory_space<semaphore_mem>>)
      } else {
      }
      %add3A_318 = arith.constant 2 : i32
      %add3A_319 = arith.addi %add3A_230, %add3A_318 : i32
      %lt3A_320 = arith.constant 32 : i32
      %lt3A_321 = arith.cmpi slt, %add3A_319, %lt3A_320 : i32
      %convert_element_type3A_322 = arith.extui %lt3A_321 : i1 to i32
      %cond3A_323 = arith.constant 0 : i32
      %cond3A_324 = arith.cmpi ne, %convert_element_type3A_322, %cond3A_323 : i32
      scf.if %cond3A_324 {
        %add3A_343 = arith.constant 2 : i32
        %add3A_344 = arith.addi %add3A_230, %add3A_343 : i32
        %mul3A_345 = arith.constant 16 : i32
        %mul3A_346 = arith.muli %add3A_344, %mul3A_345 : i32
        %add3A_347 = arith.addi %mul3A_2, %mul3A_346 : i32
        %mul3A_348 = arith.constant 50 : i32
        %mul3A_349 = arith.muli %add3A_347, %mul3A_348 : i32
        %dma_start3A_350 = tpu.memref_slice %arg2[%mul3A_349] : memref<819200xi32, #tpu.memory_space<hbm>> -> memref<800xi32, #tpu.memory_space<hbm>>
        %dma_start3A_351 = tpu.memref_slice %arg2[%mul3A_349] : memref<819200xi32, #tpu.memory_space<hbm>> -> memref<800xi32, #tpu.memory_space<hbm>>
        tpu.enqueue_dma source(%dma_start3A_351 : memref<800xi32, #tpu.memory_space<hbm>>) target(%arg6 : memref<800xi32, #tpu.memory_space<vmem>>) target_semaphore(%arg12 : memref<!tpu.dma_semaphore, #tpu.memory_space<semaphore_mem>>)
      } else {
      }
      %ge3A_325 = arith.constant 2 : i32
      %ge3A_326 = arith.cmpi sge, %add3A_230, %ge3A_325 : i32
      %convert_element_type3A_327 = arith.extui %ge3A_326 : i1 to i32
      %cond3A_328 = arith.constant 0 : i32
      %cond3A_329 = arith.cmpi ne, %convert_element_type3A_327, %cond3A_328 : i32
      scf.if %cond3A_329 {
        %sub3A = arith.constant 2 : i32
        %sub3A_343 = arith.subi %add3A_230, %sub3A : i32
        %mul3A_344 = arith.constant 16 : i32
        %mul3A_345 = arith.muli %sub3A_343, %mul3A_344 : i32
        %add3A_346 = arith.addi %mul3A_2, %mul3A_345 : i32
        %mul3A_347 = arith.constant 49 : i32
        %mul3A_348 = arith.muli %add3A_346, %mul3A_347 : i32
        %dma_wait3A_349 = tpu.memref_slice %arg4[%mul3A_348] : memref<802816xf32, #tpu.memory_space<hbm>> -> memref<784xf32, #tpu.memory_space<hbm>>
        %dma_wait3A_350 = tpu.memref_slice %arg4[%mul3A_348] : memref<802816xf32, #tpu.memory_space<hbm>> -> memref<784xf32, #tpu.memory_space<hbm>>
        tpu.wait_dma2 semaphore(%arg16 : memref<!tpu.dma_semaphore, #tpu.memory_space<semaphore_mem>>) src(%arg10 : memref<784xf32, #tpu.memory_space<vmem>>) dst(%dma_wait3A_350 : memref<784xf32, #tpu.memory_space<hbm>>)
      } else {
      }
      %scan3A_330 = arith.constant 0 : i32
      %scan3A_331 = arith.constant 0 : i32
      %scan3A_332 = arith.constant 16 : i32
      %scan3A_333 = arith.addi %scan3A_331, %scan3A_332 : i32
      %scan3A_334 = arith.constant 1 : i32
      scf.for %scan3A_343 = %scan3A_331 to %scan3A_333 step %scan3A_334  : i32 {
        %mul3A_344 = arith.constant 50 : i32
        %mul3A_345 = arith.muli %scan3A_343, %mul3A_344 : i32
        %broadcast_in_dim3A = arith.constant 0 : i32
        %broadcast_in_dim3A_346 = vector.broadcast %broadcast_in_dim3A : i32 to vector<16xi32>
        %add3A_347 = vector.broadcast %mul3A_345 : i32 to vector<16xi32>
        %add3A_348 = arith.addi %broadcast_in_dim3A_346, %add3A_347 : vector<16xi32>
        %gather3A = tpu.vector_load_idx %arg8[%add3A_348, %iota3A] : memref<800x32xf32, #tpu.memory_space<vmem>>[vector<16xi32>, vector<16xi32>], vector<16xf32>,
        %add3A_349 = arith.constant 16 : i32
        %add3A_350 = vector.broadcast %add3A_349 : i32 to vector<16xi32>
        %add3A_351 = arith.addi %iota3A, %add3A_350 : vector<16xi32>
        %gather3A_352 = tpu.vector_load_idx %arg8[%add3A_348, %add3A_351] : memref<800x32xf32, #tpu.memory_space<vmem>>[vector<16xi32>, vector<16xi32>], vector<16xf32>,
        %mul3A_353 = arith.mulf %gather3A, %gather3A : vector<16xf32>
        %mul3A_354 = arith.mulf %gather3A_352, %gather3A_352 : vector<16xf32>
        %add3A_355 = arith.addf %mul3A_353, %mul3A_354 : vector<16xf32>
        %reduce_sum3A = arith.constant true
        %reduce_sum3A_356 = vector.broadcast %reduce_sum3A : i1 to vector<16xi1>
        %reduce_sum3A_357 = tpu.scan <sum>, %add3A_355 masked %reduce_sum3A_356 : vector<16xf32>, vector<16xi1> -> vector<16xf32>
        %reduce_sum3A_358 = vector.extract %reduce_sum3A_357[15] : f32 from vector<16xf32>
        %sub3A = arith.constant 1.000000e+00 : f32
        %sub3A_359 = arith.subf %sub3A, %reduce_sum3A_358 : f32
        %add3A_360 = arith.constant 1 : i32
        %add3A_361 = vector.broadcast %add3A_360 : i32 to vector<16xi32>
        %add3A_362 = arith.addi %iota3A, %add3A_361 : vector<16xi32>
        %min3A = arith.constant 49 : i32
        %min3A_363 = vector.broadcast %min3A : i32 to vector<16xi32>
        %min3A_364 = arith.minsi %add3A_362, %min3A_363 : vector<16xi32>
        %add3A_365 = arith.addi %add3A_348, %min3A_364 : vector<16xi32>
        %add3A_366 = arith.constant 17 : i32
        %add3A_367 = vector.broadcast %add3A_366 : i32 to vector<16xi32>
        %add3A_368 = arith.addi %iota3A, %add3A_367 : vector<16xi32>
        %min3A_369 = arith.constant 49 : i32
        %min3A_370 = vector.broadcast %min3A_369 : i32 to vector<16xi32>
        %min3A_371 = arith.minsi %add3A_368, %min3A_370 : vector<16xi32>
        %add3A_372 = arith.addi %add3A_348, %min3A_371 : vector<16xi32>
        %add3A_373 = arith.constant 33 : i32
        %add3A_374 = vector.broadcast %add3A_373 : i32 to vector<16xi32>
        %add3A_375 = arith.addi %iota3A, %add3A_374 : vector<16xi32>
        %min3A_376 = arith.constant 49 : i32
        %min3A_377 = vector.broadcast %min3A_376 : i32 to vector<16xi32>
        %min3A_378 = arith.minsi %add3A_375, %min3A_377 : vector<16xi32>
        %add3A_379 = arith.addi %add3A_348, %min3A_378 : vector<16xi32>
        %add3A_380 = arith.constant 49 : i32
        %add3A_381 = vector.broadcast %add3A_380 : i32 to vector<16xi32>
        %add3A_382 = arith.addi %iota3A, %add3A_381 : vector<16xi32>
        %min3A_383 = arith.constant 49 : i32
        %min3A_384 = vector.broadcast %min3A_383 : i32 to vector<16xi32>
        %min3A_385 = arith.minsi %add3A_382, %min3A_384 : vector<16xi32>
        %add3A_386 = arith.addi %add3A_348, %min3A_385 : vector<16xi32>
        %broadcast_in_dim3A_387 = arith.constant 0.000000e+00 : f32
        %broadcast_in_dim3A_388 = vector.broadcast %broadcast_in_dim3A_387 : f32 to vector<16xf32>
        %broadcast_in_dim3A_389 = arith.constant 0.000000e+00 : f32
        %broadcast_in_dim3A_390 = vector.broadcast %broadcast_in_dim3A_389 : f32 to vector<16xf32>
        %broadcast_in_dim3A_391 = arith.constant 0.000000e+00 : f32
        %broadcast_in_dim3A_392 = vector.broadcast %broadcast_in_dim3A_391 : f32 to vector<16xf32>
        %broadcast_in_dim3A_393 = arith.constant 0.000000e+00 : f32
        %broadcast_in_dim3A_394 = vector.broadcast %broadcast_in_dim3A_393 : f32 to vector<16xf32>
        %broadcast_in_dim3A_395 = arith.constant 0.000000e+00 : f32
        %broadcast_in_dim3A_396 = vector.broadcast %broadcast_in_dim3A_395 : f32 to vector<16xf32>
        %broadcast_in_dim3A_397 = arith.constant 0.000000e+00 : f32
        %broadcast_in_dim3A_398 = vector.broadcast %broadcast_in_dim3A_397 : f32 to vector<16xf32>
        %broadcast_in_dim3A_399 = arith.constant 0.000000e+00 : f32
        %broadcast_in_dim3A_400 = vector.broadcast %broadcast_in_dim3A_399 : f32 to vector<16xf32>
        %broadcast_in_dim3A_401 = arith.constant 0.000000e+00 : f32
        %broadcast_in_dim3A_402 = vector.broadcast %broadcast_in_dim3A_401 : f32 to vector<16xf32>
        %add3A_403 = arith.constant 0 : i32
        %add3A_404 = vector.broadcast %add3A_403 : i32 to vector<16xi32>
        %add3A_405 = arith.addi %iota3A, %add3A_404 : vector<16xi32>
        %and3A = arith.constant 31 : i32
        %and3A_406 = vector.broadcast %and3A : i32 to vector<16xi32>
        %and3A_407 = arith.andi %add3A_405, %and3A_406 : vector<16xi32>
        %gather3A_408 = tpu.vector_load_idx %arg8[%add3A_348, %and3A_407] : memref<800x32xf32, #tpu.memory_space<vmem>>[vector<16xi32>, vector<16xi32>], vector<16xf32>,
        %gather3A_409 = tpu.vector_load_idx %arg8[%add3A_365, %and3A_407] : memref<800x32xf32, #tpu.memory_space<vmem>>[vector<16xi32>, vector<16xi32>], vector<16xf32>,
        %sub3A_410 = arith.subf %gather3A_408, %gather3A_409 : vector<16xf32>
        %mul3A_411 = arith.mulf %sub3A_410, %sub3A_410 : vector<16xf32>
        %add3A_412 = arith.addf %broadcast_in_dim3A_388, %mul3A_411 : vector<16xf32>
        %mul3A_413 = arith.mulf %gather3A_409, %gather3A_409 : vector<16xf32>
        %add3A_414 = arith.addf %broadcast_in_dim3A_396, %mul3A_413 : vector<16xf32>
        %gather3A_415 = tpu.vector_load_idx %arg8[%add3A_372, %and3A_407] : memref<800x32xf32, #tpu.memory_space<vmem>>[vector<16xi32>, vector<16xi32>], vector<16xf32>,
        %sub3A_416 = arith.subf %gather3A_408, %gather3A_415 : vector<16xf32>
        %mul3A_417 = arith.mulf %sub3A_416, %sub3A_416 : vector<16xf32>
        %add3A_418 = arith.addf %broadcast_in_dim3A_390, %mul3A_417 : vector<16xf32>
        %mul3A_419 = arith.mulf %gather3A_415, %gather3A_415 : vector<16xf32>
        %add3A_420 = arith.addf %broadcast_in_dim3A_398, %mul3A_419 : vector<16xf32>
        %gather3A_421 = tpu.vector_load_idx %arg8[%add3A_379, %and3A_407] : memref<800x32xf32, #tpu.memory_space<vmem>>[vector<16xi32>, vector<16xi32>], vector<16xf32>,
        %sub3A_422 = arith.subf %gather3A_408, %gather3A_421 : vector<16xf32>
        %mul3A_423 = arith.mulf %sub3A_422, %sub3A_422 : vector<16xf32>
        %add3A_424 = arith.addf %broadcast_in_dim3A_392, %mul3A_423 : vector<16xf32>
        %mul3A_425 = arith.mulf %gather3A_421, %gather3A_421 : vector<16xf32>
        %add3A_426 = arith.addf %broadcast_in_dim3A_400, %mul3A_425 : vector<16xf32>
        %gather3A_427 = tpu.vector_load_idx %arg8[%add3A_386, %and3A_407] : memref<800x32xf32, #tpu.memory_space<vmem>>[vector<16xi32>, vector<16xi32>], vector<16xf32>,
        %sub3A_428 = arith.subf %gather3A_408, %gather3A_427 : vector<16xf32>
        %mul3A_429 = arith.mulf %sub3A_428, %sub3A_428 : vector<16xf32>
        %add3A_430 = arith.addf %broadcast_in_dim3A_394, %mul3A_429 : vector<16xf32>
        %mul3A_431 = arith.mulf %gather3A_427, %gather3A_427 : vector<16xf32>
        %add3A_432 = arith.addf %broadcast_in_dim3A_402, %mul3A_431 : vector<16xf32>
        %add3A_433 = arith.constant 1 : i32
        %add3A_434 = vector.broadcast %add3A_433 : i32 to vector<16xi32>
        %add3A_435 = arith.addi %iota3A, %add3A_434 : vector<16xi32>
        %and3A_436 = arith.constant 31 : i32
        %and3A_437 = vector.broadcast %and3A_436 : i32 to vector<16xi32>
        %and3A_438 = arith.andi %add3A_435, %and3A_437 : vector<16xi32>
        %gather3A_439 = tpu.vector_load_idx %arg8[%add3A_348, %and3A_438] : memref<800x32xf32, #tpu.memory_space<vmem>>[vector<16xi32>, vector<16xi32>], vector<16xf32>,
        %gather3A_440 = tpu.vector_load_idx %arg8[%add3A_365, %and3A_438] : memref<800x32xf32, #tpu.memory_space<vmem>>[vector<16xi32>, vector<16xi32>], vector<16xf32>,
        %sub3A_441 = arith.subf %gather3A_439, %gather3A_440 : vector<16xf32>
        %mul3A_442 = arith.mulf %sub3A_441, %sub3A_441 : vector<16xf32>
        %add3A_443 = arith.addf %add3A_412, %mul3A_442 : vector<16xf32>
        %mul3A_444 = arith.mulf %gather3A_440, %gather3A_440 : vector<16xf32>
        %add3A_445 = arith.addf %add3A_414, %mul3A_444 : vector<16xf32>
        %gather3A_446 = tpu.vector_load_idx %arg8[%add3A_372, %and3A_438] : memref<800x32xf32, #tpu.memory_space<vmem>>[vector<16xi32>, vector<16xi32>], vector<16xf32>,
        %sub3A_447 = arith.subf %gather3A_439, %gather3A_446 : vector<16xf32>
        %mul3A_448 = arith.mulf %sub3A_447, %sub3A_447 : vector<16xf32>
        %add3A_449 = arith.addf %add3A_418, %mul3A_448 : vector<16xf32>
        %mul3A_450 = arith.mulf %gather3A_446, %gather3A_446 : vector<16xf32>
        %add3A_451 = arith.addf %add3A_420, %mul3A_450 : vector<16xf32>
        %gather3A_452 = tpu.vector_load_idx %arg8[%add3A_379, %and3A_438] : memref<800x32xf32, #tpu.memory_space<vmem>>[vector<16xi32>, vector<16xi32>], vector<16xf32>,
        %sub3A_453 = arith.subf %gather3A_439, %gather3A_452 : vector<16xf32>
        %mul3A_454 = arith.mulf %sub3A_453, %sub3A_453 : vector<16xf32>
        %add3A_455 = arith.addf %add3A_424, %mul3A_454 : vector<16xf32>
        %mul3A_456 = arith.mulf %gather3A_452, %gather3A_452 : vector<16xf32>
        %add3A_457 = arith.addf %add3A_426, %mul3A_456 : vector<16xf32>
        %gather3A_458 = tpu.vector_load_idx %arg8[%add3A_386, %and3A_438] : memref<800x32xf32, #tpu.memory_space<vmem>>[vector<16xi32>, vector<16xi32>], vector<16xf32>,
        %sub3A_459 = arith.subf %gather3A_439, %gather3A_458 : vector<16xf32>
        %mul3A_460 = arith.mulf %sub3A_459, %sub3A_459 : vector<16xf32>
        %add3A_461 = arith.addf %add3A_430, %mul3A_460 : vector<16xf32>
        %mul3A_462 = arith.mulf %gather3A_458, %gather3A_458 : vector<16xf32>
        %add3A_463 = arith.addf %add3A_432, %mul3A_462 : vector<16xf32>
        %add3A_464 = arith.constant 2 : i32
        %add3A_465 = vector.broadcast %add3A_464 : i32 to vector<16xi32>
        %add3A_466 = arith.addi %iota3A, %add3A_465 : vector<16xi32>
        %and3A_467 = arith.constant 31 : i32
        %and3A_468 = vector.broadcast %and3A_467 : i32 to vector<16xi32>
        %and3A_469 = arith.andi %add3A_466, %and3A_468 : vector<16xi32>
        %gather3A_470 = tpu.vector_load_idx %arg8[%add3A_348, %and3A_469] : memref<800x32xf32, #tpu.memory_space<vmem>>[vector<16xi32>, vector<16xi32>], vector<16xf32>,
        %gather3A_471 = tpu.vector_load_idx %arg8[%add3A_365, %and3A_469] : memref<800x32xf32, #tpu.memory_space<vmem>>[vector<16xi32>, vector<16xi32>], vector<16xf32>,
        %sub3A_472 = arith.subf %gather3A_470, %gather3A_471 : vector<16xf32>
        %mul3A_473 = arith.mulf %sub3A_472, %sub3A_472 : vector<16xf32>
        %add3A_474 = arith.addf %add3A_443, %mul3A_473 : vector<16xf32>
        %mul3A_475 = arith.mulf %gather3A_471, %gather3A_471 : vector<16xf32>
        %add3A_476 = arith.addf %add3A_445, %mul3A_475 : vector<16xf32>
        %gather3A_477 = tpu.vector_load_idx %arg8[%add3A_372, %and3A_469] : memref<800x32xf32, #tpu.memory_space<vmem>>[vector<16xi32>, vector<16xi32>], vector<16xf32>,
        %sub3A_478 = arith.subf %gather3A_470, %gather3A_477 : vector<16xf32>
        %mul3A_479 = arith.mulf %sub3A_478, %sub3A_478 : vector<16xf32>
        %add3A_480 = arith.addf %add3A_449, %mul3A_479 : vector<16xf32>
        %mul3A_481 = arith.mulf %gather3A_477, %gather3A_477 : vector<16xf32>
        %add3A_482 = arith.addf %add3A_451, %mul3A_481 : vector<16xf32>
        %gather3A_483 = tpu.vector_load_idx %arg8[%add3A_379, %and3A_469] : memref<800x32xf32, #tpu.memory_space<vmem>>[vector<16xi32>, vector<16xi32>], vector<16xf32>,
        %sub3A_484 = arith.subf %gather3A_470, %gather3A_483 : vector<16xf32>
        %mul3A_485 = arith.mulf %sub3A_484, %sub3A_484 : vector<16xf32>
        %add3A_486 = arith.addf %add3A_455, %mul3A_485 : vector<16xf32>
        %mul3A_487 = arith.mulf %gather3A_483, %gather3A_483 : vector<16xf32>
        %add3A_488 = arith.addf %add3A_457, %mul3A_487 : vector<16xf32>
        %gather3A_489 = tpu.vector_load_idx %arg8[%add3A_386, %and3A_469] : memref<800x32xf32, #tpu.memory_space<vmem>>[vector<16xi32>, vector<16xi32>], vector<16xf32>,
        %sub3A_490 = arith.subf %gather3A_470, %gather3A_489 : vector<16xf32>
        %mul3A_491 = arith.mulf %sub3A_490, %sub3A_490 : vector<16xf32>
        %add3A_492 = arith.addf %add3A_461, %mul3A_491 : vector<16xf32>
        %mul3A_493 = arith.mulf %gather3A_489, %gather3A_489 : vector<16xf32>
        %add3A_494 = arith.addf %add3A_463, %mul3A_493 : vector<16xf32>
        %add3A_495 = arith.constant 3 : i32
        %add3A_496 = vector.broadcast %add3A_495 : i32 to vector<16xi32>
        %add3A_497 = arith.addi %iota3A, %add3A_496 : vector<16xi32>
        %and3A_498 = arith.constant 31 : i32
        %and3A_499 = vector.broadcast %and3A_498 : i32 to vector<16xi32>
        %and3A_500 = arith.andi %add3A_497, %and3A_499 : vector<16xi32>
        %gather3A_501 = tpu.vector_load_idx %arg8[%add3A_348, %and3A_500] : memref<800x32xf32, #tpu.memory_space<vmem>>[vector<16xi32>, vector<16xi32>], vector<16xf32>,
        %gather3A_502 = tpu.vector_load_idx %arg8[%add3A_365, %and3A_500] : memref<800x32xf32, #tpu.memory_space<vmem>>[vector<16xi32>, vector<16xi32>], vector<16xf32>,
        %sub3A_503 = arith.subf %gather3A_501, %gather3A_502 : vector<16xf32>
        %mul3A_504 = arith.mulf %sub3A_503, %sub3A_503 : vector<16xf32>
        %add3A_505 = arith.addf %add3A_474, %mul3A_504 : vector<16xf32>
        %mul3A_506 = arith.mulf %gather3A_502, %gather3A_502 : vector<16xf32>
        %add3A_507 = arith.addf %add3A_476, %mul3A_506 : vector<16xf32>
        %gather3A_508 = tpu.vector_load_idx %arg8[%add3A_372, %and3A_500] : memref<800x32xf32, #tpu.memory_space<vmem>>[vector<16xi32>, vector<16xi32>], vector<16xf32>,
        %sub3A_509 = arith.subf %gather3A_501, %gather3A_508 : vector<16xf32>
        %mul3A_510 = arith.mulf %sub3A_509, %sub3A_509 : vector<16xf32>
        %add3A_511 = arith.addf %add3A_480, %mul3A_510 : vector<16xf32>
        %mul3A_512 = arith.mulf %gather3A_508, %gather3A_508 : vector<16xf32>
        %add3A_513 = arith.addf %add3A_482, %mul3A_512 : vector<16xf32>
        %gather3A_514 = tpu.vector_load_idx %arg8[%add3A_379, %and3A_500] : memref<800x32xf32, #tpu.memory_space<vmem>>[vector<16xi32>, vector<16xi32>], vector<16xf32>,
        %sub3A_515 = arith.subf %gather3A_501, %gather3A_514 : vector<16xf32>
        %mul3A_516 = arith.mulf %sub3A_515, %sub3A_515 : vector<16xf32>
        %add3A_517 = arith.addf %add3A_486, %mul3A_516 : vector<16xf32>
        %mul3A_518 = arith.mulf %gather3A_514, %gather3A_514 : vector<16xf32>
        %add3A_519 = arith.addf %add3A_488, %mul3A_518 : vector<16xf32>
        %gather3A_520 = tpu.vector_load_idx %arg8[%add3A_386, %and3A_500] : memref<800x32xf32, #tpu.memory_space<vmem>>[vector<16xi32>, vector<16xi32>], vector<16xf32>,
        %sub3A_521 = arith.subf %gather3A_501, %gather3A_520 : vector<16xf32>
        %mul3A_522 = arith.mulf %sub3A_521, %sub3A_521 : vector<16xf32>
        %add3A_523 = arith.addf %add3A_492, %mul3A_522 : vector<16xf32>
        %mul3A_524 = arith.mulf %gather3A_520, %gather3A_520 : vector<16xf32>
        %add3A_525 = arith.addf %add3A_494, %mul3A_524 : vector<16xf32>
        %add3A_526 = arith.constant 4 : i32
        %add3A_527 = vector.broadcast %add3A_526 : i32 to vector<16xi32>
        %add3A_528 = arith.addi %iota3A, %add3A_527 : vector<16xi32>
        %and3A_529 = arith.constant 31 : i32
        %and3A_530 = vector.broadcast %and3A_529 : i32 to vector<16xi32>
        %and3A_531 = arith.andi %add3A_528, %and3A_530 : vector<16xi32>
        %gather3A_532 = tpu.vector_load_idx %arg8[%add3A_348, %and3A_531] : memref<800x32xf32, #tpu.memory_space<vmem>>[vector<16xi32>, vector<16xi32>], vector<16xf32>,
        %gather3A_533 = tpu.vector_load_idx %arg8[%add3A_365, %and3A_531] : memref<800x32xf32, #tpu.memory_space<vmem>>[vector<16xi32>, vector<16xi32>], vector<16xf32>,
        %sub3A_534 = arith.subf %gather3A_532, %gather3A_533 : vector<16xf32>
        %mul3A_535 = arith.mulf %sub3A_534, %sub3A_534 : vector<16xf32>
        %add3A_536 = arith.addf %add3A_505, %mul3A_535 : vector<16xf32>
        %mul3A_537 = arith.mulf %gather3A_533, %gather3A_533 : vector<16xf32>
        %add3A_538 = arith.addf %add3A_507, %mul3A_537 : vector<16xf32>
        %gather3A_539 = tpu.vector_load_idx %arg8[%add3A_372, %and3A_531] : memref<800x32xf32, #tpu.memory_space<vmem>>[vector<16xi32>, vector<16xi32>], vector<16xf32>,
        %sub3A_540 = arith.subf %gather3A_532, %gather3A_539 : vector<16xf32>
        %mul3A_541 = arith.mulf %sub3A_540, %sub3A_540 : vector<16xf32>
        %add3A_542 = arith.addf %add3A_511, %mul3A_541 : vector<16xf32>
        %mul3A_543 = arith.mulf %gather3A_539, %gather3A_539 : vector<16xf32>
        %add3A_544 = arith.addf %add3A_513, %mul3A_543 : vector<16xf32>
        %gather3A_545 = tpu.vector_load_idx %arg8[%add3A_379, %and3A_531] : memref<800x32xf32, #tpu.memory_space<vmem>>[vector<16xi32>, vector<16xi32>], vector<16xf32>,
        %sub3A_546 = arith.subf %gather3A_532, %gather3A_545 : vector<16xf32>
        %mul3A_547 = arith.mulf %sub3A_546, %sub3A_546 : vector<16xf32>
        %add3A_548 = arith.addf %add3A_517, %mul3A_547 : vector<16xf32>
        %mul3A_549 = arith.mulf %gather3A_545, %gather3A_545 : vector<16xf32>
        %add3A_550 = arith.addf %add3A_519, %mul3A_549 : vector<16xf32>
        %gather3A_551 = tpu.vector_load_idx %arg8[%add3A_386, %and3A_531] : memref<800x32xf32, #tpu.memory_space<vmem>>[vector<16xi32>, vector<16xi32>], vector<16xf32>,
        %sub3A_552 = arith.subf %gather3A_532, %gather3A_551 : vector<16xf32>
        %mul3A_553 = arith.mulf %sub3A_552, %sub3A_552 : vector<16xf32>
        %add3A_554 = arith.addf %add3A_523, %mul3A_553 : vector<16xf32>
        %mul3A_555 = arith.mulf %gather3A_551, %gather3A_551 : vector<16xf32>
        %add3A_556 = arith.addf %add3A_525, %mul3A_555 : vector<16xf32>
        %add3A_557 = arith.constant 5 : i32
        %add3A_558 = vector.broadcast %add3A_557 : i32 to vector<16xi32>
        %add3A_559 = arith.addi %iota3A, %add3A_558 : vector<16xi32>
        %and3A_560 = arith.constant 31 : i32
        %and3A_561 = vector.broadcast %and3A_560 : i32 to vector<16xi32>
        %and3A_562 = arith.andi %add3A_559, %and3A_561 : vector<16xi32>
        %gather3A_563 = tpu.vector_load_idx %arg8[%add3A_348, %and3A_562] : memref<800x32xf32, #tpu.memory_space<vmem>>[vector<16xi32>, vector<16xi32>], vector<16xf32>,
        %gather3A_564 = tpu.vector_load_idx %arg8[%add3A_365, %and3A_562] : memref<800x32xf32, #tpu.memory_space<vmem>>[vector<16xi32>, vector<16xi32>], vector<16xf32>,
        %sub3A_565 = arith.subf %gather3A_563, %gather3A_564 : vector<16xf32>
        %mul3A_566 = arith.mulf %sub3A_565, %sub3A_565 : vector<16xf32>
        %add3A_567 = arith.addf %add3A_536, %mul3A_566 : vector<16xf32>
        %mul3A_568 = arith.mulf %gather3A_564, %gather3A_564 : vector<16xf32>
        %add3A_569 = arith.addf %add3A_538, %mul3A_568 : vector<16xf32>
        %gather3A_570 = tpu.vector_load_idx %arg8[%add3A_372, %and3A_562] : memref<800x32xf32, #tpu.memory_space<vmem>>[vector<16xi32>, vector<16xi32>], vector<16xf32>,
        %sub3A_571 = arith.subf %gather3A_563, %gather3A_570 : vector<16xf32>
        %mul3A_572 = arith.mulf %sub3A_571, %sub3A_571 : vector<16xf32>
        %add3A_573 = arith.addf %add3A_542, %mul3A_572 : vector<16xf32>
        %mul3A_574 = arith.mulf %gather3A_570, %gather3A_570 : vector<16xf32>
        %add3A_575 = arith.addf %add3A_544, %mul3A_574 : vector<16xf32>
        %gather3A_576 = tpu.vector_load_idx %arg8[%add3A_379, %and3A_562] : memref<800x32xf32, #tpu.memory_space<vmem>>[vector<16xi32>, vector<16xi32>], vector<16xf32>,
        %sub3A_577 = arith.subf %gather3A_563, %gather3A_576 : vector<16xf32>
        %mul3A_578 = arith.mulf %sub3A_577, %sub3A_577 : vector<16xf32>
        %add3A_579 = arith.addf %add3A_548, %mul3A_578 : vector<16xf32>
        %mul3A_580 = arith.mulf %gather3A_576, %gather3A_576 : vector<16xf32>
        %add3A_581 = arith.addf %add3A_550, %mul3A_580 : vector<16xf32>
        %gather3A_582 = tpu.vector_load_idx %arg8[%add3A_386, %and3A_562] : memref<800x32xf32, #tpu.memory_space<vmem>>[vector<16xi32>, vector<16xi32>], vector<16xf32>,
        %sub3A_583 = arith.subf %gather3A_563, %gather3A_582 : vector<16xf32>
        %mul3A_584 = arith.mulf %sub3A_583, %sub3A_583 : vector<16xf32>
        %add3A_585 = arith.addf %add3A_554, %mul3A_584 : vector<16xf32>
        %mul3A_586 = arith.mulf %gather3A_582, %gather3A_582 : vector<16xf32>
        %add3A_587 = arith.addf %add3A_556, %mul3A_586 : vector<16xf32>
        %add3A_588 = arith.constant 6 : i32
        %add3A_589 = vector.broadcast %add3A_588 : i32 to vector<16xi32>
        %add3A_590 = arith.addi %iota3A, %add3A_589 : vector<16xi32>
        %and3A_591 = arith.constant 31 : i32
        %and3A_592 = vector.broadcast %and3A_591 : i32 to vector<16xi32>
        %and3A_593 = arith.andi %add3A_590, %and3A_592 : vector<16xi32>
        %gather3A_594 = tpu.vector_load_idx %arg8[%add3A_348, %and3A_593] : memref<800x32xf32, #tpu.memory_space<vmem>>[vector<16xi32>, vector<16xi32>], vector<16xf32>,
        %gather3A_595 = tpu.vector_load_idx %arg8[%add3A_365, %and3A_593] : memref<800x32xf32, #tpu.memory_space<vmem>>[vector<16xi32>, vector<16xi32>], vector<16xf32>,
        %sub3A_596 = arith.subf %gather3A_594, %gather3A_595 : vector<16xf32>
        %mul3A_597 = arith.mulf %sub3A_596, %sub3A_596 : vector<16xf32>
        %add3A_598 = arith.addf %add3A_567, %mul3A_597 : vector<16xf32>
        %mul3A_599 = arith.mulf %gather3A_595, %gather3A_595 : vector<16xf32>
        %add3A_600 = arith.addf %add3A_569, %mul3A_599 : vector<16xf32>
        %gather3A_601 = tpu.vector_load_idx %arg8[%add3A_372, %and3A_593] : memref<800x32xf32, #tpu.memory_space<vmem>>[vector<16xi32>, vector<16xi32>], vector<16xf32>,
        %sub3A_602 = arith.subf %gather3A_594, %gather3A_601 : vector<16xf32>
        %mul3A_603 = arith.mulf %sub3A_602, %sub3A_602 : vector<16xf32>
        %add3A_604 = arith.addf %add3A_573, %mul3A_603 : vector<16xf32>
        %mul3A_605 = arith.mulf %gather3A_601, %gather3A_601 : vector<16xf32>
        %add3A_606 = arith.addf %add3A_575, %mul3A_605 : vector<16xf32>
        %gather3A_607 = tpu.vector_load_idx %arg8[%add3A_379, %and3A_593] : memref<800x32xf32, #tpu.memory_space<vmem>>[vector<16xi32>, vector<16xi32>], vector<16xf32>,
        %sub3A_608 = arith.subf %gather3A_594, %gather3A_607 : vector<16xf32>
        %mul3A_609 = arith.mulf %sub3A_608, %sub3A_608 : vector<16xf32>
        %add3A_610 = arith.addf %add3A_579, %mul3A_609 : vector<16xf32>
        %mul3A_611 = arith.mulf %gather3A_607, %gather3A_607 : vector<16xf32>
        %add3A_612 = arith.addf %add3A_581, %mul3A_611 : vector<16xf32>
        %gather3A_613 = tpu.vector_load_idx %arg8[%add3A_386, %and3A_593] : memref<800x32xf32, #tpu.memory_space<vmem>>[vector<16xi32>, vector<16xi32>], vector<16xf32>,
        %sub3A_614 = arith.subf %gather3A_594, %gather3A_613 : vector<16xf32>
        %mul3A_615 = arith.mulf %sub3A_614, %sub3A_614 : vector<16xf32>
        %add3A_616 = arith.addf %add3A_585, %mul3A_615 : vector<16xf32>
        %mul3A_617 = arith.mulf %gather3A_613, %gather3A_613 : vector<16xf32>
        %add3A_618 = arith.addf %add3A_587, %mul3A_617 : vector<16xf32>
        %add3A_619 = arith.constant 7 : i32
        %add3A_620 = vector.broadcast %add3A_619 : i32 to vector<16xi32>
        %add3A_621 = arith.addi %iota3A, %add3A_620 : vector<16xi32>
        %and3A_622 = arith.constant 31 : i32
        %and3A_623 = vector.broadcast %and3A_622 : i32 to vector<16xi32>
        %and3A_624 = arith.andi %add3A_621, %and3A_623 : vector<16xi32>
        %gather3A_625 = tpu.vector_load_idx %arg8[%add3A_348, %and3A_624] : memref<800x32xf32, #tpu.memory_space<vmem>>[vector<16xi32>, vector<16xi32>], vector<16xf32>,
        %gather3A_626 = tpu.vector_load_idx %arg8[%add3A_365, %and3A_624] : memref<800x32xf32, #tpu.memory_space<vmem>>[vector<16xi32>, vector<16xi32>], vector<16xf32>,
        %sub3A_627 = arith.subf %gather3A_625, %gather3A_626 : vector<16xf32>
        %mul3A_628 = arith.mulf %sub3A_627, %sub3A_627 : vector<16xf32>
        %add3A_629 = arith.addf %add3A_598, %mul3A_628 : vector<16xf32>
        %mul3A_630 = arith.mulf %gather3A_626, %gather3A_626 : vector<16xf32>
        %add3A_631 = arith.addf %add3A_600, %mul3A_630 : vector<16xf32>
        %gather3A_632 = tpu.vector_load_idx %arg8[%add3A_372, %and3A_624] : memref<800x32xf32, #tpu.memory_space<vmem>>[vector<16xi32>, vector<16xi32>], vector<16xf32>,
        %sub3A_633 = arith.subf %gather3A_625, %gather3A_632 : vector<16xf32>
        %mul3A_634 = arith.mulf %sub3A_633, %sub3A_633 : vector<16xf32>
        %add3A_635 = arith.addf %add3A_604, %mul3A_634 : vector<16xf32>
        %mul3A_636 = arith.mulf %gather3A_632, %gather3A_632 : vector<16xf32>
        %add3A_637 = arith.addf %add3A_606, %mul3A_636 : vector<16xf32>
        %gather3A_638 = tpu.vector_load_idx %arg8[%add3A_379, %and3A_624] : memref<800x32xf32, #tpu.memory_space<vmem>>[vector<16xi32>, vector<16xi32>], vector<16xf32>,
        %sub3A_639 = arith.subf %gather3A_625, %gather3A_638 : vector<16xf32>
        %mul3A_640 = arith.mulf %sub3A_639, %sub3A_639 : vector<16xf32>
        %add3A_641 = arith.addf %add3A_610, %mul3A_640 : vector<16xf32>
        %mul3A_642 = arith.mulf %gather3A_638, %gather3A_638 : vector<16xf32>
        %add3A_643 = arith.addf %add3A_612, %mul3A_642 : vector<16xf32>
        %gather3A_644 = tpu.vector_load_idx %arg8[%add3A_386, %and3A_624] : memref<800x32xf32, #tpu.memory_space<vmem>>[vector<16xi32>, vector<16xi32>], vector<16xf32>,
        %sub3A_645 = arith.subf %gather3A_625, %gather3A_644 : vector<16xf32>
        %mul3A_646 = arith.mulf %sub3A_645, %sub3A_645 : vector<16xf32>
        %add3A_647 = arith.addf %add3A_616, %mul3A_646 : vector<16xf32>
        %mul3A_648 = arith.mulf %gather3A_644, %gather3A_644 : vector<16xf32>
        %add3A_649 = arith.addf %add3A_618, %mul3A_648 : vector<16xf32>
        %add3A_650 = arith.constant 8 : i32
        %add3A_651 = vector.broadcast %add3A_650 : i32 to vector<16xi32>
        %add3A_652 = arith.addi %iota3A, %add3A_651 : vector<16xi32>
        %and3A_653 = arith.constant 31 : i32
        %and3A_654 = vector.broadcast %and3A_653 : i32 to vector<16xi32>
        %and3A_655 = arith.andi %add3A_652, %and3A_654 : vector<16xi32>
        %gather3A_656 = tpu.vector_load_idx %arg8[%add3A_348, %and3A_655] : memref<800x32xf32, #tpu.memory_space<vmem>>[vector<16xi32>, vector<16xi32>], vector<16xf32>,
        %gather3A_657 = tpu.vector_load_idx %arg8[%add3A_365, %and3A_655] : memref<800x32xf32, #tpu.memory_space<vmem>>[vector<16xi32>, vector<16xi32>], vector<16xf32>,
        %sub3A_658 = arith.subf %gather3A_656, %gather3A_657 : vector<16xf32>
        %mul3A_659 = arith.mulf %sub3A_658, %sub3A_658 : vector<16xf32>
        %add3A_660 = arith.addf %add3A_629, %mul3A_659 : vector<16xf32>
        %mul3A_661 = arith.mulf %gather3A_657, %gather3A_657 : vector<16xf32>
        %add3A_662 = arith.addf %add3A_631, %mul3A_661 : vector<16xf32>
        %gather3A_663 = tpu.vector_load_idx %arg8[%add3A_372, %and3A_655] : memref<800x32xf32, #tpu.memory_space<vmem>>[vector<16xi32>, vector<16xi32>], vector<16xf32>,
        %sub3A_664 = arith.subf %gather3A_656, %gather3A_663 : vector<16xf32>
        %mul3A_665 = arith.mulf %sub3A_664, %sub3A_664 : vector<16xf32>
        %add3A_666 = arith.addf %add3A_635, %mul3A_665 : vector<16xf32>
        %mul3A_667 = arith.mulf %gather3A_663, %gather3A_663 : vector<16xf32>
        %add3A_668 = arith.addf %add3A_637, %mul3A_667 : vector<16xf32>
        %gather3A_669 = tpu.vector_load_idx %arg8[%add3A_379, %and3A_655] : memref<800x32xf32, #tpu.memory_space<vmem>>[vector<16xi32>, vector<16xi32>], vector<16xf32>,
        %sub3A_670 = arith.subf %gather3A_656, %gather3A_669 : vector<16xf32>
        %mul3A_671 = arith.mulf %sub3A_670, %sub3A_670 : vector<16xf32>
        %add3A_672 = arith.addf %add3A_641, %mul3A_671 : vector<16xf32>
        %mul3A_673 = arith.mulf %gather3A_669, %gather3A_669 : vector<16xf32>
        %add3A_674 = arith.addf %add3A_643, %mul3A_673 : vector<16xf32>
        %gather3A_675 = tpu.vector_load_idx %arg8[%add3A_386, %and3A_655] : memref<800x32xf32, #tpu.memory_space<vmem>>[vector<16xi32>, vector<16xi32>], vector<16xf32>,
        %sub3A_676 = arith.subf %gather3A_656, %gather3A_675 : vector<16xf32>
        %mul3A_677 = arith.mulf %sub3A_676, %sub3A_676 : vector<16xf32>
        %add3A_678 = arith.addf %add3A_647, %mul3A_677 : vector<16xf32>
        %mul3A_679 = arith.mulf %gather3A_675, %gather3A_675 : vector<16xf32>
        %add3A_680 = arith.addf %add3A_649, %mul3A_679 : vector<16xf32>
        %add3A_681 = arith.constant 9 : i32
        %add3A_682 = vector.broadcast %add3A_681 : i32 to vector<16xi32>
        %add3A_683 = arith.addi %iota3A, %add3A_682 : vector<16xi32>
        %and3A_684 = arith.constant 31 : i32
        %and3A_685 = vector.broadcast %and3A_684 : i32 to vector<16xi32>
        %and3A_686 = arith.andi %add3A_683, %and3A_685 : vector<16xi32>
        %gather3A_687 = tpu.vector_load_idx %arg8[%add3A_348, %and3A_686] : memref<800x32xf32, #tpu.memory_space<vmem>>[vector<16xi32>, vector<16xi32>], vector<16xf32>,
        %gather3A_688 = tpu.vector_load_idx %arg8[%add3A_365, %and3A_686] : memref<800x32xf32, #tpu.memory_space<vmem>>[vector<16xi32>, vector<16xi32>], vector<16xf32>,
        %sub3A_689 = arith.subf %gather3A_687, %gather3A_688 : vector<16xf32>
        %mul3A_690 = arith.mulf %sub3A_689, %sub3A_689 : vector<16xf32>
        %add3A_691 = arith.addf %add3A_660, %mul3A_690 : vector<16xf32>
        %mul3A_692 = arith.mulf %gather3A_688, %gather3A_688 : vector<16xf32>
        %add3A_693 = arith.addf %add3A_662, %mul3A_692 : vector<16xf32>
        %gather3A_694 = tpu.vector_load_idx %arg8[%add3A_372, %and3A_686] : memref<800x32xf32, #tpu.memory_space<vmem>>[vector<16xi32>, vector<16xi32>], vector<16xf32>,
        %sub3A_695 = arith.subf %gather3A_687, %gather3A_694 : vector<16xf32>
        %mul3A_696 = arith.mulf %sub3A_695, %sub3A_695 : vector<16xf32>
        %add3A_697 = arith.addf %add3A_666, %mul3A_696 : vector<16xf32>
        %mul3A_698 = arith.mulf %gather3A_694, %gather3A_694 : vector<16xf32>
        %add3A_699 = arith.addf %add3A_668, %mul3A_698 : vector<16xf32>
        %gather3A_700 = tpu.vector_load_idx %arg8[%add3A_379, %and3A_686] : memref<800x32xf32, #tpu.memory_space<vmem>>[vector<16xi32>, vector<16xi32>], vector<16xf32>,
        %sub3A_701 = arith.subf %gather3A_687, %gather3A_700 : vector<16xf32>
        %mul3A_702 = arith.mulf %sub3A_701, %sub3A_701 : vector<16xf32>
        %add3A_703 = arith.addf %add3A_672, %mul3A_702 : vector<16xf32>
        %mul3A_704 = arith.mulf %gather3A_700, %gather3A_700 : vector<16xf32>
        %add3A_705 = arith.addf %add3A_674, %mul3A_704 : vector<16xf32>
        %gather3A_706 = tpu.vector_load_idx %arg8[%add3A_386, %and3A_686] : memref<800x32xf32, #tpu.memory_space<vmem>>[vector<16xi32>, vector<16xi32>], vector<16xf32>,
        %sub3A_707 = arith.subf %gather3A_687, %gather3A_706 : vector<16xf32>
        %mul3A_708 = arith.mulf %sub3A_707, %sub3A_707 : vector<16xf32>
        %add3A_709 = arith.addf %add3A_678, %mul3A_708 : vector<16xf32>
        %mul3A_710 = arith.mulf %gather3A_706, %gather3A_706 : vector<16xf32>
        %add3A_711 = arith.addf %add3A_680, %mul3A_710 : vector<16xf32>
        %add3A_712 = arith.constant 10 : i32
        %add3A_713 = vector.broadcast %add3A_712 : i32 to vector<16xi32>
        %add3A_714 = arith.addi %iota3A, %add3A_713 : vector<16xi32>
        %and3A_715 = arith.constant 31 : i32
        %and3A_716 = vector.broadcast %and3A_715 : i32 to vector<16xi32>
        %and3A_717 = arith.andi %add3A_714, %and3A_716 : vector<16xi32>
        %gather3A_718 = tpu.vector_load_idx %arg8[%add3A_348, %and3A_717] : memref<800x32xf32, #tpu.memory_space<vmem>>[vector<16xi32>, vector<16xi32>], vector<16xf32>,
        %gather3A_719 = tpu.vector_load_idx %arg8[%add3A_365, %and3A_717] : memref<800x32xf32, #tpu.memory_space<vmem>>[vector<16xi32>, vector<16xi32>], vector<16xf32>,
        %sub3A_720 = arith.subf %gather3A_718, %gather3A_719 : vector<16xf32>
        %mul3A_721 = arith.mulf %sub3A_720, %sub3A_720 : vector<16xf32>
        %add3A_722 = arith.addf %add3A_691, %mul3A_721 : vector<16xf32>
        %mul3A_723 = arith.mulf %gather3A_719, %gather3A_719 : vector<16xf32>
        %add3A_724 = arith.addf %add3A_693, %mul3A_723 : vector<16xf32>
        %gather3A_725 = tpu.vector_load_idx %arg8[%add3A_372, %and3A_717] : memref<800x32xf32, #tpu.memory_space<vmem>>[vector<16xi32>, vector<16xi32>], vector<16xf32>,
        %sub3A_726 = arith.subf %gather3A_718, %gather3A_725 : vector<16xf32>
        %mul3A_727 = arith.mulf %sub3A_726, %sub3A_726 : vector<16xf32>
        %add3A_728 = arith.addf %add3A_697, %mul3A_727 : vector<16xf32>
        %mul3A_729 = arith.mulf %gather3A_725, %gather3A_725 : vector<16xf32>
        %add3A_730 = arith.addf %add3A_699, %mul3A_729 : vector<16xf32>
        %gather3A_731 = tpu.vector_load_idx %arg8[%add3A_379, %and3A_717] : memref<800x32xf32, #tpu.memory_space<vmem>>[vector<16xi32>, vector<16xi32>], vector<16xf32>,
        %sub3A_732 = arith.subf %gather3A_718, %gather3A_731 : vector<16xf32>
        %mul3A_733 = arith.mulf %sub3A_732, %sub3A_732 : vector<16xf32>
        %add3A_734 = arith.addf %add3A_703, %mul3A_733 : vector<16xf32>
        %mul3A_735 = arith.mulf %gather3A_731, %gather3A_731 : vector<16xf32>
        %add3A_736 = arith.addf %add3A_705, %mul3A_735 : vector<16xf32>
        %gather3A_737 = tpu.vector_load_idx %arg8[%add3A_386, %and3A_717] : memref<800x32xf32, #tpu.memory_space<vmem>>[vector<16xi32>, vector<16xi32>], vector<16xf32>,
        %sub3A_738 = arith.subf %gather3A_718, %gather3A_737 : vector<16xf32>
        %mul3A_739 = arith.mulf %sub3A_738, %sub3A_738 : vector<16xf32>
        %add3A_740 = arith.addf %add3A_709, %mul3A_739 : vector<16xf32>
        %mul3A_741 = arith.mulf %gather3A_737, %gather3A_737 : vector<16xf32>
        %add3A_742 = arith.addf %add3A_711, %mul3A_741 : vector<16xf32>
        %add3A_743 = arith.constant 11 : i32
        %add3A_744 = vector.broadcast %add3A_743 : i32 to vector<16xi32>
        %add3A_745 = arith.addi %iota3A, %add3A_744 : vector<16xi32>
        %and3A_746 = arith.constant 31 : i32
        %and3A_747 = vector.broadcast %and3A_746 : i32 to vector<16xi32>
        %and3A_748 = arith.andi %add3A_745, %and3A_747 : vector<16xi32>
        %gather3A_749 = tpu.vector_load_idx %arg8[%add3A_348, %and3A_748] : memref<800x32xf32, #tpu.memory_space<vmem>>[vector<16xi32>, vector<16xi32>], vector<16xf32>,
        %gather3A_750 = tpu.vector_load_idx %arg8[%add3A_365, %and3A_748] : memref<800x32xf32, #tpu.memory_space<vmem>>[vector<16xi32>, vector<16xi32>], vector<16xf32>,
        %sub3A_751 = arith.subf %gather3A_749, %gather3A_750 : vector<16xf32>
        %mul3A_752 = arith.mulf %sub3A_751, %sub3A_751 : vector<16xf32>
        %add3A_753 = arith.addf %add3A_722, %mul3A_752 : vector<16xf32>
        %mul3A_754 = arith.mulf %gather3A_750, %gather3A_750 : vector<16xf32>
        %add3A_755 = arith.addf %add3A_724, %mul3A_754 : vector<16xf32>
        %gather3A_756 = tpu.vector_load_idx %arg8[%add3A_372, %and3A_748] : memref<800x32xf32, #tpu.memory_space<vmem>>[vector<16xi32>, vector<16xi32>], vector<16xf32>,
        %sub3A_757 = arith.subf %gather3A_749, %gather3A_756 : vector<16xf32>
        %mul3A_758 = arith.mulf %sub3A_757, %sub3A_757 : vector<16xf32>
        %add3A_759 = arith.addf %add3A_728, %mul3A_758 : vector<16xf32>
        %mul3A_760 = arith.mulf %gather3A_756, %gather3A_756 : vector<16xf32>
        %add3A_761 = arith.addf %add3A_730, %mul3A_760 : vector<16xf32>
        %gather3A_762 = tpu.vector_load_idx %arg8[%add3A_379, %and3A_748] : memref<800x32xf32, #tpu.memory_space<vmem>>[vector<16xi32>, vector<16xi32>], vector<16xf32>,
        %sub3A_763 = arith.subf %gather3A_749, %gather3A_762 : vector<16xf32>
        %mul3A_764 = arith.mulf %sub3A_763, %sub3A_763 : vector<16xf32>
        %add3A_765 = arith.addf %add3A_734, %mul3A_764 : vector<16xf32>
        %mul3A_766 = arith.mulf %gather3A_762, %gather3A_762 : vector<16xf32>
        %add3A_767 = arith.addf %add3A_736, %mul3A_766 : vector<16xf32>
        %gather3A_768 = tpu.vector_load_idx %arg8[%add3A_386, %and3A_748] : memref<800x32xf32, #tpu.memory_space<vmem>>[vector<16xi32>, vector<16xi32>], vector<16xf32>,
        %sub3A_769 = arith.subf %gather3A_749, %gather3A_768 : vector<16xf32>
        %mul3A_770 = arith.mulf %sub3A_769, %sub3A_769 : vector<16xf32>
        %add3A_771 = arith.addf %add3A_740, %mul3A_770 : vector<16xf32>
        %mul3A_772 = arith.mulf %gather3A_768, %gather3A_768 : vector<16xf32>
        %add3A_773 = arith.addf %add3A_742, %mul3A_772 : vector<16xf32>
        %add3A_774 = arith.constant 12 : i32
        %add3A_775 = vector.broadcast %add3A_774 : i32 to vector<16xi32>
        %add3A_776 = arith.addi %iota3A, %add3A_775 : vector<16xi32>
        %and3A_777 = arith.constant 31 : i32
        %and3A_778 = vector.broadcast %and3A_777 : i32 to vector<16xi32>
        %and3A_779 = arith.andi %add3A_776, %and3A_778 : vector<16xi32>
        %gather3A_780 = tpu.vector_load_idx %arg8[%add3A_348, %and3A_779] : memref<800x32xf32, #tpu.memory_space<vmem>>[vector<16xi32>, vector<16xi32>], vector<16xf32>,
        %gather3A_781 = tpu.vector_load_idx %arg8[%add3A_365, %and3A_779] : memref<800x32xf32, #tpu.memory_space<vmem>>[vector<16xi32>, vector<16xi32>], vector<16xf32>,
        %sub3A_782 = arith.subf %gather3A_780, %gather3A_781 : vector<16xf32>
        %mul3A_783 = arith.mulf %sub3A_782, %sub3A_782 : vector<16xf32>
        %add3A_784 = arith.addf %add3A_753, %mul3A_783 : vector<16xf32>
        %mul3A_785 = arith.mulf %gather3A_781, %gather3A_781 : vector<16xf32>
        %add3A_786 = arith.addf %add3A_755, %mul3A_785 : vector<16xf32>
        %gather3A_787 = tpu.vector_load_idx %arg8[%add3A_372, %and3A_779] : memref<800x32xf32, #tpu.memory_space<vmem>>[vector<16xi32>, vector<16xi32>], vector<16xf32>,
        %sub3A_788 = arith.subf %gather3A_780, %gather3A_787 : vector<16xf32>
        %mul3A_789 = arith.mulf %sub3A_788, %sub3A_788 : vector<16xf32>
        %add3A_790 = arith.addf %add3A_759, %mul3A_789 : vector<16xf32>
        %mul3A_791 = arith.mulf %gather3A_787, %gather3A_787 : vector<16xf32>
        %add3A_792 = arith.addf %add3A_761, %mul3A_791 : vector<16xf32>
        %gather3A_793 = tpu.vector_load_idx %arg8[%add3A_379, %and3A_779] : memref<800x32xf32, #tpu.memory_space<vmem>>[vector<16xi32>, vector<16xi32>], vector<16xf32>,
        %sub3A_794 = arith.subf %gather3A_780, %gather3A_793 : vector<16xf32>
        %mul3A_795 = arith.mulf %sub3A_794, %sub3A_794 : vector<16xf32>
        %add3A_796 = arith.addf %add3A_765, %mul3A_795 : vector<16xf32>
        %mul3A_797 = arith.mulf %gather3A_793, %gather3A_793 : vector<16xf32>
        %add3A_798 = arith.addf %add3A_767, %mul3A_797 : vector<16xf32>
        %gather3A_799 = tpu.vector_load_idx %arg8[%add3A_386, %and3A_779] : memref<800x32xf32, #tpu.memory_space<vmem>>[vector<16xi32>, vector<16xi32>], vector<16xf32>,
        %sub3A_800 = arith.subf %gather3A_780, %gather3A_799 : vector<16xf32>
        %mul3A_801 = arith.mulf %sub3A_800, %sub3A_800 : vector<16xf32>
        %add3A_802 = arith.addf %add3A_771, %mul3A_801 : vector<16xf32>
        %mul3A_803 = arith.mulf %gather3A_799, %gather3A_799 : vector<16xf32>
        %add3A_804 = arith.addf %add3A_773, %mul3A_803 : vector<16xf32>
        %add3A_805 = arith.constant 13 : i32
        %add3A_806 = vector.broadcast %add3A_805 : i32 to vector<16xi32>
        %add3A_807 = arith.addi %iota3A, %add3A_806 : vector<16xi32>
        %and3A_808 = arith.constant 31 : i32
        %and3A_809 = vector.broadcast %and3A_808 : i32 to vector<16xi32>
        %and3A_810 = arith.andi %add3A_807, %and3A_809 : vector<16xi32>
        %gather3A_811 = tpu.vector_load_idx %arg8[%add3A_348, %and3A_810] : memref<800x32xf32, #tpu.memory_space<vmem>>[vector<16xi32>, vector<16xi32>], vector<16xf32>,
        %gather3A_812 = tpu.vector_load_idx %arg8[%add3A_365, %and3A_810] : memref<800x32xf32, #tpu.memory_space<vmem>>[vector<16xi32>, vector<16xi32>], vector<16xf32>,
        %sub3A_813 = arith.subf %gather3A_811, %gather3A_812 : vector<16xf32>
        %mul3A_814 = arith.mulf %sub3A_813, %sub3A_813 : vector<16xf32>
        %add3A_815 = arith.addf %add3A_784, %mul3A_814 : vector<16xf32>
        %mul3A_816 = arith.mulf %gather3A_812, %gather3A_812 : vector<16xf32>
        %add3A_817 = arith.addf %add3A_786, %mul3A_816 : vector<16xf32>
        %gather3A_818 = tpu.vector_load_idx %arg8[%add3A_372, %and3A_810] : memref<800x32xf32, #tpu.memory_space<vmem>>[vector<16xi32>, vector<16xi32>], vector<16xf32>,
        %sub3A_819 = arith.subf %gather3A_811, %gather3A_818 : vector<16xf32>
        %mul3A_820 = arith.mulf %sub3A_819, %sub3A_819 : vector<16xf32>
        %add3A_821 = arith.addf %add3A_790, %mul3A_820 : vector<16xf32>
        %mul3A_822 = arith.mulf %gather3A_818, %gather3A_818 : vector<16xf32>
        %add3A_823 = arith.addf %add3A_792, %mul3A_822 : vector<16xf32>
        %gather3A_824 = tpu.vector_load_idx %arg8[%add3A_379, %and3A_810] : memref<800x32xf32, #tpu.memory_space<vmem>>[vector<16xi32>, vector<16xi32>], vector<16xf32>,
        %sub3A_825 = arith.subf %gather3A_811, %gather3A_824 : vector<16xf32>
        %mul3A_826 = arith.mulf %sub3A_825, %sub3A_825 : vector<16xf32>
        %add3A_827 = arith.addf %add3A_796, %mul3A_826 : vector<16xf32>
        %mul3A_828 = arith.mulf %gather3A_824, %gather3A_824 : vector<16xf32>
        %add3A_829 = arith.addf %add3A_798, %mul3A_828 : vector<16xf32>
        %gather3A_830 = tpu.vector_load_idx %arg8[%add3A_386, %and3A_810] : memref<800x32xf32, #tpu.memory_space<vmem>>[vector<16xi32>, vector<16xi32>], vector<16xf32>,
        %sub3A_831 = arith.subf %gather3A_811, %gather3A_830 : vector<16xf32>
        %mul3A_832 = arith.mulf %sub3A_831, %sub3A_831 : vector<16xf32>
        %add3A_833 = arith.addf %add3A_802, %mul3A_832 : vector<16xf32>
        %mul3A_834 = arith.mulf %gather3A_830, %gather3A_830 : vector<16xf32>
        %add3A_835 = arith.addf %add3A_804, %mul3A_834 : vector<16xf32>
        %add3A_836 = arith.constant 14 : i32
        %add3A_837 = vector.broadcast %add3A_836 : i32 to vector<16xi32>
        %add3A_838 = arith.addi %iota3A, %add3A_837 : vector<16xi32>
        %and3A_839 = arith.constant 31 : i32
        %and3A_840 = vector.broadcast %and3A_839 : i32 to vector<16xi32>
        %and3A_841 = arith.andi %add3A_838, %and3A_840 : vector<16xi32>
        %gather3A_842 = tpu.vector_load_idx %arg8[%add3A_348, %and3A_841] : memref<800x32xf32, #tpu.memory_space<vmem>>[vector<16xi32>, vector<16xi32>], vector<16xf32>,
        %gather3A_843 = tpu.vector_load_idx %arg8[%add3A_365, %and3A_841] : memref<800x32xf32, #tpu.memory_space<vmem>>[vector<16xi32>, vector<16xi32>], vector<16xf32>,
        %sub3A_844 = arith.subf %gather3A_842, %gather3A_843 : vector<16xf32>
        %mul3A_845 = arith.mulf %sub3A_844, %sub3A_844 : vector<16xf32>
        %add3A_846 = arith.addf %add3A_815, %mul3A_845 : vector<16xf32>
        %mul3A_847 = arith.mulf %gather3A_843, %gather3A_843 : vector<16xf32>
        %add3A_848 = arith.addf %add3A_817, %mul3A_847 : vector<16xf32>
        %gather3A_849 = tpu.vector_load_idx %arg8[%add3A_372, %and3A_841] : memref<800x32xf32, #tpu.memory_space<vmem>>[vector<16xi32>, vector<16xi32>], vector<16xf32>,
        %sub3A_850 = arith.subf %gather3A_842, %gather3A_849 : vector<16xf32>
        %mul3A_851 = arith.mulf %sub3A_850, %sub3A_850 : vector<16xf32>
        %add3A_852 = arith.addf %add3A_821, %mul3A_851 : vector<16xf32>
        %mul3A_853 = arith.mulf %gather3A_849, %gather3A_849 : vector<16xf32>
        %add3A_854 = arith.addf %add3A_823, %mul3A_853 : vector<16xf32>
        %gather3A_855 = tpu.vector_load_idx %arg8[%add3A_379, %and3A_841] : memref<800x32xf32, #tpu.memory_space<vmem>>[vector<16xi32>, vector<16xi32>], vector<16xf32>,
        %sub3A_856 = arith.subf %gather3A_842, %gather3A_855 : vector<16xf32>
        %mul3A_857 = arith.mulf %sub3A_856, %sub3A_856 : vector<16xf32>
        %add3A_858 = arith.addf %add3A_827, %mul3A_857 : vector<16xf32>
        %mul3A_859 = arith.mulf %gather3A_855, %gather3A_855 : vector<16xf32>
        %add3A_860 = arith.addf %add3A_829, %mul3A_859 : vector<16xf32>
        %gather3A_861 = tpu.vector_load_idx %arg8[%add3A_386, %and3A_841] : memref<800x32xf32, #tpu.memory_space<vmem>>[vector<16xi32>, vector<16xi32>], vector<16xf32>,
        %sub3A_862 = arith.subf %gather3A_842, %gather3A_861 : vector<16xf32>
        %mul3A_863 = arith.mulf %sub3A_862, %sub3A_862 : vector<16xf32>
        %add3A_864 = arith.addf %add3A_833, %mul3A_863 : vector<16xf32>
        %mul3A_865 = arith.mulf %gather3A_861, %gather3A_861 : vector<16xf32>
        %add3A_866 = arith.addf %add3A_835, %mul3A_865 : vector<16xf32>
        %add3A_867 = arith.constant 15 : i32
        %add3A_868 = vector.broadcast %add3A_867 : i32 to vector<16xi32>
        %add3A_869 = arith.addi %iota3A, %add3A_868 : vector<16xi32>
        %and3A_870 = arith.constant 31 : i32
        %and3A_871 = vector.broadcast %and3A_870 : i32 to vector<16xi32>
        %and3A_872 = arith.andi %add3A_869, %and3A_871 : vector<16xi32>
        %gather3A_873 = tpu.vector_load_idx %arg8[%add3A_348, %and3A_872] : memref<800x32xf32, #tpu.memory_space<vmem>>[vector<16xi32>, vector<16xi32>], vector<16xf32>,
        %gather3A_874 = tpu.vector_load_idx %arg8[%add3A_365, %and3A_872] : memref<800x32xf32, #tpu.memory_space<vmem>>[vector<16xi32>, vector<16xi32>], vector<16xf32>,
        %sub3A_875 = arith.subf %gather3A_873, %gather3A_874 : vector<16xf32>
        %mul3A_876 = arith.mulf %sub3A_875, %sub3A_875 : vector<16xf32>
        %add3A_877 = arith.addf %add3A_846, %mul3A_876 : vector<16xf32>
        %mul3A_878 = arith.mulf %gather3A_874, %gather3A_874 : vector<16xf32>
        %add3A_879 = arith.addf %add3A_848, %mul3A_878 : vector<16xf32>
        %gather3A_880 = tpu.vector_load_idx %arg8[%add3A_372, %and3A_872] : memref<800x32xf32, #tpu.memory_space<vmem>>[vector<16xi32>, vector<16xi32>], vector<16xf32>,
        %sub3A_881 = arith.subf %gather3A_873, %gather3A_880 : vector<16xf32>
        %mul3A_882 = arith.mulf %sub3A_881, %sub3A_881 : vector<16xf32>
        %add3A_883 = arith.addf %add3A_852, %mul3A_882 : vector<16xf32>
        %mul3A_884 = arith.mulf %gather3A_880, %gather3A_880 : vector<16xf32>
        %add3A_885 = arith.addf %add3A_854, %mul3A_884 : vector<16xf32>
        %gather3A_886 = tpu.vector_load_idx %arg8[%add3A_379, %and3A_872] : memref<800x32xf32, #tpu.memory_space<vmem>>[vector<16xi32>, vector<16xi32>], vector<16xf32>,
        %sub3A_887 = arith.subf %gather3A_873, %gather3A_886 : vector<16xf32>
        %mul3A_888 = arith.mulf %sub3A_887, %sub3A_887 : vector<16xf32>
        %add3A_889 = arith.addf %add3A_858, %mul3A_888 : vector<16xf32>
        %mul3A_890 = arith.mulf %gather3A_886, %gather3A_886 : vector<16xf32>
        %add3A_891 = arith.addf %add3A_860, %mul3A_890 : vector<16xf32>
        %gather3A_892 = tpu.vector_load_idx %arg8[%add3A_386, %and3A_872] : memref<800x32xf32, #tpu.memory_space<vmem>>[vector<16xi32>, vector<16xi32>], vector<16xf32>,
        %sub3A_893 = arith.subf %gather3A_873, %gather3A_892 : vector<16xf32>
        %mul3A_894 = arith.mulf %sub3A_893, %sub3A_893 : vector<16xf32>
        %add3A_895 = arith.addf %add3A_864, %mul3A_894 : vector<16xf32>
        %mul3A_896 = arith.mulf %gather3A_892, %gather3A_892 : vector<16xf32>
        %add3A_897 = arith.addf %add3A_866, %mul3A_896 : vector<16xf32>
        %add3A_898 = arith.constant 16 : i32
        %add3A_899 = vector.broadcast %add3A_898 : i32 to vector<16xi32>
        %add3A_900 = arith.addi %iota3A, %add3A_899 : vector<16xi32>
        %and3A_901 = arith.constant 31 : i32
        %and3A_902 = vector.broadcast %and3A_901 : i32 to vector<16xi32>
        %and3A_903 = arith.andi %add3A_900, %and3A_902 : vector<16xi32>
        %gather3A_904 = tpu.vector_load_idx %arg8[%add3A_348, %and3A_903] : memref<800x32xf32, #tpu.memory_space<vmem>>[vector<16xi32>, vector<16xi32>], vector<16xf32>,
        %gather3A_905 = tpu.vector_load_idx %arg8[%add3A_365, %and3A_903] : memref<800x32xf32, #tpu.memory_space<vmem>>[vector<16xi32>, vector<16xi32>], vector<16xf32>,
        %sub3A_906 = arith.subf %gather3A_904, %gather3A_905 : vector<16xf32>
        %mul3A_907 = arith.mulf %sub3A_906, %sub3A_906 : vector<16xf32>
        %add3A_908 = arith.addf %add3A_877, %mul3A_907 : vector<16xf32>
        %mul3A_909 = arith.mulf %gather3A_905, %gather3A_905 : vector<16xf32>
        %add3A_910 = arith.addf %add3A_879, %mul3A_909 : vector<16xf32>
        %gather3A_911 = tpu.vector_load_idx %arg8[%add3A_372, %and3A_903] : memref<800x32xf32, #tpu.memory_space<vmem>>[vector<16xi32>, vector<16xi32>], vector<16xf32>,
        %sub3A_912 = arith.subf %gather3A_904, %gather3A_911 : vector<16xf32>
        %mul3A_913 = arith.mulf %sub3A_912, %sub3A_912 : vector<16xf32>
        %add3A_914 = arith.addf %add3A_883, %mul3A_913 : vector<16xf32>
        %mul3A_915 = arith.mulf %gather3A_911, %gather3A_911 : vector<16xf32>
        %add3A_916 = arith.addf %add3A_885, %mul3A_915 : vector<16xf32>
        %gather3A_917 = tpu.vector_load_idx %arg8[%add3A_379, %and3A_903] : memref<800x32xf32, #tpu.memory_space<vmem>>[vector<16xi32>, vector<16xi32>], vector<16xf32>,
        %sub3A_918 = arith.subf %gather3A_904, %gather3A_917 : vector<16xf32>
        %mul3A_919 = arith.mulf %sub3A_918, %sub3A_918 : vector<16xf32>
        %add3A_920 = arith.addf %add3A_889, %mul3A_919 : vector<16xf32>
        %mul3A_921 = arith.mulf %gather3A_917, %gather3A_917 : vector<16xf32>
        %add3A_922 = arith.addf %add3A_891, %mul3A_921 : vector<16xf32>
        %gather3A_923 = tpu.vector_load_idx %arg8[%add3A_386, %and3A_903] : memref<800x32xf32, #tpu.memory_space<vmem>>[vector<16xi32>, vector<16xi32>], vector<16xf32>,
        %sub3A_924 = arith.subf %gather3A_904, %gather3A_923 : vector<16xf32>
        %mul3A_925 = arith.mulf %sub3A_924, %sub3A_924 : vector<16xf32>
        %add3A_926 = arith.addf %add3A_895, %mul3A_925 : vector<16xf32>
        %mul3A_927 = arith.mulf %gather3A_923, %gather3A_923 : vector<16xf32>
        %add3A_928 = arith.addf %add3A_897, %mul3A_927 : vector<16xf32>
        %add3A_929 = arith.constant 17 : i32
        %add3A_930 = vector.broadcast %add3A_929 : i32 to vector<16xi32>
        %add3A_931 = arith.addi %iota3A, %add3A_930 : vector<16xi32>
        %and3A_932 = arith.constant 31 : i32
        %and3A_933 = vector.broadcast %and3A_932 : i32 to vector<16xi32>
        %and3A_934 = arith.andi %add3A_931, %and3A_933 : vector<16xi32>
        %gather3A_935 = tpu.vector_load_idx %arg8[%add3A_348, %and3A_934] : memref<800x32xf32, #tpu.memory_space<vmem>>[vector<16xi32>, vector<16xi32>], vector<16xf32>,
        %gather3A_936 = tpu.vector_load_idx %arg8[%add3A_365, %and3A_934] : memref<800x32xf32, #tpu.memory_space<vmem>>[vector<16xi32>, vector<16xi32>], vector<16xf32>,
        %sub3A_937 = arith.subf %gather3A_935, %gather3A_936 : vector<16xf32>
        %mul3A_938 = arith.mulf %sub3A_937, %sub3A_937 : vector<16xf32>
        %add3A_939 = arith.addf %add3A_908, %mul3A_938 : vector<16xf32>
        %mul3A_940 = arith.mulf %gather3A_936, %gather3A_936 : vector<16xf32>
        %add3A_941 = arith.addf %add3A_910, %mul3A_940 : vector<16xf32>
        %gather3A_942 = tpu.vector_load_idx %arg8[%add3A_372, %and3A_934] : memref<800x32xf32, #tpu.memory_space<vmem>>[vector<16xi32>, vector<16xi32>], vector<16xf32>,
        %sub3A_943 = arith.subf %gather3A_935, %gather3A_942 : vector<16xf32>
        %mul3A_944 = arith.mulf %sub3A_943, %sub3A_943 : vector<16xf32>
        %add3A_945 = arith.addf %add3A_914, %mul3A_944 : vector<16xf32>
        %mul3A_946 = arith.mulf %gather3A_942, %gather3A_942 : vector<16xf32>
        %add3A_947 = arith.addf %add3A_916, %mul3A_946 : vector<16xf32>
        %gather3A_948 = tpu.vector_load_idx %arg8[%add3A_379, %and3A_934] : memref<800x32xf32, #tpu.memory_space<vmem>>[vector<16xi32>, vector<16xi32>], vector<16xf32>,
        %sub3A_949 = arith.subf %gather3A_935, %gather3A_948 : vector<16xf32>
        %mul3A_950 = arith.mulf %sub3A_949, %sub3A_949 : vector<16xf32>
        %add3A_951 = arith.addf %add3A_920, %mul3A_950 : vector<16xf32>
        %mul3A_952 = arith.mulf %gather3A_948, %gather3A_948 : vector<16xf32>
        %add3A_953 = arith.addf %add3A_922, %mul3A_952 : vector<16xf32>
        %gather3A_954 = tpu.vector_load_idx %arg8[%add3A_386, %and3A_934] : memref<800x32xf32, #tpu.memory_space<vmem>>[vector<16xi32>, vector<16xi32>], vector<16xf32>,
        %sub3A_955 = arith.subf %gather3A_935, %gather3A_954 : vector<16xf32>
        %mul3A_956 = arith.mulf %sub3A_955, %sub3A_955 : vector<16xf32>
        %add3A_957 = arith.addf %add3A_926, %mul3A_956 : vector<16xf32>
        %mul3A_958 = arith.mulf %gather3A_954, %gather3A_954 : vector<16xf32>
        %add3A_959 = arith.addf %add3A_928, %mul3A_958 : vector<16xf32>
        %add3A_960 = arith.constant 18 : i32
        %add3A_961 = vector.broadcast %add3A_960 : i32 to vector<16xi32>
        %add3A_962 = arith.addi %iota3A, %add3A_961 : vector<16xi32>
        %and3A_963 = arith.constant 31 : i32
        %and3A_964 = vector.broadcast %and3A_963 : i32 to vector<16xi32>
        %and3A_965 = arith.andi %add3A_962, %and3A_964 : vector<16xi32>
        %gather3A_966 = tpu.vector_load_idx %arg8[%add3A_348, %and3A_965] : memref<800x32xf32, #tpu.memory_space<vmem>>[vector<16xi32>, vector<16xi32>], vector<16xf32>,
        %gather3A_967 = tpu.vector_load_idx %arg8[%add3A_365, %and3A_965] : memref<800x32xf32, #tpu.memory_space<vmem>>[vector<16xi32>, vector<16xi32>], vector<16xf32>,
        %sub3A_968 = arith.subf %gather3A_966, %gather3A_967 : vector<16xf32>
        %mul3A_969 = arith.mulf %sub3A_968, %sub3A_968 : vector<16xf32>
        %add3A_970 = arith.addf %add3A_939, %mul3A_969 : vector<16xf32>
        %mul3A_971 = arith.mulf %gather3A_967, %gather3A_967 : vector<16xf32>
        %add3A_972 = arith.addf %add3A_941, %mul3A_971 : vector<16xf32>
        %gather3A_973 = tpu.vector_load_idx %arg8[%add3A_372, %and3A_965] : memref<800x32xf32, #tpu.memory_space<vmem>>[vector<16xi32>, vector<16xi32>], vector<16xf32>,
        %sub3A_974 = arith.subf %gather3A_966, %gather3A_973 : vector<16xf32>
        %mul3A_975 = arith.mulf %sub3A_974, %sub3A_974 : vector<16xf32>
        %add3A_976 = arith.addf %add3A_945, %mul3A_975 : vector<16xf32>
        %mul3A_977 = arith.mulf %gather3A_973, %gather3A_973 : vector<16xf32>
        %add3A_978 = arith.addf %add3A_947, %mul3A_977 : vector<16xf32>
        %gather3A_979 = tpu.vector_load_idx %arg8[%add3A_379, %and3A_965] : memref<800x32xf32, #tpu.memory_space<vmem>>[vector<16xi32>, vector<16xi32>], vector<16xf32>,
        %sub3A_980 = arith.subf %gather3A_966, %gather3A_979 : vector<16xf32>
        %mul3A_981 = arith.mulf %sub3A_980, %sub3A_980 : vector<16xf32>
        %add3A_982 = arith.addf %add3A_951, %mul3A_981 : vector<16xf32>
        %mul3A_983 = arith.mulf %gather3A_979, %gather3A_979 : vector<16xf32>
        %add3A_984 = arith.addf %add3A_953, %mul3A_983 : vector<16xf32>
        %gather3A_985 = tpu.vector_load_idx %arg8[%add3A_386, %and3A_965] : memref<800x32xf32, #tpu.memory_space<vmem>>[vector<16xi32>, vector<16xi32>], vector<16xf32>,
        %sub3A_986 = arith.subf %gather3A_966, %gather3A_985 : vector<16xf32>
        %mul3A_987 = arith.mulf %sub3A_986, %sub3A_986 : vector<16xf32>
        %add3A_988 = arith.addf %add3A_957, %mul3A_987 : vector<16xf32>
        %mul3A_989 = arith.mulf %gather3A_985, %gather3A_985 : vector<16xf32>
        %add3A_990 = arith.addf %add3A_959, %mul3A_989 : vector<16xf32>
        %add3A_991 = arith.constant 19 : i32
        %add3A_992 = vector.broadcast %add3A_991 : i32 to vector<16xi32>
        %add3A_993 = arith.addi %iota3A, %add3A_992 : vector<16xi32>
        %and3A_994 = arith.constant 31 : i32
        %and3A_995 = vector.broadcast %and3A_994 : i32 to vector<16xi32>
        %and3A_996 = arith.andi %add3A_993, %and3A_995 : vector<16xi32>
        %gather3A_997 = tpu.vector_load_idx %arg8[%add3A_348, %and3A_996] : memref<800x32xf32, #tpu.memory_space<vmem>>[vector<16xi32>, vector<16xi32>], vector<16xf32>,
        %gather3A_998 = tpu.vector_load_idx %arg8[%add3A_365, %and3A_996] : memref<800x32xf32, #tpu.memory_space<vmem>>[vector<16xi32>, vector<16xi32>], vector<16xf32>,
        %sub3A_999 = arith.subf %gather3A_997, %gather3A_998 : vector<16xf32>
        %mul3A_1000 = arith.mulf %sub3A_999, %sub3A_999 : vector<16xf32>
        %add3A_1001 = arith.addf %add3A_970, %mul3A_1000 : vector<16xf32>
        %mul3A_1002 = arith.mulf %gather3A_998, %gather3A_998 : vector<16xf32>
        %add3A_1003 = arith.addf %add3A_972, %mul3A_1002 : vector<16xf32>
        %gather3A_1004 = tpu.vector_load_idx %arg8[%add3A_372, %and3A_996] : memref<800x32xf32, #tpu.memory_space<vmem>>[vector<16xi32>, vector<16xi32>], vector<16xf32>,
        %sub3A_1005 = arith.subf %gather3A_997, %gather3A_1004 : vector<16xf32>
        %mul3A_1006 = arith.mulf %sub3A_1005, %sub3A_1005 : vector<16xf32>
        %add3A_1007 = arith.addf %add3A_976, %mul3A_1006 : vector<16xf32>
        %mul3A_1008 = arith.mulf %gather3A_1004, %gather3A_1004 : vector<16xf32>
        %add3A_1009 = arith.addf %add3A_978, %mul3A_1008 : vector<16xf32>
        %gather3A_1010 = tpu.vector_load_idx %arg8[%add3A_379, %and3A_996] : memref<800x32xf32, #tpu.memory_space<vmem>>[vector<16xi32>, vector<16xi32>], vector<16xf32>,
        %sub3A_1011 = arith.subf %gather3A_997, %gather3A_1010 : vector<16xf32>
        %mul3A_1012 = arith.mulf %sub3A_1011, %sub3A_1011 : vector<16xf32>
        %add3A_1013 = arith.addf %add3A_982, %mul3A_1012 : vector<16xf32>
        %mul3A_1014 = arith.mulf %gather3A_1010, %gather3A_1010 : vector<16xf32>
        %add3A_1015 = arith.addf %add3A_984, %mul3A_1014 : vector<16xf32>
        %gather3A_1016 = tpu.vector_load_idx %arg8[%add3A_386, %and3A_996] : memref<800x32xf32, #tpu.memory_space<vmem>>[vector<16xi32>, vector<16xi32>], vector<16xf32>,
        %sub3A_1017 = arith.subf %gather3A_997, %gather3A_1016 : vector<16xf32>
        %mul3A_1018 = arith.mulf %sub3A_1017, %sub3A_1017 : vector<16xf32>
        %add3A_1019 = arith.addf %add3A_988, %mul3A_1018 : vector<16xf32>
        %mul3A_1020 = arith.mulf %gather3A_1016, %gather3A_1016 : vector<16xf32>
        %add3A_1021 = arith.addf %add3A_990, %mul3A_1020 : vector<16xf32>
        %add3A_1022 = arith.constant 20 : i32
        %add3A_1023 = vector.broadcast %add3A_1022 : i32 to vector<16xi32>
        %add3A_1024 = arith.addi %iota3A, %add3A_1023 : vector<16xi32>
        %and3A_1025 = arith.constant 31 : i32
        %and3A_1026 = vector.broadcast %and3A_1025 : i32 to vector<16xi32>
        %and3A_1027 = arith.andi %add3A_1024, %and3A_1026 : vector<16xi32>
        %gather3A_1028 = tpu.vector_load_idx %arg8[%add3A_348, %and3A_1027] : memref<800x32xf32, #tpu.memory_space<vmem>>[vector<16xi32>, vector<16xi32>], vector<16xf32>,
        %gather3A_1029 = tpu.vector_load_idx %arg8[%add3A_365, %and3A_1027] : memref<800x32xf32, #tpu.memory_space<vmem>>[vector<16xi32>, vector<16xi32>], vector<16xf32>,
        %sub3A_1030 = arith.subf %gather3A_1028, %gather3A_1029 : vector<16xf32>
        %mul3A_1031 = arith.mulf %sub3A_1030, %sub3A_1030 : vector<16xf32>
        %add3A_1032 = arith.addf %add3A_1001, %mul3A_1031 : vector<16xf32>
        %mul3A_1033 = arith.mulf %gather3A_1029, %gather3A_1029 : vector<16xf32>
        %add3A_1034 = arith.addf %add3A_1003, %mul3A_1033 : vector<16xf32>
        %gather3A_1035 = tpu.vector_load_idx %arg8[%add3A_372, %and3A_1027] : memref<800x32xf32, #tpu.memory_space<vmem>>[vector<16xi32>, vector<16xi32>], vector<16xf32>,
        %sub3A_1036 = arith.subf %gather3A_1028, %gather3A_1035 : vector<16xf32>
        %mul3A_1037 = arith.mulf %sub3A_1036, %sub3A_1036 : vector<16xf32>
        %add3A_1038 = arith.addf %add3A_1007, %mul3A_1037 : vector<16xf32>
        %mul3A_1039 = arith.mulf %gather3A_1035, %gather3A_1035 : vector<16xf32>
        %add3A_1040 = arith.addf %add3A_1009, %mul3A_1039 : vector<16xf32>
        %gather3A_1041 = tpu.vector_load_idx %arg8[%add3A_379, %and3A_1027] : memref<800x32xf32, #tpu.memory_space<vmem>>[vector<16xi32>, vector<16xi32>], vector<16xf32>,
        %sub3A_1042 = arith.subf %gather3A_1028, %gather3A_1041 : vector<16xf32>
        %mul3A_1043 = arith.mulf %sub3A_1042, %sub3A_1042 : vector<16xf32>
        %add3A_1044 = arith.addf %add3A_1013, %mul3A_1043 : vector<16xf32>
        %mul3A_1045 = arith.mulf %gather3A_1041, %gather3A_1041 : vector<16xf32>
        %add3A_1046 = arith.addf %add3A_1015, %mul3A_1045 : vector<16xf32>
        %gather3A_1047 = tpu.vector_load_idx %arg8[%add3A_386, %and3A_1027] : memref<800x32xf32, #tpu.memory_space<vmem>>[vector<16xi32>, vector<16xi32>], vector<16xf32>,
        %sub3A_1048 = arith.subf %gather3A_1028, %gather3A_1047 : vector<16xf32>
        %mul3A_1049 = arith.mulf %sub3A_1048, %sub3A_1048 : vector<16xf32>
        %add3A_1050 = arith.addf %add3A_1019, %mul3A_1049 : vector<16xf32>
        %mul3A_1051 = arith.mulf %gather3A_1047, %gather3A_1047 : vector<16xf32>
        %add3A_1052 = arith.addf %add3A_1021, %mul3A_1051 : vector<16xf32>
        %add3A_1053 = arith.constant 21 : i32
        %add3A_1054 = vector.broadcast %add3A_1053 : i32 to vector<16xi32>
        %add3A_1055 = arith.addi %iota3A, %add3A_1054 : vector<16xi32>
        %and3A_1056 = arith.constant 31 : i32
        %and3A_1057 = vector.broadcast %and3A_1056 : i32 to vector<16xi32>
        %and3A_1058 = arith.andi %add3A_1055, %and3A_1057 : vector<16xi32>
        %gather3A_1059 = tpu.vector_load_idx %arg8[%add3A_348, %and3A_1058] : memref<800x32xf32, #tpu.memory_space<vmem>>[vector<16xi32>, vector<16xi32>], vector<16xf32>,
        %gather3A_1060 = tpu.vector_load_idx %arg8[%add3A_365, %and3A_1058] : memref<800x32xf32, #tpu.memory_space<vmem>>[vector<16xi32>, vector<16xi32>], vector<16xf32>,
        %sub3A_1061 = arith.subf %gather3A_1059, %gather3A_1060 : vector<16xf32>
        %mul3A_1062 = arith.mulf %sub3A_1061, %sub3A_1061 : vector<16xf32>
        %add3A_1063 = arith.addf %add3A_1032, %mul3A_1062 : vector<16xf32>
        %mul3A_1064 = arith.mulf %gather3A_1060, %gather3A_1060 : vector<16xf32>
        %add3A_1065 = arith.addf %add3A_1034, %mul3A_1064 : vector<16xf32>
        %gather3A_1066 = tpu.vector_load_idx %arg8[%add3A_372, %and3A_1058] : memref<800x32xf32, #tpu.memory_space<vmem>>[vector<16xi32>, vector<16xi32>], vector<16xf32>,
        %sub3A_1067 = arith.subf %gather3A_1059, %gather3A_1066 : vector<16xf32>
        %mul3A_1068 = arith.mulf %sub3A_1067, %sub3A_1067 : vector<16xf32>
        %add3A_1069 = arith.addf %add3A_1038, %mul3A_1068 : vector<16xf32>
        %mul3A_1070 = arith.mulf %gather3A_1066, %gather3A_1066 : vector<16xf32>
        %add3A_1071 = arith.addf %add3A_1040, %mul3A_1070 : vector<16xf32>
        %gather3A_1072 = tpu.vector_load_idx %arg8[%add3A_379, %and3A_1058] : memref<800x32xf32, #tpu.memory_space<vmem>>[vector<16xi32>, vector<16xi32>], vector<16xf32>,
        %sub3A_1073 = arith.subf %gather3A_1059, %gather3A_1072 : vector<16xf32>
        %mul3A_1074 = arith.mulf %sub3A_1073, %sub3A_1073 : vector<16xf32>
        %add3A_1075 = arith.addf %add3A_1044, %mul3A_1074 : vector<16xf32>
        %mul3A_1076 = arith.mulf %gather3A_1072, %gather3A_1072 : vector<16xf32>
        %add3A_1077 = arith.addf %add3A_1046, %mul3A_1076 : vector<16xf32>
        %gather3A_1078 = tpu.vector_load_idx %arg8[%add3A_386, %and3A_1058] : memref<800x32xf32, #tpu.memory_space<vmem>>[vector<16xi32>, vector<16xi32>], vector<16xf32>,
        %sub3A_1079 = arith.subf %gather3A_1059, %gather3A_1078 : vector<16xf32>
        %mul3A_1080 = arith.mulf %sub3A_1079, %sub3A_1079 : vector<16xf32>
        %add3A_1081 = arith.addf %add3A_1050, %mul3A_1080 : vector<16xf32>
        %mul3A_1082 = arith.mulf %gather3A_1078, %gather3A_1078 : vector<16xf32>
        %add3A_1083 = arith.addf %add3A_1052, %mul3A_1082 : vector<16xf32>
        %add3A_1084 = arith.constant 22 : i32
        %add3A_1085 = vector.broadcast %add3A_1084 : i32 to vector<16xi32>
        %add3A_1086 = arith.addi %iota3A, %add3A_1085 : vector<16xi32>
        %and3A_1087 = arith.constant 31 : i32
        %and3A_1088 = vector.broadcast %and3A_1087 : i32 to vector<16xi32>
        %and3A_1089 = arith.andi %add3A_1086, %and3A_1088 : vector<16xi32>
        %gather3A_1090 = tpu.vector_load_idx %arg8[%add3A_348, %and3A_1089] : memref<800x32xf32, #tpu.memory_space<vmem>>[vector<16xi32>, vector<16xi32>], vector<16xf32>,
        %gather3A_1091 = tpu.vector_load_idx %arg8[%add3A_365, %and3A_1089] : memref<800x32xf32, #tpu.memory_space<vmem>>[vector<16xi32>, vector<16xi32>], vector<16xf32>,
        %sub3A_1092 = arith.subf %gather3A_1090, %gather3A_1091 : vector<16xf32>
        %mul3A_1093 = arith.mulf %sub3A_1092, %sub3A_1092 : vector<16xf32>
        %add3A_1094 = arith.addf %add3A_1063, %mul3A_1093 : vector<16xf32>
        %mul3A_1095 = arith.mulf %gather3A_1091, %gather3A_1091 : vector<16xf32>
        %add3A_1096 = arith.addf %add3A_1065, %mul3A_1095 : vector<16xf32>
        %gather3A_1097 = tpu.vector_load_idx %arg8[%add3A_372, %and3A_1089] : memref<800x32xf32, #tpu.memory_space<vmem>>[vector<16xi32>, vector<16xi32>], vector<16xf32>,
        %sub3A_1098 = arith.subf %gather3A_1090, %gather3A_1097 : vector<16xf32>
        %mul3A_1099 = arith.mulf %sub3A_1098, %sub3A_1098 : vector<16xf32>
        %add3A_1100 = arith.addf %add3A_1069, %mul3A_1099 : vector<16xf32>
        %mul3A_1101 = arith.mulf %gather3A_1097, %gather3A_1097 : vector<16xf32>
        %add3A_1102 = arith.addf %add3A_1071, %mul3A_1101 : vector<16xf32>
        %gather3A_1103 = tpu.vector_load_idx %arg8[%add3A_379, %and3A_1089] : memref<800x32xf32, #tpu.memory_space<vmem>>[vector<16xi32>, vector<16xi32>], vector<16xf32>,
        %sub3A_1104 = arith.subf %gather3A_1090, %gather3A_1103 : vector<16xf32>
        %mul3A_1105 = arith.mulf %sub3A_1104, %sub3A_1104 : vector<16xf32>
        %add3A_1106 = arith.addf %add3A_1075, %mul3A_1105 : vector<16xf32>
        %mul3A_1107 = arith.mulf %gather3A_1103, %gather3A_1103 : vector<16xf32>
        %add3A_1108 = arith.addf %add3A_1077, %mul3A_1107 : vector<16xf32>
        %gather3A_1109 = tpu.vector_load_idx %arg8[%add3A_386, %and3A_1089] : memref<800x32xf32, #tpu.memory_space<vmem>>[vector<16xi32>, vector<16xi32>], vector<16xf32>,
        %sub3A_1110 = arith.subf %gather3A_1090, %gather3A_1109 : vector<16xf32>
        %mul3A_1111 = arith.mulf %sub3A_1110, %sub3A_1110 : vector<16xf32>
        %add3A_1112 = arith.addf %add3A_1081, %mul3A_1111 : vector<16xf32>
        %mul3A_1113 = arith.mulf %gather3A_1109, %gather3A_1109 : vector<16xf32>
        %add3A_1114 = arith.addf %add3A_1083, %mul3A_1113 : vector<16xf32>
        %add3A_1115 = arith.constant 23 : i32
        %add3A_1116 = vector.broadcast %add3A_1115 : i32 to vector<16xi32>
        %add3A_1117 = arith.addi %iota3A, %add3A_1116 : vector<16xi32>
        %and3A_1118 = arith.constant 31 : i32
        %and3A_1119 = vector.broadcast %and3A_1118 : i32 to vector<16xi32>
        %and3A_1120 = arith.andi %add3A_1117, %and3A_1119 : vector<16xi32>
        %gather3A_1121 = tpu.vector_load_idx %arg8[%add3A_348, %and3A_1120] : memref<800x32xf32, #tpu.memory_space<vmem>>[vector<16xi32>, vector<16xi32>], vector<16xf32>,
        %gather3A_1122 = tpu.vector_load_idx %arg8[%add3A_365, %and3A_1120] : memref<800x32xf32, #tpu.memory_space<vmem>>[vector<16xi32>, vector<16xi32>], vector<16xf32>,
        %sub3A_1123 = arith.subf %gather3A_1121, %gather3A_1122 : vector<16xf32>
        %mul3A_1124 = arith.mulf %sub3A_1123, %sub3A_1123 : vector<16xf32>
        %add3A_1125 = arith.addf %add3A_1094, %mul3A_1124 : vector<16xf32>
        %mul3A_1126 = arith.mulf %gather3A_1122, %gather3A_1122 : vector<16xf32>
        %add3A_1127 = arith.addf %add3A_1096, %mul3A_1126 : vector<16xf32>
        %gather3A_1128 = tpu.vector_load_idx %arg8[%add3A_372, %and3A_1120] : memref<800x32xf32, #tpu.memory_space<vmem>>[vector<16xi32>, vector<16xi32>], vector<16xf32>,
        %sub3A_1129 = arith.subf %gather3A_1121, %gather3A_1128 : vector<16xf32>
        %mul3A_1130 = arith.mulf %sub3A_1129, %sub3A_1129 : vector<16xf32>
        %add3A_1131 = arith.addf %add3A_1100, %mul3A_1130 : vector<16xf32>
        %mul3A_1132 = arith.mulf %gather3A_1128, %gather3A_1128 : vector<16xf32>
        %add3A_1133 = arith.addf %add3A_1102, %mul3A_1132 : vector<16xf32>
        %gather3A_1134 = tpu.vector_load_idx %arg8[%add3A_379, %and3A_1120] : memref<800x32xf32, #tpu.memory_space<vmem>>[vector<16xi32>, vector<16xi32>], vector<16xf32>,
        %sub3A_1135 = arith.subf %gather3A_1121, %gather3A_1134 : vector<16xf32>
        %mul3A_1136 = arith.mulf %sub3A_1135, %sub3A_1135 : vector<16xf32>
        %add3A_1137 = arith.addf %add3A_1106, %mul3A_1136 : vector<16xf32>
        %mul3A_1138 = arith.mulf %gather3A_1134, %gather3A_1134 : vector<16xf32>
        %add3A_1139 = arith.addf %add3A_1108, %mul3A_1138 : vector<16xf32>
        %gather3A_1140 = tpu.vector_load_idx %arg8[%add3A_386, %and3A_1120] : memref<800x32xf32, #tpu.memory_space<vmem>>[vector<16xi32>, vector<16xi32>], vector<16xf32>,
        %sub3A_1141 = arith.subf %gather3A_1121, %gather3A_1140 : vector<16xf32>
        %mul3A_1142 = arith.mulf %sub3A_1141, %sub3A_1141 : vector<16xf32>
        %add3A_1143 = arith.addf %add3A_1112, %mul3A_1142 : vector<16xf32>
        %mul3A_1144 = arith.mulf %gather3A_1140, %gather3A_1140 : vector<16xf32>
        %add3A_1145 = arith.addf %add3A_1114, %mul3A_1144 : vector<16xf32>
        %add3A_1146 = arith.constant 24 : i32
        %add3A_1147 = vector.broadcast %add3A_1146 : i32 to vector<16xi32>
        %add3A_1148 = arith.addi %iota3A, %add3A_1147 : vector<16xi32>
        %and3A_1149 = arith.constant 31 : i32
        %and3A_1150 = vector.broadcast %and3A_1149 : i32 to vector<16xi32>
        %and3A_1151 = arith.andi %add3A_1148, %and3A_1150 : vector<16xi32>
        %gather3A_1152 = tpu.vector_load_idx %arg8[%add3A_348, %and3A_1151] : memref<800x32xf32, #tpu.memory_space<vmem>>[vector<16xi32>, vector<16xi32>], vector<16xf32>,
        %gather3A_1153 = tpu.vector_load_idx %arg8[%add3A_365, %and3A_1151] : memref<800x32xf32, #tpu.memory_space<vmem>>[vector<16xi32>, vector<16xi32>], vector<16xf32>,
        %sub3A_1154 = arith.subf %gather3A_1152, %gather3A_1153 : vector<16xf32>
        %mul3A_1155 = arith.mulf %sub3A_1154, %sub3A_1154 : vector<16xf32>
        %add3A_1156 = arith.addf %add3A_1125, %mul3A_1155 : vector<16xf32>
        %mul3A_1157 = arith.mulf %gather3A_1153, %gather3A_1153 : vector<16xf32>
        %add3A_1158 = arith.addf %add3A_1127, %mul3A_1157 : vector<16xf32>
        %gather3A_1159 = tpu.vector_load_idx %arg8[%add3A_372, %and3A_1151] : memref<800x32xf32, #tpu.memory_space<vmem>>[vector<16xi32>, vector<16xi32>], vector<16xf32>,
        %sub3A_1160 = arith.subf %gather3A_1152, %gather3A_1159 : vector<16xf32>
        %mul3A_1161 = arith.mulf %sub3A_1160, %sub3A_1160 : vector<16xf32>
        %add3A_1162 = arith.addf %add3A_1131, %mul3A_1161 : vector<16xf32>
        %mul3A_1163 = arith.mulf %gather3A_1159, %gather3A_1159 : vector<16xf32>
        %add3A_1164 = arith.addf %add3A_1133, %mul3A_1163 : vector<16xf32>
        %gather3A_1165 = tpu.vector_load_idx %arg8[%add3A_379, %and3A_1151] : memref<800x32xf32, #tpu.memory_space<vmem>>[vector<16xi32>, vector<16xi32>], vector<16xf32>,
        %sub3A_1166 = arith.subf %gather3A_1152, %gather3A_1165 : vector<16xf32>
        %mul3A_1167 = arith.mulf %sub3A_1166, %sub3A_1166 : vector<16xf32>
        %add3A_1168 = arith.addf %add3A_1137, %mul3A_1167 : vector<16xf32>
        %mul3A_1169 = arith.mulf %gather3A_1165, %gather3A_1165 : vector<16xf32>
        %add3A_1170 = arith.addf %add3A_1139, %mul3A_1169 : vector<16xf32>
        %gather3A_1171 = tpu.vector_load_idx %arg8[%add3A_386, %and3A_1151] : memref<800x32xf32, #tpu.memory_space<vmem>>[vector<16xi32>, vector<16xi32>], vector<16xf32>,
        %sub3A_1172 = arith.subf %gather3A_1152, %gather3A_1171 : vector<16xf32>
        %mul3A_1173 = arith.mulf %sub3A_1172, %sub3A_1172 : vector<16xf32>
        %add3A_1174 = arith.addf %add3A_1143, %mul3A_1173 : vector<16xf32>
        %mul3A_1175 = arith.mulf %gather3A_1171, %gather3A_1171 : vector<16xf32>
        %add3A_1176 = arith.addf %add3A_1145, %mul3A_1175 : vector<16xf32>
        %add3A_1177 = arith.constant 25 : i32
        %add3A_1178 = vector.broadcast %add3A_1177 : i32 to vector<16xi32>
        %add3A_1179 = arith.addi %iota3A, %add3A_1178 : vector<16xi32>
        %and3A_1180 = arith.constant 31 : i32
        %and3A_1181 = vector.broadcast %and3A_1180 : i32 to vector<16xi32>
        %and3A_1182 = arith.andi %add3A_1179, %and3A_1181 : vector<16xi32>
        %gather3A_1183 = tpu.vector_load_idx %arg8[%add3A_348, %and3A_1182] : memref<800x32xf32, #tpu.memory_space<vmem>>[vector<16xi32>, vector<16xi32>], vector<16xf32>,
        %gather3A_1184 = tpu.vector_load_idx %arg8[%add3A_365, %and3A_1182] : memref<800x32xf32, #tpu.memory_space<vmem>>[vector<16xi32>, vector<16xi32>], vector<16xf32>,
        %sub3A_1185 = arith.subf %gather3A_1183, %gather3A_1184 : vector<16xf32>
        %mul3A_1186 = arith.mulf %sub3A_1185, %sub3A_1185 : vector<16xf32>
        %add3A_1187 = arith.addf %add3A_1156, %mul3A_1186 : vector<16xf32>
        %mul3A_1188 = arith.mulf %gather3A_1184, %gather3A_1184 : vector<16xf32>
        %add3A_1189 = arith.addf %add3A_1158, %mul3A_1188 : vector<16xf32>
        %gather3A_1190 = tpu.vector_load_idx %arg8[%add3A_372, %and3A_1182] : memref<800x32xf32, #tpu.memory_space<vmem>>[vector<16xi32>, vector<16xi32>], vector<16xf32>,
        %sub3A_1191 = arith.subf %gather3A_1183, %gather3A_1190 : vector<16xf32>
        %mul3A_1192 = arith.mulf %sub3A_1191, %sub3A_1191 : vector<16xf32>
        %add3A_1193 = arith.addf %add3A_1162, %mul3A_1192 : vector<16xf32>
        %mul3A_1194 = arith.mulf %gather3A_1190, %gather3A_1190 : vector<16xf32>
        %add3A_1195 = arith.addf %add3A_1164, %mul3A_1194 : vector<16xf32>
        %gather3A_1196 = tpu.vector_load_idx %arg8[%add3A_379, %and3A_1182] : memref<800x32xf32, #tpu.memory_space<vmem>>[vector<16xi32>, vector<16xi32>], vector<16xf32>,
        %sub3A_1197 = arith.subf %gather3A_1183, %gather3A_1196 : vector<16xf32>
        %mul3A_1198 = arith.mulf %sub3A_1197, %sub3A_1197 : vector<16xf32>
        %add3A_1199 = arith.addf %add3A_1168, %mul3A_1198 : vector<16xf32>
        %mul3A_1200 = arith.mulf %gather3A_1196, %gather3A_1196 : vector<16xf32>
        %add3A_1201 = arith.addf %add3A_1170, %mul3A_1200 : vector<16xf32>
        %gather3A_1202 = tpu.vector_load_idx %arg8[%add3A_386, %and3A_1182] : memref<800x32xf32, #tpu.memory_space<vmem>>[vector<16xi32>, vector<16xi32>], vector<16xf32>,
        %sub3A_1203 = arith.subf %gather3A_1183, %gather3A_1202 : vector<16xf32>
        %mul3A_1204 = arith.mulf %sub3A_1203, %sub3A_1203 : vector<16xf32>
        %add3A_1205 = arith.addf %add3A_1174, %mul3A_1204 : vector<16xf32>
        %mul3A_1206 = arith.mulf %gather3A_1202, %gather3A_1202 : vector<16xf32>
        %add3A_1207 = arith.addf %add3A_1176, %mul3A_1206 : vector<16xf32>
        %add3A_1208 = arith.constant 26 : i32
        %add3A_1209 = vector.broadcast %add3A_1208 : i32 to vector<16xi32>
        %add3A_1210 = arith.addi %iota3A, %add3A_1209 : vector<16xi32>
        %and3A_1211 = arith.constant 31 : i32
        %and3A_1212 = vector.broadcast %and3A_1211 : i32 to vector<16xi32>
        %and3A_1213 = arith.andi %add3A_1210, %and3A_1212 : vector<16xi32>
        %gather3A_1214 = tpu.vector_load_idx %arg8[%add3A_348, %and3A_1213] : memref<800x32xf32, #tpu.memory_space<vmem>>[vector<16xi32>, vector<16xi32>], vector<16xf32>,
        %gather3A_1215 = tpu.vector_load_idx %arg8[%add3A_365, %and3A_1213] : memref<800x32xf32, #tpu.memory_space<vmem>>[vector<16xi32>, vector<16xi32>], vector<16xf32>,
        %sub3A_1216 = arith.subf %gather3A_1214, %gather3A_1215 : vector<16xf32>
        %mul3A_1217 = arith.mulf %sub3A_1216, %sub3A_1216 : vector<16xf32>
        %add3A_1218 = arith.addf %add3A_1187, %mul3A_1217 : vector<16xf32>
        %mul3A_1219 = arith.mulf %gather3A_1215, %gather3A_1215 : vector<16xf32>
        %add3A_1220 = arith.addf %add3A_1189, %mul3A_1219 : vector<16xf32>
        %gather3A_1221 = tpu.vector_load_idx %arg8[%add3A_372, %and3A_1213] : memref<800x32xf32, #tpu.memory_space<vmem>>[vector<16xi32>, vector<16xi32>], vector<16xf32>,
        %sub3A_1222 = arith.subf %gather3A_1214, %gather3A_1221 : vector<16xf32>
        %mul3A_1223 = arith.mulf %sub3A_1222, %sub3A_1222 : vector<16xf32>
        %add3A_1224 = arith.addf %add3A_1193, %mul3A_1223 : vector<16xf32>
        %mul3A_1225 = arith.mulf %gather3A_1221, %gather3A_1221 : vector<16xf32>
        %add3A_1226 = arith.addf %add3A_1195, %mul3A_1225 : vector<16xf32>
        %gather3A_1227 = tpu.vector_load_idx %arg8[%add3A_379, %and3A_1213] : memref<800x32xf32, #tpu.memory_space<vmem>>[vector<16xi32>, vector<16xi32>], vector<16xf32>,
        %sub3A_1228 = arith.subf %gather3A_1214, %gather3A_1227 : vector<16xf32>
        %mul3A_1229 = arith.mulf %sub3A_1228, %sub3A_1228 : vector<16xf32>
        %add3A_1230 = arith.addf %add3A_1199, %mul3A_1229 : vector<16xf32>
        %mul3A_1231 = arith.mulf %gather3A_1227, %gather3A_1227 : vector<16xf32>
        %add3A_1232 = arith.addf %add3A_1201, %mul3A_1231 : vector<16xf32>
        %gather3A_1233 = tpu.vector_load_idx %arg8[%add3A_386, %and3A_1213] : memref<800x32xf32, #tpu.memory_space<vmem>>[vector<16xi32>, vector<16xi32>], vector<16xf32>,
        %sub3A_1234 = arith.subf %gather3A_1214, %gather3A_1233 : vector<16xf32>
        %mul3A_1235 = arith.mulf %sub3A_1234, %sub3A_1234 : vector<16xf32>
        %add3A_1236 = arith.addf %add3A_1205, %mul3A_1235 : vector<16xf32>
        %mul3A_1237 = arith.mulf %gather3A_1233, %gather3A_1233 : vector<16xf32>
        %add3A_1238 = arith.addf %add3A_1207, %mul3A_1237 : vector<16xf32>
        %add3A_1239 = arith.constant 27 : i32
        %add3A_1240 = vector.broadcast %add3A_1239 : i32 to vector<16xi32>
        %add3A_1241 = arith.addi %iota3A, %add3A_1240 : vector<16xi32>
        %and3A_1242 = arith.constant 31 : i32
        %and3A_1243 = vector.broadcast %and3A_1242 : i32 to vector<16xi32>
        %and3A_1244 = arith.andi %add3A_1241, %and3A_1243 : vector<16xi32>
        %gather3A_1245 = tpu.vector_load_idx %arg8[%add3A_348, %and3A_1244] : memref<800x32xf32, #tpu.memory_space<vmem>>[vector<16xi32>, vector<16xi32>], vector<16xf32>,
        %gather3A_1246 = tpu.vector_load_idx %arg8[%add3A_365, %and3A_1244] : memref<800x32xf32, #tpu.memory_space<vmem>>[vector<16xi32>, vector<16xi32>], vector<16xf32>,
        %sub3A_1247 = arith.subf %gather3A_1245, %gather3A_1246 : vector<16xf32>
        %mul3A_1248 = arith.mulf %sub3A_1247, %sub3A_1247 : vector<16xf32>
        %add3A_1249 = arith.addf %add3A_1218, %mul3A_1248 : vector<16xf32>
        %mul3A_1250 = arith.mulf %gather3A_1246, %gather3A_1246 : vector<16xf32>
        %add3A_1251 = arith.addf %add3A_1220, %mul3A_1250 : vector<16xf32>
        %gather3A_1252 = tpu.vector_load_idx %arg8[%add3A_372, %and3A_1244] : memref<800x32xf32, #tpu.memory_space<vmem>>[vector<16xi32>, vector<16xi32>], vector<16xf32>,
        %sub3A_1253 = arith.subf %gather3A_1245, %gather3A_1252 : vector<16xf32>
        %mul3A_1254 = arith.mulf %sub3A_1253, %sub3A_1253 : vector<16xf32>
        %add3A_1255 = arith.addf %add3A_1224, %mul3A_1254 : vector<16xf32>
        %mul3A_1256 = arith.mulf %gather3A_1252, %gather3A_1252 : vector<16xf32>
        %add3A_1257 = arith.addf %add3A_1226, %mul3A_1256 : vector<16xf32>
        %gather3A_1258 = tpu.vector_load_idx %arg8[%add3A_379, %and3A_1244] : memref<800x32xf32, #tpu.memory_space<vmem>>[vector<16xi32>, vector<16xi32>], vector<16xf32>,
        %sub3A_1259 = arith.subf %gather3A_1245, %gather3A_1258 : vector<16xf32>
        %mul3A_1260 = arith.mulf %sub3A_1259, %sub3A_1259 : vector<16xf32>
        %add3A_1261 = arith.addf %add3A_1230, %mul3A_1260 : vector<16xf32>
        %mul3A_1262 = arith.mulf %gather3A_1258, %gather3A_1258 : vector<16xf32>
        %add3A_1263 = arith.addf %add3A_1232, %mul3A_1262 : vector<16xf32>
        %gather3A_1264 = tpu.vector_load_idx %arg8[%add3A_386, %and3A_1244] : memref<800x32xf32, #tpu.memory_space<vmem>>[vector<16xi32>, vector<16xi32>], vector<16xf32>,
        %sub3A_1265 = arith.subf %gather3A_1245, %gather3A_1264 : vector<16xf32>
        %mul3A_1266 = arith.mulf %sub3A_1265, %sub3A_1265 : vector<16xf32>
        %add3A_1267 = arith.addf %add3A_1236, %mul3A_1266 : vector<16xf32>
        %mul3A_1268 = arith.mulf %gather3A_1264, %gather3A_1264 : vector<16xf32>
        %add3A_1269 = arith.addf %add3A_1238, %mul3A_1268 : vector<16xf32>
        %add3A_1270 = arith.constant 28 : i32
        %add3A_1271 = vector.broadcast %add3A_1270 : i32 to vector<16xi32>
        %add3A_1272 = arith.addi %iota3A, %add3A_1271 : vector<16xi32>
        %and3A_1273 = arith.constant 31 : i32
        %and3A_1274 = vector.broadcast %and3A_1273 : i32 to vector<16xi32>
        %and3A_1275 = arith.andi %add3A_1272, %and3A_1274 : vector<16xi32>
        %gather3A_1276 = tpu.vector_load_idx %arg8[%add3A_348, %and3A_1275] : memref<800x32xf32, #tpu.memory_space<vmem>>[vector<16xi32>, vector<16xi32>], vector<16xf32>,
        %gather3A_1277 = tpu.vector_load_idx %arg8[%add3A_365, %and3A_1275] : memref<800x32xf32, #tpu.memory_space<vmem>>[vector<16xi32>, vector<16xi32>], vector<16xf32>,
        %sub3A_1278 = arith.subf %gather3A_1276, %gather3A_1277 : vector<16xf32>
        %mul3A_1279 = arith.mulf %sub3A_1278, %sub3A_1278 : vector<16xf32>
        %add3A_1280 = arith.addf %add3A_1249, %mul3A_1279 : vector<16xf32>
        %mul3A_1281 = arith.mulf %gather3A_1277, %gather3A_1277 : vector<16xf32>
        %add3A_1282 = arith.addf %add3A_1251, %mul3A_1281 : vector<16xf32>
        %gather3A_1283 = tpu.vector_load_idx %arg8[%add3A_372, %and3A_1275] : memref<800x32xf32, #tpu.memory_space<vmem>>[vector<16xi32>, vector<16xi32>], vector<16xf32>,
        %sub3A_1284 = arith.subf %gather3A_1276, %gather3A_1283 : vector<16xf32>
        %mul3A_1285 = arith.mulf %sub3A_1284, %sub3A_1284 : vector<16xf32>
        %add3A_1286 = arith.addf %add3A_1255, %mul3A_1285 : vector<16xf32>
        %mul3A_1287 = arith.mulf %gather3A_1283, %gather3A_1283 : vector<16xf32>
        %add3A_1288 = arith.addf %add3A_1257, %mul3A_1287 : vector<16xf32>
        %gather3A_1289 = tpu.vector_load_idx %arg8[%add3A_379, %and3A_1275] : memref<800x32xf32, #tpu.memory_space<vmem>>[vector<16xi32>, vector<16xi32>], vector<16xf32>,
        %sub3A_1290 = arith.subf %gather3A_1276, %gather3A_1289 : vector<16xf32>
        %mul3A_1291 = arith.mulf %sub3A_1290, %sub3A_1290 : vector<16xf32>
        %add3A_1292 = arith.addf %add3A_1261, %mul3A_1291 : vector<16xf32>
        %mul3A_1293 = arith.mulf %gather3A_1289, %gather3A_1289 : vector<16xf32>
        %add3A_1294 = arith.addf %add3A_1263, %mul3A_1293 : vector<16xf32>
        %gather3A_1295 = tpu.vector_load_idx %arg8[%add3A_386, %and3A_1275] : memref<800x32xf32, #tpu.memory_space<vmem>>[vector<16xi32>, vector<16xi32>], vector<16xf32>,
        %sub3A_1296 = arith.subf %gather3A_1276, %gather3A_1295 : vector<16xf32>
        %mul3A_1297 = arith.mulf %sub3A_1296, %sub3A_1296 : vector<16xf32>
        %add3A_1298 = arith.addf %add3A_1267, %mul3A_1297 : vector<16xf32>
        %mul3A_1299 = arith.mulf %gather3A_1295, %gather3A_1295 : vector<16xf32>
        %add3A_1300 = arith.addf %add3A_1269, %mul3A_1299 : vector<16xf32>
        %add3A_1301 = arith.constant 29 : i32
        %add3A_1302 = vector.broadcast %add3A_1301 : i32 to vector<16xi32>
        %add3A_1303 = arith.addi %iota3A, %add3A_1302 : vector<16xi32>
        %and3A_1304 = arith.constant 31 : i32
        %and3A_1305 = vector.broadcast %and3A_1304 : i32 to vector<16xi32>
        %and3A_1306 = arith.andi %add3A_1303, %and3A_1305 : vector<16xi32>
        %gather3A_1307 = tpu.vector_load_idx %arg8[%add3A_348, %and3A_1306] : memref<800x32xf32, #tpu.memory_space<vmem>>[vector<16xi32>, vector<16xi32>], vector<16xf32>,
        %gather3A_1308 = tpu.vector_load_idx %arg8[%add3A_365, %and3A_1306] : memref<800x32xf32, #tpu.memory_space<vmem>>[vector<16xi32>, vector<16xi32>], vector<16xf32>,
        %sub3A_1309 = arith.subf %gather3A_1307, %gather3A_1308 : vector<16xf32>
        %mul3A_1310 = arith.mulf %sub3A_1309, %sub3A_1309 : vector<16xf32>
        %add3A_1311 = arith.addf %add3A_1280, %mul3A_1310 : vector<16xf32>
        %mul3A_1312 = arith.mulf %gather3A_1308, %gather3A_1308 : vector<16xf32>
        %add3A_1313 = arith.addf %add3A_1282, %mul3A_1312 : vector<16xf32>
        %gather3A_1314 = tpu.vector_load_idx %arg8[%add3A_372, %and3A_1306] : memref<800x32xf32, #tpu.memory_space<vmem>>[vector<16xi32>, vector<16xi32>], vector<16xf32>,
        %sub3A_1315 = arith.subf %gather3A_1307, %gather3A_1314 : vector<16xf32>
        %mul3A_1316 = arith.mulf %sub3A_1315, %sub3A_1315 : vector<16xf32>
        %add3A_1317 = arith.addf %add3A_1286, %mul3A_1316 : vector<16xf32>
        %mul3A_1318 = arith.mulf %gather3A_1314, %gather3A_1314 : vector<16xf32>
        %add3A_1319 = arith.addf %add3A_1288, %mul3A_1318 : vector<16xf32>
        %gather3A_1320 = tpu.vector_load_idx %arg8[%add3A_379, %and3A_1306] : memref<800x32xf32, #tpu.memory_space<vmem>>[vector<16xi32>, vector<16xi32>], vector<16xf32>,
        %sub3A_1321 = arith.subf %gather3A_1307, %gather3A_1320 : vector<16xf32>
        %mul3A_1322 = arith.mulf %sub3A_1321, %sub3A_1321 : vector<16xf32>
        %add3A_1323 = arith.addf %add3A_1292, %mul3A_1322 : vector<16xf32>
        %mul3A_1324 = arith.mulf %gather3A_1320, %gather3A_1320 : vector<16xf32>
        %add3A_1325 = arith.addf %add3A_1294, %mul3A_1324 : vector<16xf32>
        %gather3A_1326 = tpu.vector_load_idx %arg8[%add3A_386, %and3A_1306] : memref<800x32xf32, #tpu.memory_space<vmem>>[vector<16xi32>, vector<16xi32>], vector<16xf32>,
        %sub3A_1327 = arith.subf %gather3A_1307, %gather3A_1326 : vector<16xf32>
        %mul3A_1328 = arith.mulf %sub3A_1327, %sub3A_1327 : vector<16xf32>
        %add3A_1329 = arith.addf %add3A_1298, %mul3A_1328 : vector<16xf32>
        %mul3A_1330 = arith.mulf %gather3A_1326, %gather3A_1326 : vector<16xf32>
        %add3A_1331 = arith.addf %add3A_1300, %mul3A_1330 : vector<16xf32>
        %add3A_1332 = arith.constant 30 : i32
        %add3A_1333 = vector.broadcast %add3A_1332 : i32 to vector<16xi32>
        %add3A_1334 = arith.addi %iota3A, %add3A_1333 : vector<16xi32>
        %and3A_1335 = arith.constant 31 : i32
        %and3A_1336 = vector.broadcast %and3A_1335 : i32 to vector<16xi32>
        %and3A_1337 = arith.andi %add3A_1334, %and3A_1336 : vector<16xi32>
        %gather3A_1338 = tpu.vector_load_idx %arg8[%add3A_348, %and3A_1337] : memref<800x32xf32, #tpu.memory_space<vmem>>[vector<16xi32>, vector<16xi32>], vector<16xf32>,
        %gather3A_1339 = tpu.vector_load_idx %arg8[%add3A_365, %and3A_1337] : memref<800x32xf32, #tpu.memory_space<vmem>>[vector<16xi32>, vector<16xi32>], vector<16xf32>,
        %sub3A_1340 = arith.subf %gather3A_1338, %gather3A_1339 : vector<16xf32>
        %mul3A_1341 = arith.mulf %sub3A_1340, %sub3A_1340 : vector<16xf32>
        %add3A_1342 = arith.addf %add3A_1311, %mul3A_1341 : vector<16xf32>
        %mul3A_1343 = arith.mulf %gather3A_1339, %gather3A_1339 : vector<16xf32>
        %add3A_1344 = arith.addf %add3A_1313, %mul3A_1343 : vector<16xf32>
        %gather3A_1345 = tpu.vector_load_idx %arg8[%add3A_372, %and3A_1337] : memref<800x32xf32, #tpu.memory_space<vmem>>[vector<16xi32>, vector<16xi32>], vector<16xf32>,
        %sub3A_1346 = arith.subf %gather3A_1338, %gather3A_1345 : vector<16xf32>
        %mul3A_1347 = arith.mulf %sub3A_1346, %sub3A_1346 : vector<16xf32>
        %add3A_1348 = arith.addf %add3A_1317, %mul3A_1347 : vector<16xf32>
        %mul3A_1349 = arith.mulf %gather3A_1345, %gather3A_1345 : vector<16xf32>
        %add3A_1350 = arith.addf %add3A_1319, %mul3A_1349 : vector<16xf32>
        %gather3A_1351 = tpu.vector_load_idx %arg8[%add3A_379, %and3A_1337] : memref<800x32xf32, #tpu.memory_space<vmem>>[vector<16xi32>, vector<16xi32>], vector<16xf32>,
        %sub3A_1352 = arith.subf %gather3A_1338, %gather3A_1351 : vector<16xf32>
        %mul3A_1353 = arith.mulf %sub3A_1352, %sub3A_1352 : vector<16xf32>
        %add3A_1354 = arith.addf %add3A_1323, %mul3A_1353 : vector<16xf32>
        %mul3A_1355 = arith.mulf %gather3A_1351, %gather3A_1351 : vector<16xf32>
        %add3A_1356 = arith.addf %add3A_1325, %mul3A_1355 : vector<16xf32>
        %gather3A_1357 = tpu.vector_load_idx %arg8[%add3A_386, %and3A_1337] : memref<800x32xf32, #tpu.memory_space<vmem>>[vector<16xi32>, vector<16xi32>], vector<16xf32>,
        %sub3A_1358 = arith.subf %gather3A_1338, %gather3A_1357 : vector<16xf32>
        %mul3A_1359 = arith.mulf %sub3A_1358, %sub3A_1358 : vector<16xf32>
        %add3A_1360 = arith.addf %add3A_1329, %mul3A_1359 : vector<16xf32>
        %mul3A_1361 = arith.mulf %gather3A_1357, %gather3A_1357 : vector<16xf32>
        %add3A_1362 = arith.addf %add3A_1331, %mul3A_1361 : vector<16xf32>
        %add3A_1363 = arith.constant 31 : i32
        %add3A_1364 = vector.broadcast %add3A_1363 : i32 to vector<16xi32>
        %add3A_1365 = arith.addi %iota3A, %add3A_1364 : vector<16xi32>
        %and3A_1366 = arith.constant 31 : i32
        %and3A_1367 = vector.broadcast %and3A_1366 : i32 to vector<16xi32>
        %and3A_1368 = arith.andi %add3A_1365, %and3A_1367 : vector<16xi32>
        %gather3A_1369 = tpu.vector_load_idx %arg8[%add3A_348, %and3A_1368] : memref<800x32xf32, #tpu.memory_space<vmem>>[vector<16xi32>, vector<16xi32>], vector<16xf32>,
        %gather3A_1370 = tpu.vector_load_idx %arg8[%add3A_365, %and3A_1368] : memref<800x32xf32, #tpu.memory_space<vmem>>[vector<16xi32>, vector<16xi32>], vector<16xf32>,
        %sub3A_1371 = arith.subf %gather3A_1369, %gather3A_1370 : vector<16xf32>
        %mul3A_1372 = arith.mulf %sub3A_1371, %sub3A_1371 : vector<16xf32>
        %add3A_1373 = arith.addf %add3A_1342, %mul3A_1372 : vector<16xf32>
        %mul3A_1374 = arith.mulf %gather3A_1370, %gather3A_1370 : vector<16xf32>
        %add3A_1375 = arith.addf %add3A_1344, %mul3A_1374 : vector<16xf32>
        %gather3A_1376 = tpu.vector_load_idx %arg8[%add3A_372, %and3A_1368] : memref<800x32xf32, #tpu.memory_space<vmem>>[vector<16xi32>, vector<16xi32>], vector<16xf32>,
        %sub3A_1377 = arith.subf %gather3A_1369, %gather3A_1376 : vector<16xf32>
        %mul3A_1378 = arith.mulf %sub3A_1377, %sub3A_1377 : vector<16xf32>
        %add3A_1379 = arith.addf %add3A_1348, %mul3A_1378 : vector<16xf32>
        %mul3A_1380 = arith.mulf %gather3A_1376, %gather3A_1376 : vector<16xf32>
        %add3A_1381 = arith.addf %add3A_1350, %mul3A_1380 : vector<16xf32>
        %gather3A_1382 = tpu.vector_load_idx %arg8[%add3A_379, %and3A_1368] : memref<800x32xf32, #tpu.memory_space<vmem>>[vector<16xi32>, vector<16xi32>], vector<16xf32>,
        %sub3A_1383 = arith.subf %gather3A_1369, %gather3A_1382 : vector<16xf32>
        %mul3A_1384 = arith.mulf %sub3A_1383, %sub3A_1383 : vector<16xf32>
        %add3A_1385 = arith.addf %add3A_1354, %mul3A_1384 : vector<16xf32>
        %mul3A_1386 = arith.mulf %gather3A_1382, %gather3A_1382 : vector<16xf32>
        %add3A_1387 = arith.addf %add3A_1356, %mul3A_1386 : vector<16xf32>
        %gather3A_1388 = tpu.vector_load_idx %arg8[%add3A_386, %and3A_1368] : memref<800x32xf32, #tpu.memory_space<vmem>>[vector<16xi32>, vector<16xi32>], vector<16xf32>,
        %sub3A_1389 = arith.subf %gather3A_1369, %gather3A_1388 : vector<16xf32>
        %mul3A_1390 = arith.mulf %sub3A_1389, %sub3A_1389 : vector<16xf32>
        %add3A_1391 = arith.addf %add3A_1360, %mul3A_1390 : vector<16xf32>
        %mul3A_1392 = arith.mulf %gather3A_1388, %gather3A_1388 : vector<16xf32>
        %add3A_1393 = arith.addf %add3A_1362, %mul3A_1392 : vector<16xf32>
        %broadcast_in_dim3A_1394 = arith.constant 0 : i32
        %broadcast_in_dim3A_1395 = vector.broadcast %broadcast_in_dim3A_1394 : i32 to vector<16xi32>
        %mul3A_1396 = arith.constant 49 : i32
        %mul3A_1397 = arith.muli %scan3A_343, %mul3A_1396 : i32
        %add3A_1398 = vector.broadcast %mul3A_1397 : i32 to vector<16xi32>
        %add3A_1399 = arith.addi %broadcast_in_dim3A_1395, %add3A_1398 : vector<16xi32>
        %add3A_1400 = arith.addf %add3A_1373, %add3A_1373 : vector<16xf32>
        %sub3A_1401 = arith.constant 1.000000e+00 : f32
        %sub3A_1402 = vector.broadcast %sub3A_1401 : f32 to vector<16xf32>
        %sub3A_1403 = arith.subf %sub3A_1402, %add3A_1375 : vector<16xf32>
        %mul3A_1404 = vector.broadcast %sub3A_359 : f32 to vector<16xf32>
        %mul3A_1405 = arith.mulf %mul3A_1404, %sub3A_1403 : vector<16xf32>
        %div3A = arith.divf %add3A_1400, %mul3A_1405 : vector<16xf32>
        %add3A_1406 = arith.constant 1.000000e+00 : f32
        %add3A_1407 = vector.broadcast %add3A_1406 : f32 to vector<16xf32>
        %add3A_1408 = arith.addf %add3A_1407, %div3A : vector<16xf32>
        %add3A_1409 = arith.constant 1.000000e-07 : f32
        %add3A_1410 = vector.broadcast %add3A_1409 : f32 to vector<16xf32>
        %add3A_1411 = arith.addf %add3A_1408, %add3A_1410 : vector<16xf32>
        %add3A_1412 = arith.constant 0 : i32
        %add3A_1413 = vector.broadcast %add3A_1412 : i32 to vector<16xi32>
        %add3A_1414 = arith.addi %iota3A, %add3A_1413 : vector<16xi32>
        %add3A_1415 = arith.addi %add3A_1399, %add3A_1414 : vector<16xi32>
        tpu.vector_store_idx %arg10[%add3A_1415], %add3A_1411 : memref<784xf32, #tpu.memory_space<vmem>>[vector<16xi32>], vector<16xf32>,
        %add3A_1416 = arith.addf %add3A_1379, %add3A_1379 : vector<16xf32>
        %sub3A_1417 = arith.constant 1.000000e+00 : f32
        %sub3A_1418 = vector.broadcast %sub3A_1417 : f32 to vector<16xf32>
        %sub3A_1419 = arith.subf %sub3A_1418, %add3A_1381 : vector<16xf32>
        %mul3A_1420 = vector.broadcast %sub3A_359 : f32 to vector<16xf32>
        %mul3A_1421 = arith.mulf %mul3A_1420, %sub3A_1419 : vector<16xf32>
        %div3A_1422 = arith.divf %add3A_1416, %mul3A_1421 : vector<16xf32>
        %add3A_1423 = arith.constant 1.000000e+00 : f32
        %add3A_1424 = vector.broadcast %add3A_1423 : f32 to vector<16xf32>
        %add3A_1425 = arith.addf %add3A_1424, %div3A_1422 : vector<16xf32>
        %add3A_1426 = arith.constant 1.000000e-07 : f32
        %add3A_1427 = vector.broadcast %add3A_1426 : f32 to vector<16xf32>
        %add3A_1428 = arith.addf %add3A_1425, %add3A_1427 : vector<16xf32>
        %add3A_1429 = arith.constant 16 : i32
        %add3A_1430 = vector.broadcast %add3A_1429 : i32 to vector<16xi32>
        %add3A_1431 = arith.addi %iota3A, %add3A_1430 : vector<16xi32>
        %add3A_1432 = arith.addi %add3A_1399, %add3A_1431 : vector<16xi32>
        tpu.vector_store_idx %arg10[%add3A_1432], %add3A_1428 : memref<784xf32, #tpu.memory_space<vmem>>[vector<16xi32>], vector<16xf32>,
        %add3A_1433 = arith.addf %add3A_1385, %add3A_1385 : vector<16xf32>
        %sub3A_1434 = arith.constant 1.000000e+00 : f32
        %sub3A_1435 = vector.broadcast %sub3A_1434 : f32 to vector<16xf32>
        %sub3A_1436 = arith.subf %sub3A_1435, %add3A_1387 : vector<16xf32>
        %mul3A_1437 = vector.broadcast %sub3A_359 : f32 to vector<16xf32>
        %mul3A_1438 = arith.mulf %mul3A_1437, %sub3A_1436 : vector<16xf32>
        %div3A_1439 = arith.divf %add3A_1433, %mul3A_1438 : vector<16xf32>
        %add3A_1440 = arith.constant 1.000000e+00 : f32
        %add3A_1441 = vector.broadcast %add3A_1440 : f32 to vector<16xf32>
        %add3A_1442 = arith.addf %add3A_1441, %div3A_1439 : vector<16xf32>
        %add3A_1443 = arith.constant 1.000000e-07 : f32
        %add3A_1444 = vector.broadcast %add3A_1443 : f32 to vector<16xf32>
        %add3A_1445 = arith.addf %add3A_1442, %add3A_1444 : vector<16xf32>
        %add3A_1446 = arith.constant 32 : i32
        %add3A_1447 = vector.broadcast %add3A_1446 : i32 to vector<16xi32>
        %add3A_1448 = arith.addi %iota3A, %add3A_1447 : vector<16xi32>
        %add3A_1449 = arith.addi %add3A_1399, %add3A_1448 : vector<16xi32>
        tpu.vector_store_idx %arg10[%add3A_1449], %add3A_1445 : memref<784xf32, #tpu.memory_space<vmem>>[vector<16xi32>], vector<16xf32>,
        %add3A_1450 = arith.addf %add3A_1391, %add3A_1391 : vector<16xf32>
        %sub3A_1451 = arith.constant 1.000000e+00 : f32
        %sub3A_1452 = vector.broadcast %sub3A_1451 : f32 to vector<16xf32>
        %sub3A_1453 = arith.subf %sub3A_1452, %add3A_1393 : vector<16xf32>
        %mul3A_1454 = vector.broadcast %sub3A_359 : f32 to vector<16xf32>
        %mul3A_1455 = arith.mulf %mul3A_1454, %sub3A_1453 : vector<16xf32>
        %div3A_1456 = arith.divf %add3A_1450, %mul3A_1455 : vector<16xf32>
        %add3A_1457 = arith.constant 1.000000e+00 : f32
        %add3A_1458 = vector.broadcast %add3A_1457 : f32 to vector<16xf32>
        %add3A_1459 = arith.addf %add3A_1458, %div3A_1456 : vector<16xf32>
        %add3A_1460 = arith.constant 1.000000e-07 : f32
        %add3A_1461 = vector.broadcast %add3A_1460 : f32 to vector<16xf32>
        %add3A_1462 = arith.addf %add3A_1459, %add3A_1461 : vector<16xf32>
        %add3A_1463 = arith.constant 48 : i32
        %add3A_1464 = vector.broadcast %add3A_1463 : i32 to vector<16xi32>
        %add3A_1465 = arith.addi %iota3A, %add3A_1464 : vector<16xi32>
        %lt3A_1466 = arith.constant 49 : i32
        %lt3A_1467 = vector.broadcast %lt3A_1466 : i32 to vector<16xi32>
        %lt3A_1468 = arith.cmpi slt, %add3A_1465, %lt3A_1467 : vector<16xi32>
        %add3A_1469 = arith.addi %add3A_1399, %add3A_1465 : vector<16xi32>
        tpu.vector_store_idx %arg10[%add3A_1469], %add3A_1462 masked %lt3A_1468 : memref<784xf32, #tpu.memory_space<vmem>>[vector<16xi32>], vector<16xf32>, vector<16xi1>
      }
      %scan3A_335 = arith.constant 16 : i32
      %mul3A_336 = arith.constant 16 : i32
      %mul3A_337 = arith.muli %add3A_230, %mul3A_336 : i32
      %add3A_338 = arith.addi %mul3A_2, %mul3A_337 : i32
      %mul3A_339 = arith.constant 49 : i32
      %mul3A_340 = arith.muli %add3A_338, %mul3A_339 : i32
      %dma_start3A_341 = tpu.memref_slice %arg4[%mul3A_340] : memref<802816xf32, #tpu.memory_space<hbm>> -> memref<784xf32, #tpu.memory_space<hbm>>
      %dma_start3A_342 = tpu.memref_slice %arg4[%mul3A_340] : memref<802816xf32, #tpu.memory_space<hbm>> -> memref<784xf32, #tpu.memory_space<hbm>>
      tpu.enqueue_dma source(%arg10 : memref<784xf32, #tpu.memory_space<vmem>>) target(%dma_start3A_342 : memref<784xf32, #tpu.memory_space<hbm>>) target_semaphore(%arg16 : memref<!tpu.dma_semaphore, #tpu.memory_space<semaphore_mem>>)
    }
    %scan3A_101 = arith.constant 16 : i32
    %add3A_102 = arith.constant 480 : i32
    %add3A_103 = arith.addi %mul3A_2, %add3A_102 : i32
    %mul3A_104 = arith.constant 49 : i32
    %mul3A_105 = arith.muli %add3A_103, %mul3A_104 : i32
    %dma_wait3A_106 = tpu.memref_slice %arg4[%mul3A_105] : memref<802816xf32, #tpu.memory_space<hbm>> -> memref<784xf32, #tpu.memory_space<hbm>>
    %dma_wait3A_107 = tpu.memref_slice %arg4[%mul3A_105] : memref<802816xf32, #tpu.memory_space<hbm>> -> memref<784xf32, #tpu.memory_space<hbm>>
    tpu.wait_dma2 semaphore(%arg15 : memref<!tpu.dma_semaphore, #tpu.memory_space<semaphore_mem>>) src(%arg9 : memref<784xf32, #tpu.memory_space<vmem>>) dst(%dma_wait3A_107 : memref<784xf32, #tpu.memory_space<hbm>>)
    %add3A_108 = arith.constant 496 : i32
    %add3A_109 = arith.addi %mul3A_2, %add3A_108 : i32
    %mul3A_110 = arith.constant 49 : i32
    %mul3A_111 = arith.muli %add3A_109, %mul3A_110 : i32
    %dma_wait3A_112 = tpu.memref_slice %arg4[%mul3A_111] : memref<802816xf32, #tpu.memory_space<hbm>> -> memref<784xf32, #tpu.memory_space<hbm>>
    %dma_wait3A_113 = tpu.memref_slice %arg4[%mul3A_111] : memref<802816xf32, #tpu.memory_space<hbm>> -> memref<784xf32, #tpu.memory_space<hbm>>
    tpu.wait_dma2 semaphore(%arg16 : memref<!tpu.dma_semaphore, #tpu.memory_space<semaphore_mem>>) src(%arg10 : memref<784xf32, #tpu.memory_space<vmem>>) dst(%dma_wait3A_113 : memref<784xf32, #tpu.memory_space<hbm>>)
    return
  }
}

module attributes {stable_mosaic.version = 14 : i64} {
  func.func @_tc_transpose_body(%arg0: i32, %arg1: memref<32x8192xf32, #tpu.memory_space<vmem>>, %arg2: memref<2048x128xf32, #tpu.memory_space<vmem>>) attributes {dimension_semantics = [#tpu.dimension_semantics<arbitrary>], iteration_bounds = array<i64: 123>, scalar_prefetch = 0 : i64, scratch_operands = 0 : i64, tpu.core_type = #tpu.core_type<tc>, window_params = [{transform_indices = @transform_0, window_bounds = array<i64: 32, 8192>}, {transform_indices = @transform_1, window_bounds = array<i64: 2048, 128>}]} {
    %get3A = arith.constant 0 : index
    %get3A_0 = arith.constant 0 : index
    %get3A_1 = vector.load %arg1[%get3A, %get3A_0] : memref<32x8192xf32, #tpu.memory_space<vmem>>, vector<32x8192xf32>
    %slice3A = vector.extract_strided_slice %get3A_1 {offsets = [0, 0], sizes = [32, 2048], strides = [1, 1]} : vector<32x8192xf32> to vector<32x2048xf32>
    %slice3A_2 = vector.extract_strided_slice %get3A_1 {offsets = [0, 2048], sizes = [32, 2048], strides = [1, 1]} : vector<32x8192xf32> to vector<32x2048xf32>
    %slice3A_3 = vector.extract_strided_slice %get3A_1 {offsets = [0, 4096], sizes = [32, 2048], strides = [1, 1]} : vector<32x8192xf32> to vector<32x2048xf32>
    %slice3A_4 = vector.extract_strided_slice %get3A_1 {offsets = [0, 6144], sizes = [32, 2048], strides = [1, 1]} : vector<32x8192xf32> to vector<32x2048xf32>
    %concatenate3A = tpu.concatenate %slice3A, %slice3A_2, %slice3A_3, %slice3A_4 in 0 : vector<32x2048xf32>, vector<32x2048xf32>, vector<32x2048xf32>, vector<32x2048xf32> -> vector<128x2048xf32>
    %iota3A = tpu.iota {dimensions = array<i32: 0>} : vector<128x128xi32>
    %iota3A_5 = tpu.iota {dimensions = array<i32: 1>} : vector<128x128xi32>
    %eq3A = arith.cmpi eq, %iota3A, %iota3A_5 : vector<128x128xi32>
    %convert_element_type3A = arith.extui %eq3A : vector<128x128xi1> to vector<128x128xi32>
    %convert_element_type3A_6 = arith.sitofp %convert_element_type3A : vector<128x128xi32> to vector<128x128xf32>
    %dot_general3A = arith.constant dense<0.000000e+00> : vector<2048x128xf32>
    %dot_general3A_7 = tpu.matmul %concatenate3A, %convert_element_type3A_6, %dot_general3A {dimension_numbers = #tpu.dot_dimension_numbers<[0], [0], [1], [1], [0, 1, 1, 1], [], []>, transpose_lhs_hint = false} : vector<128x2048xf32>, vector<128x128xf32>, vector<2048x128xf32> -> vector<2048x128xf32>
    %swap3A = arith.constant 0 : index
    %swap3A_8 = arith.constant 0 : index
    %swap3A_9 = vector.load %arg2[%swap3A, %swap3A_8] : memref<2048x128xf32, #tpu.memory_space<vmem>>, vector<2048x128xf32>
    tpu.vector_store %arg2[%swap3A, %swap3A_8], %dot_general3A_7 {strides = array<i32>} : memref<2048x128xf32, #tpu.memory_space<vmem>>, vector<2048x128xf32>,
    return
  }
  func.func @transform_0(%arg0: i32) -> (i32, i32) {
    %c0_i32 = arith.constant 0 : i32
    %c0_i32_0 = arith.constant 0 : i32
    return %c0_i32, %arg0 : i32, i32
  }
  func.func @transform_1(%arg0: i32) -> (i32, i32) {
    %c0_i32 = arith.constant 0 : i32
    %c0_i32_0 = arith.constant 0 : i32
    return %arg0, %c0_i32 : i32, i32
  }
}

module attributes {stable_mosaic.version = 14 : i64} {
  func.func @_tc_finish_body(%arg0: i32, %arg1: memref<1024x49xf32, #tpu.memory_space<vmem>>, %arg2: memref<1024x49xf32, #tpu.memory_space<vmem>>) attributes {dimension_semantics = [#tpu.dimension_semantics<arbitrary>], iteration_bounds = array<i64: 16>, scalar_prefetch = 0 : i64, scratch_operands = 0 : i64, tpu.core_type = #tpu.core_type<tc>, window_params = [{transform_indices = @transform_0, window_bounds = array<i64: 1024, 49>}, {transform_indices = @transform_1, window_bounds = array<i64: 1024, 49>}]} {
    %get3A = arith.constant 0 : index
    %get3A_0 = arith.constant 0 : index
    %get3A_1 = vector.load %arg1[%get3A, %get3A_0] : memref<1024x49xf32, #tpu.memory_space<vmem>>, vector<1024x49xf32>
    %mul3A = arith.mulf %get3A_1, %get3A_1 : vector<1024x49xf32>
    %sub3A = arith.constant 1.000000e+00 : f32
    %sub3A_2 = vector.broadcast %sub3A : f32 to vector<1024x49xf32>
    %sub3A_3 = arith.subf %mul3A, %sub3A_2 : vector<1024x49xf32>
    %sqrt3A = math.sqrt %sub3A_3 : vector<1024x49xf32>
    %add3A = arith.addf %get3A_1, %sqrt3A : vector<1024x49xf32>
    %log3A = math.log %add3A : vector<1024x49xf32>
    %swap3A = arith.constant 0 : index
    %swap3A_4 = arith.constant 0 : index
    %swap3A_5 = vector.load %arg2[%swap3A, %swap3A_4] : memref<1024x49xf32, #tpu.memory_space<vmem>>, vector<1024x49xf32>
    tpu.vector_store %arg2[%swap3A, %swap3A_4], %log3A {strides = array<i32>} : memref<1024x49xf32, #tpu.memory_space<vmem>>, vector<1024x49xf32>,
    return
  }
  func.func @transform_0(%arg0: i32) -> (i32, i32) {
    %c0_i32 = arith.constant 0 : i32
    %c0_i32_0 = arith.constant 0 : i32
    return %arg0, %c0_i32 : i32, i32
  }
  func.func @transform_1(%arg0: i32) -> (i32, i32) {
    %c0_i32 = arith.constant 0 : i32
    %c0_i32_0 = arith.constant 0 : i32
    return %arg0, %c0_i32 : i32, i32
  }
}

</mosaic_0001>

<sc_bundles>
// kernel: kernel.5.cloned.1.call-start
scs
__scs_entry_jumppad:
0x0: {  	(pc) =	sbr.rel $0x88, $3  }
0x1: {  	(tag) =	ssettag $0x0;
	lr =	simm.s32 $0x1  }
0x2: {  	[smem:$0x3F9F] =	sst lr;
	_ =	strace $0xD0000000  }
0x3: {  	_ = 	snop  }
0x4: {  	_ = 	snop  }
0x5: {  	_ = 	snop  }
0x6: {  	_ = 	snop  }
0x7: {  	_ = 	snop  }
__scs_overlays_trampoline_lowered:
0x8: {  	[smem:$0x3FAE] =	sst s0  }
0x9: {  	[smem:$0x3FAF] =	sst s1  }
0xa: {  	[smem:$0x3FB0] =	sst s2  }
0xb: {  	[smem:$0x3FB1] =	sst s3  }
0xc: {  	[smem:$0x3FB2] =	sst s4  }
0xd: {  	[smem:$0x3FB3] =	sst s5  }
0xe: {  	[smem:$0x3FB4] =	sst s6  }
0xf: {  	[smem:$0x3FB5] =	sst s7  }
0x10: {  	[smem:$0x3FB6] =	sst s8  }
0x11: {  	[smem:$0x3FB7] =	sst s9;
	s0 =	simm.s32 @!p0 $0x0  }
0x12: {  	s1 =	sld [smem:$0x3F9D];
	s0 =	simm.s32 @p0 $0x1  }
0x13: {  	[smem:$0x3FB8] =	sst s0;
	s0 =	simm.s32 @!p1 $0x0  }
0x14: {  	s2 =	sld [smem:$0x3F9C];
	s0 =	simm.s32 @p1 $0x1  }
0x15: {  	[smem:$0x3FB9] =	sst s0;
	s0 =	simm.s32 @!p2 $0x0  }
0x16: {  	s3 =	sld [smem:$0x3FDB];
	s0 =	simm.s32 @p2 $0x1  }
0x17: {  	s4 =	simm.s32 $0x1BF5;
	[smem:$0x3FBB] =	sst s0  }
0x18: {  	s0 =	sld [smem:$0x3F9E];
	_ =	swait.ge [sflag:s4], $0x0  }
0x19: {  	s7 =	sld [smem:$0x3F9F]  }
0x1a: {  	s8 =	sadd.s32 $0xFFFFE003, lr  }
0x1b: {  	s9 =	sadd.s32 $0xFFFFFEF7, lr;
	s5 =	simm.s32 $0xFFFFFFFF;
	p2 =	slt.u32 s8, $0xFFFFF086  }
0x1c: {  	p1 =	slt.u32 s9, $0xF7A;
	s5 =	simm.s32 @!p2 $0x0  }
0x1d: {  	s5 =	simm.s32 @p1 $0x1;
	p0 =	seq.s32 s7, s2  }
0x1e: {  	s7 =	smul.u32 @!p0 $0xF7A, s2;
	p2 =	seq.s32 @!p0 s5, $0x0  }
0x1f: {  	s9 =	smul.u32 $0xF7A, s1;
	s8 =	simm.s32 @!p0 $0x1BF5;
	p2 =	por !p2, p0  }
0x20: {  	[sflag:s8] =	ssyncset.s32 @!p0 $0xFFFFF086;
	s6 =	sadd.s32 @!p0 s3, s7;
	s7 =	simm.s32 @!p0 $0x108  }
0x21: {  	s3 =	sadd.s32 s3, s9;
	s6 =	sadd.s32 @!p0 $0x88, s6;
	s7 =	simm.s32 @p2 $0x1082  }
0x22: {  	[simem:s7], [sflag:s8] =	dma.local @!p0 [hbm:s6], $0xF7A  }
0x23: {  	s9 =	sor.u32 $0xD0000000, s2;
	s6 =	simm.s32 $0x108;
	_ =	swait.ge @!p0 [sflag:s8], $0x0  }
0x24: {  	s3 =	sadd.s32 $0x88, s3;
	s6 =	simm.s32 @!p1 $0x1082;
	[sflag:s4] =	ssyncset.s32 $0xFFFFF086  }
0x25: {  	[simem:s6], [sflag:s4] =	dma.local [hbm:s3], $0xF7A  }
0x26: {  	[smem:$0x3F9F] =	sst s1;
	(tag) =	ssettag s2;
	_ =	strace s9  }
0x27: {  	s1 =	sld [smem:$0x3FAF]  }
0x28: {  	s2 =	sld [smem:$0x3FB0]  }
0x29: {  	s4 =	sld [smem:$0x3FB2]  }
0x2a: {  	p0 =	seq.s32 s5, $0x0;
	s5 =	sld [smem:$0x3FB3]  }
0x2b: {  	s6 =	sld [smem:$0x3FB4]  }
0x2c: {  	s7 =	sld [smem:$0x3FB5]  }
0x2d: {  	s3 =	simm.s32 $0x108;
	s8 =	sld [smem:$0x3FB6]  }
0x2e: {  	s3 =	simm.s32 @!p0 $0x1082;
	s9 =	sld [smem:$0x3FB7]  }
0x2f: {  	lr =	sadd.s32 s0, s3;
	s0 =	sld [smem:$0x3FAE]  }
0x30: {  	s3 =	sld [smem:$0x3FB1]  }
0x31: {  	[smem:$0x3FBA] =	sst s10  }
0x32: {  	s10 =	sld [smem:$0x3FB8];
	_ =	sdelay $0x3  }
0x33: {  	p0 =	seq.s32 s10, $0x1;
	s10 =	sld [smem:$0x3FBA];
	_ =	sdelay $0x3  }
0x34: {  	[smem:$0x3FBA] =	sst s10  }
0x35: {  	s10 =	sld [smem:$0x3FB9];
	_ =	sdelay $0x3  }
0x36: {  	p1 =	seq.s32 s10, $0x1;
	s10 =	sld [smem:$0x3FBA];
	_ =	sdelay $0x3  }
0x37: {  	[smem:$0x3FBA] =	sst s10  }
0x38: {  	s10 =	sld [smem:$0x3FBB]  }
0x39: {  	_ = 	snop;
	(pc) =	sbr.ind lr, $3  }
0x3a: {  	_ = 	snop  }
0x3b: {  	_ = 	snop  }
0x3c: {  	p2 =	seq.s32 s10, $0x1;
	s10 =	sld [smem:$0x3FBA]  }
0x3d: {  	_ =	shalt  }
0x3e: {  	_ =	shalt  }
0x3f: {  	_ =	shalt  }
0x40: {  	_ =	shalt  }
0x41: {  	_ =	shalt  }
0x42: {  	_ =	shalt  }
0x43: {  	_ =	shalt  }
0x44: {  	_ =	shalt  }
0x45: {  	_ =	shalt  }
0x46: {  	_ =	shalt  }
0x47: {  	_ =	shalt  }
0x48: {  	_ =	shalt  }
0x49: {  	_ =	shalt  }
0x4a: {  	_ =	shalt  }
0x4b: {  	_ =	shalt  }
0x4c: {  	_ =	shalt  }
0x4d: {  	_ =	shalt  }
0x4e: {  	_ =	shalt  }
0x4f: {  	_ =	shalt  }
0x50: {  	_ =	shalt  }
0x51: {  	_ =	shalt  }
0x52: {  	_ =	shalt  }
0x53: {  	_ =	shalt  }
0x54: {  	_ =	shalt  }
0x55: {  	_ =	shalt  }
0x56: {  	_ =	shalt  }
0x57: {  	_ =	shalt  }
0x58: {  	_ =	shalt  }
0x59: {  	_ =	shalt  }
0x5a: {  	_ =	shalt  }
0x5b: {  	_ =	shalt  }
0x5c: {  	_ =	shalt  }
0x5d: {  	_ =	shalt  }
0x5e: {  	_ =	shalt  }
0x5f: {  	_ =	shalt  }
0x60: {  	_ =	shalt  }
0x61: {  	_ =	shalt  }
0x62: {  	_ =	shalt  }
0x63: {  	_ =	shalt  }
0x64: {  	_ =	shalt  }
0x65: {  	_ =	shalt  }
0x66: {  	_ =	shalt  }
0x67: {  	_ =	shalt  }
0x68: {  	_ =	shalt  }
0x69: {  	_ =	shalt  }
0x6a: {  	_ =	shalt  }
0x6b: {  	_ =	shalt  }
0x6c: {  	_ =	shalt  }
0x6d: {  	_ =	shalt  }
0x6e: {  	_ =	shalt  }
0x6f: {  	_ =	shalt  }
0x70: {  	_ =	shalt  }
0x71: {  	_ =	shalt  }
0x72: {  	_ =	shalt  }
0x73: {  	_ =	shalt  }
0x74: {  	_ =	shalt  }
0x75: {  	_ =	shalt  }
0x76: {  	_ =	shalt  }
0x77: {  	_ =	shalt  }
0x78: {  	_ =	shalt  }
0x79: {  	_ =	shalt  }
0x7a: {  	_ =	shalt  }
0x7b: {  	_ =	shalt  }
0x7c: {  	_ =	shalt  }
0x7d: {  	_ =	shalt  }
0x7e: {  	_ =	shalt  }
0x7f: {  	_ =	shalt  }
0x80: {  	_ =	shalt  }
0x81: {  	_ =	shalt  }
0x82: {  	_ =	shalt  }
0x83: {  	_ =	shalt  }
0x84: {  	_ =	shalt  }
0x85: {  	_ =	shalt  }
0x86: {  	_ =	shalt  }
0x87: {  	_ =	shalt  }
.Lfunc_end0:
.L_simem_size_0:
called_computation_lowered:
.L_overlay_start_0:
0x88: {  	s2 =	sld [smem:$0x3FD9]  }
0x89: {  	s3 =	sld [smem:$0x3FFE];
	_ =	sdelay $0x1  }
0x8a: {  	s1 =	srdreg.scid  }
0x8b: {  	s0 =	sand.u32 $0x1, s1  }
0x8c: {  	s17 =	sshll.u32 s0, $0xA;
	s2 =	sadd.s32 s3, s2  }
0x8d: {  	s2 =	sadd.s32 s2, s17  }
0x8e: {  	[smem:$0x3FC6] =	sst s2  }
0x8f: {  	_ = 	snop  }
0x90: {  	s2 =	sld [smem:$0x3FD0];
	(tm) =	ssettm $0x1  }
0x91: {  	s18 =	sld [smem:$0x3FFB];
	_ =	sdelay $0x3  }
0x92: {  	_ =	strace s18  }
0x93: {  	s3 =	sld [smem:$0x3FFC];
	_ =	sdelay $0x3  }
0x94: {  	_ =	strace s3  }
0x95: {  	s3 =	sld [smem:$0x3FFD];
	_ =	sdelay $0x3  }
0x96: {  	_ =	strace s3  }
0x97: {  	_ =	strace $0x8FFFFFFF  }
0x98: {  	s19 =	sld [smem:$0x3FDB];
	_ =	sdelay $0x1  }
0x99: {  	s4 =	simm.s32 $_scs_section_size  }
0x9a: {  	s5 =	simm.s32 $_size__tile_overlayer_lowered;
	s6 =	simm.s32 $_tile_overlayer_lowered  }
0x9b: {  	s22 =	simm.s32 $0x1BFF;
	s21 =	sshll.u32 s6, $0x1;
	s3 =	sadd.s32 s4, s19  }
0x9c: {  	s7 =	simm.s32 $0x0;
	s20 =	sshll.u32 s5, $0x1;
	s5 =	sadd.s32 s21, s3  }
0x9d: {  	[timem:s7], [sflag:s22] =	dma.local [hbm:s5], s20  }
0x9e: {  	_ =	swait.ge [sflag:s22], s20  }
0x9f: {  	s4 =	ssub.s32 $0x0, s20;
	[sflag:s22] =	ssyncset.done $0x0  }
0xa0: {  	[sflag:s22] =	ssyncadd.s32 s4;
	_ =	sdelay $0x1  }
0xa1: {  	s23 =	simm.s32 $0x1B8B  }
0xa2: {  	_ =	swait.ge [sflag:s23], $0x1  }
0xa3: {  	[sflag:s23] =	ssyncset.done $0x0  }
0xa4: {  	s25 =	simm.s32 $0x1B8E;
	s24 =	sld [smem:$0x3FFE];
	[sflag:s23] =	ssyncadd.s32 $0xFFFFFFFF  }
0xa5: {  	s26 =	simm.s32 $execute0_lowered;
	[smem:$0x3FD2] =	sst s25  }
0xa6: {  	s5 =	sshll.u32 s26, $0x1;
	_ =	strace $0x80000046;
	[dreg:$0x1] =	wrdreg $0xFFFFFFFF  }
0xa7: {  	s28 =	simm.s32 $_size_execute0_lowered;
	s3 =	sadd.s32 s3, s5;
	[dreg:$0x0] =	wrdreg $0x0  }
0xa8: {  	s5 =	sshll.u32 s28, $0x1;
	[dreg:$0x2] =	wrdreg s3  }
0xa9: {  	[dreg:$0x3] =	wrdreg s5  }
0xaa: {  	[dreg:$0x4] =	wrdreg $0xC0  }
0xab: {  	_ =	task [dreg:s7], $0x5FFFF  }
0xac: {  	[dreg:$0x1] =	wrdreg $0xFFFFFFFF  }
0xad: {  	[dreg:$0x0] =	wrdreg $0x60  }
0xae: {  	[dreg:$0x2] =	wrdreg s2  }
0xaf: {  	[dreg:$0x3] =	wrdreg s24  }
0xb0: {  	[dreg:$0x4] =	wrdreg $0x9  }
0xb1: {  	_ =	task.clear_ibuf [dreg:s7], $0x5FFFF;
	_ =	strace $0x90000046  }
0xb2: {  	s29 =	simm.s32 $0x9;
	_ =	strace $0x80000048  }
0xb3: {  	_ =	swait.ge [sflag:s29], $0x1  }
0xb4: {  	[sflag:s29] =	ssyncadd.s32 $0xFFFFFFFF  }
0xb5: {  	_ =	strace $0x90000048  }
0xb6: {  	_ =	sfence  }
0xb7: {  	s30 =	sld [smem:$0x0];
	_ =	sdelay $0x2  }
0xb8: {  	s31 =	sshll.u32 s1, $0xD;
	s1 =	sshrl.u32 s1, $0x2  }
0xb9: {  	s3 =	sand.u32 $0x4000, s31;
	s1 =	sadd.s32 s1, s30  }
0xba: {  	s0 =	sor.u32 s3, s0;
	s1 =	sshll.u32 s1, $0x11  }
0xbb: {  	s0 =	sor.u32 s1, s0  }
0xbc: {  	s0 =	sadd.s32 $0x8F2B, s0  }
0xbd: {  	[sflag:s0] =	ssyncadd.remote.s32 $0x1  }
0xbe: {  	_ =	sfence.sel $0xFFFF  }
0xbf: {  	[dreg:$0x0] =	wrdreg $0xFFFFFFFF;
	(pc) =	sbr.abs _section_cstart, $3  }
0xc0: {  	[dreg:$0x1] =	wrdreg $0xFFFFFFFF  }
0xc1: {  	_ =	task.clear_ibuf [dreg:s7], $0x2FFFF;
	_ =	strace $0x9FFFFFFF  }
0xc2: {  	(tm) =	ssettm $0x7FFFFFFF  }
0xc3: {  	_ =	shalt  }
tec
execute0_lowered:
.L_overlay_start_1:
0x0: {  	(tag) =	ssettag $0x1  }
0x1: {  	v57 =	vlaneseq.u32  }
0x2: {  	v2 =	vimm.s32 $0x32107654;
	v5 =	vimm.s32 $0x43218765;
	v6 =	vimm.s32 $0x1F1E1D1C  }
0x3: {  	vm0 =	vcmask $0x2F10;
	v7 =	vimm.s32 $0xB0A0908;
	v8 =	vimm.s32 $0x6543A987  }
0x4: {  	v1 =	vmul.u32 $0x20, v57;
	v4 =	vunpack.c.l.s4.s8 v2;
	v5 =	vunpack.c.l.s4.s8 v5  }
0x5: {  	v63 =	vunpack.c.0.s8.s32 v6;
	v6 =	vimm.s32 $0x54329876;
	v8 =	vunpack.c.l.s4.s8 v8  }
0x6: {  	v7 =	vunpack.c.0.s8.s32 v7;
	v6 =	vunpack.c.l.s4.s8 v6;
	v62 =	vadd.s32 $0x420, v1  }
0x7: {  	v43 =	vadd.s32 $0x220, v1;
	v54 =	vadd.s32 $0x20, v1;
	v1 =	vimm.s32 $0x1F1E1D  }
0x8: {  	v4 =	vunpack.c.0.s8.s32 v4;
	v5 =	vunpack.c.0.s8.s32 v5;
	v8 =	vunpack.c.0.s8.s32 v8  }
0x9: {  	v3 =	vunpack.c.0.s8.s32 v1;
	v1 =	vimm.s32 $0x1001F1E;
	v6 =	vunpack.c.0.s8.s32 v6  }
0xa: {  	v2 =	vunpack.c.0.s8.s32 v1;
	v1 =	vimm.s32 $0x201001F;
	v4 =	vand.u32 $0xF, v4  }
0xb: {  	v5 =	vand.u32 $0xF, v5;
	v1 =	vunpack.c.0.s8.s32 v1;
	v4 =	vsel vm0, v4, v63  }
0xc: {  	v9 =	vsel vm0, v5, v3;
	v5 =	vimm.s32 $0xC0B0A09;
	v6 =	vand.u32 $0xF, v6  }
0xd: {  	v10 =	vunpack.c.0.s8.s32 v5;
	v11 =	vsel vm0, v6, v2;
	v5 =	vimm.s32 $0xD0C0B0A  }
0xe: {  	v6 =	vimm.s32 $0xE0D0C0B;
	v12 =	vunpack.c.0.s8.s32 v5;
	v5 =	vand.u32 $0xF, v8  }
0xf: {  	v13 =	vunpack.c.0.s8.s32 v6;
	v8 =	vsel vm0, v5, v1;
	vm0 =	vcmask $0x3F30  }
0x10: {  	v5 =	vsel vm0, v7, v4;
	v6 =	vsel vm0, v10, v9;
	v7 =	vsel vm0, v12, v11  }
0x11: {  	v8 =	vsel vm0, v13, v8;
	vm0 =	vcmask $0x300;
	v4 =	vimm.s32 $0x620  }
0x12: {  	v9 =	vimm.s32 $0x621;
	v10 =	vimm.s32 $0x622;
	v4 =	vsel vm0, $0x631, v4  }
0x13: {  	v11 =	vsel vm0, $0x632, v9;
	v12 =	vsel vm0, $0x633, v10;
	v9 =	vimm.s32 $0x623  }
0x14: {  	v10 =	vimm.s32 $0x625;
	v13 =	vsel vm0, $0x634, v9;
	v9 =	vimm.s32 $0x624  }
0x15: {  	v15 =	vsel vm0, $0x636, v10;
	v14 =	vsel vm0, $0x635, v9;
	v9 =	vimm.s32 $0x626  }
0x16: {  	v10 =	vimm.s32 $0x628;
	v16 =	vsel vm0, $0x637, v9;
	v9 =	vimm.s32 $0x627  }
0x17: {  	v18 =	vsel vm0, $0x639, v10;
	v17 =	vsel vm0, $0x638, v9;
	v9 =	vimm.s32 $0x629  }
0x18: {  	v10 =	vimm.s32 $0x62B;
	v19 =	vsel vm0, $0x63A, v9;
	v9 =	vimm.s32 $0x62A  }
0x19: {  	v21 =	vsel vm0, $0x63C, v10;
	v20 =	vsel vm0, $0x63B, v9;
	v9 =	vimm.s32 $0x62C  }
0x1a: {  	v10 =	vimm.s32 $0x62E;
	v22 =	vsel vm0, $0x63D, v9;
	v9 =	vimm.s32 $0x62D  }
0x1b: {  	v24 =	vsel vm0, $0x63F, v10;
	v23 =	vsel vm0, $0x63E, v9;
	vm0 =	vcmask $0x704  }
0x1c: {  	v4 =	vsel vm0, $0x632, v4  }
0x1d: {  	v11 =	vsel vm0, $0x633, v11;
	v12 =	vsel vm0, $0x634, v12;
	v13 =	vsel vm0, $0x635, v13  }
0x1e: {  	v14 =	vsel vm0, $0x636, v14;
	v15 =	vsel vm0, $0x637, v15;
	v16 =	vsel vm0, $0x638, v16  }
0x1f: {  	v17 =	vsel vm0, $0x639, v17;
	v18 =	vsel vm0, $0x63A, v18;
	v19 =	vsel vm0, $0x63B, v19  }
0x20: {  	v20 =	vsel vm0, $0x63C, v20;
	v21 =	vsel vm0, $0x63D, v21;
	v22 =	vsel vm0, $0x63E, v22  }
0x21: {  	v23 =	vsel vm0, $0x63F, v23;
	v24 =	vsel vm0, $0x620, v24;
	vm0 =	vcmask $0xB08  }
0x22: {  	v4 =	vsel vm0, $0x633, v4  }
0x23: {  	v11 =	vsel vm0, $0x634, v11;
	v12 =	vsel vm0, $0x635, v12;
	v25 =	vsel vm0, $0x636, v13  }
0x24: {  	v14 =	vsel vm0, $0x637, v14;
	v15 =	vsel vm0, $0x638, v15;
	v16 =	vsel vm0, $0x639, v16  }
0x25: {  	v17 =	vsel vm0, $0x63A, v17;
	v18 =	vsel vm0, $0x63B, v18;
	v19 =	vsel vm0, $0x63C, v19  }
0x26: {  	v20 =	vsel vm0, $0x63D, v20;
	v21 =	vsel vm0, $0x63E, v21;
	v22 =	vsel vm0, $0x63F, v22  }
0x27: {  	v23 =	vsel vm0, $0x620, v23;
	v24 =	vsel vm0, $0x621, v24;
	vm0 =	vcmask $0xF0C  }
0x28: {  	v4 =	vsel vm0, $0x634, v4  }
0x29: {  	v11 =	vsel vm0, $0x635, v11;
	v12 =	vsel vm0, $0x636, v12;
	v25 =	vsel vm0, $0x637, v25  }
0x2a: {  	v14 =	vsel vm0, $0x638, v14;
	v26 =	vsel vm0, $0x639, v15;
	v16 =	vsel vm0, $0x63A, v16  }
0x2b: {  	v17 =	vsel vm0, $0x63B, v17;
	v18 =	vsel vm0, $0x63C, v18;
	v19 =	vsel vm0, $0x63D, v19  }
0x2c: {  	v20 =	vsel vm0, $0x63E, v20;
	v21 =	vsel vm0, $0x63F, v21;
	v22 =	vsel vm0, $0x620, v22  }
0x2d: {  	v23 =	vsel vm0, $0x621, v23;
	v24 =	vsel vm0, $0x622, v24;
	vm0 =	vcmask $0x1310  }
0x2e: {  	v27 =	vadd.s32 $0x623, v57;
	v4 =	vsel vm0, $0x635, v4  }
0x2f: {  	v11 =	vsel vm0, $0x636, v11;
	v12 =	vsel vm0, $0x637, v12;
	v25 =	vsel vm0, $0x638, v25  }
0x30: {  	v14 =	vsel vm0, $0x639, v14;
	v26 =	vsel vm0, $0x63A, v26;
	v16 =	vsel vm0, $0x63B, v16  }
0x31: {  	[tilespmem:$0x1FDC0] =	vst v27;
	v27 =	vsel vm0, $0x63C, v17;
	v18 =	vsel vm0, $0x63D, v18;
	v19 =	vsel vm0, $0x63E, v19  }
0x32: {  	v20 =	vsel vm0, $0x63F, v20;
	v21 =	vsel vm0, $0x620, v21;
	v22 =	vsel vm0, $0x621, v22  }
0x33: {  	v23 =	vsel vm0, $0x622, v23;
	v24 =	vsel vm0, $0x623, v24;
	vm0 =	vcmask $0x1714  }
0x34: {  	v28 =	vadd.s32 $0x624, v57;
	v4 =	vsel vm0, $0x636, v4  }
0x35: {  	v11 =	vsel vm0, $0x637, v11;
	v12 =	vsel vm0, $0x638, v12;
	v25 =	vsel vm0, $0x639, v25  }
0x36: {  	v14 =	vsel vm0, $0x63A, v14;
	v26 =	vsel vm0, $0x63B, v26;
	v16 =	vsel vm0, $0x63C, v16  }
0x37: {  	[tilespmem:$0x1FDD0] =	vst v28;
	v27 =	vsel vm0, $0x63D, v27;
	v18 =	vsel vm0, $0x63E, v18;
	v28 =	vsel vm0, $0x63F, v19  }
0x38: {  	v20 =	vsel vm0, $0x620, v20;
	v21 =	vsel vm0, $0x621, v21;
	v22 =	vsel vm0, $0x622, v22  }
0x39: {  	v23 =	vsel vm0, $0x623, v23;
	v24 =	vsel vm0, $0x624, v24;
	vm0 =	vcmask $0x1B18  }
0x3a: {  	v29 =	vadd.s32 $0x625, v57;
	v4 =	vsel vm0, $0x637, v4  }
0x3b: {  	v11 =	vsel vm0, $0x638, v11;
	v12 =	vsel vm0, $0x639, v12;
	v25 =	vsel vm0, $0x63A, v25  }
0x3c: {  	v14 =	vsel vm0, $0x63B, v14;
	v26 =	vsel vm0, $0x63C, v26;
	v16 =	vsel vm0, $0x63D, v16  }
0x3d: {  	v27 =	vsel vm0, $0x63E, v27;
	v18 =	vsel vm0, $0x63F, v18;
	v28 =	vsel vm0, $0x620, v28  }
0x3e: {  	[tilespmem:$0x1FDE0] =	vst v29;
	v20 =	vsel vm0, $0x621, v20;
	v29 =	vsel vm0, $0x622, v21;
	v22 =	vsel vm0, $0x623, v22  }
0x3f: {  	v23 =	vsel vm0, $0x624, v23;
	v24 =	vsel vm0, $0x625, v24;
	vm0 =	vcmask $0x1F1C  }
0x40: {  	v30 =	vadd.s32 $0x626, v57;
	v4 =	vsel vm0, $0x638, v4  }
0x41: {  	v11 =	vsel vm0, $0x639, v11;
	v12 =	vsel vm0, $0x63A, v12;
	v25 =	vsel vm0, $0x63B, v25  }
0x42: {  	v14 =	vsel vm0, $0x63C, v14;
	v26 =	vsel vm0, $0x63D, v26;
	v16 =	vsel vm0, $0x63E, v16  }
0x43: {  	v27 =	vsel vm0, $0x63F, v27;
	v18 =	vsel vm0, $0x620, v18;
	v28 =	vsel vm0, $0x621, v28  }
0x44: {  	v20 =	vsel vm0, $0x622, v20;
	v29 =	vsel vm0, $0x623, v29;
	v22 =	vsel vm0, $0x624, v22  }
0x45: {  	[tilespmem:$0x1FDF0] =	vst v30;
	v30 =	vsel vm0, $0x625, v23;
	v31 =	vsel vm0, $0x626, v24;
	vm0 =	vcmask $0x2320  }
0x46: {  	v4 =	vsel vm0, $0x639, v4  }
0x47: {  	v11 =	vsel vm0, $0x63A, v11;
	v12 =	vsel vm0, $0x63B, v12;
	v32 =	vsel vm0, $0x63C, v25  }
0x48: {  	v14 =	vsel vm0, $0x63D, v14;
	v33 =	vsel vm0, $0x63E, v26;
	v16 =	vsel vm0, $0x63F, v16  }
0x49: {  	v27 =	vsel vm0, $0x620, v27;
	v18 =	vsel vm0, $0x621, v18;
	v28 =	vsel vm0, $0x622, v28  }
0x4a: {  	v20 =	vsel vm0, $0x623, v20;
	v29 =	vsel vm0, $0x624, v29;
	v22 =	vsel vm0, $0x625, v22  }
0x4b: {  	v30 =	vsel vm0, $0x626, v30;
	v31 =	vsel vm0, $0x627, v31;
	vm0 =	vcmask $0x2724  }
0x4c: {  	v4 =	vsel vm0, $0x63A, v4  }
0x4d: {  	v11 =	vsel vm0, $0x63B, v11;
	v12 =	vsel vm0, $0x63C, v12;
	v32 =	vsel vm0, $0x63D, v32  }
0x4e: {  	v14 =	vsel vm0, $0x63E, v14;
	v33 =	vsel vm0, $0x63F, v33;
	v16 =	vsel vm0, $0x620, v16  }
0x4f: {  	v34 =	vsel vm0, $0x621, v27;
	v18 =	vsel vm0, $0x622, v18;
	v35 =	vsel vm0, $0x623, v28  }
0x50: {  	v20 =	vsel vm0, $0x624, v20;
	v29 =	vsel vm0, $0x625, v29;
	v22 =	vsel vm0, $0x626, v22  }
0x51: {  	v30 =	vsel vm0, $0x627, v30;
	v31 =	vsel vm0, $0x628, v31;
	vm0 =	vcmask $0x2B28  }
0x52: {  	v24 =	vadd.s32 $0x627, v57;
	v4 =	vsel vm0, $0x63B, v4  }
0x53: {  	v11 =	vsel vm0, $0x63C, v11;
	v12 =	vsel vm0, $0x63D, v12;
	v32 =	vsel vm0, $0x63E, v32  }
0x54: {  	v14 =	vsel vm0, $0x63F, v14;
	v33 =	vsel vm0, $0x620, v33;
	v16 =	vsel vm0, $0x621, v16  }
0x55: {  	v34 =	vsel vm0, $0x622, v34;
	v18 =	vsel vm0, $0x623, v18;
	v35 =	vsel vm0, $0x624, v35  }
0x56: {  	v20 =	vsel vm0, $0x625, v20;
	v36 =	vsel vm0, $0x626, v29;
	v22 =	vsel vm0, $0x627, v22  }
0x57: {  	v30 =	vsel vm0, $0x628, v30;
	v31 =	vsel vm0, $0x629, v31;
	vm0 =	vcmask $0x2F2C  }
0x58: {  	[tilespmem:$0x1FE00] =	vst v24;
	v24 =	vadd.s32 $0x628, v57;
	v4 =	vsel vm0, $0x63C, v4  }
0x59: {  	v11 =	vsel vm0, $0x63D, v11;
	v12 =	vsel vm0, $0x63E, v12;
	v32 =	vsel vm0, $0x63F, v32  }
0x5a: {  	v14 =	vsel vm0, $0x620, v14;
	v33 =	vsel vm0, $0x621, v33;
	v16 =	vsel vm0, $0x622, v16  }
0x5b: {  	v34 =	vsel vm0, $0x623, v34;
	v18 =	vsel vm0, $0x624, v18;
	v35 =	vsel vm0, $0x625, v35  }
0x5c: {  	v20 =	vsel vm0, $0x626, v20;
	v36 =	vsel vm0, $0x627, v36;
	v22 =	vsel vm0, $0x628, v22  }
0x5d: {  	v38 =	vsel vm0, $0x629, v30;
	v31 =	vsel vm0, $0x62A, v31;
	vm0 =	vcmask $0x3330  }
0x5e: {  	[tilespmem:$0x1FE10] =	vst v24;
	v24 =	vadd.s32 $0x629, v57;
	v4 =	vsel vm0, $0x63D, v4  }
0x5f: {  	v11 =	vsel vm0, $0x63E, v11;
	v12 =	vsel vm0, $0x63F, v12;
	v32 =	vsel vm0, $0x620, v32  }
0x60: {  	v14 =	vsel vm0, $0x621, v14;
	v33 =	vsel vm0, $0x622, v33;
	v16 =	vsel vm0, $0x623, v16  }
0x61: {  	v34 =	vsel vm0, $0x624, v34;
	v18 =	vsel vm0, $0x625, v18;
	v35 =	vsel vm0, $0x626, v35  }
0x62: {  	v20 =	vsel vm0, $0x627, v20;
	v36 =	vsel vm0, $0x628, v36;
	v22 =	vsel vm0, $0x629, v22  }
0x63: {  	v53 =	vsel vm0, $0x62A, v38;
	v31 =	vsel vm0, $0x62B, v31;
	vm0 =	vcmask $0x3734  }
0x64: {  	[tilespmem:$0x1FE20] =	vst v24;
	v24 =	vadd.s32 $0x62A, v57;
	v4 =	vsel vm0, $0x63E, v4  }
0x65: {  	v11 =	vsel vm0, $0x63F, v11;
	v12 =	vsel vm0, $0x620, v12;
	v56 =	vsel vm0, $0x621, v32  }
0x66: {  	v14 =	vsel vm0, $0x622, v14;
	v39 =	vsel vm0, $0x623, v33;
	v16 =	vsel vm0, $0x624, v16  }
0x67: {  	v40 =	vsel vm0, $0x625, v34;
	v18 =	vsel vm0, $0x626, v18;
	v41 =	vsel vm0, $0x627, v35  }
0x68: {  	v20 =	vsel vm0, $0x628, v20;
	v42 =	vsel vm0, $0x629, v36;
	v22 =	vsel vm0, $0x62A, v22  }
0x69: {  	v44 =	vsel vm0, $0x62B, v53;
	v45 =	vsel vm0, $0x62C, v31;
	vm0 =	vcmask $0x3B38  }
0x6a: {  	[tilespmem:$0x1FE30] =	vst v24;
	v4 =	vsel vm0, $0x63F, v4  }
0x6b: {  	[tilespmem:$0x1FE40] =	vst v4;
	v4 =	vsel vm0, $0x620, v11  }
0x6c: {  	[tilespmem:$0x1FE50] =	vst v4;
	v4 =	vsel vm0, $0x621, v12  }
0x6d: {  	[tilespmem:$0x1FE60] =	vst v4;
	v4 =	vsel vm0, $0x622, v56  }
0x6e: {  	[tilespmem:$0x1FE70] =	vst v4;
	v4 =	vsel vm0, $0x623, v14  }
0x6f: {  	v37 =	vimm.s32 $0x14131211;
	[tilespmem:$0x1FE80] =	vst v4;
	v4 =	vsel vm0, $0x624, v39  }
0x70: {  	v46 =	vimm.s32 $0x18171615;
	v47 =	vimm.s32 $0x1C1B1A19;
	[tilespmem:$0x1FE90] =	vst v4;
	v4 =	vsel vm0, $0x625, v16  }
0x71: {  	v58 =	vimm.s32 $0x3020100;
	v59 =	vimm.s32 $0x17161514;
	[tilespmem:$0x1FEA0] =	vst v4;
	v4 =	vsel vm0, $0x626, v40  }
0x72: {  	v50 =	vimm.s32 $0x1B1A1918;
	v52 =	vimm.s32 $0x16151413;
	[tilespmem:$0x1FEB0] =	vst v4;
	v4 =	vsel vm0, $0x627, v18  }
0x73: {  	v49 =	vor.u32 $0x620, v57;
	v55 =	vadd.s32 $0x622, v57;
	[tilespmem:$0x1FEC0] =	vst v4;
	v4 =	vsel vm0, $0x628, v41  }
0x74: {  	v48 =	vunpack.c.0.s8.s32 v37;
	v12 =	vimm.s32 $0x15141312;
	[tilespmem:$0x1FED0] =	vst v4;
	v4 =	vsel vm0, $0x629, v20  }
0x75: {  	v51 =	vunpack.c.0.s8.s32 v59;
	v12 =	vunpack.c.0.s8.s32 v12;
	[tilespmem:$0x1FEE0] =	vst v4;
	v4 =	vsel vm0, $0x62A, v42  }
0x76: {  	v14 =	vimm.s32 $0x19181716;
	v16 =	vimm.s32 $0x1D1C1B1A;
	[tilespmem:$0x1FEF0] =	vst v4;
	v4 =	vsel vm0, $0x62B, v22  }
0x77: {  	v14 =	vunpack.c.0.s8.s32 v14;
	v16 =	vunpack.c.0.s8.s32 v16;
	[tilespmem:$0x1FF00] =	vst v4;
	v4 =	vsel vm0, $0x62C, v44  }
0x78: {  	v24 =	vunpack.c.0.s8.s32 v50;
	[tilespmem:$0x1FF10] =	vst v4;
	v4 =	vsel vm0, $0x62D, v45;
	vm0 =	vcmask $0x1F10  }
0x79: {  	[tilespmem:$0x1FF20] =	vst v4;
	v4 =	vunpack.c.0.s8.s32 v46;
	v12 =	vsel vm0, v14, v12;
	v22 =	vsel vm0, v2, v16  }
0x7a: {  	v11 =	vunpack.c.0.s8.s32 v47;
	v18 =	vadd.s32 $0x62B, v57;
	v50 =	vcombine.low v12, v22  }
0x7b: {  	[tilespmem:$0x1FF30] =	vst v18;
	v12 =	vimm.s32 $0x4030201;
	v18 =	vsel vm0, v4, v48;
	v48 =	vunpack.c.0.s8.s32 v58  }
0x7c: {  	v20 =	vsel vm0, v3, v11;
	v60 =	vsel vm0, v24, v51;
	v12 =	vunpack.c.0.s8.s32 v12  }
0x7d: {  	v47 =	vmovc v49;
	v4 =	vsel vm0, v11, v4;
	v49 =	vcombine.low v18, v20;
	v18 =	vsel vm0, v48, v63  }
0x7e: {  	v11 =	vimm.s32 $0x5040302;
	v3 =	vsel vm0, v12, v3;
	v51 =	vcombine.low v60, v18  }
0x7f: {  	v18 =	vimm.s32 $0x1A191817;
	v53 =	vcombine.low v4, v3;
	v3 =	vunpack.c.0.s8.s32 v11  }
0x80: {  	v61 =	vunpack.c.0.s8.s32 v52;
	v4 =	vimm.s32 $0x87654321;
	v18 =	vunpack.c.0.s8.s32 v18  }
0x81: {  	s0 =	rddreg [dreg:$0x0];
	s3 =	simm.s32 $0x0;
	v12 =	vimm.s32 $0x1E1D1C1B;
	v4 =	vunpack.c.l.s4.s8 v4;
	v2 =	vsel vm0, v3, v2  }
0x82: {  	[smem:$0x7FF] =	sst s3;
	v3 =	vsel vm0, v16, v14;
	v14 =	vimm.s32 $0xA9876543;
	v11 =	vsel vm0, v18, v61  }
0x83: {  	s1 =	rddreg [dreg:$0x1];
	_ =	strace $0x80000047;
	[tilespmem:$0x1FF50] =	vst v18;
	v18 =	vunpack.c.0.s8.s32 v12;
	v12 =	vimm.s32 $0x98765432;
	v4 =	vunpack.c.0.s8.s32 v4  }
0x84: {  	v48 =	vmovc v55;
	v55 =	vcombine.low v3, v2;
	v2 =	vimm.s32 $0x6050403;
	v12 =	vunpack.c.l.s4.s8 v12  }
0x85: {  	v3 =	vunpack.c.l.s4.s8 v14;
	v2 =	vunpack.c.0.s8.s32 v2  }
0x86: {  	s2 =	srdreg.scid;
	s4 =	stileid.u32;
	v0 =	vadd.s32 $0x621, v57;
	v4 =	vand.u32 $0xF, v4;
	v12 =	vunpack.c.0.s8.s32 v12  }
0x87: {  	s13 =	simm.s32 $0x50;
	s14 =	simm.s32 $0x640;
	s15 =	simm.s32 $0x3;
	v3 =	vunpack.c.0.s8.s32 v3;
	v2 =	vsel vm0, v2, v1;
	v1 =	vsel vm0, v1, v18  }
0x88: {  	s16 =	simm.s32 $0x2;
	s17 =	simm.s32 $0x6A40;
	s31 =	simm.s32 $0xA640;
	v56 =	vcombine.low v20, v4;
	v4 =	vimm.s32 $0x76543210;
	[tilespmem:$0x1FF70] =	vst v2;
	v2 =	vand.u32 $0xF, v12  }
0x89: {  	s12 =	simm.s32 $0xBA40;
	s18 =	simm.s32 $0xC440;
	s19 =	simm.s32 $0xCE40;
	[tilespmem:$0x1FF40] =	vst v24;
	v4 =	vunpack.c.l.s4.s8 v4;
	v58 =	vcombine.low v22, v2;
	v2 =	vand.u32 $0xF, v3  }
0x8a: {  	s20 =	simm.s32 $0x4;
	s21 =	simm.s32 $0xD150;
	s22 =	simm.s32 $0x5;
	[tilespmem:$0x1FFE0] =	vst v63;
	v60 =	vcombine.low v11, v1;
	v61 =	vcombine.low v1, v2;
	v1 =	vmovc v0;
	v0 =	vlaneseq.u32  }
0x8b: {  	s23 =	simm.s32 $0x6;
	s2 =	sand.u32 $0x1, s2;
	s4 =	sshll.u32 s4, $0x1;
	[tilespmem:$0x1FFF0] =	vst v54;
	v2 =	vadd.s32 $0x62C, v0  }
0x8c: {  	s24 =	simm.s32 $0x0;
	v59 =	vadd.s32 $0xC, v57;
	s6 =	sor.u32 s2, s4;
	s2 =	ssub.s32 $0x2, s2;
	v10 =	vadd.s32 $0x1, v57;
	[tilespmem:$0x1FF80] =	vst v2;
	v2 =	vunpack.c.0.s8.s32 v4  }
0x8d: {  	s5 =	sadd.s32 $0x3D8400, s1;
	s7 =	smul.u32 $0xC80, s6;
	s29 =	sshrl.u32 s2, $0x1;
	v9 =	vor.u32 $0x10, v57;
	v13 =	vadd.s32 $0x2, v57;
	v15 =	vadd.s32 $0x3, v57;
	[tilespmem:$0x1FF60] =	vst v18  }
0x8e: {  	s4 =	sadd.s32 $0x400, s1;
	s1 =	ssub.s32 s2, s29;
	s2 =	simm.s32 $0xB040;
	v17 =	vadd.s32 $0x4, v57;
	v19 =	vadd.s32 $0x5, v57;
	[tilespmem:$0x1FF90] =	vst v2;
	v2 =	vadd.s32 $0x62D, v0  }
0x8f: {  	s8 =	sadd.s32 s0, s7;
	s7 =	sshll.u32 s6, $0x9;
	s1 =	smax.u32 s1, $0x1;
	v21 =	vadd.s32 $0x6, v57;
	v23 =	vadd.s32 $0x7, v57;
	[tilespmem:$0x1FFA0] =	vst v2;
	v2 =	vadd.s32 $0x62E, v0  }
0x90: {  	s6 =	simm.s32 $0x5F0;
	s30 =	sadd.s32 $0x64, s8;
	v25 =	vadd.s32 $0x8, v57;
	v27 =	vadd.s32 $0x9, v57;
	[dreg:$0x3] =	wrdreg s8;
	[tilespmem:$0x1FFB0] =	vst v2;
	v2 =	vadd.s32 $0x62F, v0  }
0x91: {  	s9 =	sor.u32 $0x20, s7;
	s10 =	sor.u32 $0x30, s7;
	v29 =	vadd.s32 $0xA, v57;
	v46 =	vadd.s32 $0xB, v57;
	[dreg:$0x4] =	wrdreg s30;
	[tilespmem:$0x1FFC0] =	vst v2;
	v2 =	vor.u32 $0x630, v0  }
0x92: {  	v45 =	vmovc v43;
	[dreg:$0x5] =	wrdreg s1;
	s1 =	simm.s32 $0x550;
	s8 =	simm.s32 $0x5A0;
	v52 =	vadd.s32 $0xE, v0;
	v57 =	vadd.s32 $0xF, v0;
	v4 =	vadd.s32 $0xD, v0;
	[tilespmem:$0x1FFD0] =	vst v2  }
.LBB2_1:
0x93: {  	[dreg:$0x6] =	wrdreg s24  }
0x94: {  	s11 =	rddreg [dreg:$0x3]  }
0x95: {  	[tilespmem:s3], [sflag:$0x1] =	stream.linear.gather [hbm4b:s11+s3], $0x320, $0x38;
	[tilespmem:$0xD460] =	vst v63  }
0x96: {  	s29 =	rddreg [dreg:$0x4];
	s30 =	simm.s32 $0x320;
	s24 =	simm.s32 $0x1  }
0x97: {  	[tilespmem:s30], [sflag:$0x2] =	stream.linear.gather [hbm4b:s29+s3], $0x320, $0x38;
	[tilespmem:$0xD460] =	vst v63  }
0x98: {  	_ =	swait.ge [sflag:s24], $0x320  }
0x99: {  	[sflag:s24] =	ssyncset.done $0x0  }
0x9a: {  	[sflag:s24] =	ssyncadd.s32 $0xFFFFFCE0  }
0x9b: {  	[tilespmem:s14], [sflag:$0x3] =	stream.indirect.gather [hbm4b:s4+s13], $0x20, s3, s13, $0xb8;
	[tilespmem:$0xD460] =	vst v63  }
0x9c: {  	s25 =	simm.s32 $0x1040  }
0x9d: {  	[tilespmem:s25], [sflag:$0x3] =	stream.indirect.gather [hbm4b:s4+s13], $0x20, s13, s13, $0xb8;
	[tilespmem:$0xD460] =	vst v63  }
0x9e: {  	s26 =	simm.s32 $0xA0;
	s28 =	simm.s32 $0x1A40  }
0x9f: {  	[tilespmem:s28], [sflag:$0x3] =	stream.indirect.gather [hbm4b:s4+s13], $0x20, s26, s13, $0xb8;
	[tilespmem:$0xD460] =	vst v63  }
0xa0: {  	s29 =	simm.s32 $0xF0;
	s30 =	simm.s32 $0x2440  }
0xa1: {  	[tilespmem:s30], [sflag:$0x3] =	stream.indirect.gather [hbm4b:s4+s13], $0x20, s29, s13, $0xb8;
	[tilespmem:$0xD460] =	vst v63  }
0xa2: {  	s24 =	simm.s32 $0x140;
	s25 =	simm.s32 $0x2E40  }
0xa3: {  	[tilespmem:s25], [sflag:$0x3] =	stream.indirect.gather [hbm4b:s4+s13], $0x20, s24, s13, $0xb8;
	[tilespmem:$0xD460] =	vst v63  }
0xa4: {  	s26 =	simm.s32 $0x190;
	s28 =	simm.s32 $0x3840  }
0xa5: {  	[tilespmem:s28], [sflag:$0x3] =	stream.indirect.gather [hbm4b:s4+s13], $0x20, s26, s13, $0xb8;
	[tilespmem:$0xD460] =	vst v63  }
0xa6: {  	s29 =	simm.s32 $0x1E0;
	s30 =	simm.s32 $0x4240  }
0xa7: {  	[tilespmem:s30], [sflag:$0x3] =	stream.indirect.gather [hbm4b:s4+s13], $0x20, s29, s13, $0xb8;
	[tilespmem:$0xD460] =	vst v63  }
0xa8: {  	s24 =	simm.s32 $0x230;
	s25 =	simm.s32 $0x4C40  }
0xa9: {  	[tilespmem:s25], [sflag:$0x3] =	stream.indirect.gather [hbm4b:s4+s13], $0x20, s24, s13, $0xb8;
	[tilespmem:$0xD460] =	vst v63  }
0xaa: {  	s26 =	simm.s32 $0x280;
	s28 =	simm.s32 $0x5640  }
0xab: {  	[tilespmem:s28], [sflag:$0x3] =	stream.indirect.gather [hbm4b:s4+s13], $0x20, s26, s13, $0xb8;
	[tilespmem:$0xD460] =	vst v63  }
0xac: {  	s29 =	simm.s32 $0x2D0;
	s30 =	simm.s32 $0x6040;
	s24 =	simm.s32 $0x0  }
0xad: {  	[tilespmem:s30], [sflag:$0x3] =	stream.indirect.gather [hbm4b:s4+s13], $0x20, s29, s13, $0xb8;
	[tilespmem:$0xD460] =	vst v63  }
.LBB2_2:
0xae: {  	_ =	swait.ge [sflag:s15], $0xA00  }
0xaf: {  	[sflag:s15] =	ssyncset.done $0x0  }
0xb0: {  	[sflag:s15] =	ssyncadd.s32 $0xFFFFF600  }
0xb1: {  	_ =	swait.ge [sflag:s15], $0xA00  }
0xb2: {  	[sflag:s15] =	ssyncset.done $0x0  }
0xb3: {  	[sflag:s15] =	ssyncadd.s32 $0xFFFFF600  }
0xb4: {  	_ =	swait.ge [sflag:s15], $0xA00  }
0xb5: {  	[sflag:s15] =	ssyncset.done $0x0  }
0xb6: {  	[sflag:s15] =	ssyncadd.s32 $0xFFFFF600  }
0xb7: {  	_ =	swait.ge [sflag:s15], $0xA00  }
0xb8: {  	[sflag:s15] =	ssyncset.done $0x0  }
0xb9: {  	[sflag:s15] =	ssyncadd.s32 $0xFFFFF600  }
0xba: {  	_ =	swait.ge [sflag:s15], $0xA00  }
0xbb: {  	[sflag:s15] =	ssyncset.done $0x0  }
0xbc: {  	[sflag:s15] =	ssyncadd.s32 $0xFFFFF600  }
0xbd: {  	_ =	swait.ge [sflag:s15], $0xA00  }
0xbe: {  	[sflag:s15] =	ssyncset.done $0x0  }
0xbf: {  	[sflag:s15] =	ssyncadd.s32 $0xFFFFF600  }
0xc0: {  	_ =	swait.ge [sflag:s15], $0xA00  }
0xc1: {  	[sflag:s15] =	ssyncset.done $0x0  }
0xc2: {  	[sflag:s15] =	ssyncadd.s32 $0xFFFFF600  }
0xc3: {  	_ =	swait.ge [sflag:s15], $0xA00  }
0xc4: {  	[sflag:s15] =	ssyncset.done $0x0  }
0xc5: {  	[sflag:s15] =	ssyncadd.s32 $0xFFFFF600  }
0xc6: {  	_ =	swait.ge [sflag:s15], $0xA00  }
0xc7: {  	[sflag:s15] =	ssyncset.done $0x0  }
0xc8: {  	[sflag:s15] =	ssyncadd.s32 $0xFFFFF600  }
0xc9: {  	_ =	swait.ge [sflag:s15], $0xA00  }
0xca: {  	[sflag:s15] =	ssyncset.done $0x0  }
0xcb: {  	[sflag:s15] =	ssyncadd.s32 $0xFFFFF600  }
0xcc: {  	_ =	swait.ge [sflag:s16], $0x320  }
0xcd: {  	[sflag:s16] =	ssyncset.done $0x0  }
0xce: {  	s11 =	simm.s32 $0x320;
	[sflag:s16] =	ssyncadd.s32 $0xFFFFFCE0  }
0xcf: {  	[tilespmem:s17], [sflag:$0x4] =	stream.indirect.gather [hbm4b:s4+s13], $0x20, s11, s13, $0xb8;
	[tilespmem:$0xD460] =	vst v63  }
0xd0: {  	s30 =	simm.s32 $0x370;
	s25 =	simm.s32 $0x7440  }
0xd1: {  	[tilespmem:s25], [sflag:$0x4] =	stream.indirect.gather [hbm4b:s4+s13], $0x20, s30, s13, $0xb8;
	[tilespmem:$0xD460] =	vst v63  }
0xd2: {  	s26 =	simm.s32 $0x3C0;
	s28 =	simm.s32 $0x7E40  }
0xd3: {  	[tilespmem:s28], [sflag:$0x4] =	stream.indirect.gather [hbm4b:s4+s13], $0x20, s26, s13, $0xb8;
	[tilespmem:$0xD460] =	vst v63  }
0xd4: {  	s29 =	simm.s32 $0x410;
	s30 =	simm.s32 $0x8840  }
0xd5: {  	[tilespmem:s30], [sflag:$0x4] =	stream.indirect.gather [hbm4b:s4+s13], $0x20, s29, s13, $0xb8;
	[tilespmem:$0xD460] =	vst v63  }
0xd6: {  	s25 =	simm.s32 $0x460;
	s26 =	simm.s32 $0x9240  }
0xd7: {  	[tilespmem:s26], [sflag:$0x4] =	stream.indirect.gather [hbm4b:s4+s13], $0x20, s25, s13, $0xb8;
	[tilespmem:$0xD460] =	vst v63  }
0xd8: {  	s28 =	simm.s32 $0x4B0;
	s29 =	simm.s32 $0x9C40  }
0xd9: {  	[tilespmem:s29], [sflag:$0x4] =	stream.indirect.gather [hbm4b:s4+s13], $0x20, s28, s13, $0xb8;
	[tilespmem:$0xD460] =	vst v63  }
0xda: {  	p0 =	seq.s32 s24, $0xF;
	s30 =	simm.s32 $0x500;
	s26 =	sshll.u32 s24, $0x5  }
0xdb: {  	[tilespmem:s31], [sflag:$0x4] =	stream.indirect.gather [hbm4b:s4+s13], $0x20, s30, s13, $0xb8;
	[tilespmem:$0xD460] =	vst v63  }
0xdc: {  	p1 =	seq.s32 @!p0 s24, $0x0;
	s11 =	sadd.s32 @!p0 s26, s9  }
0xdd: {  	[tilespmem:s2], [sflag:$0x4] =	stream.indirect.gather [hbm4b:s4+s13], $0x20, s1, s13, $0xb8;
	[tilespmem:$0xD460] =	vst v63  }
0xde: {  	p1 =	por p0, !p1;
	s11 =	smul.u32 @!p0 $0x32, s11  }
0xdf: {  	[tilespmem:s12], [sflag:$0x4] =	stream.indirect.gather [hbm4b:s4+s13], $0x20, s8, s13, $0xb8;
	[tilespmem:$0xD460] =	vst v63  }
.Ltmp0:
0xe0: {  	_ = 	snop;
	(pc) =	sbr.rel @!p1 .LBB2_3-.Ltmp0, $4  }
0xe1: {  	s11 =	sshrl.u32 @!p0 s11, $0x3  }
0xe2: {  	[tilespmem:s18], [sflag:$0x4] =	stream.indirect.gather [hbm4b:s4+s13], $0x20, s6, s13, $0xb8;
	[tilespmem:$0xD460] =	vst v63  }
0xe3: {  	s25 =	simm.s32 @!p0 $0x0;
	s11 =	sadd.s32 @!p0 s0, s11  }
0xe4: {  	[tilespmem:s25], [sflag:$0x1] =	stream.linear.gather @!p0 [hbm4b:s11+s25], $0x320, $0x38;
	[tilespmem:$0xD460] =	vst v63  }
.Ltmp1:
0xe5: {  	(pc) =	sbr.rel .LBB2_5-.Ltmp1, $4  }
0xe6: {  	_ = 	snop  }
0xe7: {  	_ =	swait.ge [sflag:s22], $0x310  }
0xe8: {  	[sflag:s22] =	ssyncset.done $0x0  }
0xe9: {  	p1 =	por $0x0, $0x0;
	[sflag:s22] =	ssyncadd.s32 $0xFFFFFCF0  }
.LBB2_3:
0xea: {  	p1 =	por @!p0 $0x1, $0x1  }
.LBB2_5:
0xeb: {  	s25 =	sor.u32 $0x10, s26;
	s28 =	simm.s32 $0x0;
	s11 =	simm.s32 $0x0  }
.LBB2_6:
0xec: {  	v2 =	vmov s11  }
0xed: {  	v11 =	vshll.u32 v2, $0x5  }
0xee: {  	v2 =	vor.u32 v0, v11  }
0xef: {  	v3 =	vor.u32 v9, v11;
	_ =	sdelay $0x3  }
0xf0: {  	v18 =	vld.idx.msk [tilespmem:v2+s14+$0x0], $0xffff  }
0xf1: {  	v14 =	vadd.s32 v45, v11;
	v2 =	vld.idx.msk [tilespmem:v3+s14+$0x0], $0xffff  }
0xf2: {  	v12 =	vadd.s32 v62, v11;
	v20 =	vor.u32 v0, v14  }
0xf3: {  	v16 =	vadd.s32 v54, v11;
	v22 =	vor.u32 v0, v12  }
0xf4: {  	v3 =	vor.u32 v0, v16  }
0xf5: {  	v28 =	vadd.s32 v47, v11  }
0xf6: {  	v30 =	vor.u32 v10, v11;
	v24 =	vmul.f32 v18, v18;
	v26 =	vmul.f32 v2, v2  }
0xf7: {  	v31 =	vor.u32 v10, v14;
	v20 =	vld.idx.msk [tilespmem:v20+s14+$0x0], $0xffff  }
0xf8: {  	v22 =	vld.idx.msk [tilespmem:v22+s14+$0x0], $0xffff;
	v24 =	vadd.f32 v26, v24;
	v26 =	vor.u32 v10, v16  }
0xf9: {  	v35 =	vor.u32 v13, v11;
	v3 =	vld.idx.msk [tilespmem:v3+s14+$0x0], $0xffff  }
0xfa: {  	v37 =	vor.u32 v13, v16;
	(xrf2) =	vadd.scan.msk.f32 $0xffff, v24;
	v24 =	vld.idx.msk [tilespmem:v28+s14+$0x0], $0xffff  }
0xfb: {  	v28 =	vld.idx.msk [tilespmem:v30+s14+$0x0], $0xffff;
	v30 =	vor.u32 v10, v12  }
0xfc: {  	v31 =	vld.idx.msk [tilespmem:v31+s14+$0x0], $0xffff  }
0xfd: {  	v33 =	vadd.s32 v1, v11;
	v26 =	vld.idx.msk [tilespmem:v26+s14+$0x0], $0xffff  }
0xfe: {  	v40 =	vor.u32 v13, v14;
	v35 =	vld.idx.msk [tilespmem:v35+s14+$0x0], $0xffff;
	v34 =	vsub.f32 v18, v20  }
0xff: {  	v42 =	vor.u32 v15, v16;
	v37 =	vld.idx.msk [tilespmem:v37+s14+$0x0], $0xffff;
	v36 =	vsub.f32 v18, v22;
	v20 =	vmul.f32 v20, v20  }
0x100: {  	v22 =	vmul.f32 v22, v22;
	v34 =	vmul.f32 v34, v34;
	v32 =	vsub.f32 v18, v3;
	v30 =	vld.idx.msk [tilespmem:v30+s14+$0x0], $0xffff  }
0x101: {  	v36 =	vmul.f32 v36, v36;
	v3 =	vmul.f32 v3, v3;
	v39 =	vsub.f32 v28, v31  }
0x102: {  	v33 =	vld.idx.msk [tilespmem:v33+s14+$0x0], $0xffff;
	v32 =	vmul.f32 v32, v32;
	v31 =	vmul.f32 v31, v31;
	v38 =	vsub.f32 v28, v26  }
0x103: {  	v18 =	vsub.f32 v18, v24;
	v39 =	vmul.f32 v39, v39;
	v26 =	vmul.f32 v26, v26  }
0x104: {  	v20 =	vadd.f32 v31, v20;
	v31 =	vsub.f32 v35, v37;
	v38 =	vmul.f32 v38, v38  }
0x105: {  	v24 =	vmul.f32 v24, v24;
	v44 =	vsub.f32 v28, v30;
	v3 =	vadd.f32 v26, v3  }
0x106: {  	v18 =	vmul.f32 v18, v18;
	v26 =	vadd.f32 v39, v34;
	v32 =	vadd.f32 v38, v32;
	v38 =	vld.idx.msk [tilespmem:v40+s14+$0x0], $0xffff  }
0x107: {  	v41, _, _ =	vpop (xrf2);
	v39 =	vadd.s32 v48, v11;
	v28 =	vsub.f32 v28, v33;
	v33 =	vmul.f32 v33, v33  }
0x108: {  	(v2sf) =	vpush v41, $0xF;
	v41 =	vor.u32 v13, v12;
	v34 =	vmul.f32 v44, v44  }
0x109: {  	v40 =	vor.u32 v15, v11;
	v28 =	vmul.f32 v28, v28;
	v24 =	vadd.f32 v33, v24  }
0x10a: {  	v33 =	vmul.f32 v37, v37;
	v37 =	vld.idx.msk [tilespmem:v42+s14+$0x0], $0xffff;
	v34 =	vadd.f32 v34, v36;
	v36 =	vor.u32 v15, v14  }
0x10b: {  	v30 =	vmul.f32 v30, v30;
	v42 =	vld [tilespmem:$0x1FDC0];
	v18 =	vadd.f32 v28, v18;
	v28 =	vsub.f32 v35, v38  }
0x10c: {  	v31 =	vmul.f32 v31, v31;
	v39 =	vld.idx.msk [tilespmem:v39+s14+$0x0], $0xffff  }
0x10d: {  	v22 =	vadd.f32 v30, v22;
	v30 =	vld.idx.msk [tilespmem:v41+s14+$0x0], $0xffff;
	v28 =	vmul.f32 v28, v28  }
0x10e: {  	v31 =	vadd.f32 v31, v32;
	v32 =	vld.idx.msk [tilespmem:v40+s14+$0x0], $0xffff  }
0x10f: {  	v40 =	vor.u32 v15, v12;
	v38 =	vmul.f32 v38, v38;
	v26 =	vadd.f32 v28, v26;
	v28 =	vld.idx.msk [tilespmem:v36+s14+$0x0], $0xffff  }
0x110: {  	v42 =	vadd.s32 v42, v11  }
0x111: {  	v3 =	vadd.f32 v33, v3;
	v20 =	vadd.f32 v38, v20  }
0x112: {  	v38 =	vor.u32 v17, v16;
	v41 =	vsub.f32 v35, v30;
	v30 =	vmul.f32 v30, v30  }
0x113: {  	v36 =	vor.u32 v17, v11;
	v35 =	vsub.f32 v35, v39;
	v44 =	vsub.f32 v32, v37  }
0x114: {  	v40 =	vld.idx.msk [tilespmem:v40+s14+$0x0], $0xffff;
	v43 =	vmul.f32 v41, v41;
	v22 =	vadd.f32 v30, v22;
	v41 =	vsub.f32 v32, v28  }
0x115: {  	v30 =	vmul.f32 v35, v35;
	v35 =	vmul.f32 v39, v39;
	v39 =	vld.idx.msk [tilespmem:v42+s14+$0x0], $0xffff;
	v42 =	vor.u32 v17, v14  }
0x116: {  	v33 =	vadd.f32 v43, v34;
	v34 =	vmul.f32 v44, v44;
	v44 =	vmul.f32 v41, v41;
	v41 =	vld [tilespmem:$0x1FDD0]  }
0x117: {  	v18 =	vadd.f32 v30, v18;
	v30 =	vmul.f32 v37, v37  }
0x118: {  	v24 =	vadd.f32 v35, v24  }
0x119: {  	v35 =	vld.idx.msk [tilespmem:v38+s14+$0x0], $0xffff;
	v28 =	vmul.f32 v28, v28;
	v3 =	vadd.f32 v30, v3;
	v30 =	vsub.f32 v32, v40  }
0x11a: {  	v37 =	vor.u32 v17, v12;
	v36 =	vld.idx.msk [tilespmem:v36+s14+$0x0], $0xffff;
	v31 =	vadd.f32 v34, v31  }
0x11b: {  	v20 =	vadd.f32 v28, v20;
	v28 =	vmul.f32 v30, v30;
	v30 =	vld.idx.msk [tilespmem:v42+s14+$0x0], $0xffff;
	v34 =	vadd.s32 v41, v11;
	_ =	sdelay $0x2  }
0x11c: {  	v38 =	vor.u32 v19, v11;
	v32 =	vsub.f32 v32, v39  }
0x11d: {  	v43 =	vor.u32 v19, v14;
	v26 =	vadd.f32 v44, v26;
	v37 =	vld.idx.msk [tilespmem:v37+s14+$0x0], $0xffff;
	v28 =	vadd.f32 v28, v33  }
0x11e: {  	v41 =	vor.u32 v19, v16;
	v44 =	vsub.f32 v36, v30;
	v33 =	vld.idx.msk [tilespmem:v34+s14+$0x0], $0xffff;
	v34 =	vmul.f32 v35, v35  }
0x11f: {  	v40 =	vmul.f32 v40, v40;
	v39 =	vmul.f32 v39, v39;
	v42 =	vsub.f32 v36, v35  }
0x120: {  	v32 =	vmul.f32 v32, v32;
	v3 =	vadd.f32 v34, v3;
	v34 =	vmul.f32 v44, v44;
	v44 =	vld [tilespmem:$0x1FDE0]  }
0x121: {  	v24 =	vadd.f32 v39, v24;
	v38 =	vld.idx.msk [tilespmem:v38+s14+$0x0], $0xffff;
	v39 =	vor.u32 v19, v12;
	v42 =	vmul.f32 v42, v42  }
0x122: {  	v22 =	vadd.f32 v40, v22;
	v18 =	vadd.f32 v32, v18;
	v30 =	vmul.f32 v30, v30;
	v35 =	vld.idx.msk [tilespmem:v43+s14+$0x0], $0xffff  }
0x123: {  	v31 =	vadd.f32 v42, v31;
	v32 =	vsub.f32 v36, v37;
	v42 =	vor.u32 v21, v11;
	v40 =	vld.idx.msk [tilespmem:v41+s14+$0x0], $0xffff  }
0x124: {  	v43 =	vsub.f32 v36, v33;
	v36 =	vor.u32 v21, v16  }
0x125: {  	v20 =	vadd.f32 v30, v20;
	v32 =	vmul.f32 v32, v32;
	v41 =	vadd.s32 v44, v11  }
0x126: {  	v30 =	vld.idx.msk [tilespmem:v39+s14+$0x0], $0xffff;
	v26 =	vadd.f32 v34, v26;
	v34 =	vmul.f32 v43, v43;
	v43 =	vor.u32 v21, v14  }
0x127: {  	v28 =	vadd.f32 v32, v28;
	v39 =	vsub.f32 v38, v35  }
0x128: {  	v32 =	vmul.f32 v37, v37;
	v37 =	vsub.f32 v38, v40;
	v18 =	vadd.f32 v34, v18;
	v34 =	vld.idx.msk [tilespmem:v42+s14+$0x0], $0xffff  }
0x129: {  	v44 =	vmul.f32 v39, v39;
	v36 =	vld.idx.msk [tilespmem:v36+s14+$0x0], $0xffff  }
0x12a: {  	v22 =	vadd.f32 v32, v22;
	v32 =	vmul.f32 v37, v37;
	v41 =	vld.idx.msk [tilespmem:v41+s14+$0x0], $0xffff  }
0x12b: {  	v42 =	vsub.f32 v38, v30;
	v26 =	vadd.f32 v44, v26;
	v44 =	vmul.f32 v35, v35;
	v35 =	vld.idx.msk [tilespmem:v43+s14+$0x0], $0xffff  }
0x12c: {  	v33 =	vmul.f32 v33, v33;
	v39 =	vor.u32 v21, v12;
	v43 =	vld [tilespmem:$0x1FDF0]  }
0x12d: {  	v31 =	vadd.f32 v32, v31;
	v32 =	vmul.f32 v42, v42;
	v42 =	vor.u32 v23, v16  }
0x12e: {  	v24 =	vadd.f32 v33, v24;
	v33 =	vmul.f32 v40, v40  }
0x12f: {  	v40 =	vor.u32 v23, v11  }
0x130: {  	v3 =	vadd.f32 v33, v3;
	v30 =	vmul.f32 v30, v30;
	v38 =	vsub.f32 v38, v41  }
0x131: {  	v28 =	vadd.f32 v32, v28;
	v32 =	vld.idx.msk [tilespmem:v39+s14+$0x0], $0xffff;
	v33 =	vsub.f32 v34, v36;
	v37 =	vadd.s32 v43, v11  }
0x132: {  	v22 =	vadd.f32 v30, v22;
	v30 =	vmul.f32 v38, v38;
	v38 =	vld.idx.msk [tilespmem:v42+s14+$0x0], $0xffff  }
0x133: {  	v33 =	vmul.f32 v33, v33;
	v42 =	vld [tilespmem:$0x1FE00]  }
0x134: {  	v20 =	vadd.f32 v44, v20;
	v39 =	vor.u32 v23, v14;
	v36 =	vmul.f32 v36, v36  }
0x135: {  	v44 =	vmul.f32 v41, v41;
	v31 =	vadd.f32 v33, v31;
	v33 =	vld.idx.msk [tilespmem:v40+s14+$0x0], $0xffff;
	v40 =	vor.u32 v23, v12  }
0x136: {  	v3 =	vadd.f32 v36, v3;
	v36 =	vor.u32 v25, v11;
	v41 =	vsub.f32 v34, v32;
	v37 =	vld.idx.msk [tilespmem:v37+s14+$0x0], $0xffff  }
0x137: {  	v32 =	vmul.f32 v32, v32;
	v18 =	vadd.f32 v30, v18;
	v30 =	vsub.f32 v34, v35  }
0x138: {  	v24 =	vadd.f32 v44, v24;
	v43 =	vmul.f32 v41, v41;
	v42 =	vadd.s32 v42, v11  }
0x139: {  	v22 =	vadd.f32 v32, v22;
	v35 =	vmul.f32 v35, v35;
	v30 =	vmul.f32 v30, v30  }
0x13a: {  	v28 =	vadd.f32 v43, v28;
	v44 =	vsub.f32 v33, v38;
	v40 =	vld.idx.msk [tilespmem:v40+s14+$0x0], $0xffff;
	v43 =	vmul.f32 v38, v38  }
0x13b: {  	v26 =	vadd.f32 v30, v26;
	v30 =	vld.idx.msk [tilespmem:v39+s14+$0x0], $0xffff;
	v39 =	vor.u32 v25, v16;
	v34 =	vsub.f32 v34, v37  }
0x13c: {  	v20 =	vadd.f32 v35, v20;
	v35 =	vmul.f32 v44, v44;
	v3 =	vadd.f32 v43, v3;
	v43 =	vld [tilespmem:$0x1FE10]  }
0x13d: {  	v32 =	vmul.f32 v34, v34;
	v34 =	vmul.f32 v37, v37;
	v37 =	vld.idx.msk [tilespmem:v42+s14+$0x0], $0xffff;
	v42 =	vor.u32 v25, v14;
	_ =	sdelay $0x1  }
0x13e: {  	v38 =	vor.u32 v25, v12;
	v31 =	vadd.f32 v35, v31  }
0x13f: {  	v41 =	vsub.f32 v33, v30;
	v35 =	vld.idx.msk [tilespmem:v39+s14+$0x0], $0xffff;
	v30 =	vmul.f32 v30, v30;
	v39 =	vor.u32 v27, v11  }
0x140: {  	v36 =	vld.idx.msk [tilespmem:v36+s14+$0x0], $0xffff;
	v18 =	vadd.f32 v32, v18;
	v24 =	vadd.f32 v34, v24;
	v34 =	vadd.s32 v43, v11  }
0x141: {  	v44 =	vmul.f32 v41, v41;
	v41 =	vsub.f32 v33, v40;
	v33 =	vsub.f32 v33, v37;
	v32 =	vld.idx.msk [tilespmem:v42+s14+$0x0], $0xffff  }
0x142: {  	v43 =	vor.u32 v27, v14  }
0x143: {  	v20 =	vadd.f32 v30, v20;
	v33 =	vmul.f32 v33, v33  }
0x144: {  	v38 =	vld.idx.msk [tilespmem:v38+s14+$0x0], $0xffff;
	v26 =	vadd.f32 v44, v26;
	v30 =	vmul.f32 v41, v41;
	v37 =	vmul.f32 v37, v37  }
0x145: {  	v41 =	vor.u32 v27, v16;
	v42 =	vsub.f32 v36, v35;
	v18 =	vadd.f32 v33, v18;
	v33 =	vld.idx.msk [tilespmem:v34+s14+$0x0], $0xffff  }
0x146: {  	v24 =	vadd.f32 v37, v24;
	v37 =	vld.idx.msk [tilespmem:v39+s14+$0x0], $0xffff;
	v34 =	vmul.f32 v35, v35;
	v44 =	vsub.f32 v36, v32  }
0x147: {  	v40 =	vmul.f32 v40, v40;
	v28 =	vadd.f32 v30, v28;
	v30 =	vmul.f32 v42, v42;
	v35 =	vld.idx.msk [tilespmem:v43+s14+$0x0], $0xffff  }
0x148: {  	v39 =	vor.u32 v27, v12;
	v3 =	vadd.f32 v34, v3;
	v34 =	vmul.f32 v44, v44;
	v44 =	vld [tilespmem:$0x1FE20]  }
0x149: {  	v30 =	vadd.f32 v30, v31;
	v31 =	vsub.f32 v36, v38  }
0x14a: {  	v22 =	vadd.f32 v40, v22;
	v42 =	vor.u32 v29, v11;
	v43 =	vsub.f32 v36, v33  }
0x14b: {  	v40 =	vld.idx.msk [tilespmem:v41+s14+$0x0], $0xffff;
	v32 =	vmul.f32 v32, v32;
	v31 =	vmul.f32 v31, v31;
	v36 =	vor.u32 v29, v16  }
0x14c: {  	v26 =	vadd.f32 v34, v26;
	v34 =	vmul.f32 v43, v43;
	v43 =	vor.u32 v29, v14  }
0x14d: {  	v28 =	vadd.f32 v31, v28;
	v31 =	vld.idx.msk [tilespmem:v39+s14+$0x0], $0xffff;
	v39 =	vsub.f32 v37, v35;
	v41 =	vadd.s32 v44, v11  }
0x14e: {  	v20 =	vadd.f32 v32, v20  }
0x14f: {  	v32 =	vmul.f32 v38, v38;
	v44 =	vmul.f32 v39, v39;
	v18 =	vadd.f32 v34, v18;
	v34 =	vld.idx.msk [tilespmem:v42+s14+$0x0], $0xffff  }
0x150: {  	v38 =	vsub.f32 v37, v40;
	v36 =	vld.idx.msk [tilespmem:v36+s14+$0x0], $0xffff  }
0x151: {  	v22 =	vadd.f32 v32, v22;
	v26 =	vadd.f32 v44, v26;
	v44 =	vmul.f32 v35, v35;
	v35 =	vld.idx.msk [tilespmem:v43+s14+$0x0], $0xffff  }
0x152: {  	v32 =	vmul.f32 v38, v38;
	v39 =	vor.u32 v29, v12;
	v42 =	vsub.f32 v37, v31;
	v41 =	vld.idx.msk [tilespmem:v41+s14+$0x0], $0xffff  }
0x153: {  	v33 =	vmul.f32 v33, v33;
	v43 =	vld [tilespmem:$0x1FE30]  }
0x154: {  	v30 =	vadd.f32 v32, v30;
	v32 =	vmul.f32 v42, v42;
	v42 =	vor.u32 v46, v16;
	_ =	sdelay $0x1  }
0x155: {  	v24 =	vadd.f32 v33, v24;
	v33 =	vmul.f32 v40, v40;
	v40 =	vor.u32 v46, v11  }
0x156: {  	v31 =	vmul.f32 v31, v31;
	v28 =	vadd.f32 v32, v28;
	v32 =	vld.idx.msk [tilespmem:v39+s14+$0x0], $0xffff;
	v37 =	vsub.f32 v37, v41  }
0x157: {  	v3 =	vadd.f32 v33, v3;
	v33 =	vsub.f32 v34, v36;
	v38 =	vadd.s32 v43, v11  }
0x158: {  	v22 =	vadd.f32 v31, v22;
	v31 =	vmul.f32 v37, v37;
	v37 =	vld.idx.msk [tilespmem:v42+s14+$0x0], $0xffff  }
0x159: {  	v33 =	vmul.f32 v33, v33;
	v42 =	vld [tilespmem:$0x1FF30]  }
0x15a: {  	v20 =	vadd.f32 v44, v20;
	v36 =	vmul.f32 v36, v36;
	v44 =	vmul.f32 v41, v41  }
0x15b: {  	v30 =	vadd.f32 v33, v30;
	v33 =	vld.idx.msk [tilespmem:v40+s14+$0x0], $0xffff;
	v40 =	vor.u32 v46, v12;
	v41 =	vsub.f32 v34, v32  }
0x15c: {  	v39 =	vor.u32 v46, v14;
	v3 =	vadd.f32 v36, v3;
	v32 =	vmul.f32 v32, v32;
	v38 =	vld.idx.msk [tilespmem:v38+s14+$0x0], $0xffff  }
0x15d: {  	v43 =	vmul.f32 v41, v41;
	v18 =	vadd.f32 v31, v18;
	v31 =	vsub.f32 v34, v35  }
0x15e: {  	v24 =	vadd.f32 v44, v24;
	v35 =	vmul.f32 v35, v35;
	v42 =	vadd.s32 v42, v11  }
0x15f: {  	v22 =	vadd.f32 v32, v22;
	v28 =	vadd.f32 v43, v28;
	v31 =	vmul.f32 v31, v31  }
0x160: {  	v20 =	vadd.f32 v35, v20;
	v40 =	vld.idx.msk [tilespmem:v40+s14+$0x0], $0xffff;
	v44 =	vsub.f32 v33, v37;
	v43 =	vmul.f32 v37, v37  }
0x161: {  	v36 =	vor.u32 v59, v11;
	v26 =	vadd.f32 v31, v26;
	v31 =	vld.idx.msk [tilespmem:v39+s14+$0x0], $0xffff;
	v34 =	vsub.f32 v34, v38  }
0x162: {  	v39 =	vor.u32 v59, v16;
	v35 =	vmul.f32 v44, v44;
	v3 =	vadd.f32 v43, v3;
	v43 =	vld [tilespmem:$0x1FF80]  }
0x163: {  	v32 =	vmul.f32 v34, v34;
	v34 =	vmul.f32 v38, v38;
	v38 =	vld.idx.msk [tilespmem:v42+s14+$0x0], $0xffff;
	v42 =	vor.u32 v59, v14;
	_ =	sdelay $0x1  }
0x164: {  	v30 =	vadd.f32 v35, v30  }
0x165: {  	v36 =	vld.idx.msk [tilespmem:v36+s14+$0x0], $0xffff;
	v37 =	vor.u32 v59, v12;
	v41 =	vsub.f32 v33, v31;
	v18 =	vadd.f32 v32, v18  }
0x166: {  	v24 =	vadd.f32 v34, v24;
	v35 =	vld.idx.msk [tilespmem:v39+s14+$0x0], $0xffff;
	v31 =	vmul.f32 v31, v31;
	v34 =	vadd.s32 v43, v11  }
0x167: {  	v44 =	vmul.f32 v41, v41;
	v41 =	vsub.f32 v33, v40;
	v33 =	vsub.f32 v33, v38;
	v32 =	vld.idx.msk [tilespmem:v42+s14+$0x0], $0xffff  }
0x168: {  	v39 =	vor.u32 v4, v11  }
0x169: {  	v43 =	vor.u32 v4, v14;
	v20 =	vadd.f32 v31, v20;
	v33 =	vmul.f32 v33, v33  }
0x16a: {  	v37 =	vld.idx.msk [tilespmem:v37+s14+$0x0], $0xffff;
	v40 =	vmul.f32 v40, v40;
	v26 =	vadd.f32 v44, v26;
	v31 =	vmul.f32 v41, v41  }
0x16b: {  	v38 =	vmul.f32 v38, v38;
	v42 =	vsub.f32 v36, v35;
	v18 =	vadd.f32 v33, v18;
	v33 =	vld.idx.msk [tilespmem:v34+s14+$0x0], $0xffff  }
0x16c: {  	v41 =	vor.u32 v4, v16;
	v34 =	vmul.f32 v35, v35;
	v44 =	vsub.f32 v36, v32  }
0x16d: {  	v28 =	vadd.f32 v31, v28;
	v24 =	vadd.f32 v38, v24;
	v38 =	vld.idx.msk [tilespmem:v39+s14+$0x0], $0xffff;
	v31 =	vmul.f32 v42, v42  }
0x16e: {  	v39 =	vor.u32 v4, v12;
	v3 =	vadd.f32 v34, v3;
	v34 =	vmul.f32 v44, v44;
	v44 =	vld [tilespmem:$0x1FFA0]  }
0x16f: {  	v42 =	vor.u32 v52, v11;
	v30 =	vadd.f32 v31, v30;
	v31 =	vsub.f32 v36, v37  }
0x170: {  	v35 =	vld.idx.msk [tilespmem:v43+s14+$0x0], $0xffff;
	v43 =	vsub.f32 v36, v33  }
0x171: {  	v22 =	vadd.f32 v40, v22;
	v32 =	vmul.f32 v32, v32;
	v31 =	vmul.f32 v31, v31  }
0x172: {  	v40 =	vld.idx.msk [tilespmem:v41+s14+$0x0], $0xffff;
	v26 =	vadd.f32 v34, v26;
	v36 =	vor.u32 v52, v16;
	v34 =	vmul.f32 v43, v43  }
0x173: {  	v20 =	vadd.f32 v32, v20;
	v32 =	vld.idx.msk [tilespmem:v39+s14+$0x0], $0xffff;
	v41 =	vadd.s32 v44, v11  }
0x174: {  	v28 =	vadd.f32 v31, v28;
	v31 =	vmul.f32 v37, v37;
	v18 =	vadd.f32 v34, v18;
	v34 =	vld.idx.msk [tilespmem:v42+s14+$0x0], $0xffff  }
0x175: {  	v42 =	vld [tilespmem:$0x1FFB0]  }
0x176: {  	v33 =	vmul.f32 v33, v33;
	v22 =	vadd.f32 v31, v22;
	v31 =	vsub.f32 v38, v35  }
0x177: {  	v37 =	vmul.f32 v40, v40;
	v44 =	vsub.f32 v38, v40;
	v40 =	vor.u32 v52, v12;
	v36 =	vld.idx.msk [tilespmem:v36+s14+$0x0], $0xffff  }
0x178: {  	v31 =	vmul.f32 v31, v31;
	v39 =	vld.idx.msk [tilespmem:v41+s14+$0x0], $0xffff;
	v41 =	vor.u32 v52, v14  }
0x179: {  	v24 =	vadd.f32 v33, v24;
	v33 =	vsub.f32 v38, v32  }
0x17a: {  	v26 =	vadd.f32 v31, v26;
	v31 =	vmul.f32 v35, v35;
	v42 =	vadd.s32 v42, v11  }
0x17b: {  	v3 =	vadd.f32 v37, v3;
	v37 =	vor.u32 v57, v11  }
0x17c: {  	v44 =	vmul.f32 v44, v44;
	v33 =	vmul.f32 v33, v33;
	v20 =	vadd.f32 v31, v20;
	v40 =	vld.idx.msk [tilespmem:v40+s14+$0x0], $0xffff  }
0x17d: {  	v31 =	vsub.f32 v34, v36;
	v35 =	vld.idx.msk [tilespmem:v41+s14+$0x0], $0xffff;
	v38 =	vsub.f32 v38, v39;
	v41 =	vor.u32 v57, v16  }
0x17e: {  	v32 =	vmul.f32 v32, v32;
	v30 =	vadd.f32 v44, v30  }
0x17f: {  	v28 =	vadd.f32 v33, v28;
	v31 =	vmul.f32 v31, v31;
	v33 =	vld.idx.msk [tilespmem:v42+s14+$0x0], $0xffff;
	v44 =	vmul.f32 v38, v38  }
0x180: {  	v37 =	vld.idx.msk [tilespmem:v37+s14+$0x0], $0xffff;
	v42 =	vor.u32 v57, v12;
	v38 =	vmul.f32 v39, v39;
	v39 =	vor.u32 v57, v14  }
0x181: {  	v30 =	vadd.f32 v31, v30;
	v31 =	vmul.f32 v36, v36;
	v18 =	vadd.f32 v44, v18;
	v44 =	vld [tilespmem:$0x1FFC0]  }
0x182: {  	v22 =	vadd.f32 v32, v22;
	v43 =	vsub.f32 v34, v40;
	v36 =	vld.idx.msk [tilespmem:v41+s14+$0x0], $0xffff  }
0x183: {  	v3 =	vadd.f32 v31, v3;
	v32 =	vsub.f32 v34, v35;
	v35 =	vmul.f32 v35, v35  }
0x184: {  	v24 =	vadd.f32 v38, v24;
	v38 =	vmul.f32 v40, v40;
	v31 =	vsub.f32 v34, v33  }
0x185: {  	v40 =	vor.u32 v9, v16;
	v32 =	vmul.f32 v32, v32;
	v20 =	vadd.f32 v35, v20;
	v35 =	vld.idx.msk [tilespmem:v39+s14+$0x0], $0xffff  }
0x186: {  	v39 =	vld.idx.msk [tilespmem:v42+s14+$0x0], $0xffff;
	v31 =	vmul.f32 v31, v31;
	v34 =	vadd.s32 v44, v11  }
0x187: {  	v26 =	vadd.f32 v32, v26;
	v32 =	vmul.f32 v43, v43;
	v41 =	vsub.f32 v37, v36  }
0x188: {  	v33 =	vmul.f32 v33, v33;
	v22 =	vadd.f32 v38, v22;
	v42 =	vor.u32 v9, v14  }
0x189: {  	v44 =	vld [tilespmem:$0x1FFD0];
	v18 =	vadd.f32 v31, v18;
	v28 =	vadd.f32 v32, v28;
	v31 =	vmul.f32 v41, v41  }
0x18a: {  	v38 =	vld.idx.msk [tilespmem:v40+s14+$0x0], $0xffff;
	v41 =	vmul.f32 v36, v36;
	v43 =	vsub.f32 v37, v35;
	v36 =	vor.u32 v9, v12  }
0x18b: {  	v32 =	vld.idx.msk [tilespmem:v34+s14+$0x0], $0xffff;
	v30 =	vadd.f32 v31, v30;
	v31 =	vsub.f32 v37, v39  }
0x18c: {  	v24 =	vadd.f32 v33, v24;
	v35 =	vmul.f32 v35, v35  }
0x18d: {  	v3 =	vadd.f32 v41, v3;
	v33 =	vmul.f32 v43, v43;
	v31 =	vmul.f32 v31, v31  }
0x18e: {  	v34 =	vld.idx.msk [tilespmem:v42+s14+$0x0], $0xffff;
	v40 =	vadd.s32 v44, v11;
	v41 =	vor.u32 v49, v11;
	v20 =	vadd.f32 v35, v20  }
0x18f: {  	v35 =	vmul.f32 v39, v39;
	v44 =	vmul.f32 v38, v38;
	v28 =	vadd.f32 v31, v28;
	v31 =	vld.idx.msk [tilespmem:v36+s14+$0x0], $0xffff  }
0x190: {  	v36 =	vsub.f32 v2, v38;
	v42 =	vsub.f32 v37, v32;
	v37 =	vor.u32 v49, v16  }
0x191: {  	v26 =	vadd.f32 v33, v26  }
0x192: {  	v22 =	vadd.f32 v35, v22;
	v3 =	vadd.f32 v44, v3;
	v43 =	vmul.f32 v36, v36  }
0x193: {  	v38 =	vor.u32 v49, v12;
	v40 =	vld.idx.msk [tilespmem:v40+s14+$0x0], $0xffff;
	v44 =	vmul.f32 v34, v34;
	v33 =	vmul.f32 v42, v42  }
0x194: {  	v35 =	vld.idx.msk [tilespmem:v41+s14+$0x0], $0xffff;
	v42 =	vor.u32 v49, v14;
	v30 =	vadd.f32 v43, v30;
	v43 =	vsub.f32 v2, v31  }
0x195: {  	v32 =	vmul.f32 v32, v32;
	v20 =	vadd.f32 v44, v20;
	v44 =	vor.u32 v50, v16;
	v37 =	vld.idx.msk [tilespmem:v37+s14+$0x0], $0xffff  }
0x196: {  	v18 =	vadd.f32 v33, v18;
	v31 =	vmul.f32 v31, v31;
	v33 =	vmul.f32 v43, v43;
	v43 =	vld [tilespmem:$0x1FE40]  }
0x197: {  	v39 =	vsub.f32 v2, v34  }
0x198: {  	v24 =	vadd.f32 v32, v24;
	v22 =	vadd.f32 v31, v22;
	v31 =	vld.idx.msk [tilespmem:v38+s14+$0x0], $0xffff  }
0x199: {  	v41 =	vmul.f32 v39, v39;
	v39 =	vor.u32 v50, v11;
	v2 =	vsub.f32 v2, v40;
	v34 =	vld.idx.msk [tilespmem:v42+s14+$0x0], $0xffff  }
0x19a: {  	v28 =	vadd.f32 v33, v28;
	v32 =	vsub.f32 v35, v37;
	v33 =	vmul.f32 v37, v37;
	v37 =	vld.idx.msk [tilespmem:v44+s14+$0x0], $0xffff  }
0x19b: {  	v44 =	vld [tilespmem:$0x1FE50];
	v36 =	vadd.s32 v43, v11  }
0x19c: {  	v2 =	vmul.f32 v2, v2  }
0x19d: {  	v26 =	vadd.f32 v41, v26;
	v32 =	vmul.f32 v32, v32  }
0x19e: {  	v38 =	vor.u32 v50, v14;
	v2 =	vadd.f32 v2, v18;
	v43 =	vmul.f32 v40, v40  }
0x19f: {  	v18 =	vsub.f32 v35, v34;
	v30 =	vadd.f32 v32, v30;
	v32 =	vld.idx.msk [tilespmem:v39+s14+$0x0], $0xffff;
	v39 =	vor.u32 v50, v12  }
0x1a0: {  	v40 =	vsub.f32 v35, v31;
	v41 =	vadd.s32 v44, v11;
	v44 =	vor.u32 v60, v11;
	v36 =	vld.idx.msk [tilespmem:v36+s14+$0x0], $0xffff  }
0x1a1: {  	v18 =	vmul.f32 v18, v18  }
0x1a2: {  	v24 =	vadd.f32 v43, v24;
	v43 =	vmul.f32 v40, v40  }
0x1a3: {  	v34 =	vmul.f32 v34, v34;
	v3 =	vadd.f32 v33, v3;
	v18 =	vadd.f32 v18, v26;
	v26 =	vld.idx.msk [tilespmem:v38+s14+$0x0], $0xffff  }
0x1a4: {  	v31 =	vmul.f32 v31, v31;
	v28 =	vadd.f32 v43, v28;
	v43 =	vsub.f32 v32, v37;
	v39 =	vld.idx.msk [tilespmem:v39+s14+$0x0], $0xffff  }
0x1a5: {  	v20 =	vadd.f32 v34, v20;
	v34 =	vld.idx.msk [tilespmem:v44+s14+$0x0], $0xffff;
	v35 =	vsub.f32 v35, v36  }
0x1a6: {  	v22 =	vadd.f32 v31, v22;
	v38 =	vor.u32 v60, v16;
	v33 =	vmul.f32 v43, v43;
	v43 =	vld [tilespmem:$0x1FE60]  }
0x1a7: {  	v44 =	vor.u32 v60, v12;
	v31 =	vmul.f32 v35, v35;
	v35 =	vmul.f32 v36, v36;
	v36 =	vld.idx.msk [tilespmem:v41+s14+$0x0], $0xffff  }
0x1a8: {  	v40 =	vsub.f32 v32, v26;
	v26 =	vmul.f32 v26, v26  }
0x1a9: {  	v41 =	vor.u32 v60, v14;
	v2 =	vadd.f32 v31, v2;
	v31 =	vmul.f32 v37, v37  }
0x1aa: {  	v30 =	vadd.f32 v33, v30;
	v42 =	vmul.f32 v40, v40;
	v40 =	vor.u32 v51, v16  }
0x1ab: {  	v24 =	vadd.f32 v35, v24;
	v35 =	vld.idx.msk [tilespmem:v38+s14+$0x0], $0xffff;
	v33 =	vadd.s32 v43, v11;
	v3 =	vadd.f32 v31, v3  }
0x1ac: {  	v38 =	vor.u32 v51, v11;
	v37 =	vld.idx.msk [tilespmem:v44+s14+$0x0], $0xffff;
	v31 =	vsub.f32 v32, v39;
	v32 =	vsub.f32 v32, v36  }
0x1ad: {  	v44 =	vld [tilespmem:$0x1FE70];
	v39 =	vmul.f32 v39, v39  }
0x1ae: {  	v20 =	vadd.f32 v26, v20;
	v26 =	vmul.f32 v31, v31;
	v31 =	vld.idx.msk [tilespmem:v41+s14+$0x0], $0xffff;
	v32 =	vmul.f32 v32, v32  }
0x1af: {  	v36 =	vmul.f32 v36, v36;
	v22 =	vadd.f32 v39, v22;
	v39 =	vld.idx.msk [tilespmem:v40+s14+$0x0], $0xffff  }
0x1b0: {  	v41 =	vsub.f32 v34, v35;
	v2 =	vadd.f32 v32, v2;
	v32 =	vld.idx.msk [tilespmem:v33+s14+$0x0], $0xffff  }
0x1b1: {  	v18 =	vadd.f32 v42, v18;
	v42 =	vor.u32 v51, v14;
	v24 =	vadd.f32 v36, v24;
	v36 =	vld.idx.msk [tilespmem:v38+s14+$0x0], $0xffff  }
0x1b2: {  	v40 =	vadd.s32 v44, v11;
	v26 =	vadd.f32 v26, v28;
	v28 =	vmul.f32 v41, v41  }
0x1b3: {  	v38 =	vor.u32 v51, v12;
	v33 =	vmul.f32 v35, v35;
	v35 =	vsub.f32 v34, v31  }
0x1b4: {  	v41 =	vor.u32 v53, v11;
	v28 =	vadd.f32 v28, v30;
	v30 =	vsub.f32 v34, v37  }
0x1b5: {  	v3 =	vadd.f32 v33, v3;
	v31 =	vmul.f32 v31, v31;
	v34 =	vsub.f32 v34, v32  }
0x1b6: {  	v44 =	vsub.f32 v36, v39;
	v33 =	vmul.f32 v35, v35;
	v35 =	vld.idx.msk [tilespmem:v42+s14+$0x0], $0xffff;
	v30 =	vmul.f32 v30, v30  }
0x1b7: {  	v42 =	vor.u32 v53, v16;
	v20 =	vadd.f32 v31, v20;
	v31 =	vmul.f32 v34, v34;
	v34 =	vld.idx.msk [tilespmem:v40+s14+$0x0], $0xffff  }
0x1b8: {  	v26 =	vadd.f32 v30, v26;
	v30 =	vld.idx.msk [tilespmem:v38+s14+$0x0], $0xffff;
	v40 =	vor.u32 v53, v14  }
0x1b9: {  	v2 =	vadd.f32 v31, v2;
	v31 =	vmul.f32 v44, v44  }
0x1ba: {  	v43 =	vmul.f32 v37, v37;
	v18 =	vadd.f32 v33, v18;
	v44 =	vmul.f32 v39, v39  }
0x1bb: {  	v38 =	vld.idx.msk [tilespmem:v41+s14+$0x0], $0xffff;
	v41 =	vor.u32 v53, v12;
	v37 =	vsub.f32 v36, v35;
	v28 =	vadd.f32 v31, v28  }
0x1bc: {  	v33 =	vld.idx.msk [tilespmem:v42+s14+$0x0], $0xffff;
	v3 =	vadd.f32 v44, v3;
	v44 =	vsub.f32 v36, v34  }
0x1bd: {  	v31 =	vmul.f32 v35, v35;
	v42 =	vsub.f32 v36, v30;
	v36 =	vld.idx.msk [tilespmem:v40+s14+$0x0], $0xffff;
	v40 =	vor.u32 v55, v11  }
0x1be: {  	v35 =	vmul.f32 v44, v44;
	v44 =	vor.u32 v55, v16  }
0x1bf: {  	v22 =	vadd.f32 v43, v22;
	v43 =	vld [tilespmem:$0x1FE80];
	v20 =	vadd.f32 v31, v20;
	v31 =	vmul.f32 v42, v42  }
0x1c0: {  	v39 =	vld.idx.msk [tilespmem:v41+s14+$0x0], $0xffff  }
0x1c1: {  	v42 =	vld [tilespmem:$0x1FF60];
	v26 =	vadd.f32 v31, v26  }
0x1c2: {  	v31 =	vadd.f32 v35, v2;
	v2 =	vsub.f32 v38, v36;
	v35 =	vld.idx.msk [tilespmem:v40+s14+$0x0], $0xffff  }
0x1c3: {  	v32 =	vmul.f32 v32, v32;
	v41 =	vld.idx.msk [tilespmem:v44+s14+$0x0], $0xffff  }
0x1c4: {  	v37 =	vmul.f32 v37, v37;
	v40 =	vmul.f32 v2, v2;
	v2 =	vld [tilespmem:$0x1FF50]  }
0x1c5: {  	v24 =	vadd.f32 v32, v24;
	v30 =	vmul.f32 v30, v30;
	v44 =	vld [tilespmem:$0x1FF70]  }
0x1c6: {  	v32 =	vadd.s32 v43, v11;
	v34 =	vmul.f32 v34, v34;
	v18 =	vadd.f32 v37, v18  }
0x1c7: {  	v22 =	vadd.f32 v30, v22;
	v37 =	vsub.f32 v38, v33  }
0x1c8: {  	v24 =	vadd.f32 v34, v24;
	v33 =	vmul.f32 v33, v33;
	v34 =	vsub.f32 v38, v39  }
0x1c9: {  	v30 =	vmul.f32 v37, v37;
	v37 =	vor.u32 v55, v12;
	v2 =	vsel vm0, v42, v2  }
0x1ca: {  	v43 =	vld [tilespmem:$0x1FE90];
	v33 =	vadd.f32 v33, v3;
	v3 =	vmul.f32 v34, v34;
	v2 =	vcombine.low v2, v44  }
0x1cb: {  	v32 =	vld.idx.msk [tilespmem:v32+s14+$0x0], $0xffff;
	v28 =	vadd.f32 v30, v28;
	v30 =	vor.u32 v55, v14  }
0x1cc: {  	v26 =	vadd.f32 v3, v26;
	v3 =	vor.u32 v2, v11;
	_ =	sdelay $0x2  }
0x1cd: {  	v36 =	vmul.f32 v36, v36;
	v18 =	vadd.f32 v40, v18;
	v37 =	vld.idx.msk [tilespmem:v37+s14+$0x0], $0xffff;
	v40 =	vsub.f32 v35, v41  }
0x1ce: {  	v30 =	vld.idx.msk [tilespmem:v30+s14+$0x0], $0xffff;
	v42 =	vsub.f32 v38, v32;
	v38 =	vadd.s32 v43, v11  }
0x1cf: {  	v20 =	vadd.f32 v36, v20;
	v44 =	vmul.f32 v40, v40;
	v40 =	vld.idx.msk [tilespmem:v3+s14+$0x0], $0xffff  }
0x1d0: {  	v36 =	vmul.f32 v39, v39;
	v34 =	vmul.f32 v42, v42;
	v42 =	vor.u32 v2, v14;
	v3 =	vld [tilespmem:$0x1FF40]  }
0x1d1: {  	v43 =	vld [tilespmem:$0x1FF90]  }
0x1d2: {  	v22 =	vadd.f32 v36, v22;
	v32 =	vmul.f32 v32, v32  }
0x1d3: {  	v31 =	vadd.f32 v34, v31;
	v34 =	vmul.f32 v41, v41;
	v36 =	vld.idx.msk [tilespmem:v38+s14+$0x0], $0xffff;
	v38 =	vsub.f32 v35, v30  }
0x1d4: {  	v24 =	vadd.f32 v32, v24;
	v39 =	vor.u32 v2, v16  }
0x1d5: {  	v33 =	vadd.f32 v34, v33;
	v34 =	vmul.f32 v38, v38;
	v38 =	vld.idx.msk [tilespmem:v42+s14+$0x0], $0xffff;
	v3 =	vsel vm0, v63, v3  }
0x1d6: {  	v32 =	vsub.f32 v35, v37;
	v41 =	vor.u32 v2, v12;
	v42 =	vld [tilespmem:$0x1FEA0];
	v3 =	vcombine.low v3, v43;
	_ =	sdelay $0x1  }
0x1d7: {  	v32 =	vmul.f32 v32, v32;
	v43 =	vor.u32 v3, v11;
	_ =	sdelay $0x1  }
0x1d8: {  	v28 =	vadd.f32 v44, v28;
	v30 =	vmul.f32 v30, v30;
	v26 =	vadd.f32 v32, v26;
	v39 =	vld.idx.msk [tilespmem:v39+s14+$0x0], $0xffff  }
0x1d9: {  	v32 =	vld.idx.msk [tilespmem:v41+s14+$0x0], $0xffff;
	v44 =	vsub.f32 v35, v36;
	v36 =	vmul.f32 v36, v36;
	v42 =	vadd.s32 v42, v11  }
0x1da: {  	v20 =	vadd.f32 v30, v20;
	v30 =	vmul.f32 v37, v37;
	v35 =	vor.u32 v3, v16  }
0x1db: {  	v18 =	vadd.f32 v34, v18;
	v34 =	vmul.f32 v44, v44;
	v24 =	vadd.f32 v36, v24;
	v36 =	vld.idx.msk [tilespmem:v43+s14+$0x0], $0xffff  }
0x1dc: {  	v22 =	vadd.f32 v30, v22;
	v30 =	vsub.f32 v40, v38;
	v43 =	vld [tilespmem:$0x1FEB0]  }
0x1dd: {  	v37 =	vsub.f32 v40, v39;
	v31 =	vadd.f32 v34, v31  }
0x1de: {  	v34 =	vsub.f32 v40, v32;
	v30 =	vmul.f32 v30, v30;
	v41 =	vld.idx.msk [tilespmem:v42+s14+$0x0], $0xffff;
	v42 =	vor.u32 v3, v14  }
0x1df: {  	v44 =	vmul.f32 v37, v37;
	v37 =	vmul.f32 v39, v39;
	v39 =	vor.u32 v3, v12;
	v35 =	vld.idx.msk [tilespmem:v35+s14+$0x0], $0xffff  }
0x1e0: {  	v18 =	vadd.f32 v30, v18;
	v30 =	vmul.f32 v38, v38;
	v38 =	vor.u32 v56, v11  }
0x1e1: {  	v43 =	vadd.s32 v43, v11  }
0x1e2: {  	v34 =	vmul.f32 v34, v34  }
0x1e3: {  	v33 =	vadd.f32 v37, v33;
	v37 =	vld.idx.msk [tilespmem:v42+s14+$0x0], $0xffff;
	v40 =	vsub.f32 v40, v41;
	v42 =	vor.u32 v56, v16  }
0x1e4: {  	v32 =	vmul.f32 v32, v32;
	v20 =	vadd.f32 v30, v20;
	v39 =	vld.idx.msk [tilespmem:v39+s14+$0x0], $0xffff;
	v30 =	vsub.f32 v36, v35  }
0x1e5: {  	v28 =	vadd.f32 v44, v28;
	v26 =	vadd.f32 v34, v26;
	v38 =	vld.idx.msk [tilespmem:v38+s14+$0x0], $0xffff;
	v44 =	vmul.f32 v40, v40  }
0x1e6: {  	v40 =	vmul.f32 v41, v41;
	v41 =	vor.u32 v56, v14;
	v30 =	vmul.f32 v30, v30;
	v34 =	vld.idx.msk [tilespmem:v43+s14+$0x0], $0xffff  }
0x1e7: {  	v31 =	vadd.f32 v44, v31;
	v44 =	vld [tilespmem:$0x1FEC0]  }
0x1e8: {  	v22 =	vadd.f32 v32, v22;
	v28 =	vadd.f32 v30, v28;
	v30 =	vmul.f32 v35, v35;
	v35 =	vld.idx.msk [tilespmem:v42+s14+$0x0], $0xffff  }
0x1e9: {  	v32 =	vsub.f32 v36, v37;
	v37 =	vmul.f32 v37, v37;
	v43 =	vor.u32 v56, v12  }
0x1ea: {  	v24 =	vadd.f32 v40, v24  }
0x1eb: {  	v20 =	vadd.f32 v37, v20;
	v37 =	vld.idx.msk [tilespmem:v41+s14+$0x0], $0xffff;
	v41 =	vor.u32 v58, v11;
	v42 =	vsub.f32 v36, v34  }
0x1ec: {  	v40 =	vsub.f32 v36, v39;
	v32 =	vmul.f32 v32, v32;
	v30 =	vadd.f32 v30, v33  }
0x1ed: {  	v36 =	vadd.s32 v44, v11;
	v33 =	vmul.f32 v42, v42;
	v42 =	vsub.f32 v38, v35  }
0x1ee: {  	v18 =	vadd.f32 v32, v18;
	v32 =	vmul.f32 v40, v40;
	v40 =	vld.idx.msk [tilespmem:v43+s14+$0x0], $0xffff;
	v43 =	vor.u32 v58, v16  }
0x1ef: {  	v42 =	vmul.f32 v42, v42  }
0x1f0: {  	v41 =	vld.idx.msk [tilespmem:v41+s14+$0x0], $0xffff;
	v34 =	vmul.f32 v34, v34  }
0x1f1: {  	v39 =	vmul.f32 v39, v39;
	v28 =	vadd.f32 v42, v28;
	v42 =	vld [tilespmem:$0x1FED0]  }
0x1f2: {  	v24 =	vadd.f32 v34, v24;
	v34 =	vld.idx.msk [tilespmem:v36+s14+$0x0], $0xffff  }
0x1f3: {  	v22 =	vadd.f32 v39, v22;
	v26 =	vadd.f32 v32, v26;
	v32 =	vor.u32 v58, v14;
	v36 =	vld.idx.msk [tilespmem:v43+s14+$0x0], $0xffff  }
0x1f4: {  	v39 =	vor.u32 v58, v12;
	v44 =	vsub.f32 v38, v37;
	v37 =	vmul.f32 v37, v37  }
0x1f5: {  	v35 =	vmul.f32 v35, v35  }
0x1f6: {  	v20 =	vadd.f32 v37, v20;
	v31 =	vadd.f32 v33, v31;
	v42 =	vadd.s32 v42, v11  }
0x1f7: {  	v30 =	vadd.f32 v35, v30;
	v35 =	vmul.f32 v44, v44;
	v33 =	vsub.f32 v38, v40  }
0x1f8: {  	v32 =	vld.idx.msk [tilespmem:v32+s14+$0x0], $0xffff;
	v43 =	vor.u32 v61, v11;
	v37 =	vsub.f32 v41, v36;
	v36 =	vmul.f32 v36, v36  }
0x1f9: {  	v18 =	vadd.f32 v35, v18;
	v35 =	vld.idx.msk [tilespmem:v39+s14+$0x0], $0xffff;
	v33 =	vmul.f32 v33, v33;
	v38 =	vsub.f32 v38, v34  }
0x1fa: {  	v44 =	vor.u32 v61, v16;
	v34 =	vmul.f32 v34, v34;
	v30 =	vadd.f32 v36, v30;
	v36 =	vld [tilespmem:$0x1FEE0]  }
0x1fb: {  	v39 =	vor.u32 v61, v14;
	v26 =	vadd.f32 v33, v26;
	v33 =	vmul.f32 v38, v38;
	v38 =	vld.idx.msk [tilespmem:v42+s14+$0x0], $0xffff  }
0x1fc: {  	v40 =	vmul.f32 v40, v40;
	v24 =	vadd.f32 v34, v24  }
0x1fd: {  	v34 =	vmul.f32 v37, v37;
	v31 =	vadd.f32 v33, v31;
	v33 =	vsub.f32 v41, v32  }
0x1fe: {  	v22 =	vadd.f32 v40, v22;
	v40 =	vld.idx.msk [tilespmem:v43+s14+$0x0], $0xffff;
	v43 =	vor.u32 v61, v12  }
0x1ff: {  	v37 =	vld.idx.msk [tilespmem:v44+s14+$0x0], $0xffff;
	v28 =	vadd.f32 v34, v28;
	v33 =	vmul.f32 v33, v33;
	v42 =	vsub.f32 v41, v35  }
0x200: {  	v34 =	vadd.s32 v36, v11;
	v36 =	vld.idx.msk [tilespmem:v39+s14+$0x0], $0xffff;
	v39 =	vsub.f32 v41, v38;
	v41 =	vor.u32 v5, v11  }
0x201: {  	v18 =	vadd.f32 v33, v18;
	v33 =	vmul.f32 v42, v42  }
0x202: {  	v32 =	vmul.f32 v32, v32;
	v35 =	vmul.f32 v35, v35  }
0x203: {  	v26 =	vadd.f32 v33, v26;
	v33 =	vmul.f32 v39, v39  }
0x204: {  	v20 =	vadd.f32 v32, v20;
	v42 =	vor.u32 v5, v16;
	v22 =	vadd.f32 v35, v22;
	v35 =	vld.idx.msk [tilespmem:v43+s14+$0x0], $0xffff  }
0x205: {  	v32 =	vsub.f32 v40, v37;
	v31 =	vadd.f32 v33, v31;
	v33 =	vld.idx.msk [tilespmem:v41+s14+$0x0], $0xffff  }
0x206: {  	v37 =	vmul.f32 v37, v37;
	v41 =	vld [tilespmem:$0x1FEF0]  }
0x207: {  	v44 =	vor.u32 v5, v12;
	v32 =	vmul.f32 v32, v32;
	v38 =	vmul.f32 v38, v38;
	v34 =	vld.idx.msk [tilespmem:v34+s14+$0x0], $0xffff  }
0x208: {  	v30 =	vadd.f32 v37, v30;
	v43 =	vsub.f32 v40, v36;
	v39 =	vor.u32 v5, v14  }
0x209: {  	v36 =	vmul.f32 v36, v36;
	v24 =	vadd.f32 v38, v24;
	v37 =	vld.idx.msk [tilespmem:v42+s14+$0x0], $0xffff;
	v38 =	vsub.f32 v40, v35  }
0x20a: {  	v28 =	vadd.f32 v32, v28;
	v32 =	vmul.f32 v43, v43  }
0x20b: {  	v20 =	vadd.f32 v36, v20;
	v36 =	vmul.f32 v38, v38;
	v41 =	vadd.s32 v41, v11  }
0x20c: {  	v38 =	vld.idx.msk [tilespmem:v44+s14+$0x0], $0xffff;
	v18 =	vadd.f32 v32, v18;
	v32 =	vsub.f32 v40, v34;
	v40 =	vor.u32 v6, v11  }
0x20d: {  	v35 =	vmul.f32 v35, v35;
	v42 =	vor.u32 v6, v16;
	v39 =	vld.idx.msk [tilespmem:v39+s14+$0x0], $0xffff  }
0x20e: {  	v32 =	vmul.f32 v32, v32;
	v44 =	vsub.f32 v33, v37  }
0x20f: {  	v22 =	vadd.f32 v35, v22  }
0x210: {  	v31 =	vadd.f32 v32, v31;
	v32 =	vmul.f32 v34, v34;
	v35 =	vmul.f32 v44, v44;
	v34 =	vld.idx.msk [tilespmem:v41+s14+$0x0], $0xffff  }
0x211: {  	v26 =	vadd.f32 v36, v26;
	v37 =	vmul.f32 v37, v37;
	v43 =	vsub.f32 v33, v38;
	v40 =	vld.idx.msk [tilespmem:v40+s14+$0x0], $0xffff  }
0x212: {  	v36 =	vsub.f32 v33, v39;
	v44 =	vor.u32 v6, v12;
	v28 =	vadd.f32 v35, v28;
	v35 =	vld.idx.msk [tilespmem:v42+s14+$0x0], $0xffff  }
0x213: {  	v30 =	vadd.f32 v37, v30;
	v37 =	vmul.f32 v43, v43;
	v43 =	vld [tilespmem:$0x1FF00];
	v41 =	vor.u32 v6, v14;
	_ =	sdelay $0x1  }
0x214: {  	v24 =	vadd.f32 v32, v24;
	v32 =	vmul.f32 v36, v36;
	v42 =	vsub.f32 v33, v34  }
0x215: {  	v36 =	vmul.f32 v39, v39;
	v26 =	vadd.f32 v37, v26;
	v37 =	vor.u32 v7, v16  }
0x216: {  	v18 =	vadd.f32 v32, v18;
	v39 =	vld.idx.msk [tilespmem:v44+s14+$0x0], $0xffff;
	v32 =	vmul.f32 v42, v42;
	v42 =	vsub.f32 v40, v35  }
0x217: {  	v16 =	vor.u32 v8, v16;
	v20 =	vadd.f32 v36, v20;
	v33 =	vadd.s32 v43, v11;
	v36 =	vld.idx.msk [tilespmem:v41+s14+$0x0], $0xffff  }
0x218: {  	v34 =	vmul.f32 v34, v34;
	v31 =	vadd.f32 v32, v31;
	v32 =	vmul.f32 v42, v42;
	v42 =	vld [tilespmem:$0x1FF10]  }
0x219: {  	v38 =	vmul.f32 v38, v38;
	v41 =	vor.u32 v7, v14;
	v43 =	vld [tilespmem:$0x1FF20]  }
0x21a: {  	v24 =	vadd.f32 v34, v24;
	v34 =	vor.u32 v7, v12  }
0x21b: {  	v22 =	vadd.f32 v38, v22;
	v37 =	vld.idx.msk [tilespmem:v37+s14+$0x0], $0xffff;
	v14 =	vor.u32 v8, v14  }
0x21c: {  	v35 =	vmul.f32 v35, v35;
	v12 =	vor.u32 v8, v12;
	v33 =	vld.idx.msk [tilespmem:v33+s14+$0x0], $0xffff;
	v38 =	vsub.f32 v40, v36  }
0x21d: {  	v16 =	vld.idx.msk [tilespmem:v16+s14+$0x0], $0xffff;
	v44 =	vsub.f32 v40, v39;
	v42 =	vadd.s32 v42, v11  }
0x21e: {  	v30 =	vadd.f32 v35, v30;
	v41 =	vld.idx.msk [tilespmem:v41+s14+$0x0], $0xffff;
	v35 =	vmul.f32 v38, v38;
	v38 =	vadd.s32 v43, v11  }
0x21f: {  	v36 =	vmul.f32 v36, v36;
	v43 =	vor.u32 v7, v11;
	v34 =	vld.idx.msk [tilespmem:v34+s14+$0x0], $0xffff  }
0x220: {  	v14 =	vld.idx.msk [tilespmem:v14+s14+$0x0], $0xffff;
	v28 =	vadd.f32 v32, v28;
	v32 =	vmul.f32 v44, v44;
	v44 =	vmul.f32 v37, v37  }
0x221: {  	v12 =	vld.idx.msk [tilespmem:v12+s14+$0x0], $0xffff;
	v18 =	vadd.f32 v35, v18;
	v35 =	vmul.f32 v39, v39;
	v39 =	vsub.f32 v40, v33  }
0x222: {  	v20 =	vadd.f32 v36, v20;
	v30 =	vadd.f32 v44, v30;
	v36 =	vld.idx.msk [tilespmem:v42+s14+$0x0], $0xffff  }
0x223: {  	v22 =	vadd.f32 v35, v22;
	v35 =	vmul.f32 v39, v39;
	v39 =	vmul.f32 v41, v41;
	v38 =	vld.idx.msk [tilespmem:v38+s14+$0x0], $0xffff  }
0x224: {  	v44 =	vmul.f32 v16, v16;
	v11 =	vor.u32 v8, v11;
	v40 =	vld.idx.msk [tilespmem:v43+s14+$0x0], $0xffff;
	v43 =	vmul.f32 v34, v34  }
0x225: {  	v33 =	vmul.f32 v33, v33;
	v20 =	vadd.f32 v39, v20;
	v42 =	vmul.f32 v14, v14  }
0x226: {  	v30 =	vadd.f32 v44, v30;
	v22 =	vadd.f32 v43, v22;
	v39 =	vmul.f32 v12, v12  }
0x227: {  	s29 =	spop (v2sf);
	v24 =	vadd.f32 v33, v24;
	v20 =	vadd.f32 v42, v20;
	v44 =	vmul.f32 v36, v36  }
0x228: {  	s29 =	ssub.f32 $1.000000000e+00, s29;
	v30 =	vsub.f32 $1.000000000e+00, v30;
	v22 =	vadd.f32 v39, v22  }
0x229: {  	v11 =	vld.idx.msk [tilespmem:v11+s14+$0x0], $0xffff;
	v42 =	vmul.f32 v38, v38;
	v20 =	vsub.f32 $1.000000000e+00, v20;
	v24 =	vadd.f32 v44, v24  }
0x22a: {  	v26 =	vadd.f32 v32, v26;
	v30 =	vmul.f32 s29, v30;
	v22 =	vsub.f32 $1.000000000e+00, v22  }
0x22b: {  	v20 =	vmul.f32 s29, v20;
	v44 =	vsub.f32 v40, v41;
	v24 =	vadd.f32 v42, v24  }
0x22c: {  	v31 =	vadd.f32 v35, v31;
	(erf) = vrcp.f32 v30;
	v22 =	vmul.f32 s29, v22  }
0x22d: {  	(erf) = vrcp.f32 v20;
	v20 =	vmul.f32 v44, v44;
	v24 =	vsub.f32 $1.000000000e+00, v24  }
0x22e: {  	v43 =	vsub.f32 v40, v37;
	v14 =	vsub.f32 v11, v14;
	(erf) = vrcp.f32 v22  }
0x22f: {  	v22 =	vsub.f32 v40, v34;
	v18 =	vadd.f32 v20, v18;
	v20 =	vmul.f32 s29, v24  }
0x230: {  	v30 =	vmul.f32 v43, v43;
	v16 =	vsub.f32 v11, v16;
	v14 =	vmul.f32 v14, v14  }
0x231: {  	v12 =	vsub.f32 v11, v12;
	(erf) = vrcp.f32 v20;
	v20 =	vmul.f32 v22, v22  }
0x232: {  	v28 =	vadd.f32 v30, v28;
	v16 =	vmul.f32 v16, v16;
	v24 =	vsub.f32 v40, v36  }
0x233: {  	v12 =	vmul.f32 v12, v12;
	v14 =	vadd.f32 v14, v18;
	v18 =	vadd.f32 v20, v26  }
0x234: {  	v11 =	vsub.f32 v11, v38;
	v16 =	vadd.f32 v16, v28;
	v22 =	vmul.f32 v24, v24  }
0x235: {  	v12 =	vadd.f32 v12, v18  }
0x236: {  	v11 =	vmul.f32 v11, v11;
	v16 =	vadd.f32 v16, v16;
	v22 =	vadd.f32 v22, v31  }
0x237: {  	v14 =	vadd.f32 v14, v14;
	v20 =	vpop (erf);
	v12 =	vadd.f32 v12, v12  }
0x238: {  	v11 =	vadd.f32 v11, v22;
	v24 =	vpop (erf)  }
0x239: {  	v16 =	vmul.f32 v20, v16;
	v20 =	vadd.s32 s28, v0;
	v14 =	vmul.f32 v24, v14  }
0x23a: {  	v18 =	vpop (erf);
	v22 =	vadd.f32 v11, v11;
	v24 =	vadd.s32 s28, v9;
	v11 =	vor.u32 $0x20, v0  }
0x23b: {  	v16 =	vadd.f32 $1.000000000e+00, v16;
	v26 =	vadd.s32 s28, v11;
	v18 =	vmul.f32 v18, v12;
	v12 =	vpop (erf)  }
0x23c: {  	v14 =	vadd.f32 $1.000000000e+00, v14;
	v22 =	vmul.f32 v12, v22;
	v12 =	vor.u32 $0x30, v0  }
0x23d: {  	p2 =	sne.s32 s11, $0x2EE;
	v16 =	vadd.f32 $1.000000010e-07, v16;
	v18 =	vadd.f32 $1.000000000e+00, v18;
	v28 =	vadd.s32 s28, v12  }
.Ltmp2:
0x23e: {  	v14 =	vadd.f32 $1.000000010e-07, v14;
	v22 =	vadd.f32 $1.000000000e+00, v22;
	(pc) =	sbr.rel @p2 .LBB2_6-.Ltmp2, $4  }
0x23f: {  	[tilespmem:v20+s19+$0x0] =	vst.idx.msk $0xffff, v16;
	v16 =	vadd.f32 $1.000000010e-07, v18  }
0x240: {  	[tilespmem:v24+s19+$0x0] =	vst.idx.msk $0xffff, v14;
	v14 =	vadd.f32 $1.000000010e-07, v22  }
0x241: {  	[tilespmem:v26+s19+$0x0] =	vst.idx.msk $0xffff, v16  }
0x242: {  	s11 =	sadd.s32 $0x32, s11;
	s28 =	sadd.s32 $0x31, s28;
	[tilespmem:v28+s19+$0x0] =	vst.idx.msk $0x1, v14  }
0x243: {  	s11 =	sadd.s32 s7, s26  }
0x244: {  	s11 =	smul.u32 $0x31, s11;
	_ =	sdelay $0x1  }
0x245: {  	s11 =	sshrl.u32 s11, $0x3  }
0x246: {  	s11 =	sadd.s32 s5, s11  }
0x247: {  	[hbm4b:s11+s3] =	stream.linear.scatter [tilespmem:s19], [sflag:$0x5], $0x310, $0x38;
	[tilespmem:$0xD460] =	vst v63  }
0x248: {  	_ =	swait.ge [sflag:s20], $0xA00  }
0x249: {  	[sflag:s20] =	ssyncset.done $0x0  }
0x24a: {  	[sflag:s20] =	ssyncadd.s32 $0xFFFFF600  }
0x24b: {  	_ =	swait.ge [sflag:s20], $0xA00  }
0x24c: {  	[sflag:s20] =	ssyncset.done $0x0  }
0x24d: {  	[sflag:s20] =	ssyncadd.s32 $0xFFFFF600  }
0x24e: {  	_ =	swait.ge [sflag:s20], $0xA00  }
0x24f: {  	[sflag:s20] =	ssyncset.done $0x0  }
0x250: {  	[sflag:s20] =	ssyncadd.s32 $0xFFFFF600  }
0x251: {  	_ =	swait.ge [sflag:s20], $0xA00  }
0x252: {  	[sflag:s20] =	ssyncset.done $0x0  }
0x253: {  	[sflag:s20] =	ssyncadd.s32 $0xFFFFF600  }
0x254: {  	_ =	swait.ge [sflag:s20], $0xA00  }
0x255: {  	[sflag:s20] =	ssyncset.done $0x0  }
0x256: {  	[sflag:s20] =	ssyncadd.s32 $0xFFFFF600  }
0x257: {  	_ =	swait.ge [sflag:s20], $0xA00  }
0x258: {  	[sflag:s20] =	ssyncset.done $0x0  }
0x259: {  	[sflag:s20] =	ssyncadd.s32 $0xFFFFF600  }
0x25a: {  	_ =	swait.ge [sflag:s20], $0xA00  }
0x25b: {  	[sflag:s20] =	ssyncset.done $0x0  }
0x25c: {  	[sflag:s20] =	ssyncadd.s32 $0xFFFFF600  }
0x25d: {  	_ =	swait.ge [sflag:s20], $0xA00  }
0x25e: {  	[sflag:s20] =	ssyncset.done $0x0  }
0x25f: {  	[sflag:s20] =	ssyncadd.s32 $0xFFFFF600  }
0x260: {  	_ =	swait.ge [sflag:s20], $0xA00  }
0x261: {  	[sflag:s20] =	ssyncset.done $0x0  }
0x262: {  	[sflag:s20] =	ssyncadd.s32 $0xFFFFF600  }
0x263: {  	_ =	swait.ge [sflag:s20], $0xA00  }
0x264: {  	[sflag:s20] =	ssyncset.done $0x0  }
0x265: {  	s11 =	simm.s32 @!p0 $0x1;
	[sflag:s20] =	ssyncadd.s32 $0xFFFFF600  }
0x266: {  	_ =	swait.ge @!p0 [sflag:s11], $0x320  }
0x267: {  	s28 =	simm.s32 @!p0 $0x0;
	[sflag:s11] =	ssyncset.done @!p0 $0x0  }
0x268: {  	s29 =	simm.s32 @!p0 $0x640;
	[sflag:s11] =	ssyncadd.s32 @!p0 $0xFFFFFCE0;
	s11 =	simm.s32 @!p0 $0x50  }
0x269: {  	[tilespmem:s29], [sflag:$0x3] =	stream.indirect.gather @!p0 [hbm4b:s4+s11], $0x20, s28, s11, $0xb8;
	[tilespmem:$0xD460] =	vst v63  }
0x26a: {  	s29 =	simm.s32 @!p0 $0x1040  }
0x26b: {  	[tilespmem:s29], [sflag:$0x3] =	stream.indirect.gather @!p0 [hbm4b:s4+s11], $0x20, s11, s11, $0xb8;
	[tilespmem:$0xD460] =	vst v63  }
0x26c: {  	s30 =	simm.s32 @!p0 $0x1A40;
	s29 =	simm.s32 @!p0 $0xA0  }
0x26d: {  	[tilespmem:s30], [sflag:$0x3] =	stream.indirect.gather @!p0 [hbm4b:s4+s11], $0x20, s29, s11, $0xb8;
	[tilespmem:$0xD460] =	vst v63  }
0x26e: {  	s29 =	simm.s32 @!p0 $0xF0;
	s30 =	simm.s32 @!p0 $0x2440  }
0x26f: {  	[tilespmem:s30], [sflag:$0x3] =	stream.indirect.gather @!p0 [hbm4b:s4+s11], $0x20, s29, s11, $0xb8;
	[tilespmem:$0xD460] =	vst v63  }
0x270: {  	s29 =	simm.s32 @!p0 $0x140;
	s30 =	simm.s32 @!p0 $0x2E40  }
0x271: {  	[tilespmem:s30], [sflag:$0x3] =	stream.indirect.gather @!p0 [hbm4b:s4+s11], $0x20, s29, s11, $0xb8;
	[tilespmem:$0xD460] =	vst v63  }
0x272: {  	s29 =	simm.s32 @!p0 $0x190;
	s30 =	simm.s32 @!p0 $0x3840  }
0x273: {  	[tilespmem:s30], [sflag:$0x3] =	stream.indirect.gather @!p0 [hbm4b:s4+s11], $0x20, s29, s11, $0xb8;
	[tilespmem:$0xD460] =	vst v63  }
0x274: {  	s29 =	simm.s32 @!p0 $0x1E0;
	s30 =	simm.s32 @!p0 $0x4240  }
0x275: {  	[tilespmem:s30], [sflag:$0x3] =	stream.indirect.gather @!p0 [hbm4b:s4+s11], $0x20, s29, s11, $0xb8;
	[tilespmem:$0xD460] =	vst v63  }
0x276: {  	s29 =	simm.s32 @!p0 $0x230;
	s30 =	simm.s32 @!p0 $0x4C40  }
0x277: {  	[tilespmem:s30], [sflag:$0x3] =	stream.indirect.gather @!p0 [hbm4b:s4+s11], $0x20, s29, s11, $0xb8;
	[tilespmem:$0xD460] =	vst v63  }
0x278: {  	s26 =	sadd.s32 @!p0 s26, s10;
	s29 =	simm.s32 @!p0 $0x280;
	s30 =	simm.s32 @!p0 $0x5640  }
0x279: {  	[tilespmem:s30], [sflag:$0x3] =	stream.indirect.gather @!p0 [hbm4b:s4+s11], $0x20, s29, s11, $0xb8;
	[tilespmem:$0xD460] =	vst v63  }
0x27a: {  	s26 =	smul.u32 @!p0 $0x32, s26;
	s29 =	simm.s32 @!p0 $0x2D0;
	s30 =	simm.s32 @!p0 $0x6040  }
0x27b: {  	[tilespmem:s30], [sflag:$0x3] =	stream.indirect.gather @!p0 [hbm4b:s4+s11], $0x20, s29, s11, $0xb8;
	[tilespmem:$0xD460] =	vst v63  }
0x27c: {  	s11 =	sshrl.u32 @!p0 s26, $0x3  }
0x27d: {  	s26 =	simm.s32 @!p0 $0x320;
	s11 =	sadd.s32 @!p0 s0, s11  }
0x27e: {  	[tilespmem:s26], [sflag:$0x2] =	stream.linear.gather @!p0 [hbm4b:s11+s28], $0x320, $0x38;
	[tilespmem:$0xD460] =	vst v63  }
0x27f: {  	p0 =	por p0, !p1  }
0x280: {  	_ =	swait.ge @p0 [sflag:s23], $0x310  }
0x281: {  	[sflag:s23] =	ssyncset.done @p0 $0x0  }
0x282: {  	s11 =	simm.s32 $0x0;
	s26 =	simm.s32 $0x0;
	[sflag:s23] =	ssyncadd.s32 @p0 $0xFFFFFCF0  }
.LBB2_8:
0x283: {  	v14 =	vmov s26  }
0x284: {  	v14 =	vshll.u32 v14, $0x5  }
0x285: {  	v16 =	vor.u32 v0, v14  }
0x286: {  	v18 =	vor.u32 v9, v14;
	_ =	sdelay $0x3  }
0x287: {  	v24 =	vld.idx.msk [tilespmem:v16+s17+$0x0], $0xffff  }
0x288: {  	v22 =	vld.idx.msk [tilespmem:v18+s17+$0x0], $0xffff;
	_ =	sdelay $0x3  }
0x289: {  	v31 =	vor.u32 v10, v14;
	v20 =	vadd.s32 v54, v14  }
0x28a: {  	v26 =	vor.u32 v0, v20;
	v16 =	vmul.f32 v24, v24;
	v18 =	vmul.f32 v22, v22  }
0x28b: {  	v32 =	vor.u32 v10, v20  }
0x28c: {  	v16 =	vadd.f32 v18, v16;
	v18 =	vadd.s32 v45, v14  }
0x28d: {  	v28 =	vor.u32 v0, v18  }
0x28e: {  	v33 =	vadd.s32 v47, v14;
	v31 =	vld.idx.msk [tilespmem:v31+s17+$0x0], $0xffff  }
0x28f: {  	v26 =	vld.idx.msk [tilespmem:v26+s17+$0x0], $0xffff;
	v34 =	vor.u32 v10, v18;
	(xrf2) =	vadd.scan.msk.f32 $0xffff, v16;
	v16 =	vadd.s32 v62, v14  }
0x290: {  	v32 =	vld.idx.msk [tilespmem:v32+s17+$0x0], $0xffff;
	v30 =	vor.u32 v0, v16  }
0x291: {  	v38 =	vadd.s32 v1, v14  }
0x292: {  	v35 =	vor.u32 v10, v16;
	v28 =	vld.idx.msk [tilespmem:v28+s17+$0x0], $0xffff  }
0x293: {  	v33 =	vld.idx.msk [tilespmem:v33+s17+$0x0], $0xffff  }
0x294: {  	v63 =	vmov v45;
	v37 =	vsub.f32 v24, v26;
	v34 =	vld.idx.msk [tilespmem:v34+s17+$0x0], $0xffff  }
0x295: {  	v39 =	vor.u32 v13, v14;
	v26 =	vmul.f32 v26, v26;
	v42 =	vsub.f32 v31, v32;
	v30 =	vld.idx.msk [tilespmem:v30+s17+$0x0], $0xffff  }
0x296: {  	v41 =	vor.u32 v13, v20;
	v38 =	vld.idx.msk [tilespmem:v38+s17+$0x0], $0xffff;
	v32 =	vmul.f32 v32, v32;
	v54 =	vmul.f32 v37, v37  }
0x297: {  	v42 =	vmul.f32 v42, v42;
	v45 =	vor.u32 v13, v16;
	v35 =	vld.idx.msk [tilespmem:v35+s17+$0x0], $0xffff;
	v44 =	vsub.f32 v24, v28  }
0x298: {  	v26 =	vadd.f32 v32, v26;
	v0 =	vmovc v62;
	v62 =	vor.u32 v15, v18;
	v28 =	vmul.f32 v28, v28  }
0x299: {  	v43 =	vsub.f32 v31, v34;
	v36, _, _ =	vpop (xrf2);
	v37 =	vmul.f32 v44, v44;
	v44 =	vor.u32 v13, v18  }
0x29a: {  	v39 =	vld.idx.msk [tilespmem:v39+s17+$0x0], $0xffff;
	v32 =	vmul.f32 v34, v34;
	(v2sf) =	vpush v36, $0xF;
	v40 =	vsub.f32 v24, v30  }
0x29b: {  	v41 =	vld.idx.msk [tilespmem:v41+s17+$0x0], $0xffff;
	v30 =	vmul.f32 v30, v30;
	v24 =	vsub.f32 v24, v33;
	v33 =	vmul.f32 v33, v33  }
0x29c: {  	v36 =	vadd.f32 v42, v54;
	v42 =	vmul.f32 v43, v43;
	v54 =	vsub.f32 v31, v35  }
0x29d: {  	v31 =	vsub.f32 v31, v38;
	v28 =	vadd.f32 v32, v28;
	v38 =	vmul.f32 v38, v38  }
0x29e: {  	v40 =	vmul.f32 v40, v40;
	v37 =	vadd.f32 v42, v37;
	v42 =	vadd.s32 v48, v14;
	v34 =	vld.idx.msk [tilespmem:v44+s17+$0x0], $0xffff  }
0x29f: {  	v43 =	vor.u32 v15, v14;
	v24 =	vmul.f32 v24, v24;
	v32 =	vmul.f32 v54, v54;
	v44 =	vld.idx.msk [tilespmem:v45+s17+$0x0], $0xffff  }
0x2a0: {  	v31 =	vmul.f32 v31, v31;
	v54 =	vmovc v1;
	v1 =	vmov v47;
	v47 =	vsub.f32 v39, v41  }
0x2a1: {  	v35 =	vmul.f32 v35, v35;
	v32 =	vadd.f32 v32, v40;
	v40 =	vld.idx.msk [tilespmem:v62+s17+$0x0], $0xffff;
	v45 =	vor.u32 v15, v20  }
0x2a2: {  	v24 =	vadd.f32 v31, v24;
	v31 =	vadd.f32 v38, v33;
	v62 =	vld [tilespmem:$0x1FDC0];
	v33 =	vmul.f32 v47, v47  }
0x2a3: {  	v30 =	vadd.f32 v35, v30;
	v35 =	vld.idx.msk [tilespmem:v42+s17+$0x0], $0xffff;
	v42 =	vor.u32 v15, v16  }
0x2a4: {  	v33 =	vadd.f32 v33, v36;
	v36 =	vsub.f32 v39, v44  }
0x2a5: {  	v38 =	vmul.f32 v41, v41;
	v41 =	vld.idx.msk [tilespmem:v43+s17+$0x0], $0xffff  }
0x2a6: {  	v47 =	vsub.f32 v39, v34;
	v43 =	vld.idx.msk [tilespmem:v45+s17+$0x0], $0xffff;
	v36 =	vmul.f32 v36, v36  }
0x2a7: {  	v26 =	vadd.f32 v38, v26;
	v45 =	vadd.s32 v62, v14;
	v34 =	vmul.f32 v34, v34  }
0x2a8: {  	v38 =	vmul.f32 v47, v47;
	v47 =	vor.u32 v17, v14;
	v32 =	vadd.f32 v36, v32;
	v36 =	vld.idx.msk [tilespmem:v42+s17+$0x0], $0xffff  }
0x2a9: {  	v62 =	vsub.f32 v39, v35;
	v39 =	vor.u32 v17, v20  }
0x2aa: {  	v28 =	vadd.f32 v34, v28;
	v34 =	vmul.f32 v44, v44;
	v35 =	vmul.f32 v35, v35  }
0x2ab: {  	v37 =	vadd.f32 v38, v37;
	v38 =	vmul.f32 v62, v62;
	v62 =	vsub.f32 v41, v43  }
0x2ac: {  	v30 =	vadd.f32 v34, v30;
	v31 =	vadd.f32 v35, v31;
	v44 =	vld.idx.msk [tilespmem:v45+s17+$0x0], $0xffff  }
0x2ad: {  	v24 =	vadd.f32 v38, v24;
	v35 =	vmul.f32 v62, v62;
	v38 =	vld.idx.msk [tilespmem:v47+s17+$0x0], $0xffff;
	v47 =	vsub.f32 v41, v36  }
0x2ae: {  	v34 =	vsub.f32 v41, v40;
	v45 =	vor.u32 v17, v18;
	v62 =	vmul.f32 v43, v43;
	v39 =	vld.idx.msk [tilespmem:v39+s17+$0x0], $0xffff  }
0x2af: {  	v43 =	vor.u32 v17, v16;
	v33 =	vadd.f32 v35, v33;
	v35 =	vmul.f32 v47, v47;
	v47 =	vld [tilespmem:$0x1FDD0]  }
0x2b0: {  	v34 =	vmul.f32 v34, v34  }
0x2b1: {  	v26 =	vadd.f32 v62, v26;
	v62 =	vmul.f32 v40, v40  }
0x2b2: {  	v34 =	vadd.f32 v34, v37;
	v41 =	vsub.f32 v41, v44  }
0x2b3: {  	v40 =	vld.idx.msk [tilespmem:v45+s17+$0x0], $0xffff;
	v45 =	vor.u32 v19, v14;
	v28 =	vadd.f32 v62, v28;
	v62 =	vmul.f32 v44, v44  }
0x2b4: {  	v37 =	vsub.f32 v38, v39;
	v43 =	vld.idx.msk [tilespmem:v43+s17+$0x0], $0xffff;
	v42 =	vadd.s32 v47, v14;
	v47 =	vor.u32 v19, v20  }
0x2b5: {  	v32 =	vadd.f32 v35, v32;
	v31 =	vadd.f32 v62, v31;
	v62 =	vmul.f32 v39, v39  }
0x2b6: {  	v35 =	vmul.f32 v41, v41;
	v41 =	vor.u32 v19, v18;
	v37 =	vmul.f32 v37, v37  }
0x2b7: {  	v26 =	vadd.f32 v62, v26;
	v62 =	vld [tilespmem:$0x1FDE0]  }
0x2b8: {  	v36 =	vmul.f32 v36, v36;
	v33 =	vadd.f32 v37, v33;
	v37 =	vld.idx.msk [tilespmem:v45+s17+$0x0], $0xffff  }
0x2b9: {  	v39 =	vsub.f32 v38, v43;
	v44 =	vld.idx.msk [tilespmem:v47+s17+$0x0], $0xffff  }
0x2ba: {  	v30 =	vadd.f32 v36, v30;
	v24 =	vadd.f32 v35, v24;
	v42 =	vld.idx.msk [tilespmem:v42+s17+$0x0], $0xffff  }
0x2bb: {  	v36 =	vmul.f32 v40, v40;
	v45 =	vor.u32 v19, v16;
	v47 =	vmul.f32 v39, v39;
	v39 =	vld.idx.msk [tilespmem:v41+s17+$0x0], $0xffff  }
0x2bc: {  	v35 =	vsub.f32 v38, v40;
	v40 =	vadd.s32 v62, v14;
	v62 =	vmul.f32 v43, v43  }
0x2bd: {  	v28 =	vadd.f32 v36, v28  }
0x2be: {  	v30 =	vadd.f32 v62, v30;
	v62 =	vsub.f32 v37, v44  }
0x2bf: {  	v43 =	vor.u32 v21, v20;
	v41 =	vor.u32 v21, v14;
	v32 =	vadd.f32 v47, v32  }
0x2c0: {  	v47 =	vsub.f32 v38, v42;
	v38 =	vld.idx.msk [tilespmem:v45+s17+$0x0], $0xffff;
	v36 =	vmul.f32 v62, v62;
	v62 =	vsub.f32 v37, v39  }
0x2c1: {  	v35 =	vmul.f32 v35, v35;
	v40 =	vld.idx.msk [tilespmem:v40+s17+$0x0], $0xffff;
	v45 =	vor.u32 v21, v18  }
0x2c2: {  	v42 =	vmul.f32 v42, v42;
	v33 =	vadd.f32 v36, v33;
	v36 =	vmul.f32 v62, v62;
	v62 =	vld [tilespmem:$0x1FDF0]  }
0x2c3: {  	v34 =	vadd.f32 v35, v34;
	v35 =	vmul.f32 v47, v47  }
0x2c4: {  	v41 =	vld.idx.msk [tilespmem:v41+s17+$0x0], $0xffff;
	v31 =	vadd.f32 v42, v31  }
0x2c5: {  	v44 =	vmul.f32 v44, v44;
	v24 =	vadd.f32 v35, v24;
	v35 =	vld.idx.msk [tilespmem:v43+s17+$0x0], $0xffff;
	v43 =	vsub.f32 v37, v38  }
0x2c6: {  	v42 =	vor.u32 v21, v16;
	v34 =	vadd.f32 v36, v34;
	v36 =	vsub.f32 v37, v40;
	v37 =	vld.idx.msk [tilespmem:v45+s17+$0x0], $0xffff  }
0x2c7: {  	v26 =	vadd.f32 v44, v26;
	v44 =	vadd.s32 v62, v14;
	v62 =	vmul.f32 v43, v43;
	_ =	sdelay $0x1  }
0x2c8: {  	v32 =	vadd.f32 v62, v32;
	v62 =	vmul.f32 v40, v40  }
0x2c9: {  	v39 =	vmul.f32 v39, v39  }
0x2ca: {  	v31 =	vadd.f32 v62, v31;
	v62 =	vsub.f32 v41, v37  }
0x2cb: {  	v28 =	vadd.f32 v39, v28;
	v45 =	vor.u32 v23, v14;
	v42 =	vld.idx.msk [tilespmem:v42+s17+$0x0], $0xffff;
	v43 =	vor.u32 v23, v20  }
0x2cc: {  	v36 =	vmul.f32 v36, v36;
	v47 =	vsub.f32 v41, v35;
	v39 =	vmul.f32 v62, v62;
	v62 =	vld [tilespmem:$0x1FE00]  }
0x2cd: {  	v38 =	vmul.f32 v38, v38;
	v40 =	vor.u32 v23, v18  }
0x2ce: {  	v24 =	vadd.f32 v36, v24;
	v36 =	vmul.f32 v47, v47  }
0x2cf: {  	v30 =	vadd.f32 v38, v30;
	v38 =	vld.idx.msk [tilespmem:v44+s17+$0x0], $0xffff  }
0x2d0: {  	v33 =	vadd.f32 v36, v33;
	v36 =	vld.idx.msk [tilespmem:v43+s17+$0x0], $0xffff;
	v43 =	vor.u32 v23, v16  }
0x2d1: {  	v44 =	vld.idx.msk [tilespmem:v45+s17+$0x0], $0xffff;
	v45 =	vsub.f32 v41, v42;
	v47 =	vadd.s32 v62, v14  }
0x2d2: {  	v62 =	vmul.f32 v37, v37;
	v37 =	vld.idx.msk [tilespmem:v40+s17+$0x0], $0xffff;
	v40 =	vor.u32 v25, v14  }
0x2d3: {  	v34 =	vadd.f32 v39, v34;
	v39 =	vmul.f32 v45, v45;
	v45 =	vor.u32 v25, v20  }
0x2d4: {  	v41 =	vsub.f32 v41, v38;
	v28 =	vadd.f32 v62, v28;
	v62 =	vmul.f32 v42, v42  }
0x2d5: {  	v35 =	vmul.f32 v35, v35;
	v32 =	vadd.f32 v39, v32;
	v42 =	vld.idx.msk [tilespmem:v43+s17+$0x0], $0xffff  }
0x2d6: {  	v39 =	vsub.f32 v44, v36;
	v30 =	vadd.f32 v62, v30;
	v62 =	vmul.f32 v41, v41;
	v41 =	vld.idx.msk [tilespmem:v47+s17+$0x0], $0xffff  }
0x2d7: {  	v26 =	vadd.f32 v35, v26;
	v38 =	vmul.f32 v38, v38;
	v43 =	vsub.f32 v44, v37;
	v40 =	vld.idx.msk [tilespmem:v40+s17+$0x0], $0xffff  }
0x2d8: {  	v39 =	vmul.f32 v39, v39;
	v24 =	vadd.f32 v62, v24;
	v62 =	vmul.f32 v36, v36;
	v36 =	vld.idx.msk [tilespmem:v45+s17+$0x0], $0xffff  }
0x2d9: {  	v31 =	vadd.f32 v38, v31;
	v47 =	vor.u32 v25, v18;
	v38 =	vmul.f32 v43, v43;
	v43 =	vld [tilespmem:$0x1FE10]  }
0x2da: {  	v33 =	vadd.f32 v39, v33  }
0x2db: {  	v45 =	vor.u32 v25, v16;
	v26 =	vadd.f32 v62, v26;
	v62 =	vmul.f32 v37, v37  }
0x2dc: {  	v39 =	vor.u32 v27, v14;
	v34 =	vadd.f32 v38, v34;
	v38 =	vsub.f32 v44, v42  }
0x2dd: {  	v42 =	vmul.f32 v42, v42;
	v28 =	vadd.f32 v62, v28;
	v62 =	vsub.f32 v44, v41  }
0x2de: {  	v37 =	vadd.s32 v43, v14;
	v43 =	vld.idx.msk [tilespmem:v47+s17+$0x0], $0xffff;
	v47 =	vsub.f32 v40, v36  }
0x2df: {  	v44 =	vor.u32 v27, v20;
	v30 =	vadd.f32 v42, v30;
	v35 =	vmul.f32 v62, v62  }
0x2e0: {  	v45 =	vld.idx.msk [tilespmem:v45+s17+$0x0], $0xffff;
	v62 =	vor.u32 v27, v18;
	v42 =	vmul.f32 v47, v47;
	v47 =	vmul.f32 v36, v36  }
0x2e1: {  	v36 =	vld.idx.msk [tilespmem:v39+s17+$0x0], $0xffff  }
0x2e2: {  	v26 =	vadd.f32 v47, v26;
	v47 =	vld [tilespmem:$0x1FE20]  }
0x2e3: {  	v38 =	vmul.f32 v38, v38;
	v37 =	vld.idx.msk [tilespmem:v37+s17+$0x0], $0xffff  }
0x2e4: {  	v39 =	vld.idx.msk [tilespmem:v44+s17+$0x0], $0xffff  }
0x2e5: {  	v32 =	vadd.f32 v38, v32;
	v24 =	vadd.f32 v35, v24;
	v44 =	vld.idx.msk [tilespmem:v62+s17+$0x0], $0xffff  }
0x2e6: {  	v41 =	vmul.f32 v41, v41;
	v33 =	vadd.f32 v42, v33;
	v35 =	vsub.f32 v40, v45  }
0x2e7: {  	v38 =	vsub.f32 v40, v43;
	v42 =	vadd.s32 v47, v14;
	v47 =	vor.u32 v29, v14  }
0x2e8: {  	v31 =	vadd.f32 v41, v31;
	v35 =	vmul.f32 v35, v35;
	v40 =	vsub.f32 v40, v37  }
0x2e9: {  	v41 =	vor.u32 v27, v16;
	v43 =	vmul.f32 v43, v43;
	v38 =	vmul.f32 v38, v38  }
0x2ea: {  	v32 =	vadd.f32 v35, v32;
	v35 =	vmul.f32 v40, v40;
	v40 =	vsub.f32 v36, v44  }
0x2eb: {  	v34 =	vadd.f32 v38, v34;
	v38 =	vmul.f32 v45, v45  }
0x2ec: {  	v62 =	vor.u32 v29, v20;
	v28 =	vadd.f32 v43, v28;
	v43 =	vld.idx.msk [tilespmem:v47+s17+$0x0], $0xffff;
	v47 =	vmul.f32 v40, v40  }
0x2ed: {  	v30 =	vadd.f32 v38, v30;
	v38 =	vld.idx.msk [tilespmem:v42+s17+$0x0], $0xffff;
	v42 =	vor.u32 v29, v18  }
0x2ee: {  	v45 =	vsub.f32 v36, v39;
	v34 =	vadd.f32 v47, v34;
	v47 =	vld [tilespmem:$0x1FE30]  }
0x2ef: {  	v41 =	vld.idx.msk [tilespmem:v41+s17+$0x0], $0xffff;
	v37 =	vmul.f32 v37, v37  }
0x2f0: {  	v24 =	vadd.f32 v35, v24;
	v35 =	vmul.f32 v45, v45;
	v45 =	vor.u32 v29, v16  }
0x2f1: {  	v31 =	vadd.f32 v37, v31;
	v37 =	vmul.f32 v39, v39;
	v39 =	vld.idx.msk [tilespmem:v62+s17+$0x0], $0xffff  }
0x2f2: {  	v33 =	vadd.f32 v35, v33;
	v35 =	vld.idx.msk [tilespmem:v42+s17+$0x0], $0xffff;
	v42 =	vor.u32 v46, v14  }
0x2f3: {  	v62 =	vmul.f32 v44, v44;
	v40 =	vadd.s32 v47, v14  }
0x2f4: {  	v44 =	vsub.f32 v36, v41;
	v36 =	vsub.f32 v36, v38;
	v47 =	vor.u32 v46, v20  }
0x2f5: {  	v26 =	vadd.f32 v37, v26;
	v28 =	vadd.f32 v62, v28;
	v45 =	vld.idx.msk [tilespmem:v45+s17+$0x0], $0xffff;
	v38 =	vmul.f32 v38, v38  }
0x2f6: {  	v37 =	vmul.f32 v44, v44;
	v62 =	vsub.f32 v43, v39;
	v36 =	vmul.f32 v36, v36  }
0x2f7: {  	v31 =	vadd.f32 v38, v31;
	v38 =	vmul.f32 v39, v39;
	v44 =	vsub.f32 v43, v35;
	v39 =	vld.idx.msk [tilespmem:v42+s17+$0x0], $0xffff  }
0x2f8: {  	v62 =	vmul.f32 v62, v62;
	v40 =	vld.idx.msk [tilespmem:v40+s17+$0x0], $0xffff  }
0x2f9: {  	v32 =	vadd.f32 v37, v32;
	v24 =	vadd.f32 v36, v24;
	v36 =	vmul.f32 v44, v44;
	v42 =	vld.idx.msk [tilespmem:v47+s17+$0x0], $0xffff  }
0x2fa: {  	v37 =	vor.u32 v46, v18;
	v33 =	vadd.f32 v62, v33;
	v62 =	vsub.f32 v43, v45;
	v47 =	vld [tilespmem:$0x1FF30]  }
0x2fb: {  	v34 =	vadd.f32 v36, v34  }
0x2fc: {  	v36 =	vmul.f32 v62, v62;
	v62 =	vmul.f32 v45, v45;
	v45 =	vor.u32 v59, v20  }
0x2fd: {  	v41 =	vmul.f32 v41, v41  }
0x2fe: {  	v26 =	vadd.f32 v38, v26;
	v44 =	vor.u32 v46, v16;
	v32 =	vadd.f32 v36, v32  }
0x2ff: {  	v37 =	vld.idx.msk [tilespmem:v37+s17+$0x0], $0xffff;
	v38 =	vadd.s32 v47, v14;
	v36 =	vsub.f32 v43, v40;
	v40 =	vmul.f32 v40, v40;
	_ =	sdelay $0x1  }
0x300: {  	v30 =	vadd.f32 v41, v30;
	v41 =	vor.u32 v59, v14;
	v31 =	vadd.f32 v40, v31;
	v40 =	vld.idx.msk [tilespmem:v45+s17+$0x0], $0xffff  }
0x301: {  	v45 =	vld [tilespmem:$0x1FF80]  }
0x302: {  	v35 =	vmul.f32 v35, v35;
	v30 =	vadd.f32 v62, v30;
	v62 =	vsub.f32 v39, v42;
	v44 =	vld.idx.msk [tilespmem:v44+s17+$0x0], $0xffff  }
0x303: {  	v43 =	vor.u32 v59, v18;
	v47 =	vsub.f32 v39, v37;
	v42 =	vmul.f32 v42, v42;
	v38 =	vld.idx.msk [tilespmem:v38+s17+$0x0], $0xffff  }
0x304: {  	v28 =	vadd.f32 v35, v28;
	v36 =	vmul.f32 v36, v36;
	v35 =	vmul.f32 v62, v62  }
0x305: {  	v41 =	vld.idx.msk [tilespmem:v41+s17+$0x0], $0xffff;
	v62 =	vor.u32 v59, v16;
	v47 =	vmul.f32 v47, v47;
	v26 =	vadd.f32 v42, v26  }
0x306: {  	v33 =	vadd.f32 v35, v33;
	v35 =	vmul.f32 v37, v37;
	v42 =	vadd.s32 v45, v14  }
0x307: {  	v34 =	vadd.f32 v47, v34;
	v47 =	vsub.f32 v39, v44;
	v45 =	vor.u32 v4, v20  }
0x308: {  	v37 =	vld.idx.msk [tilespmem:v43+s17+$0x0], $0xffff;
	v28 =	vadd.f32 v35, v28;
	v35 =	vsub.f32 v39, v38;
	v39 =	vor.u32 v4, v14  }
0x309: {  	v24 =	vadd.f32 v36, v24;
	v43 =	vmul.f32 v44, v44;
	v36 =	vmul.f32 v47, v47  }
0x30a: {  	v44 =	vld.idx.msk [tilespmem:v62+s17+$0x0], $0xffff;
	v47 =	vsub.f32 v41, v40;
	v62 =	vor.u32 v4, v18;
	v35 =	vmul.f32 v35, v35  }
0x30b: {  	v32 =	vadd.f32 v36, v32;
	v36 =	vmul.f32 v38, v38;
	v42 =	vld.idx.msk [tilespmem:v42+s17+$0x0], $0xffff  }
0x30c: {  	v24 =	vadd.f32 v35, v24;
	v35 =	vmul.f32 v47, v47;
	v47 =	vmul.f32 v40, v40;
	v40 =	vld.idx.msk [tilespmem:v45+s17+$0x0], $0xffff  }
0x30d: {  	v30 =	vadd.f32 v43, v30;
	v38 =	vsub.f32 v41, v37;
	v39 =	vld.idx.msk [tilespmem:v39+s17+$0x0], $0xffff  }
0x30e: {  	v31 =	vadd.f32 v36, v31;
	v26 =	vadd.f32 v47, v26;
	v47 =	vld [tilespmem:$0x1FFA0]  }
0x30f: {  	v43 =	vor.u32 v4, v16;
	v36 =	vld.idx.msk [tilespmem:v62+s17+$0x0], $0xffff;
	v33 =	vadd.f32 v35, v33;
	v35 =	vsub.f32 v41, v44  }
0x310: {  	v38 =	vmul.f32 v38, v38  }
0x311: {  	v35 =	vmul.f32 v35, v35  }
0x312: {  	v37 =	vmul.f32 v37, v37;
	v34 =	vadd.f32 v38, v34;
	v41 =	vsub.f32 v41, v42  }
0x313: {  	v32 =	vadd.f32 v35, v32;
	v62 =	vsub.f32 v39, v40;
	v38 =	vadd.s32 v47, v14  }
0x314: {  	v35 =	vmul.f32 v41, v41;
	v41 =	vld.idx.msk [tilespmem:v43+s17+$0x0], $0xffff;
	v43 =	vsub.f32 v39, v36;
	v47 =	vor.u32 v52, v20  }
0x315: {  	v28 =	vadd.f32 v37, v28;
	v44 =	vmul.f32 v44, v44;
	v37 =	vmul.f32 v62, v62  }
0x316: {  	v62 =	vor.u32 v52, v16;
	v24 =	vadd.f32 v35, v24;
	v35 =	vmul.f32 v43, v43;
	v43 =	vld [tilespmem:$0x1FFB0]  }
0x317: {  	v42 =	vmul.f32 v42, v42  }
0x318: {  	v45 =	vor.u32 v52, v14;
	v30 =	vadd.f32 v44, v30;
	v44 =	vor.u32 v52, v18;
	v38 =	vld.idx.msk [tilespmem:v38+s17+$0x0], $0xffff  }
0x319: {  	v31 =	vadd.f32 v42, v31;
	v40 =	vmul.f32 v40, v40;
	v42 =	vld.idx.msk [tilespmem:v47+s17+$0x0], $0xffff;
	v47 =	vsub.f32 v39, v41  }
0x31a: {  	v36 =	vmul.f32 v36, v36;
	v33 =	vadd.f32 v37, v33;
	v34 =	vadd.f32 v35, v34  }
0x31b: {  	v37 =	vadd.s32 v43, v14;
	v43 =	vld.idx.msk [tilespmem:v62+s17+$0x0], $0xffff;
	v62 =	vor.u32 v57, v18;
	v35 =	vmul.f32 v47, v47  }
0x31c: {  	v26 =	vadd.f32 v40, v26  }
0x31d: {  	v45 =	vld.idx.msk [tilespmem:v45+s17+$0x0], $0xffff;
	v28 =	vadd.f32 v36, v28;
	v32 =	vadd.f32 v35, v32  }
0x31e: {  	v36 =	vsub.f32 v39, v38;
	v35 =	vmul.f32 v38, v38;
	v38 =	vmul.f32 v42, v42  }
0x31f: {  	v40 =	vor.u32 v57, v14;
	v39 =	vld.idx.msk [tilespmem:v44+s17+$0x0], $0xffff  }
0x320: {  	v41 =	vmul.f32 v41, v41;
	v26 =	vadd.f32 v38, v26;
	v38 =	vld.idx.msk [tilespmem:v62+s17+$0x0], $0xffff  }
0x321: {  	v44 =	vor.u32 v57, v20;
	v62 =	vmov v0;
	v0 =	vld [tilespmem:$0x1FFC0]  }
0x322: {  	v30 =	vadd.f32 v41, v30;
	v47 =	vsub.f32 v45, v42;
	v37 =	vld.idx.msk [tilespmem:v37+s17+$0x0], $0xffff  }
0x323: {  	v42 =	vor.u32 v57, v16;
	v36 =	vmul.f32 v36, v36;
	v31 =	vadd.f32 v35, v31  }
0x324: {  	v40 =	vld.idx.msk [tilespmem:v40+s17+$0x0], $0xffff;
	v35 =	vsub.f32 v45, v43;
	v41 =	vsub.f32 v45, v39  }
0x325: {  	v24 =	vadd.f32 v36, v24;
	v36 =	vmul.f32 v47, v47  }
0x326: {  	v35 =	vmul.f32 v35, v35;
	v44 =	vld.idx.msk [tilespmem:v44+s17+$0x0], $0xffff;
	v47 =	vmul.f32 v41, v41;
	v41 =	vadd.s32 v0, v14  }
0x327: {  	v39 =	vmul.f32 v39, v39;
	v33 =	vadd.f32 v36, v33;
	v36 =	vsub.f32 v45, v37  }
0x328: {  	v45 =	vor.u32 v9, v20;
	v32 =	vadd.f32 v35, v32;
	v35 =	vld.idx.msk [tilespmem:v42+s17+$0x0], $0xffff;
	v37 =	vmul.f32 v37, v37  }
0x329: {  	v28 =	vadd.f32 v39, v28;
	v39 =	vmul.f32 v43, v43;
	v43 =	vsub.f32 v40, v38;
	v0 =	vld [tilespmem:$0x1FFD0]  }
0x32a: {  	v36 =	vmul.f32 v36, v36;
	v34 =	vadd.f32 v47, v34;
	v47 =	vor.u32 v9, v18  }
0x32b: {  	v30 =	vadd.f32 v39, v30;
	v42 =	vsub.f32 v40, v44;
	v39 =	vld.idx.msk [tilespmem:v41+s17+$0x0], $0xffff  }
0x32c: {  	v31 =	vadd.f32 v37, v31;
	v24 =	vadd.f32 v36, v24;
	v41 =	vmul.f32 v43, v43  }
0x32d: {  	v37 =	vmul.f32 v44, v44;
	v36 =	vmul.f32 v42, v42;
	v42 =	vld.idx.msk [tilespmem:v45+s17+$0x0], $0xffff;
	v43 =	vor.u32 v9, v16  }
0x32e: {  	v45 =	vsub.f32 v40, v35;
	v34 =	vadd.f32 v41, v34;
	v41 =	vadd.s32 v0, v14  }
0x32f: {  	v26 =	vadd.f32 v37, v26;
	v37 =	vmul.f32 v38, v38;
	v33 =	vadd.f32 v36, v33;
	v38 =	vld.idx.msk [tilespmem:v47+s17+$0x0], $0xffff  }
0x330: {  	v36 =	vmul.f32 v45, v45;
	v45 =	vor.u32 v49, v20;
	v40 =	vsub.f32 v40, v39  }
0x331: {  	v44 =	vor.u32 v49, v14;
	v35 =	vmul.f32 v35, v35;
	v28 =	vadd.f32 v37, v28;
	v0 =	vld [tilespmem:$0x1FE40]  }
0x332: {  	v32 =	vadd.f32 v36, v32;
	v37 =	vsub.f32 v22, v42;
	v36 =	vld.idx.msk [tilespmem:v43+s17+$0x0], $0xffff;
	v47 =	vmul.f32 v40, v40  }
0x333: {  	v30 =	vadd.f32 v35, v30;
	v39 =	vmul.f32 v39, v39;
	v40 =	vor.u32 v49, v18;
	v41 =	vld.idx.msk [tilespmem:v41+s17+$0x0], $0xffff  }
0x334: {  	v37 =	vmul.f32 v37, v37;
	v24 =	vadd.f32 v47, v24;
	v47 =	vsub.f32 v22, v38  }
0x335: {  	v43 =	vor.u32 v49, v16;
	v31 =	vadd.f32 v39, v31;
	v39 =	vmul.f32 v42, v42;
	v42 =	vld.idx.msk [tilespmem:v45+s17+$0x0], $0xffff  }
0x336: {  	v45 =	vadd.s32 v0, v14;
	v33 =	vadd.f32 v37, v33;
	v37 =	vld.idx.msk [tilespmem:v44+s17+$0x0], $0xffff;
	v35 =	vmul.f32 v47, v47  }
0x337: {  	v38 =	vmul.f32 v38, v38;
	v26 =	vadd.f32 v39, v26;
	v44 =	vsub.f32 v22, v36  }
0x338: {  	v36 =	vmul.f32 v36, v36;
	v22 =	vsub.f32 v22, v41;
	v34 =	vadd.f32 v35, v34;
	v35 =	vld.idx.msk [tilespmem:v40+s17+$0x0], $0xffff  }
0x339: {  	v39 =	vor.u32 v50, v14;
	v28 =	vadd.f32 v38, v28;
	v44 =	vmul.f32 v44, v44  }
0x33a: {  	v43 =	vld.idx.msk [tilespmem:v43+s17+$0x0], $0xffff;
	v30 =	vadd.f32 v36, v30;
	v40 =	vor.u32 v50, v20;
	v22 =	vmul.f32 v22, v22  }
0x33b: {  	v36 =	vmul.f32 v41, v41;
	v41 =	vld.idx.msk [tilespmem:v45+s17+$0x0], $0xffff;
	v45 =	vor.u32 v50, v18;
	v47 =	vsub.f32 v37, v42  }
0x33c: {  	v0 =	vld [tilespmem:$0x1FE50];
	v32 =	vadd.f32 v44, v32;
	v22 =	vadd.f32 v22, v24;
	v24 =	vmul.f32 v42, v42  }
0x33d: {  	v38 =	vmul.f32 v47, v47;
	v42 =	vor.u32 v50, v16;
	v44 =	vsub.f32 v37, v35  }
0x33e: {  	v39 =	vld.idx.msk [tilespmem:v39+s17+$0x0], $0xffff;
	v24 =	vadd.f32 v24, v26;
	v26 =	vmul.f32 v35, v35  }
0x33f: {  	v31 =	vadd.f32 v36, v31;
	v33 =	vadd.f32 v38, v33;
	v38 =	vld.idx.msk [tilespmem:v40+s17+$0x0], $0xffff;
	v47 =	vmul.f32 v44, v44  }
0x340: {  	v40 =	vor.u32 v60, v14;
	v44 =	vsub.f32 v37, v43;
	v26 =	vadd.f32 v26, v28  }
0x341: {  	v35 =	vld.idx.msk [tilespmem:v45+s17+$0x0], $0xffff;
	v34 =	vadd.f32 v47, v34;
	v47 =	vsub.f32 v37, v41;
	v37 =	vadd.s32 v0, v14  }
0x342: {  	v43 =	vmul.f32 v43, v43;
	v42 =	vld.idx.msk [tilespmem:v42+s17+$0x0], $0xffff;
	v28 =	vmul.f32 v44, v44;
	v44 =	vor.u32 v60, v20  }
0x343: {  	v41 =	vmul.f32 v41, v41;
	v0 =	vld [tilespmem:$0x1FE60];
	v36 =	vmul.f32 v47, v47;
	v47 =	vor.u32 v60, v18  }
0x344: {  	v30 =	vadd.f32 v43, v30;
	v45 =	vsub.f32 v39, v38  }
0x345: {  	v40 =	vld.idx.msk [tilespmem:v40+s17+$0x0], $0xffff;
	v28 =	vadd.f32 v28, v32;
	v31 =	vadd.f32 v41, v31  }
0x346: {  	v41 =	vor.u32 v60, v16;
	v32 =	vmul.f32 v45, v45;
	v22 =	vadd.f32 v36, v22;
	v36 =	vld.idx.msk [tilespmem:v37+s17+$0x0], $0xffff  }
0x347: {  	v45 =	vsub.f32 v39, v35;
	v35 =	vmul.f32 v35, v35;
	v37 =	vmul.f32 v38, v38;
	v43 =	vld.idx.msk [tilespmem:v44+s17+$0x0], $0xffff  }
0x348: {  	v32 =	vadd.f32 v32, v33;
	v33 =	vsub.f32 v39, v42;
	v44 =	vadd.s32 v0, v14;
	v38 =	vld.idx.msk [tilespmem:v47+s17+$0x0], $0xffff  }
0x349: {  	v24 =	vadd.f32 v37, v24;
	v37 =	vmul.f32 v45, v45  }
0x34a: {  	v26 =	vadd.f32 v35, v26;
	v33 =	vmul.f32 v33, v33;
	v45 =	vor.u32 v51, v14  }
0x34b: {  	v0 =	vld [tilespmem:$0x1FE70];
	v34 =	vadd.f32 v37, v34;
	v47 =	vsub.f32 v39, v36;
	v39 =	vor.u32 v51, v20  }
0x34c: {  	v35 =	vmul.f32 v42, v42;
	v28 =	vadd.f32 v33, v28;
	v33 =	vld.idx.msk [tilespmem:v41+s17+$0x0], $0xffff;
	v41 =	vsub.f32 v40, v43  }
0x34d: {  	v36 =	vmul.f32 v36, v36;
	v44 =	vld.idx.msk [tilespmem:v44+s17+$0x0], $0xffff;
	v37 =	vmul.f32 v47, v47;
	v42 =	vsub.f32 v40, v38  }
0x34e: {  	v30 =	vadd.f32 v35, v30;
	v47 =	vor.u32 v51, v18;
	v35 =	vmul.f32 v41, v41  }
0x34f: {  	v31 =	vadd.f32 v36, v31;
	v22 =	vadd.f32 v37, v22;
	v37 =	vld.idx.msk [tilespmem:v45+s17+$0x0], $0xffff;
	v45 =	vmul.f32 v42, v42  }
0x350: {  	v41 =	vadd.s32 v0, v14;
	v32 =	vadd.f32 v35, v32;
	v42 =	vor.u32 v51, v16;
	v39 =	vld.idx.msk [tilespmem:v39+s17+$0x0], $0xffff  }
0x351: {  	v35 =	vsub.f32 v40, v33;
	v34 =	vadd.f32 v45, v34;
	v45 =	vmul.f32 v38, v38  }
0x352: {  	v36 =	vmul.f32 v43, v43;
	v33 =	vmul.f32 v33, v33;
	v40 =	vsub.f32 v40, v44  }
0x353: {  	v35 =	vmul.f32 v35, v35;
	v38 =	vld.idx.msk [tilespmem:v47+s17+$0x0], $0xffff;
	v26 =	vadd.f32 v45, v26;
	v45 =	vor.u32 v53, v20  }
0x354: {  	v43 =	vor.u32 v53, v14;
	v0 =	vld [tilespmem:$0x1FE80];
	v24 =	vadd.f32 v36, v24;
	v30 =	vadd.f32 v33, v30  }
0x355: {  	v33 =	vmul.f32 v40, v40;
	v28 =	vadd.f32 v35, v28;
	v35 =	vld.idx.msk [tilespmem:v42+s17+$0x0], $0xffff;
	v36 =	vsub.f32 v37, v39  }
0x356: {  	v47 =	vmul.f32 v44, v44;
	v41 =	vld.idx.msk [tilespmem:v41+s17+$0x0], $0xffff  }
0x357: {  	v42 =	vor.u32 v53, v18;
	v22 =	vadd.f32 v33, v22;
	v36 =	vmul.f32 v36, v36  }
0x358: {  	v31 =	vadd.f32 v47, v31;
	v39 =	vmul.f32 v39, v39;
	v44 =	vsub.f32 v37, v38;
	v40 =	vld.idx.msk [tilespmem:v45+s17+$0x0], $0xffff  }
0x359: {  	v38 =	vmul.f32 v38, v38;
	v32 =	vadd.f32 v36, v32;
	v36 =	vld.idx.msk [tilespmem:v43+s17+$0x0], $0xffff;
	v43 =	vor.u32 v53, v16  }
0x35a: {  	v45 =	vadd.s32 v0, v14;
	v33 =	vmul.f32 v44, v44;
	v44 =	vsub.f32 v37, v35  }
0x35b: {  	v24 =	vadd.f32 v39, v24;
	v35 =	vmul.f32 v35, v35;
	v37 =	vsub.f32 v37, v41  }
0x35c: {  	v39 =	vor.u32 v55, v14;
	v33 =	vadd.f32 v33, v34;
	v34 =	vld.idx.msk [tilespmem:v42+s17+$0x0], $0xffff;
	v47 =	vmul.f32 v44, v44  }
0x35d: {  	v0 =	vld [tilespmem:$0x1FE90];
	v42 =	vor.u32 v55, v20;
	v30 =	vadd.f32 v35, v30;
	v35 =	vmul.f32 v37, v37  }
0x35e: {  	v37 =	vmul.f32 v41, v41;
	v28 =	vadd.f32 v47, v28;
	v47 =	vsub.f32 v36, v40;
	v43 =	vld.idx.msk [tilespmem:v43+s17+$0x0], $0xffff  }
0x35f: {  	v26 =	vadd.f32 v38, v26;
	v41 =	vld.idx.msk [tilespmem:v45+s17+$0x0], $0xffff;
	v45 =	vor.u32 v55, v18;
	v22 =	vadd.f32 v35, v22  }
0x360: {  	v35 =	vmul.f32 v40, v40;
	v31 =	vadd.f32 v37, v31;
	v38 =	vmul.f32 v47, v47  }
0x361: {  	v39 =	vld.idx.msk [tilespmem:v39+s17+$0x0], $0xffff;
	v40 =	vor.u32 v55, v16;
	v44 =	vsub.f32 v36, v34;
	v34 =	vmul.f32 v34, v34  }
0x362: {  	v37 =	vadd.s32 v0, v14;
	v24 =	vadd.f32 v35, v24;
	v32 =	vadd.f32 v38, v32;
	v38 =	vld.idx.msk [tilespmem:v42+s17+$0x0], $0xffff  }
0x363: {  	v47 =	vmul.f32 v44, v44;
	v26 =	vadd.f32 v34, v26;
	v44 =	vsub.f32 v36, v43  }
0x364: {  	v0 =	vld [tilespmem:$0x1FEA0];
	v42 =	vor.u32 v2, v14;
	v36 =	vsub.f32 v36, v41;
	v43 =	vmul.f32 v43, v43  }
0x365: {  	v35 =	vld.idx.msk [tilespmem:v45+s17+$0x0], $0xffff;
	v41 =	vmul.f32 v41, v41;
	v34 =	vmul.f32 v44, v44;
	v44 =	vor.u32 v2, v20  }
0x366: {  	v40 =	vld.idx.msk [tilespmem:v40+s17+$0x0], $0xffff;
	v33 =	vadd.f32 v47, v33;
	v47 =	vor.u32 v2, v18;
	v36 =	vmul.f32 v36, v36  }
0x367: {  	v30 =	vadd.f32 v43, v30;
	v45 =	vsub.f32 v39, v38  }
0x368: {  	v31 =	vadd.f32 v41, v31;
	v22 =	vadd.f32 v36, v22;
	v36 =	vld.idx.msk [tilespmem:v37+s17+$0x0], $0xffff  }
0x369: {  	v28 =	vadd.f32 v34, v28;
	v41 =	vld.idx.msk [tilespmem:v42+s17+$0x0], $0xffff;
	v42 =	vor.u32 v2, v16;
	v34 =	vmul.f32 v45, v45  }
0x36a: {  	v37 =	vmul.f32 v38, v38;
	v45 =	vsub.f32 v39, v35;
	v35 =	vmul.f32 v35, v35;
	v43 =	vld.idx.msk [tilespmem:v44+s17+$0x0], $0xffff  }
0x36b: {  	v38 =	vld.idx.msk [tilespmem:v47+s17+$0x0], $0xffff;
	v44 =	vadd.s32 v0, v14;
	v32 =	vadd.f32 v34, v32;
	v34 =	vsub.f32 v39, v40  }
0x36c: {  	v24 =	vadd.f32 v37, v24;
	v47 =	vmul.f32 v40, v40;
	v37 =	vmul.f32 v45, v45  }
0x36d: {  	v45 =	vor.u32 v3, v14;
	v26 =	vadd.f32 v35, v26;
	v34 =	vmul.f32 v34, v34  }
0x36e: {  	v35 =	vld.idx.msk [tilespmem:v42+s17+$0x0], $0xffff;
	v33 =	vadd.f32 v37, v33;
	v37 =	vsub.f32 v39, v36;
	v39 =	vor.u32 v3, v20  }
0x36f: {  	v0 =	vld [tilespmem:$0x1FEB0];
	v30 =	vadd.f32 v47, v30;
	v36 =	vmul.f32 v36, v36;
	v40 =	vsub.f32 v41, v43  }
0x370: {  	v28 =	vadd.f32 v34, v28;
	v37 =	vmul.f32 v37, v37;
	v34 =	vsub.f32 v41, v38;
	v42 =	vld.idx.msk [tilespmem:v44+s17+$0x0], $0xffff  }
0x371: {  	v44 =	vor.u32 v3, v18;
	v31 =	vadd.f32 v36, v31;
	v47 =	vmul.f32 v40, v40  }
0x372: {  	v22 =	vadd.f32 v37, v22;
	v37 =	vld.idx.msk [tilespmem:v45+s17+$0x0], $0xffff;
	v40 =	vmul.f32 v43, v43;
	v34 =	vmul.f32 v34, v34  }
0x373: {  	v43 =	vor.u32 v3, v16;
	v36 =	vsub.f32 v41, v35;
	v39 =	vld.idx.msk [tilespmem:v39+s17+$0x0], $0xffff;
	v32 =	vadd.f32 v47, v32  }
0x374: {  	v45 =	vadd.s32 v0, v14;
	v24 =	vadd.f32 v40, v24;
	v33 =	vadd.f32 v34, v33  }
0x375: {  	v47 =	vmul.f32 v38, v38;
	v36 =	vmul.f32 v36, v36;
	v38 =	vsub.f32 v41, v42  }
0x376: {  	v40 =	vld.idx.msk [tilespmem:v44+s17+$0x0], $0xffff;
	v41 =	vor.u32 v56, v14;
	v34 =	vmul.f32 v42, v42;
	v44 =	vor.u32 v56, v18  }
0x377: {  	v0 =	vld [tilespmem:$0x1FEC0];
	v26 =	vadd.f32 v47, v26;
	v47 =	vmul.f32 v35, v35;
	v35 =	vor.u32 v56, v20  }
0x378: {  	v28 =	vadd.f32 v36, v28;
	v36 =	vmul.f32 v38, v38;
	v43 =	vld.idx.msk [tilespmem:v43+s17+$0x0], $0xffff;
	v38 =	vsub.f32 v37, v39  }
0x379: {  	v42 =	vld.idx.msk [tilespmem:v45+s17+$0x0], $0xffff;
	v30 =	vadd.f32 v47, v30;
	v47 =	vmul.f32 v39, v39  }
0x37a: {  	v31 =	vadd.f32 v34, v31;
	v22 =	vadd.f32 v36, v22;
	v36 =	vmul.f32 v38, v38  }
0x37b: {  	v45 =	vsub.f32 v37, v40;
	v39 =	vld.idx.msk [tilespmem:v41+s17+$0x0], $0xffff;
	v24 =	vadd.f32 v47, v24  }
0x37c: {  	v40 =	vmul.f32 v40, v40;
	v35 =	vld.idx.msk [tilespmem:v35+s17+$0x0], $0xffff;
	v32 =	vadd.f32 v36, v32;
	v36 =	vor.u32 v56, v16  }
0x37d: {  	v41 =	vadd.s32 v0, v14;
	v44 =	vld.idx.msk [tilespmem:v44+s17+$0x0], $0xffff;
	v34 =	vmul.f32 v45, v45;
	v38 =	vsub.f32 v37, v43  }
0x37e: {  	v37 =	vsub.f32 v37, v42;
	v26 =	vadd.f32 v40, v26;
	v40 =	vmul.f32 v43, v43  }
0x37f: {  	v45 =	vor.u32 v58, v14;
	v47 =	vmul.f32 v38, v38;
	v38 =	vor.u32 v58, v20  }
0x380: {  	v0 =	vld [tilespmem:$0x1FED0];
	v33 =	vadd.f32 v34, v33;
	v37 =	vmul.f32 v37, v37;
	v30 =	vadd.f32 v40, v30  }
0x381: {  	v43 =	vor.u32 v58, v18;
	v28 =	vadd.f32 v47, v28;
	v47 =	vsub.f32 v39, v35;
	v36 =	vld.idx.msk [tilespmem:v36+s17+$0x0], $0xffff  }
0x382: {  	v40 =	vld.idx.msk [tilespmem:v41+s17+$0x0], $0xffff;
	v41 =	vmul.f32 v44, v44;
	v22 =	vadd.f32 v37, v22;
	v37 =	vmul.f32 v42, v42  }
0x383: {  	v35 =	vmul.f32 v35, v35;
	v34 =	vmul.f32 v47, v47;
	v47 =	vsub.f32 v39, v44  }
0x384: {  	v26 =	vadd.f32 v41, v26;
	v31 =	vadd.f32 v37, v31;
	v37 =	vld.idx.msk [tilespmem:v38+s17+$0x0], $0xffff;
	v38 =	vor.u32 v58, v16  }
0x385: {  	v44 =	vadd.s32 v0, v14;
	v32 =	vadd.f32 v34, v32;
	v34 =	vmul.f32 v47, v47  }
0x386: {  	v42 =	vld.idx.msk [tilespmem:v45+s17+$0x0], $0xffff;
	v41 =	vor.u32 v61, v14;
	v24 =	vadd.f32 v35, v24;
	v35 =	vsub.f32 v39, v36  }
0x387: {  	v45 =	vor.u32 v61, v20;
	v0 =	vld [tilespmem:$0x1FEE0];
	v33 =	vadd.f32 v34, v33  }
0x388: {  	v36 =	vmul.f32 v36, v36;
	v34 =	vmul.f32 v35, v35;
	v35 =	vsub.f32 v39, v40;
	v39 =	vld.idx.msk [tilespmem:v43+s17+$0x0], $0xffff  }
0x389: {  	v38 =	vld.idx.msk [tilespmem:v38+s17+$0x0], $0xffff  }
0x38a: {  	v30 =	vadd.f32 v36, v30;
	v36 =	vld.idx.msk [tilespmem:v44+s17+$0x0], $0xffff  }
0x38b: {  	v43 =	vsub.f32 v42, v37;
	v44 =	vmul.f32 v37, v37;
	v37 =	vld.idx.msk [tilespmem:v41+s17+$0x0], $0xffff  }
0x38c: {  	v47 =	vor.u32 v61, v18;
	v40 =	vmul.f32 v40, v40;
	v41 =	vld.idx.msk [tilespmem:v45+s17+$0x0], $0xffff;
	v45 =	vor.u32 v5, v14  }
0x38d: {  	v35 =	vmul.f32 v35, v35;
	v28 =	vadd.f32 v34, v28;
	v43 =	vmul.f32 v43, v43  }
0x38e: {  	v31 =	vadd.f32 v40, v31;
	v40 =	vor.u32 v61, v16;
	v24 =	vadd.f32 v44, v24  }
0x38f: {  	v32 =	vadd.f32 v43, v32;
	v43 =	vadd.s32 v0, v14;
	v34 =	vsub.f32 v42, v39  }
0x390: {  	v22 =	vadd.f32 v35, v22;
	v35 =	vsub.f32 v42, v38;
	v39 =	vmul.f32 v39, v39  }
0x391: {  	v44 =	vld.idx.msk [tilespmem:v47+s17+$0x0], $0xffff;
	v47 =	vor.u32 v5, v20;
	v42 =	vsub.f32 v42, v36;
	v34 =	vmul.f32 v34, v34  }
0x392: {  	v0 =	vld [tilespmem:$0x1FEF0];
	v36 =	vmul.f32 v36, v36;
	v35 =	vmul.f32 v35, v35;
	v26 =	vadd.f32 v39, v26  }
0x393: {  	v39 =	vsub.f32 v37, v41;
	v33 =	vadd.f32 v34, v33;
	v34 =	vmul.f32 v38, v38;
	v38 =	vld.idx.msk [tilespmem:v40+s17+$0x0], $0xffff  }
0x394: {  	v28 =	vadd.f32 v35, v28;
	v35 =	vmul.f32 v42, v42;
	v40 =	vld.idx.msk [tilespmem:v43+s17+$0x0], $0xffff;
	v42 =	vor.u32 v5, v18  }
0x395: {  	v31 =	vadd.f32 v36, v31;
	v43 =	vld.idx.msk [tilespmem:v45+s17+$0x0], $0xffff;
	v45 =	vmul.f32 v39, v39  }
0x396: {  	v36 =	vld.idx.msk [tilespmem:v47+s17+$0x0], $0xffff;
	v39 =	vmul.f32 v41, v41;
	v30 =	vadd.f32 v34, v30;
	v34 =	vsub.f32 v37, v44  }
0x397: {  	v41 =	vor.u32 v5, v16;
	v22 =	vadd.f32 v35, v22;
	v32 =	vadd.f32 v45, v32  }
0x398: {  	v45 =	vadd.s32 v0, v14;
	v24 =	vadd.f32 v39, v24;
	v34 =	vmul.f32 v34, v34  }
0x399: {  	v35 =	vsub.f32 v37, v38;
	v39 =	vld.idx.msk [tilespmem:v42+s17+$0x0], $0xffff;
	v37 =	vsub.f32 v37, v40;
	v42 =	vor.u32 v6, v14  }
0x39a: {  	v38 =	vmul.f32 v38, v38;
	v33 =	vadd.f32 v34, v33;
	v34 =	vmul.f32 v44, v44  }
0x39b: {  	v47 =	vor.u32 v6, v20;
	v44 =	vsub.f32 v43, v36;
	v35 =	vmul.f32 v35, v35  }
0x39c: {  	v0 =	vld [tilespmem:$0x1FF00];
	v30 =	vadd.f32 v38, v30;
	v26 =	vadd.f32 v34, v26;
	v34 =	vmul.f32 v37, v37  }
0x39d: {  	v37 =	vmul.f32 v40, v40;
	v38 =	vmul.f32 v44, v44;
	v40 =	vld.idx.msk [tilespmem:v45+s17+$0x0], $0xffff;
	v44 =	vor.u32 v6, v18  }
0x39e: {  	v28 =	vadd.f32 v35, v28;
	v35 =	vld.idx.msk [tilespmem:v41+s17+$0x0], $0xffff;
	v41 =	vsub.f32 v43, v39  }
0x39f: {  	v36 =	vmul.f32 v36, v36;
	v22 =	vadd.f32 v34, v22;
	v31 =	vadd.f32 v37, v31;
	v34 =	vld.idx.msk [tilespmem:v42+s17+$0x0], $0xffff  }
0x3a0: {  	v37 =	vor.u32 v6, v16;
	v32 =	vadd.f32 v38, v32;
	v38 =	vld.idx.msk [tilespmem:v47+s17+$0x0], $0xffff;
	v39 =	vmul.f32 v39, v39  }
0x3a1: {  	v24 =	vadd.f32 v36, v24;
	v42 =	vadd.s32 v0, v14;
	v0 =	vld [tilespmem:$0x1FF10];
	v45 =	vmul.f32 v41, v41  }
0x3a2: {  	v26 =	vadd.f32 v39, v26;
	v36 =	vsub.f32 v43, v40;
	v41 =	vld.idx.msk [tilespmem:v44+s17+$0x0], $0xffff;
	v44 =	vor.u32 v7, v18  }
0x3a3: {  	v18 =	vor.u32 v8, v18;
	v47 =	vsub.f32 v43, v35;
	v33 =	vadd.f32 v45, v33  }
0x3a4: {  	v43 =	vor.u32 v7, v20;
	v35 =	vmul.f32 v35, v35;
	v36 =	vmul.f32 v36, v36  }
0x3a5: {  	v45 =	vor.u32 v7, v16;
	v20 =	vor.u32 v8, v20;
	v37 =	vld.idx.msk [tilespmem:v37+s17+$0x0], $0xffff;
	v39 =	vmul.f32 v47, v47  }
0x3a6: {  	v47 =	vadd.s32 v0, v14;
	v30 =	vadd.f32 v35, v30;
	v0 =	vld [tilespmem:$0x1FF20];
	v22 =	vadd.f32 v36, v22  }
0x3a7: {  	v35 =	vld.idx.msk [tilespmem:v42+s17+$0x0], $0xffff;
	v36 =	vmul.f32 v40, v40;
	v28 =	vadd.f32 v39, v28;
	v39 =	vsub.f32 v34, v38  }
0x3a8: {  	v16 =	vor.u32 v8, v16;
	v38 =	vmul.f32 v38, v38;
	v42 =	vsub.f32 v34, v41;
	v18 =	vld.idx.msk [tilespmem:v18+s17+$0x0], $0xffff  }
0x3a9: {  	v41 =	vmul.f32 v41, v41;
	v40 =	vld.idx.msk [tilespmem:v43+s17+$0x0], $0xffff;
	v31 =	vadd.f32 v36, v31;
	v39 =	vmul.f32 v39, v39  }
0x3aa: {  	v43 =	vld.idx.msk [tilespmem:v44+s17+$0x0], $0xffff;
	v36 =	vsub.f32 v34, v37;
	v24 =	vadd.f32 v38, v24;
	v38 =	vmul.f32 v42, v42  }
0x3ab: {  	v44 =	vld.idx.msk [tilespmem:v45+s17+$0x0], $0xffff;
	v37 =	vmul.f32 v37, v37;
	v26 =	vadd.f32 v41, v26;
	v45 =	vadd.s32 v0, v14  }
0x3ac: {  	v20 =	vld.idx.msk [tilespmem:v20+s17+$0x0], $0xffff;
	v34 =	vsub.f32 v34, v35;
	v33 =	vadd.f32 v38, v33;
	v38 =	vor.u32 v7, v14  }
0x3ad: {  	v35 =	vmul.f32 v35, v35;
	v32 =	vadd.f32 v39, v32;
	v39 =	vld.idx.msk [tilespmem:v47+s17+$0x0], $0xffff;
	v36 =	vmul.f32 v36, v36  }
0x3ae: {  	v16 =	vld.idx.msk [tilespmem:v16+s17+$0x0], $0xffff;
	v30 =	vadd.f32 v37, v30;
	v14 =	vor.u32 v8, v14;
	v34 =	vmul.f32 v34, v34  }
0x3af: {  	v31 =	vadd.f32 v35, v31;
	v28 =	vadd.f32 v36, v28;
	v36 =	vmul.f32 v40, v40  }
0x3b0: {  	v22 =	vadd.f32 v34, v22;
	v34 =	vmul.f32 v43, v43;
	v37 =	vld.idx.msk [tilespmem:v45+s17+$0x0], $0xffff;
	v45 =	vmov v63  }
0x3b1: {  	v63 =	vmul.f32 v44, v44;
	v24 =	vadd.f32 v36, v24;
	v36 =	vmul.f32 v20, v20;
	v35 =	vld.idx.msk [tilespmem:v38+s17+$0x0], $0xffff  }
0x3b2: {  	v26 =	vadd.f32 v34, v26;
	v42 =	vmul.f32 v39, v39;
	v38 =	vmul.f32 v18, v18  }
0x3b3: {  	v34 =	vmul.f32 v16, v16;
	v14 =	vld.idx.msk [tilespmem:v14+s17+$0x0], $0xffff;
	v30 =	vadd.f32 v63, v30;
	v24 =	vadd.f32 v36, v24  }
0x3b4: {  	s28 =	spop (v2sf);
	v31 =	vadd.f32 v42, v31;
	v26 =	vadd.f32 v38, v26  }
0x3b5: {  	s28 =	ssub.f32 $1.000000000e+00, s28;
	v30 =	vadd.f32 v34, v30;
	v24 =	vsub.f32 $1.000000000e+00, v24;
	v63 =	vmul.f32 v37, v37  }
0x3b6: {  	v26 =	vsub.f32 $1.000000000e+00, v26;
	v42 =	vsub.f32 v35, v40  }
0x3b7: {  	v24 =	vmul.f32 s28, v24;
	v30 =	vsub.f32 $1.000000000e+00, v30;
	v31 =	vadd.f32 v63, v31  }
0x3b8: {  	v20 =	vsub.f32 v14, v20;
	v18 =	vsub.f32 v14, v18;
	v26 =	vmul.f32 s28, v26  }
0x3b9: {  	(erf) = vrcp.f32 v24;
	v24 =	vmul.f32 s28, v30;
	v31 =	vsub.f32 $1.000000000e+00, v31  }
0x3ba: {  	v16 =	vsub.f32 v14, v16;
	v63 =	vsub.f32 v35, v43;
	(erf) = vrcp.f32 v26  }
0x3bb: {  	(erf) = vrcp.f32 v24;
	v24 =	vsub.f32 v35, v44;
	v26 =	vmul.f32 s28, v31  }
0x3bc: {  	v34 =	vmul.f32 v42, v42;
	v36 =	vmul.f32 v63, v63;
	v31 =	vsub.f32 v35, v39  }
0x3bd: {  	v14 =	vsub.f32 v14, v37;
	v24 =	vmul.f32 v24, v24;
	(erf) = vrcp.f32 v26  }
0x3be: {  	v20 =	vmul.f32 v20, v20;
	v32 =	vadd.f32 v34, v32;
	v26 =	vmul.f32 v31, v31  }
0x3bf: {  	v18 =	vmul.f32 v18, v18;
	v30 =	vadd.f32 v36, v33;
	v24 =	vadd.f32 v24, v28  }
0x3c0: {  	v16 =	vmul.f32 v16, v16;
	v20 =	vadd.f32 v20, v32;
	v22 =	vadd.f32 v26, v22  }
0x3c1: {  	v14 =	vmul.f32 v14, v14;
	v18 =	vadd.f32 v18, v30  }
0x3c2: {  	v20 =	vadd.f32 v20, v20;
	v16 =	vadd.f32 v16, v24  }
0x3c3: {  	v18 =	vadd.f32 v18, v18;
	v14 =	vadd.f32 v14, v22;
	v24 =	vpop (erf)  }
0x3c4: {  	v0 =	vlaneseq.u32;
	v16 =	vadd.f32 v16, v16;
	v22 =	vpop (erf);
	v20 =	vmul.f32 v24, v20  }
0x3c5: {  	v26 =	vadd.s32 s11, v0;
	v14 =	vadd.f32 v14, v14;
	v24 =	vpop (erf);
	v18 =	vmul.f32 v22, v18  }
0x3c6: {  	v22 =	vadd.s32 s11, v9;
	v20 =	vadd.f32 $1.000000000e+00, v20;
	v16 =	vmul.f32 v24, v16;
	v24 =	vpop (erf)  }
0x3c7: {  	v28 =	vadd.s32 s11, v11;
	v18 =	vadd.f32 $1.000000000e+00, v18;
	v14 =	vmul.f32 v24, v14  }
0x3c8: {  	p0 =	sne.s32 s26, $0x2EE;
	v20 =	vadd.f32 $1.000000010e-07, v20;
	v16 =	vadd.f32 $1.000000000e+00, v16;
	v24 =	vadd.s32 s11, v12  }
.Ltmp3:
0x3c9: {  	v18 =	vadd.f32 $1.000000010e-07, v18;
	v14 =	vadd.f32 $1.000000000e+00, v14;
	(pc) =	sbr.rel @p0 .LBB2_8-.Ltmp3, $4  }
0x3ca: {  	[tilespmem:v26+s21+$0x0] =	vst.idx.msk $0xffff, v20;
	v16 =	vadd.f32 $1.000000010e-07, v16  }
0x3cb: {  	[tilespmem:v22+s21+$0x0] =	vst.idx.msk $0xffff, v18;
	v14 =	vadd.f32 $1.000000010e-07, v14  }
0x3cc: {  	[tilespmem:v28+s21+$0x0] =	vst.idx.msk $0xffff, v16  }
0x3cd: {  	s26 =	sadd.s32 $0x32, s26;
	v47 =	vmov v1;
	v1 =	vmov v54;
	v54 =	vld [tilespmem:$0x1FFF0];
	s11 =	sadd.s32 $0x31, s11;
	[tilespmem:v24+s21+$0x0] =	vst.idx.msk $0x1, v14  }
0x3ce: {  	s11 =	sadd.s32 s7, s25;
	s24 =	sadd.s32 $0x1, s24  }
0x3cf: {  	s11 =	smul.u32 $0x31, s11;
	p0 =	sne.s32 s24, $0x10  }
.Ltmp4:
0x3d0: {  	_ = 	snop;
	(pc) =	sbr.rel @p0 .LBB2_2-.Ltmp4, $4  }
0x3d1: {  	_ = 	snop  }
0x3d2: {  	s11 =	sshrl.u32 s11, $0x3  }
0x3d3: {  	s11 =	sadd.s32 s5, s11  }
0x3d4: {  	v63 =	vld [tilespmem:$0x1FFE0];
	[hbm4b:s11+s3] =	stream.linear.scatter [tilespmem:s21], [sflag:$0x6], $0x310, $0x38  }
0x3d5: {  	_ =	swait.ge [sflag:s22], $0x310  }
0x3d6: {  	[sflag:s22] =	ssyncset.done $0x0  }
0x3d7: {  	[sflag:s22] =	ssyncadd.s32 $0xFFFFFCF0  }
0x3d8: {  	_ =	swait.ge [sflag:s23], $0x310  }
0x3d9: {  	s24 =	rddreg [dreg:$0x6]  }
0x3da: {  	s11 =	rddreg [dreg:$0x5];
	s24 =	sadd.s32 $0x1, s24  }
0x3db: {  	p0 =	sne.s32 s24, s11  }
.Ltmp5:
0x3dc: {  	_ = 	snop;
	(pc) =	sbr.rel @p0 .LBB2_1-.Ltmp5, $3  }
0x3dd: {  	_ =	sdelay $0x1  }
0x3de: {  	[sflag:s23] =	ssyncset.done $0x0  }
0x3df: {  	[sflag:s23] =	ssyncadd.s32 $0xFFFFFCF0  }
0x3e0: {  	_ =	sfence.sel $0x180000  }
0x3e1: {  	[bflag:$0x0] =	sbarrier.arrive $0xFFFF  }
0x3e2: {  	_ =	strace $0x90000047  }
0x3e3: {  	s0 =	stileid.u32;
	[bflag:$0x2] =	sbarrier.arrive $0xFFFF  }
0x3e4: {  	p0 =	sne.s32 s0, $0x0;
	s0 =	rddreg [dreg:$0x2]  }
0x3e5: {  	s0 =	sadd.s32 @!p0 $0x100000, s0  }
0x3e6: {  	[sflag:s0] =	ssyncadd.tile.s32 @!p0 $0x1;
	_ =	shalt  }
.Lfunc_end2:
_tile_overlayer_lowered:
.L_overlay_start_2:
0x3e7: {  	(tag) =	ssettag $0x2  }
0x3e8: {  	s0 =	rddreg [dreg:$0x0];
	s2 =	stileid.u32  }
0x3e9: {  	s1 =	rddreg [dreg:$0x1];
	p0 =	sne.s32 s2, $0x0  }
0x3ea: {  	s3 =	rddreg [dreg:$0x2];
	[bflag:$0x3] =	sbarrier.arrive $0xFFFF;
	s2 =	simm.s32 @!p0 $0x1C07  }
0x3eb: {  	[timem:s3], [sflag:s2] =	dma.local @!p0 [hbm:s0], s1  }
0x3ec: {  	s0 =	simm.s32 @!p0 $0x7  }
0x3ed: {  	_ =	swait.ge @!p0 [sflag:s0], s1  }
0x3ee: {  	s1 =	ssub.s32 @!p0 $0x0, s1;
	[sflag:s0] =	ssyncset.done @!p0 $0x0  }
0x3ef: {  	[sflag:s0] =	ssyncadd.s32 @!p0 s1  }
0x3f0: {  	[bflag:$0x3] =	sbarrier.arrive $0xFFFF  }
0x3f1: {  	_ =	shalt  }

</sc_bundles>
